<compile_context>
chip_gen: v7x
topology: tpu7x:2x2x1
jax: 0.10.2.dev20260603
libtpu: 0.0.44.dev20260713+nightly
codegen_flags: <defaults>
</compile_context>

<pallas_src>
import functools

import jax
import jax.numpy as jnp
from jax import lax
from jax.experimental import pallas as pl
from jax.experimental.pallas import tpu as pltpu
from jax.experimental.pallas import tpu_sc as plsc

B = 16384
L = 200
C = 50
CP = 64
M = B * 202
NC, NS = 2, 16
NW = NC * NS
RPT = B // NW
SBR = 32
NSB = RPT // SBR
HIST = 1024
PB = B // 2
PPT = PB // NW

_mesh = plsc.VectorSubcoreMesh(core_axis_name="c", subcore_axis_name="s")
_sc_params = pltpu.CompilerParams(needs_layout_passes=False)


@functools.partial(
    pl.kernel,
    out_type=[
        jax.ShapeDtypeStruct((B,), jnp.int32),
        jax.ShapeDtypeStruct((NW, 16), jnp.int32),
    ],
    mesh=_mesh,
    compiler_params=_sc_params,
    scratch_types=[
        pltpu.VMEM((SBR, L), jnp.int32),
        pltpu.VMEM((SBR, L), jnp.int32),
        pltpu.VMEM((HIST,), jnp.int32),
        pltpu.VMEM((HIST,), jnp.int32),
        pltpu.VMEM((RPT,), jnp.int32),
        pltpu.VMEM((16,), jnp.int32),
        pltpu.SemaphoreType.DMA,
        pltpu.SemaphoreType.DMA,
    ],
)
def _sc_unique_counts(lab_hbm, inc_hbm, tot_hbm, lab_a, lab_b, hist_a,
                      hist_b, inc_buf, tot_buf, sem_la, sem_lb):
    wid = lax.axis_index("s") * NC + lax.axis_index("c")
    base = wid * RPT
    lanes = lax.iota(jnp.int32, 16)
    zeros = jnp.zeros((16,), jnp.int32)
    zerosf = jnp.zeros((16,), jnp.float32)
    ones = jnp.ones((16,), jnp.int32)
    lane0 = lanes == 0
    hi8 = lanes >= 8

    for i in range(HIST // 16):
        hist_a[pl.ds(16 * i, 16)] = zeros
        hist_b[pl.ds(16 * i, 16)] = zeros

    def lab_issue(sb, lab_buf, sem_l):
        pltpu.async_copy(lab_hbm.at[pl.ds(base + sb * SBR, SBR)], lab_buf,
                         sem_l)

    lab_issue(0, lab_a, sem_la)

    def sb_body(sb, lab_buf, sem_l):
        pltpu.make_async_copy(
            lab_hbm.at[pl.ds(base + sb * SBR, SBR)], lab_buf, sem_l).wait()

        def one_row(r, hist):
            labs = [lab_buf[r, pl.ds(16 * k, 16)] for k in range(12)]
            tail = lab_buf[r, pl.ds(L - 16, 16)]
            for lv in labs:
                plsc.addupdate_scatter(hist, [lv], ones)
            plsc.addupdate_scatter(hist, [tail], ones, mask=hi8)
            return labs, tail

        def finish_row(r, hist, labs, tail):
            acc = jnp.zeros((16,), jnp.float32)
            for lv in labs:
                occ = plsc.load_gather(hist, [lv])
                acc = acc + 1.0 / occ.astype(jnp.float32)
            tocc = plsc.load_gather(hist, [tail])
            acc = acc + jnp.where(
                hi8, 1.0 / tocc.astype(jnp.float32), zerosf)
            s = jnp.sum(acc)
            inc = (s + 0.25).astype(jnp.int32) + 1
            ridx = jnp.full((16,), sb * SBR + r, jnp.int32)
            plsc.store_scatter(inc_buf, [ridx],
                               jnp.full((16,), inc, jnp.int32), mask=lane0)
            for lv in labs:
                plsc.store_scatter(hist, [lv], zeros)
            plsc.store_scatter(hist, [tail], zeros)

        def row_pair(r2, _):
            ra, rb = 2 * r2, 2 * r2 + 1
            la, ta = one_row(ra, hist_a)
            lb, tb = one_row(rb, hist_b)
            finish_row(ra, hist_a, la, ta)
            finish_row(rb, hist_b, lb, tb)
            return 0

        lax.fori_loop(0, SBR // 2, row_pair, 0)

    def sb_step(sb, _):
        even = lax.rem(sb, 2) == 0
        more = sb + 1 < NSB

        @pl.when(jnp.logical_and(more, even))
        def _():
            lab_issue(sb + 1, lab_b, sem_lb)

        @pl.when(jnp.logical_and(more, jnp.logical_not(even)))
        def _():
            lab_issue(sb + 1, lab_a, sem_la)

        @pl.when(even)
        def _():
            sb_body(sb, lab_a, sem_la)

        @pl.when(jnp.logical_not(even))
        def _():
            sb_body(sb, lab_b, sem_lb)

        return 0

    lax.fori_loop(0, NSB, sb_step, 0)

    tacc = zeros
    for j in range(RPT // 16):
        tacc = tacc + inc_buf[pl.ds(16 * j, 16)]
    total = jnp.sum(tacc)
    tot_buf[...] = jnp.full((16,), total, jnp.int32)
    pltpu.sync_copy(inc_buf, inc_hbm.at[pl.ds(base, RPT)])
    pltpu.sync_copy(tot_buf, tot_hbm.at[wid])


@functools.partial(
    pl.kernel,
    out_type=jax.ShapeDtypeStruct((PB, 128), jnp.float32),
    mesh=_mesh,
    compiler_params=_sc_params,
    scratch_types=[
        pltpu.VMEM((RPT,), jnp.int32),
        pltpu.VMEM((NW, 16), jnp.int32),
        pltpu.VMEM((RPT,), jnp.int32),
        pltpu.VMEM((16, 128), jnp.int32),
        pltpu.VMEM((16, 128), jnp.int32),
        pltpu.VMEM((16, 128), jnp.float32),
        pltpu.VMEM((16, 128), jnp.float32),
        pltpu.VMEM((16, 128), jnp.float32),
        pltpu.SemaphoreType.DMA,
        pltpu.SemaphoreType.DMA,
        pltpu.SemaphoreType.DMA,
        pltpu.SemaphoreType.DMA,
    ],
)
def _sc_gather(inp_hbm, inc_hbm, tot_hbm, cl_hbm, out_hbm, inc_buf, tots,
               offs_buf, cl_a, cl_b, win_a, win_b, val_buf,
               sem_wa, sem_wb, sem_ca, sem_cb):
    wid = lax.axis_index("s") * NC + lax.axis_index("c")
    base = wid * RPT
    pbase = wid * PPT
    pltpu.sync_copy(inc_hbm.at[pl.ds(base, RPT)], inc_buf)
    pltpu.sync_copy(tot_hbm, tots)

    acc = jnp.zeros((16,), jnp.int32)
    for w in range(NW):
        row = tots[w, pl.ds(0, 16)]
        acc = acc + jnp.where(w < wid, row, 0)
    gbase = jnp.max(acc)

    def cums(j, carry):
        v = inc_buf[pl.ds(16 * j, 16)]
        c = plsc.cumsum(v)
        offs_buf[pl.ds(16 * j, 16)] = c - v + carry
        return carry + jnp.max(c)

    lax.fori_loop(0, RPT // 16, cums, gbase)

    def issue(sb, cl_buf, win_buf, sem_w, sem_c):
        pltpu.async_copy(cl_hbm.at[pl.ds(pbase + 16 * sb, 16)], cl_buf,
                         sem_c)

        def row_win(r, _):
            off_v = plsc.load_gather(
                offs_buf, [jnp.full((16,), sb * SBR + r, jnp.int32)])
            off_s = jnp.max(off_v)
            start = pl.multiple_of(off_s - lax.rem(off_s, 8), 8)
            prow = lax.div(r, 2)
            col0 = pl.multiple_of(lax.rem(r, 2) * 64, 64)
            pltpu.async_copy(inp_hbm.at[pl.ds(start, 64)],
                             win_buf.at[prow, pl.ds(col0, 64)], sem_w)
            return 0

        lax.fori_loop(0, SBR, row_win, 0)

    def drain_sel(sb, cl_buf, win_buf, sem_w, sem_c):
        pltpu.make_async_copy(
            cl_hbm.at[pl.ds(pbase + 16 * sb, 16)], cl_buf, sem_c).wait()
        pltpu.make_async_copy(
            out_hbm.at[pl.ds(pbase + 16 * sb, 16)], win_buf, sem_w).wait()

        def row_sel(r, _):
            off_v = plsc.load_gather(
                offs_buf, [jnp.full((16,), sb * SBR + r, jnp.int32)])
            off_lo = lax.rem(off_v, 8)
            prow = lax.div(r, 2)
            col0 = lax.rem(r, 2) * 64
            prow_v = jnp.full((16,), prow, jnp.int32)
            for k in range(CP // 16):
                clk = cl_buf[prow, pl.ds(col0 + 16 * k, 16)]
                v = plsc.load_gather(win_buf, [prow_v, clk + off_lo + col0])
                val_buf[prow, pl.ds(col0 + 16 * k, 16)] = v
            return 0

        lax.fori_loop(0, SBR, row_sel, 0)
        pltpu.sync_copy(val_buf, out_hbm.at[pl.ds(pbase + 16 * sb, 16)])

    issue(0, cl_a, win_a, sem_wa, sem_ca)

    def sb_body(sb, _):
        even = lax.rem(sb, 2) == 0
        more = sb + 1 < NSB

        @pl.when(jnp.logical_and(more, even))
        def _():
            issue(sb + 1, cl_b, win_b, sem_wb, sem_cb)

        @pl.when(jnp.logical_and(more, jnp.logical_not(even)))
        def _():
            issue(sb + 1, cl_a, win_a, sem_wa, sem_ca)

        @pl.when(even)
        def _():
            drain_sel(sb, cl_a, win_a, sem_wa, sem_ca)

        @pl.when(jnp.logical_not(even))
        def _():
            drain_sel(sb, cl_b, win_b, sem_wb, sem_cb)

        return 0

    lax.fori_loop(0, NSB, sb_body, 0)


_TC_GRID = 32
_TC_ROWS = PB // _TC_GRID


def _tc_loss_body(v_ref, out_ref, acc_ref):
    i = pl.program_id(0)

    @pl.when(i == 0)
    def _():
        acc_ref[...] = jnp.zeros((8, 128), jnp.float32)

    x = v_ref[...]
    t = -jnp.log(jax.nn.sigmoid(x) + 1e-08)
    col = lax.broadcasted_iota(jnp.int32, (_TC_ROWS, 128), 1)
    t = jnp.where(lax.rem(col, 64) < C, t, 0.0)
    acc_ref[...] += t.reshape(_TC_ROWS // 8, 8, 128).sum(axis=0)

    @pl.when(i == _TC_GRID - 1)
    def _():
        out_ref[0, 0] = jnp.sum(acc_ref[...]) * (1.0 / (B * C))


_tc_loss = pl.pallas_call(
    _tc_loss_body,
    out_shape=jax.ShapeDtypeStruct((1, 1), jnp.float32),
    grid=(_TC_GRID,),
    in_specs=[pl.BlockSpec((_TC_ROWS, 128), lambda i: (i, 0))],
    out_specs=pl.BlockSpec(memory_space=pltpu.SMEM),
    scratch_shapes=[pltpu.VMEM((8, 128), jnp.float32)],
)


def kernel(input, labels, labels_clicked):
    labels = labels.astype(jnp.int32)
    clicked = labels_clicked.astype(jnp.int32)
    cl_pad = jnp.concatenate(
        [clicked, jnp.zeros((B, CP - C), jnp.int32)], axis=1).reshape(PB, 128)
    inc, tot = _sc_unique_counts(labels)
    vals = _sc_gather(input, inc, tot, cl_pad)
    return _tc_loss(vals)[0, 0]

# --- scband reference (transcript-rebuilt; emitter-appended) ---
"""Pipeline reference for scband-point-loss-17540646437123 (READ-ONLY COPY).

The authoritative reference and input builder live on the scoring server;
editing this copy changes nothing except your own understanding.
"""

import jax, jax.numpy as jnp
import numpy as np


def setup_inputs(seed: int = 0) -> dict:
    key = jax.random.key(seed)
    k1, k2, k3 = jax.random.split(key, 3)
    B, L, C = 16384, 200, 50
    M = B * 202  # upper bound on max index: sum over rows of (unique+1) <= B*201, plus clicked < 50
    inp = jax.random.normal(k1, (M,), dtype=jnp.float32)
    labels = jax.random.randint(k2, (B, L), 0, 1000)
    labels_clicked = jax.random.randint(k3, (B, C), 0, 50)
    return {"input": inp, "labels": labels, "labels_clicked": labels_clicked}


def reference(input, labels, labels_clicked):
    # Per-row unique counts (same value as torch.unique(labels[i]).numel()),
    # computed vectorized: sort each row, count distinct adjacent values.
    labels_sorted = jnp.sort(labels, axis=1)
    uniq_counts = 1 + (labels_sorted[:, 1:] != labels_sorted[:, :-1]).sum(axis=1)
    increments = uniq_counts + 1  # max_l += unique(labels[i]).numel() + 1
    # offset for row i is the running max_l BEFORE row i's increment
    offsets = jnp.concatenate([jnp.zeros((1,), dtype=increments.dtype), jnp.cumsum(increments)[:-1]])
    idx = (labels_clicked + offsets[:, None]).reshape(-1)
    loss = -jnp.log(jax.nn.sigmoid(input[idx]) + 1e-08).mean()
    return loss

if __name__ == "__main__":
    import jax
    _d = setup_inputs()
    print(jax.jit(kernel)(*tuple(_d.values())))

</pallas_src>

<mosaic_0001>
#map = affine_map<(d0, d1) -> (0)>
#map1 = affine_map<(d0, d1) -> (0, 0)>
module attributes {stable_mosaic.version = 14 : i64} {
  func.func @_sc_gather(%arg0: i32, %arg1: i32, %arg2: memref<3309568xf32, #tpu.memory_space<hbm>>, %arg3: memref<16384xi32, #tpu.memory_space<hbm>>, %arg4: memref<32x16xi32, #tpu.memory_space<hbm>>, %arg5: memref<8192x128xi32, #tpu.memory_space<hbm>>, %arg6: memref<8192x128xf32, #tpu.memory_space<hbm>>, %arg7: memref<512xi32, #tpu.memory_space<vmem>>, %arg8: memref<32x16xi32, #tpu.memory_space<vmem>>, %arg9: memref<512xi32, #tpu.memory_space<vmem>>, %arg10: memref<16x128xi32, #tpu.memory_space<vmem>>, %arg11: memref<16x128xi32, #tpu.memory_space<vmem>>, %arg12: memref<16x128xf32, #tpu.memory_space<vmem>>, %arg13: memref<16x128xf32, #tpu.memory_space<vmem>>, %arg14: memref<16x128xf32, #tpu.memory_space<vmem>>, %arg15: memref<!tpu.dma_semaphore, #tpu.memory_space<semaphore_mem>>, %arg16: memref<!tpu.dma_semaphore, #tpu.memory_space<semaphore_mem>>, %arg17: memref<!tpu.dma_semaphore, #tpu.memory_space<semaphore_mem>>, %arg18: memref<!tpu.dma_semaphore, #tpu.memory_space<semaphore_mem>>) attributes {dimension_semantics = [#tpu.dimension_semantics<core_parallel>, #tpu.dimension_semantics<subcore_parallel>], iteration_bounds = array<i64: 2, 16>, scalar_prefetch = 0 : i64, scratch_operands = 12 : i64, tpu.core_type = #tpu.core_type<sc_vector_subcore>, window_params = [{transform_indices = #map}, {transform_indices = #map}, {transform_indices = #map1}, {transform_indices = #map1}, {transform_indices = #map1}]} {
    %mul3A = arith.constant 2 : i32
    %mul3A_0 = arith.muli %arg1, %mul3A : i32
    %add3A = arith.addi %mul3A_0, %arg0 : i32
    %mul3A_1 = arith.constant 512 : i32
    %mul3A_2 = arith.muli %add3A, %mul3A_1 : i32
    %mul3A_3 = arith.constant 256 : i32
    %mul3A_4 = arith.muli %add3A, %mul3A_3 : i32
    "tpu.region"() ({
      %run_scoped3A = tpu.sem_alloc : memref<!tpu.dma_semaphore, #tpu.memory_space<semaphore_mem>>
      %dma_start3A_353 = tpu.memref_slice %arg3[%mul3A_2] : memref<16384xi32, #tpu.memory_space<hbm>> -> memref<512xi32, #tpu.memory_space<hbm>>
      %dma_start3A_354 = tpu.memref_slice %arg3[%mul3A_2] : memref<16384xi32, #tpu.memory_space<hbm>> -> memref<512xi32, #tpu.memory_space<hbm>>
      tpu.enqueue_dma source(%dma_start3A_354 : memref<512xi32, #tpu.memory_space<hbm>>) target(%arg7 : memref<512xi32, #tpu.memory_space<vmem>>) target_semaphore(%run_scoped3A : memref<!tpu.dma_semaphore, #tpu.memory_space<semaphore_mem>>)
      %dma_wait3A = tpu.memref_slice %arg3[%mul3A_2] : memref<16384xi32, #tpu.memory_space<hbm>> -> memref<512xi32, #tpu.memory_space<hbm>>
      %dma_wait3A_355 = tpu.memref_slice %arg3[%mul3A_2] : memref<16384xi32, #tpu.memory_space<hbm>> -> memref<512xi32, #tpu.memory_space<hbm>>
      tpu.wait_dma2 semaphore(%run_scoped3A : memref<!tpu.dma_semaphore, #tpu.memory_space<semaphore_mem>>) src(%dma_wait3A_355 : memref<512xi32, #tpu.memory_space<hbm>>) dst(%arg7 : memref<512xi32, #tpu.memory_space<vmem>>)
      tpu.yield
    }) : () -> ()
    "tpu.region"() ({
      %run_scoped3A = tpu.sem_alloc : memref<!tpu.dma_semaphore, #tpu.memory_space<semaphore_mem>>
      tpu.enqueue_dma source(%arg4 : memref<32x16xi32, #tpu.memory_space<hbm>>) target(%arg8 : memref<32x16xi32, #tpu.memory_space<vmem>>) target_semaphore(%run_scoped3A : memref<!tpu.dma_semaphore, #tpu.memory_space<semaphore_mem>>)
      tpu.wait_dma2 semaphore(%run_scoped3A : memref<!tpu.dma_semaphore, #tpu.memory_space<semaphore_mem>>) src(%arg4 : memref<32x16xi32, #tpu.memory_space<hbm>>) dst(%arg8 : memref<32x16xi32, #tpu.memory_space<vmem>>)
      tpu.yield
    }) : () -> ()
    %broadcast_in_dim3A = arith.constant 0 : i32
    %broadcast_in_dim3A_5 = vector.broadcast %broadcast_in_dim3A : i32 to vector<16xi32>
    %get3A = arith.constant 0 : i32
    %get3A_6 = arith.index_cast %get3A : i32 to index
    %get3A_7 = arith.constant 0 : index
    %get3A_8 = tpu.vector_load %arg8[%get3A_6, %get3A_7] {strides = array<i32>} : memref<32x16xi32, #tpu.memory_space<vmem>>, vector<16xi32>,
    %gt3A = arith.constant 0 : i32
    %gt3A_9 = arith.cmpi sgt, %add3A, %gt3A : i32
    %jit3A = arith.constant 0 : i32
    %broadcast_in_dim3A_10 = vector.broadcast %jit3A : i32 to vector<16xi32>
    %select_n3A = arith.select %gt3A_9, %get3A_8, %broadcast_in_dim3A_10 : vector<16xi32>
    %add3A_11 = arith.addi %broadcast_in_dim3A_5, %select_n3A : vector<16xi32>
    %get3A_12 = arith.constant 1 : i32
    %get3A_13 = arith.index_cast %get3A_12 : i32 to index
    %get3A_14 = arith.constant 0 : index
    %get3A_15 = tpu.vector_load %arg8[%get3A_13, %get3A_14] {strides = array<i32>} : memref<32x16xi32, #tpu.memory_space<vmem>>, vector<16xi32>,
    %gt3A_16 = arith.constant 1 : i32
    %gt3A_17 = arith.cmpi sgt, %add3A, %gt3A_16 : i32
    %jit3A_18 = arith.constant 0 : i32
    %broadcast_in_dim3A_19 = vector.broadcast %jit3A_18 : i32 to vector<16xi32>
    %select_n3A_20 = arith.select %gt3A_17, %get3A_15, %broadcast_in_dim3A_19 : vector<16xi32>
    %add3A_21 = arith.addi %add3A_11, %select_n3A_20 : vector<16xi32>
    %get3A_22 = arith.constant 2 : i32
    %get3A_23 = arith.index_cast %get3A_22 : i32 to index
    %get3A_24 = arith.constant 0 : index
    %get3A_25 = tpu.vector_load %arg8[%get3A_23, %get3A_24] {strides = array<i32>} : memref<32x16xi32, #tpu.memory_space<vmem>>, vector<16xi32>,
    %gt3A_26 = arith.constant 2 : i32
    %gt3A_27 = arith.cmpi sgt, %add3A, %gt3A_26 : i32
    %jit3A_28 = arith.constant 0 : i32
    %broadcast_in_dim3A_29 = vector.broadcast %jit3A_28 : i32 to vector<16xi32>
    %select_n3A_30 = arith.select %gt3A_27, %get3A_25, %broadcast_in_dim3A_29 : vector<16xi32>
    %add3A_31 = arith.addi %add3A_21, %select_n3A_30 : vector<16xi32>
    %get3A_32 = arith.constant 3 : i32
    %get3A_33 = arith.index_cast %get3A_32 : i32 to index
    %get3A_34 = arith.constant 0 : index
    %get3A_35 = tpu.vector_load %arg8[%get3A_33, %get3A_34] {strides = array<i32>} : memref<32x16xi32, #tpu.memory_space<vmem>>, vector<16xi32>,
    %gt3A_36 = arith.constant 3 : i32
    %gt3A_37 = arith.cmpi sgt, %add3A, %gt3A_36 : i32
    %jit3A_38 = arith.constant 0 : i32
    %broadcast_in_dim3A_39 = vector.broadcast %jit3A_38 : i32 to vector<16xi32>
    %select_n3A_40 = arith.select %gt3A_37, %get3A_35, %broadcast_in_dim3A_39 : vector<16xi32>
    %add3A_41 = arith.addi %add3A_31, %select_n3A_40 : vector<16xi32>
    %get3A_42 = arith.constant 4 : i32
    %get3A_43 = arith.index_cast %get3A_42 : i32 to index
    %get3A_44 = arith.constant 0 : index
    %get3A_45 = tpu.vector_load %arg8[%get3A_43, %get3A_44] {strides = array<i32>} : memref<32x16xi32, #tpu.memory_space<vmem>>, vector<16xi32>,
    %gt3A_46 = arith.constant 4 : i32
    %gt3A_47 = arith.cmpi sgt, %add3A, %gt3A_46 : i32
    %jit3A_48 = arith.constant 0 : i32
    %broadcast_in_dim3A_49 = vector.broadcast %jit3A_48 : i32 to vector<16xi32>
    %select_n3A_50 = arith.select %gt3A_47, %get3A_45, %broadcast_in_dim3A_49 : vector<16xi32>
    %add3A_51 = arith.addi %add3A_41, %select_n3A_50 : vector<16xi32>
    %get3A_52 = arith.constant 5 : i32
    %get3A_53 = arith.index_cast %get3A_52 : i32 to index
    %get3A_54 = arith.constant 0 : index
    %get3A_55 = tpu.vector_load %arg8[%get3A_53, %get3A_54] {strides = array<i32>} : memref<32x16xi32, #tpu.memory_space<vmem>>, vector<16xi32>,
    %gt3A_56 = arith.constant 5 : i32
    %gt3A_57 = arith.cmpi sgt, %add3A, %gt3A_56 : i32
    %jit3A_58 = arith.constant 0 : i32
    %broadcast_in_dim3A_59 = vector.broadcast %jit3A_58 : i32 to vector<16xi32>
    %select_n3A_60 = arith.select %gt3A_57, %get3A_55, %broadcast_in_dim3A_59 : vector<16xi32>
    %add3A_61 = arith.addi %add3A_51, %select_n3A_60 : vector<16xi32>
    %get3A_62 = arith.constant 6 : i32
    %get3A_63 = arith.index_cast %get3A_62 : i32 to index
    %get3A_64 = arith.constant 0 : index
    %get3A_65 = tpu.vector_load %arg8[%get3A_63, %get3A_64] {strides = array<i32>} : memref<32x16xi32, #tpu.memory_space<vmem>>, vector<16xi32>,
    %gt3A_66 = arith.constant 6 : i32
    %gt3A_67 = arith.cmpi sgt, %add3A, %gt3A_66 : i32
    %jit3A_68 = arith.constant 0 : i32
    %broadcast_in_dim3A_69 = vector.broadcast %jit3A_68 : i32 to vector<16xi32>
    %select_n3A_70 = arith.select %gt3A_67, %get3A_65, %broadcast_in_dim3A_69 : vector<16xi32>
    %add3A_71 = arith.addi %add3A_61, %select_n3A_70 : vector<16xi32>
    %get3A_72 = arith.constant 7 : i32
    %get3A_73 = arith.index_cast %get3A_72 : i32 to index
    %get3A_74 = arith.constant 0 : index
    %get3A_75 = tpu.vector_load %arg8[%get3A_73, %get3A_74] {strides = array<i32>} : memref<32x16xi32, #tpu.memory_space<vmem>>, vector<16xi32>,
    %gt3A_76 = arith.constant 7 : i32
    %gt3A_77 = arith.cmpi sgt, %add3A, %gt3A_76 : i32
    %jit3A_78 = arith.constant 0 : i32
    %broadcast_in_dim3A_79 = vector.broadcast %jit3A_78 : i32 to vector<16xi32>
    %select_n3A_80 = arith.select %gt3A_77, %get3A_75, %broadcast_in_dim3A_79 : vector<16xi32>
    %add3A_81 = arith.addi %add3A_71, %select_n3A_80 : vector<16xi32>
    %get3A_82 = arith.constant 8 : i32
    %get3A_83 = arith.index_cast %get3A_82 : i32 to index
    %get3A_84 = arith.constant 0 : index
    %get3A_85 = tpu.vector_load %arg8[%get3A_83, %get3A_84] {strides = array<i32>} : memref<32x16xi32, #tpu.memory_space<vmem>>, vector<16xi32>,
    %gt3A_86 = arith.constant 8 : i32
    %gt3A_87 = arith.cmpi sgt, %add3A, %gt3A_86 : i32
    %jit3A_88 = arith.constant 0 : i32
    %broadcast_in_dim3A_89 = vector.broadcast %jit3A_88 : i32 to vector<16xi32>
    %select_n3A_90 = arith.select %gt3A_87, %get3A_85, %broadcast_in_dim3A_89 : vector<16xi32>
    %add3A_91 = arith.addi %add3A_81, %select_n3A_90 : vector<16xi32>
    %get3A_92 = arith.constant 9 : i32
    %get3A_93 = arith.index_cast %get3A_92 : i32 to index
    %get3A_94 = arith.constant 0 : index
    %get3A_95 = tpu.vector_load %arg8[%get3A_93, %get3A_94] {strides = array<i32>} : memref<32x16xi32, #tpu.memory_space<vmem>>, vector<16xi32>,
    %gt3A_96 = arith.constant 9 : i32
    %gt3A_97 = arith.cmpi sgt, %add3A, %gt3A_96 : i32
    %jit3A_98 = arith.constant 0 : i32
    %broadcast_in_dim3A_99 = vector.broadcast %jit3A_98 : i32 to vector<16xi32>
    %select_n3A_100 = arith.select %gt3A_97, %get3A_95, %broadcast_in_dim3A_99 : vector<16xi32>
    %add3A_101 = arith.addi %add3A_91, %select_n3A_100 : vector<16xi32>
    %get3A_102 = arith.constant 10 : i32
    %get3A_103 = arith.index_cast %get3A_102 : i32 to index
    %get3A_104 = arith.constant 0 : index
    %get3A_105 = tpu.vector_load %arg8[%get3A_103, %get3A_104] {strides = array<i32>} : memref<32x16xi32, #tpu.memory_space<vmem>>, vector<16xi32>,
    %gt3A_106 = arith.constant 10 : i32
    %gt3A_107 = arith.cmpi sgt, %add3A, %gt3A_106 : i32
    %jit3A_108 = arith.constant 0 : i32
    %broadcast_in_dim3A_109 = vector.broadcast %jit3A_108 : i32 to vector<16xi32>
    %select_n3A_110 = arith.select %gt3A_107, %get3A_105, %broadcast_in_dim3A_109 : vector<16xi32>
    %add3A_111 = arith.addi %add3A_101, %select_n3A_110 : vector<16xi32>
    %get3A_112 = arith.constant 11 : i32
    %get3A_113 = arith.index_cast %get3A_112 : i32 to index
    %get3A_114 = arith.constant 0 : index
    %get3A_115 = tpu.vector_load %arg8[%get3A_113, %get3A_114] {strides = array<i32>} : memref<32x16xi32, #tpu.memory_space<vmem>>, vector<16xi32>,
    %gt3A_116 = arith.constant 11 : i32
    %gt3A_117 = arith.cmpi sgt, %add3A, %gt3A_116 : i32
    %jit3A_118 = arith.constant 0 : i32
    %broadcast_in_dim3A_119 = vector.broadcast %jit3A_118 : i32 to vector<16xi32>
    %select_n3A_120 = arith.select %gt3A_117, %get3A_115, %broadcast_in_dim3A_119 : vector<16xi32>
    %add3A_121 = arith.addi %add3A_111, %select_n3A_120 : vector<16xi32>
    %get3A_122 = arith.constant 12 : i32
    %get3A_123 = arith.index_cast %get3A_122 : i32 to index
    %get3A_124 = arith.constant 0 : index
    %get3A_125 = tpu.vector_load %arg8[%get3A_123, %get3A_124] {strides = array<i32>} : memref<32x16xi32, #tpu.memory_space<vmem>>, vector<16xi32>,
    %gt3A_126 = arith.constant 12 : i32
    %gt3A_127 = arith.cmpi sgt, %add3A, %gt3A_126 : i32
    %jit3A_128 = arith.constant 0 : i32
    %broadcast_in_dim3A_129 = vector.broadcast %jit3A_128 : i32 to vector<16xi32>
    %select_n3A_130 = arith.select %gt3A_127, %get3A_125, %broadcast_in_dim3A_129 : vector<16xi32>
    %add3A_131 = arith.addi %add3A_121, %select_n3A_130 : vector<16xi32>
    %get3A_132 = arith.constant 13 : i32
    %get3A_133 = arith.index_cast %get3A_132 : i32 to index
    %get3A_134 = arith.constant 0 : index
    %get3A_135 = tpu.vector_load %arg8[%get3A_133, %get3A_134] {strides = array<i32>} : memref<32x16xi32, #tpu.memory_space<vmem>>, vector<16xi32>,
    %gt3A_136 = arith.constant 13 : i32
    %gt3A_137 = arith.cmpi sgt, %add3A, %gt3A_136 : i32
    %jit3A_138 = arith.constant 0 : i32
    %broadcast_in_dim3A_139 = vector.broadcast %jit3A_138 : i32 to vector<16xi32>
    %select_n3A_140 = arith.select %gt3A_137, %get3A_135, %broadcast_in_dim3A_139 : vector<16xi32>
    %add3A_141 = arith.addi %add3A_131, %select_n3A_140 : vector<16xi32>
    %get3A_142 = arith.constant 14 : i32
    %get3A_143 = arith.index_cast %get3A_142 : i32 to index
    %get3A_144 = arith.constant 0 : index
    %get3A_145 = tpu.vector_load %arg8[%get3A_143, %get3A_144] {strides = array<i32>} : memref<32x16xi32, #tpu.memory_space<vmem>>, vector<16xi32>,
    %gt3A_146 = arith.constant 14 : i32
    %gt3A_147 = arith.cmpi sgt, %add3A, %gt3A_146 : i32
    %jit3A_148 = arith.constant 0 : i32
    %broadcast_in_dim3A_149 = vector.broadcast %jit3A_148 : i32 to vector<16xi32>
    %select_n3A_150 = arith.select %gt3A_147, %get3A_145, %broadcast_in_dim3A_149 : vector<16xi32>
    %add3A_151 = arith.addi %add3A_141, %select_n3A_150 : vector<16xi32>
    %get3A_152 = arith.constant 15 : i32
    %get3A_153 = arith.index_cast %get3A_152 : i32 to index
    %get3A_154 = arith.constant 0 : index
    %get3A_155 = tpu.vector_load %arg8[%get3A_153, %get3A_154] {strides = array<i32>} : memref<32x16xi32, #tpu.memory_space<vmem>>, vector<16xi32>,
    %gt3A_156 = arith.constant 15 : i32
    %gt3A_157 = arith.cmpi sgt, %add3A, %gt3A_156 : i32
    %jit3A_158 = arith.constant 0 : i32
    %broadcast_in_dim3A_159 = vector.broadcast %jit3A_158 : i32 to vector<16xi32>
    %select_n3A_160 = arith.select %gt3A_157, %get3A_155, %broadcast_in_dim3A_159 : vector<16xi32>
    %add3A_161 = arith.addi %add3A_151, %select_n3A_160 : vector<16xi32>
    %get3A_162 = arith.constant 16 : i32
    %get3A_163 = arith.index_cast %get3A_162 : i32 to index
    %get3A_164 = arith.constant 0 : index
    %get3A_165 = tpu.vector_load %arg8[%get3A_163, %get3A_164] {strides = array<i32>} : memref<32x16xi32, #tpu.memory_space<vmem>>, vector<16xi32>,
    %gt3A_166 = arith.constant 16 : i32
    %gt3A_167 = arith.cmpi sgt, %add3A, %gt3A_166 : i32
    %jit3A_168 = arith.constant 0 : i32
    %broadcast_in_dim3A_169 = vector.broadcast %jit3A_168 : i32 to vector<16xi32>
    %select_n3A_170 = arith.select %gt3A_167, %get3A_165, %broadcast_in_dim3A_169 : vector<16xi32>
    %add3A_171 = arith.addi %add3A_161, %select_n3A_170 : vector<16xi32>
    %get3A_172 = arith.constant 17 : i32
    %get3A_173 = arith.index_cast %get3A_172 : i32 to index
    %get3A_174 = arith.constant 0 : index
    %get3A_175 = tpu.vector_load %arg8[%get3A_173, %get3A_174] {strides = array<i32>} : memref<32x16xi32, #tpu.memory_space<vmem>>, vector<16xi32>,
    %gt3A_176 = arith.constant 17 : i32
    %gt3A_177 = arith.cmpi sgt, %add3A, %gt3A_176 : i32
    %jit3A_178 = arith.constant 0 : i32
    %broadcast_in_dim3A_179 = vector.broadcast %jit3A_178 : i32 to vector<16xi32>
    %select_n3A_180 = arith.select %gt3A_177, %get3A_175, %broadcast_in_dim3A_179 : vector<16xi32>
    %add3A_181 = arith.addi %add3A_171, %select_n3A_180 : vector<16xi32>
    %get3A_182 = arith.constant 18 : i32
    %get3A_183 = arith.index_cast %get3A_182 : i32 to index
    %get3A_184 = arith.constant 0 : index
    %get3A_185 = tpu.vector_load %arg8[%get3A_183, %get3A_184] {strides = array<i32>} : memref<32x16xi32, #tpu.memory_space<vmem>>, vector<16xi32>,
    %gt3A_186 = arith.constant 18 : i32
    %gt3A_187 = arith.cmpi sgt, %add3A, %gt3A_186 : i32
    %jit3A_188 = arith.constant 0 : i32
    %broadcast_in_dim3A_189 = vector.broadcast %jit3A_188 : i32 to vector<16xi32>
    %select_n3A_190 = arith.select %gt3A_187, %get3A_185, %broadcast_in_dim3A_189 : vector<16xi32>
    %add3A_191 = arith.addi %add3A_181, %select_n3A_190 : vector<16xi32>
    %get3A_192 = arith.constant 19 : i32
    %get3A_193 = arith.index_cast %get3A_192 : i32 to index
    %get3A_194 = arith.constant 0 : index
    %get3A_195 = tpu.vector_load %arg8[%get3A_193, %get3A_194] {strides = array<i32>} : memref<32x16xi32, #tpu.memory_space<vmem>>, vector<16xi32>,
    %gt3A_196 = arith.constant 19 : i32
    %gt3A_197 = arith.cmpi sgt, %add3A, %gt3A_196 : i32
    %jit3A_198 = arith.constant 0 : i32
    %broadcast_in_dim3A_199 = vector.broadcast %jit3A_198 : i32 to vector<16xi32>
    %select_n3A_200 = arith.select %gt3A_197, %get3A_195, %broadcast_in_dim3A_199 : vector<16xi32>
    %add3A_201 = arith.addi %add3A_191, %select_n3A_200 : vector<16xi32>
    %get3A_202 = arith.constant 20 : i32
    %get3A_203 = arith.index_cast %get3A_202 : i32 to index
    %get3A_204 = arith.constant 0 : index
    %get3A_205 = tpu.vector_load %arg8[%get3A_203, %get3A_204] {strides = array<i32>} : memref<32x16xi32, #tpu.memory_space<vmem>>, vector<16xi32>,
    %gt3A_206 = arith.constant 20 : i32
    %gt3A_207 = arith.cmpi sgt, %add3A, %gt3A_206 : i32
    %jit3A_208 = arith.constant 0 : i32
    %broadcast_in_dim3A_209 = vector.broadcast %jit3A_208 : i32 to vector<16xi32>
    %select_n3A_210 = arith.select %gt3A_207, %get3A_205, %broadcast_in_dim3A_209 : vector<16xi32>
    %add3A_211 = arith.addi %add3A_201, %select_n3A_210 : vector<16xi32>
    %get3A_212 = arith.constant 21 : i32
    %get3A_213 = arith.index_cast %get3A_212 : i32 to index
    %get3A_214 = arith.constant 0 : index
    %get3A_215 = tpu.vector_load %arg8[%get3A_213, %get3A_214] {strides = array<i32>} : memref<32x16xi32, #tpu.memory_space<vmem>>, vector<16xi32>,
    %gt3A_216 = arith.constant 21 : i32
    %gt3A_217 = arith.cmpi sgt, %add3A, %gt3A_216 : i32
    %jit3A_218 = arith.constant 0 : i32
    %broadcast_in_dim3A_219 = vector.broadcast %jit3A_218 : i32 to vector<16xi32>
    %select_n3A_220 = arith.select %gt3A_217, %get3A_215, %broadcast_in_dim3A_219 : vector<16xi32>
    %add3A_221 = arith.addi %add3A_211, %select_n3A_220 : vector<16xi32>
    %get3A_222 = arith.constant 22 : i32
    %get3A_223 = arith.index_cast %get3A_222 : i32 to index
    %get3A_224 = arith.constant 0 : index
    %get3A_225 = tpu.vector_load %arg8[%get3A_223, %get3A_224] {strides = array<i32>} : memref<32x16xi32, #tpu.memory_space<vmem>>, vector<16xi32>,
    %gt3A_226 = arith.constant 22 : i32
    %gt3A_227 = arith.cmpi sgt, %add3A, %gt3A_226 : i32
    %jit3A_228 = arith.constant 0 : i32
    %broadcast_in_dim3A_229 = vector.broadcast %jit3A_228 : i32 to vector<16xi32>
    %select_n3A_230 = arith.select %gt3A_227, %get3A_225, %broadcast_in_dim3A_229 : vector<16xi32>
    %add3A_231 = arith.addi %add3A_221, %select_n3A_230 : vector<16xi32>
    %get3A_232 = arith.constant 23 : i32
    %get3A_233 = arith.index_cast %get3A_232 : i32 to index
    %get3A_234 = arith.constant 0 : index
    %get3A_235 = tpu.vector_load %arg8[%get3A_233, %get3A_234] {strides = array<i32>} : memref<32x16xi32, #tpu.memory_space<vmem>>, vector<16xi32>,
    %gt3A_236 = arith.constant 23 : i32
    %gt3A_237 = arith.cmpi sgt, %add3A, %gt3A_236 : i32
    %jit3A_238 = arith.constant 0 : i32
    %broadcast_in_dim3A_239 = vector.broadcast %jit3A_238 : i32 to vector<16xi32>
    %select_n3A_240 = arith.select %gt3A_237, %get3A_235, %broadcast_in_dim3A_239 : vector<16xi32>
    %add3A_241 = arith.addi %add3A_231, %select_n3A_240 : vector<16xi32>
    %get3A_242 = arith.constant 24 : i32
    %get3A_243 = arith.index_cast %get3A_242 : i32 to index
    %get3A_244 = arith.constant 0 : index
    %get3A_245 = tpu.vector_load %arg8[%get3A_243, %get3A_244] {strides = array<i32>} : memref<32x16xi32, #tpu.memory_space<vmem>>, vector<16xi32>,
    %gt3A_246 = arith.constant 24 : i32
    %gt3A_247 = arith.cmpi sgt, %add3A, %gt3A_246 : i32
    %jit3A_248 = arith.constant 0 : i32
    %broadcast_in_dim3A_249 = vector.broadcast %jit3A_248 : i32 to vector<16xi32>
    %select_n3A_250 = arith.select %gt3A_247, %get3A_245, %broadcast_in_dim3A_249 : vector<16xi32>
    %add3A_251 = arith.addi %add3A_241, %select_n3A_250 : vector<16xi32>
    %get3A_252 = arith.constant 25 : i32
    %get3A_253 = arith.index_cast %get3A_252 : i32 to index
    %get3A_254 = arith.constant 0 : index
    %get3A_255 = tpu.vector_load %arg8[%get3A_253, %get3A_254] {strides = array<i32>} : memref<32x16xi32, #tpu.memory_space<vmem>>, vector<16xi32>,
    %gt3A_256 = arith.constant 25 : i32
    %gt3A_257 = arith.cmpi sgt, %add3A, %gt3A_256 : i32
    %jit3A_258 = arith.constant 0 : i32
    %broadcast_in_dim3A_259 = vector.broadcast %jit3A_258 : i32 to vector<16xi32>
    %select_n3A_260 = arith.select %gt3A_257, %get3A_255, %broadcast_in_dim3A_259 : vector<16xi32>
    %add3A_261 = arith.addi %add3A_251, %select_n3A_260 : vector<16xi32>
    %get3A_262 = arith.constant 26 : i32
    %get3A_263 = arith.index_cast %get3A_262 : i32 to index
    %get3A_264 = arith.constant 0 : index
    %get3A_265 = tpu.vector_load %arg8[%get3A_263, %get3A_264] {strides = array<i32>} : memref<32x16xi32, #tpu.memory_space<vmem>>, vector<16xi32>,
    %gt3A_266 = arith.constant 26 : i32
    %gt3A_267 = arith.cmpi sgt, %add3A, %gt3A_266 : i32
    %jit3A_268 = arith.constant 0 : i32
    %broadcast_in_dim3A_269 = vector.broadcast %jit3A_268 : i32 to vector<16xi32>
    %select_n3A_270 = arith.select %gt3A_267, %get3A_265, %broadcast_in_dim3A_269 : vector<16xi32>
    %add3A_271 = arith.addi %add3A_261, %select_n3A_270 : vector<16xi32>
    %get3A_272 = arith.constant 27 : i32
    %get3A_273 = arith.index_cast %get3A_272 : i32 to index
    %get3A_274 = arith.constant 0 : index
    %get3A_275 = tpu.vector_load %arg8[%get3A_273, %get3A_274] {strides = array<i32>} : memref<32x16xi32, #tpu.memory_space<vmem>>, vector<16xi32>,
    %gt3A_276 = arith.constant 27 : i32
    %gt3A_277 = arith.cmpi sgt, %add3A, %gt3A_276 : i32
    %jit3A_278 = arith.constant 0 : i32
    %broadcast_in_dim3A_279 = vector.broadcast %jit3A_278 : i32 to vector<16xi32>
    %select_n3A_280 = arith.select %gt3A_277, %get3A_275, %broadcast_in_dim3A_279 : vector<16xi32>
    %add3A_281 = arith.addi %add3A_271, %select_n3A_280 : vector<16xi32>
    %get3A_282 = arith.constant 28 : i32
    %get3A_283 = arith.index_cast %get3A_282 : i32 to index
    %get3A_284 = arith.constant 0 : index
    %get3A_285 = tpu.vector_load %arg8[%get3A_283, %get3A_284] {strides = array<i32>} : memref<32x16xi32, #tpu.memory_space<vmem>>, vector<16xi32>,
    %gt3A_286 = arith.constant 28 : i32
    %gt3A_287 = arith.cmpi sgt, %add3A, %gt3A_286 : i32
    %jit3A_288 = arith.constant 0 : i32
    %broadcast_in_dim3A_289 = vector.broadcast %jit3A_288 : i32 to vector<16xi32>
    %select_n3A_290 = arith.select %gt3A_287, %get3A_285, %broadcast_in_dim3A_289 : vector<16xi32>
    %add3A_291 = arith.addi %add3A_281, %select_n3A_290 : vector<16xi32>
    %get3A_292 = arith.constant 29 : i32
    %get3A_293 = arith.index_cast %get3A_292 : i32 to index
    %get3A_294 = arith.constant 0 : index
    %get3A_295 = tpu.vector_load %arg8[%get3A_293, %get3A_294] {strides = array<i32>} : memref<32x16xi32, #tpu.memory_space<vmem>>, vector<16xi32>,
    %gt3A_296 = arith.constant 29 : i32
    %gt3A_297 = arith.cmpi sgt, %add3A, %gt3A_296 : i32
    %jit3A_298 = arith.constant 0 : i32
    %broadcast_in_dim3A_299 = vector.broadcast %jit3A_298 : i32 to vector<16xi32>
    %select_n3A_300 = arith.select %gt3A_297, %get3A_295, %broadcast_in_dim3A_299 : vector<16xi32>
    %add3A_301 = arith.addi %add3A_291, %select_n3A_300 : vector<16xi32>
    %get3A_302 = arith.constant 30 : i32
    %get3A_303 = arith.index_cast %get3A_302 : i32 to index
    %get3A_304 = arith.constant 0 : index
    %get3A_305 = tpu.vector_load %arg8[%get3A_303, %get3A_304] {strides = array<i32>} : memref<32x16xi32, #tpu.memory_space<vmem>>, vector<16xi32>,
    %gt3A_306 = arith.constant 30 : i32
    %gt3A_307 = arith.cmpi sgt, %add3A, %gt3A_306 : i32
    %jit3A_308 = arith.constant 0 : i32
    %broadcast_in_dim3A_309 = vector.broadcast %jit3A_308 : i32 to vector<16xi32>
    %select_n3A_310 = arith.select %gt3A_307, %get3A_305, %broadcast_in_dim3A_309 : vector<16xi32>
    %add3A_311 = arith.addi %add3A_301, %select_n3A_310 : vector<16xi32>
    %get3A_312 = arith.constant 31 : i32
    %get3A_313 = arith.index_cast %get3A_312 : i32 to index
    %get3A_314 = arith.constant 0 : index
    %get3A_315 = tpu.vector_load %arg8[%get3A_313, %get3A_314] {strides = array<i32>} : memref<32x16xi32, #tpu.memory_space<vmem>>, vector<16xi32>,
    %gt3A_316 = arith.constant 31 : i32
    %gt3A_317 = arith.cmpi sgt, %add3A, %gt3A_316 : i32
    %jit3A_318 = arith.constant 0 : i32
    %broadcast_in_dim3A_319 = vector.broadcast %jit3A_318 : i32 to vector<16xi32>
    %select_n3A_320 = arith.select %gt3A_317, %get3A_315, %broadcast_in_dim3A_319 : vector<16xi32>
    %add3A_321 = arith.addi %add3A_311, %select_n3A_320 : vector<16xi32>
    %reduce_max3A = arith.constant true
    %reduce_max3A_322 = vector.broadcast %reduce_max3A : i1 to vector<16xi1>
    %reduce_max3A_323 = arith.constant -2147483648 : i32
    %reduce_max3A_324 = vector.broadcast %reduce_max3A_323 : i32 to vector<16xi32>
    %reduce_max3A_325 = arith.xori %add3A_321, %reduce_max3A_324 : vector<16xi32>
    %reduce_max3A_326 = tpu.scan <max>, %reduce_max3A_325 masked %reduce_max3A_322 : vector<16xi32>, vector<16xi1> -> vector<16xi32>
    %reduce_max3A_327 = arith.xori %reduce_max3A_326, %reduce_max3A_324 : vector<16xi32>
    %reduce_max3A_328 = vector.extract %reduce_max3A_327[15] : i32 from vector<16xi32>
    %scan3A = arith.constant 0 : i32
    %scan3A_329 = arith.constant 32 : i32
    %scan3A_330 = arith.addi %scan3A, %scan3A_329 : i32
    %scan3A_331 = arith.constant 1 : i32
    %scan3A_332 = scf.for %scan3A_353 = %scan3A to %scan3A_330 step %scan3A_331 iter_args(%scan3A_354 = %reduce_max3A_328) -> (i32)  : i32 {
      %mul3A_355 = arith.constant 16 : i32
      %mul3A_356 = arith.muli %mul3A_355, %scan3A_353 : i32
      %get3A_357 = arith.index_cast %mul3A_356 : i32 to index
      %get3A_358 = tpu.vector_load %arg7[%get3A_357] {strides = array<i32>} : memref<512xi32, #tpu.memory_space<vmem>>, vector<16xi32>,
      %broadcast_in_dim3A_359 = arith.constant true
      %broadcast_in_dim3A_360 = vector.broadcast %broadcast_in_dim3A_359 : i1 to vector<16xi1>
      %masked_cumsum3A = tpu.scan <sum>, %get3A_358 masked %broadcast_in_dim3A_360 : vector<16xi32>, vector<16xi1> -> vector<16xi32>
      %sub3A = arith.subi %masked_cumsum3A, %get3A_358 : vector<16xi32>
      %add3A_361 = vector.broadcast %scan3A_354 : i32 to vector<16xi32>
      %add3A_362 = arith.addi %sub3A, %add3A_361 : vector<16xi32>
      %mul3A_363 = arith.constant 16 : i32
      %mul3A_364 = arith.muli %mul3A_363, %scan3A_353 : i32
      %swap3A = arith.index_cast %mul3A_364 : i32 to index
      %swap3A_365 = tpu.vector_load %arg9[%swap3A] {strides = array<i32>} : memref<512xi32, #tpu.memory_space<vmem>>, vector<16xi32>,
      tpu.vector_store %arg9[%swap3A], %add3A_362 {strides = array<i32>} : memref<512xi32, #tpu.memory_space<vmem>>, vector<16xi32>,
      %reduce_max3A_366 = arith.constant true
      %reduce_max3A_367 = vector.broadcast %reduce_max3A_366 : i1 to vector<16xi1>
      %reduce_max3A_368 = arith.constant -2147483648 : i32
      %reduce_max3A_369 = vector.broadcast %reduce_max3A_368 : i32 to vector<16xi32>
      %reduce_max3A_370 = arith.xori %masked_cumsum3A, %reduce_max3A_369 : vector<16xi32>
      %reduce_max3A_371 = tpu.scan <max>, %reduce_max3A_370 masked %reduce_max3A_367 : vector<16xi32>, vector<16xi1> -> vector<16xi32>
      %reduce_max3A_372 = arith.xori %reduce_max3A_371, %reduce_max3A_369 : vector<16xi32>
      %reduce_max3A_373 = vector.extract %reduce_max3A_372[15] : i32 from vector<16xi32>
      %add3A_374 = arith.addi %scan3A_354, %reduce_max3A_373 : i32
      scf.yield %add3A_374 : i32
    }
    %scan3A_333 = arith.constant 32 : i32
    %add3A_334 = arith.constant 0 : i32
    %add3A_335 = arith.addi %mul3A_4, %add3A_334 : i32
    %dma_start3A = arith.constant 0 : i32
    %dma_start3A_336 = tpu.memref_slice %arg5[%add3A_335, %dma_start3A] : memref<8192x128xi32, #tpu.memory_space<hbm>> -> memref<16x128xi32, #tpu.memory_space<hbm>>
    %dma_start3A_337 = arith.constant 0 : i32
    %dma_start3A_338 = tpu.memref_slice %arg5[%add3A_335, %dma_start3A_337] : memref<8192x128xi32, #tpu.memory_space<hbm>> -> memref<16x128xi32, #tpu.memory_space<hbm>>
    tpu.enqueue_dma source(%dma_start3A_338 : memref<16x128xi32, #tpu.memory_space<hbm>>) target(%arg10 : memref<16x128xi32, #tpu.memory_space<vmem>>) target_semaphore(%arg17 : memref<!tpu.dma_semaphore, #tpu.memory_space<semaphore_mem>>)
    %scan3A_339 = arith.constant 0 : i32
    %scan3A_340 = arith.constant 0 : i32
    %scan3A_341 = arith.constant 32 : i32
    %scan3A_342 = arith.addi %scan3A_340, %scan3A_341 : i32
    %scan3A_343 = arith.constant 1 : i32
    %scan3A_344 = scf.for %scan3A_353 = %scan3A_340 to %scan3A_342 step %scan3A_343 iter_args(%scan3A_354 = %scan3A_339) -> (i32)  : i32 {
      %add3A_355 = arith.constant 0 : i32
      %add3A_356 = arith.addi %add3A_355, %scan3A_353 : i32
      %broadcast_in_dim3A_357 = vector.broadcast %add3A_356 : i32 to vector<16xi32>
      %gather3A = tpu.vector_load_idx %arg9[%broadcast_in_dim3A_357] : memref<512xi32, #tpu.memory_space<vmem>>[vector<16xi32>], vector<16xi32>,
      %reduce_max3A_358 = arith.constant true
      %reduce_max3A_359 = vector.broadcast %reduce_max3A_358 : i1 to vector<16xi1>
      %reduce_max3A_360 = arith.constant -2147483648 : i32
      %reduce_max3A_361 = vector.broadcast %reduce_max3A_360 : i32 to vector<16xi32>
      %reduce_max3A_362 = arith.xori %gather3A, %reduce_max3A_361 : vector<16xi32>
      %reduce_max3A_363 = tpu.scan <max>, %reduce_max3A_362 masked %reduce_max3A_359 : vector<16xi32>, vector<16xi1> -> vector<16xi32>
      %reduce_max3A_364 = arith.xori %reduce_max3A_363, %reduce_max3A_361 : vector<16xi32>
      %reduce_max3A_365 = vector.extract %reduce_max3A_364[15] : i32 from vector<16xi32>
      %rem3A = arith.constant 8 : i32
      %rem3A_366 = arith.remsi %reduce_max3A_365, %rem3A : i32
      %sub3A = arith.subi %reduce_max3A_365, %rem3A_366 : i32
      %multiple_of3A = tpu.assume_multiple %sub3A, 8 : i32
      %div3A = arith.constant 2 : i32
      %div3A_367 = arith.divsi %scan3A_353, %div3A : i32
      %rem3A_368 = arith.constant 2 : i32
      %rem3A_369 = arith.remsi %scan3A_353, %rem3A_368 : i32
      %mul3A_370 = arith.constant 64 : i32
      %mul3A_371 = arith.muli %rem3A_369, %mul3A_370 : i32
      %multiple_of3A_372 = tpu.assume_multiple %mul3A_371, 64 : i32
      %dma_start3A_373 = tpu.memref_slice %arg12[%div3A_367, %multiple_of3A_372] : memref<16x128xf32, #tpu.memory_space<vmem>> -> memref<1x64xf32, #tpu.memory_space<vmem>>
      %dma_start3A_374 = tpu.memref_squeeze %dma_start3A_373 : memref<1x64xf32, #tpu.memory_space<vmem>> -> memref<64xf32, #tpu.memory_space<vmem>>
      %dma_start3A_375 = tpu.memref_slice %arg2[%multiple_of3A] : memref<3309568xf32, #tpu.memory_space<hbm>> -> memref<64xf32, #tpu.memory_space<hbm>>
      %dma_start3A_376 = tpu.memref_slice %arg12[%div3A_367, %multiple_of3A_372] : memref<16x128xf32, #tpu.memory_space<vmem>> -> memref<1x64xf32, #tpu.memory_space<vmem>>
      %dma_start3A_377 = tpu.memref_squeeze %dma_start3A_376 : memref<1x64xf32, #tpu.memory_space<vmem>> -> memref<64xf32, #tpu.memory_space<vmem>>
      %dma_start3A_378 = tpu.memref_slice %arg2[%multiple_of3A] : memref<3309568xf32, #tpu.memory_space<hbm>> -> memref<64xf32, #tpu.memory_space<hbm>>
      tpu.enqueue_dma source(%dma_start3A_378 : memref<64xf32, #tpu.memory_space<hbm>>) target(%dma_start3A_377 : memref<64xf32, #tpu.memory_space<vmem>>) target_semaphore(%arg15 : memref<!tpu.dma_semaphore, #tpu.memory_space<semaphore_mem>>)
      %scan3A_379 = arith.constant 0 : i32
      scf.yield %scan3A_379 : i32
    }
    %scan3A_345 = arith.constant 32 : i32
    %scan3A_346 = arith.constant 0 : i32
    %scan3A_347 = arith.constant 0 : i32
    %scan3A_348 = arith.constant 16 : i32
    %scan3A_349 = arith.addi %scan3A_347, %scan3A_348 : i32
    %scan3A_350 = arith.constant 1 : i32
    %scan3A_351 = scf.for %scan3A_353 = %scan3A_347 to %scan3A_349 step %scan3A_350 iter_args(%scan3A_354 = %scan3A_346) -> (i32)  : i32 {
      %rem3A = arith.constant 2 : i32
      %rem3A_355 = arith.remsi %scan3A_353, %rem3A : i32
      %eq3A = arith.constant 0 : i32
      %eq3A_356 = arith.cmpi eq, %rem3A_355, %eq3A : i32
      %add3A_357 = arith.constant 1 : i32
      %add3A_358 = arith.addi %scan3A_353, %add3A_357 : i32
      %lt3A = arith.constant 16 : i32
      %lt3A_359 = arith.cmpi slt, %add3A_358, %lt3A : i32
      %and3A = arith.andi %lt3A_359, %eq3A_356 : i1
      %convert_element_type3A = arith.extui %and3A : i1 to i32
      %cond3A = arith.constant 0 : i32
      %cond3A_360 = arith.cmpi ne, %convert_element_type3A, %cond3A : i32
      scf.if %cond3A_360 {
        %add3A_375 = arith.constant 1 : i32
        %add3A_376 = arith.addi %scan3A_353, %add3A_375 : i32
        %mul3A_377 = arith.constant 16 : i32
        %mul3A_378 = arith.muli %mul3A_377, %add3A_376 : i32
        %add3A_379 = arith.addi %mul3A_4, %mul3A_378 : i32
        %dma_start3A_380 = arith.constant 0 : i32
        %dma_start3A_381 = tpu.memref_slice %arg5[%add3A_379, %dma_start3A_380] : memref<8192x128xi32, #tpu.memory_space<hbm>> -> memref<16x128xi32, #tpu.memory_space<hbm>>
        %dma_start3A_382 = arith.constant 0 : i32
        %dma_start3A_383 = tpu.memref_slice %arg5[%add3A_379, %dma_start3A_382] : memref<8192x128xi32, #tpu.memory_space<hbm>> -> memref<16x128xi32, #tpu.memory_space<hbm>>
        tpu.enqueue_dma source(%dma_start3A_383 : memref<16x128xi32, #tpu.memory_space<hbm>>) target(%arg11 : memref<16x128xi32, #tpu.memory_space<vmem>>) target_semaphore(%arg18 : memref<!tpu.dma_semaphore, #tpu.memory_space<semaphore_mem>>)
        %scan3A_384 = arith.constant 0 : i32
        %scan3A_385 = arith.constant 0 : i32
        %scan3A_386 = arith.constant 32 : i32
        %scan3A_387 = arith.addi %scan3A_385, %scan3A_386 : i32
        %scan3A_388 = arith.constant 1 : i32
        %scan3A_389 = scf.for %scan3A_391 = %scan3A_385 to %scan3A_387 step %scan3A_388 iter_args(%scan3A_392 = %scan3A_384) -> (i32)  : i32 {
          %mul3A_393 = arith.constant 32 : i32
          %mul3A_394 = arith.muli %add3A_376, %mul3A_393 : i32
          %add3A_395 = arith.addi %mul3A_394, %scan3A_391 : i32
          %broadcast_in_dim3A_396 = vector.broadcast %add3A_395 : i32 to vector<16xi32>
          %gather3A = tpu.vector_load_idx %arg9[%broadcast_in_dim3A_396] : memref<512xi32, #tpu.memory_space<vmem>>[vector<16xi32>], vector<16xi32>,
          %reduce_max3A_397 = arith.constant true
          %reduce_max3A_398 = vector.broadcast %reduce_max3A_397 : i1 to vector<16xi1>
          %reduce_max3A_399 = arith.constant -2147483648 : i32
          %reduce_max3A_400 = vector.broadcast %reduce_max3A_399 : i32 to vector<16xi32>
          %reduce_max3A_401 = arith.xori %gather3A, %reduce_max3A_400 : vector<16xi32>
          %reduce_max3A_402 = tpu.scan <max>, %reduce_max3A_401 masked %reduce_max3A_398 : vector<16xi32>, vector<16xi1> -> vector<16xi32>
          %reduce_max3A_403 = arith.xori %reduce_max3A_402, %reduce_max3A_400 : vector<16xi32>
          %reduce_max3A_404 = vector.extract %reduce_max3A_403[15] : i32 from vector<16xi32>
          %rem3A_405 = arith.constant 8 : i32
          %rem3A_406 = arith.remsi %reduce_max3A_404, %rem3A_405 : i32
          %sub3A = arith.subi %reduce_max3A_404, %rem3A_406 : i32
          %multiple_of3A = tpu.assume_multiple %sub3A, 8 : i32
          %div3A = arith.constant 2 : i32
          %div3A_407 = arith.divsi %scan3A_391, %div3A : i32
          %rem3A_408 = arith.constant 2 : i32
          %rem3A_409 = arith.remsi %scan3A_391, %rem3A_408 : i32
          %mul3A_410 = arith.constant 64 : i32
          %mul3A_411 = arith.muli %rem3A_409, %mul3A_410 : i32
          %multiple_of3A_412 = tpu.assume_multiple %mul3A_411, 64 : i32
          %dma_start3A_413 = tpu.memref_slice %arg13[%div3A_407, %multiple_of3A_412] : memref<16x128xf32, #tpu.memory_space<vmem>> -> memref<1x64xf32, #tpu.memory_space<vmem>>
          %dma_start3A_414 = tpu.memref_squeeze %dma_start3A_413 : memref<1x64xf32, #tpu.memory_space<vmem>> -> memref<64xf32, #tpu.memory_space<vmem>>
          %dma_start3A_415 = tpu.memref_slice %arg2[%multiple_of3A] : memref<3309568xf32, #tpu.memory_space<hbm>> -> memref<64xf32, #tpu.memory_space<hbm>>
          %dma_start3A_416 = tpu.memref_slice %arg13[%div3A_407, %multiple_of3A_412] : memref<16x128xf32, #tpu.memory_space<vmem>> -> memref<1x64xf32, #tpu.memory_space<vmem>>
          %dma_start3A_417 = tpu.memref_squeeze %dma_start3A_416 : memref<1x64xf32, #tpu.memory_space<vmem>> -> memref<64xf32, #tpu.memory_space<vmem>>
          %dma_start3A_418 = tpu.memref_slice %arg2[%multiple_of3A] : memref<3309568xf32, #tpu.memory_space<hbm>> -> memref<64xf32, #tpu.memory_space<hbm>>
          tpu.enqueue_dma source(%dma_start3A_418 : memref<64xf32, #tpu.memory_space<hbm>>) target(%dma_start3A_417 : memref<64xf32, #tpu.memory_space<vmem>>) target_semaphore(%arg16 : memref<!tpu.dma_semaphore, #tpu.memory_space<semaphore_mem>>)
          %scan3A_419 = arith.constant 0 : i32
          scf.yield %scan3A_419 : i32
        }
        %scan3A_390 = arith.constant 32 : i32
      } else {
      }
      %not3A = arith.constant true
      %not3A_361 = arith.xori %eq3A_356, %not3A : i1
      %and3A_362 = arith.andi %lt3A_359, %not3A_361 : i1
      %convert_element_type3A_363 = arith.extui %and3A_362 : i1 to i32
      %cond3A_364 = arith.constant 0 : i32
      %cond3A_365 = arith.cmpi ne, %convert_element_type3A_363, %cond3A_364 : i32
      scf.if %cond3A_365 {
        %add3A_375 = arith.constant 1 : i32
        %add3A_376 = arith.addi %scan3A_353, %add3A_375 : i32
        %mul3A_377 = arith.constant 16 : i32
        %mul3A_378 = arith.muli %mul3A_377, %add3A_376 : i32
        %add3A_379 = arith.addi %mul3A_4, %mul3A_378 : i32
        %dma_start3A_380 = arith.constant 0 : i32
        %dma_start3A_381 = tpu.memref_slice %arg5[%add3A_379, %dma_start3A_380] : memref<8192x128xi32, #tpu.memory_space<hbm>> -> memref<16x128xi32, #tpu.memory_space<hbm>>
        %dma_start3A_382 = arith.constant 0 : i32
        %dma_start3A_383 = tpu.memref_slice %arg5[%add3A_379, %dma_start3A_382] : memref<8192x128xi32, #tpu.memory_space<hbm>> -> memref<16x128xi32, #tpu.memory_space<hbm>>
        tpu.enqueue_dma source(%dma_start3A_383 : memref<16x128xi32, #tpu.memory_space<hbm>>) target(%arg10 : memref<16x128xi32, #tpu.memory_space<vmem>>) target_semaphore(%arg17 : memref<!tpu.dma_semaphore, #tpu.memory_space<semaphore_mem>>)
        %scan3A_384 = arith.constant 0 : i32
        %scan3A_385 = arith.constant 0 : i32
        %scan3A_386 = arith.constant 32 : i32
        %scan3A_387 = arith.addi %scan3A_385, %scan3A_386 : i32
        %scan3A_388 = arith.constant 1 : i32
        %scan3A_389 = scf.for %scan3A_391 = %scan3A_385 to %scan3A_387 step %scan3A_388 iter_args(%scan3A_392 = %scan3A_384) -> (i32)  : i32 {
          %mul3A_393 = arith.constant 32 : i32
          %mul3A_394 = arith.muli %add3A_376, %mul3A_393 : i32
          %add3A_395 = arith.addi %mul3A_394, %scan3A_391 : i32
          %broadcast_in_dim3A_396 = vector.broadcast %add3A_395 : i32 to vector<16xi32>
          %gather3A = tpu.vector_load_idx %arg9[%broadcast_in_dim3A_396] : memref<512xi32, #tpu.memory_space<vmem>>[vector<16xi32>], vector<16xi32>,
          %reduce_max3A_397 = arith.constant true
          %reduce_max3A_398 = vector.broadcast %reduce_max3A_397 : i1 to vector<16xi1>
          %reduce_max3A_399 = arith.constant -2147483648 : i32
          %reduce_max3A_400 = vector.broadcast %reduce_max3A_399 : i32 to vector<16xi32>
          %reduce_max3A_401 = arith.xori %gather3A, %reduce_max3A_400 : vector<16xi32>
          %reduce_max3A_402 = tpu.scan <max>, %reduce_max3A_401 masked %reduce_max3A_398 : vector<16xi32>, vector<16xi1> -> vector<16xi32>
          %reduce_max3A_403 = arith.xori %reduce_max3A_402, %reduce_max3A_400 : vector<16xi32>
          %reduce_max3A_404 = vector.extract %reduce_max3A_403[15] : i32 from vector<16xi32>
          %rem3A_405 = arith.constant 8 : i32
          %rem3A_406 = arith.remsi %reduce_max3A_404, %rem3A_405 : i32
          %sub3A = arith.subi %reduce_max3A_404, %rem3A_406 : i32
          %multiple_of3A = tpu.assume_multiple %sub3A, 8 : i32
          %div3A = arith.constant 2 : i32
          %div3A_407 = arith.divsi %scan3A_391, %div3A : i32
          %rem3A_408 = arith.constant 2 : i32
          %rem3A_409 = arith.remsi %scan3A_391, %rem3A_408 : i32
          %mul3A_410 = arith.constant 64 : i32
          %mul3A_411 = arith.muli %rem3A_409, %mul3A_410 : i32
          %multiple_of3A_412 = tpu.assume_multiple %mul3A_411, 64 : i32
          %dma_start3A_413 = tpu.memref_slice %arg12[%div3A_407, %multiple_of3A_412] : memref<16x128xf32, #tpu.memory_space<vmem>> -> memref<1x64xf32, #tpu.memory_space<vmem>>
          %dma_start3A_414 = tpu.memref_squeeze %dma_start3A_413 : memref<1x64xf32, #tpu.memory_space<vmem>> -> memref<64xf32, #tpu.memory_space<vmem>>
          %dma_start3A_415 = tpu.memref_slice %arg2[%multiple_of3A] : memref<3309568xf32, #tpu.memory_space<hbm>> -> memref<64xf32, #tpu.memory_space<hbm>>
          %dma_start3A_416 = tpu.memref_slice %arg12[%div3A_407, %multiple_of3A_412] : memref<16x128xf32, #tpu.memory_space<vmem>> -> memref<1x64xf32, #tpu.memory_space<vmem>>
          %dma_start3A_417 = tpu.memref_squeeze %dma_start3A_416 : memref<1x64xf32, #tpu.memory_space<vmem>> -> memref<64xf32, #tpu.memory_space<vmem>>
          %dma_start3A_418 = tpu.memref_slice %arg2[%multiple_of3A] : memref<3309568xf32, #tpu.memory_space<hbm>> -> memref<64xf32, #tpu.memory_space<hbm>>
          tpu.enqueue_dma source(%dma_start3A_418 : memref<64xf32, #tpu.memory_space<hbm>>) target(%dma_start3A_417 : memref<64xf32, #tpu.memory_space<vmem>>) target_semaphore(%arg15 : memref<!tpu.dma_semaphore, #tpu.memory_space<semaphore_mem>>)
          %scan3A_419 = arith.constant 0 : i32
          scf.yield %scan3A_419 : i32
        }
        %scan3A_390 = arith.constant 32 : i32
      } else {
      }
      %convert_element_type3A_366 = arith.extui %eq3A_356 : i1 to i32
      %cond3A_367 = arith.constant 0 : i32
      %cond3A_368 = arith.cmpi ne, %convert_element_type3A_366, %cond3A_367 : i32
      scf.if %cond3A_368 {
        %mul3A_375 = arith.constant 16 : i32
        %mul3A_376 = arith.muli %mul3A_375, %scan3A_353 : i32
        %add3A_377 = arith.addi %mul3A_4, %mul3A_376 : i32
        %dma_wait3A = arith.constant 0 : i32
        %dma_wait3A_378 = tpu.memref_slice %arg5[%add3A_377, %dma_wait3A] : memref<8192x128xi32, #tpu.memory_space<hbm>> -> memref<16x128xi32, #tpu.memory_space<hbm>>
        %dma_wait3A_379 = arith.constant 0 : i32
        %dma_wait3A_380 = tpu.memref_slice %arg5[%add3A_377, %dma_wait3A_379] : memref<8192x128xi32, #tpu.memory_space<hbm>> -> memref<16x128xi32, #tpu.memory_space<hbm>>
        tpu.wait_dma2 semaphore(%arg17 : memref<!tpu.dma_semaphore, #tpu.memory_space<semaphore_mem>>) src(%dma_wait3A_380 : memref<16x128xi32, #tpu.memory_space<hbm>>) dst(%arg10 : memref<16x128xi32, #tpu.memory_space<vmem>>)
        %mul3A_381 = arith.constant 16 : i32
        %mul3A_382 = arith.muli %mul3A_381, %scan3A_353 : i32
        %add3A_383 = arith.addi %mul3A_4, %mul3A_382 : i32
        %dma_wait3A_384 = arith.constant 0 : i32
        %dma_wait3A_385 = tpu.memref_slice %arg6[%add3A_383, %dma_wait3A_384] : memref<8192x128xf32, #tpu.memory_space<hbm>> -> memref<16x128xf32, #tpu.memory_space<hbm>>
        %dma_wait3A_386 = arith.constant 0 : i32
        %dma_wait3A_387 = tpu.memref_slice %arg6[%add3A_383, %dma_wait3A_386] : memref<8192x128xf32, #tpu.memory_space<hbm>> -> memref<16x128xf32, #tpu.memory_space<hbm>>
        tpu.wait_dma2 semaphore(%arg15 : memref<!tpu.dma_semaphore, #tpu.memory_space<semaphore_mem>>) src(%dma_wait3A_387 : memref<16x128xf32, #tpu.memory_space<hbm>>) dst(%arg12 : memref<16x128xf32, #tpu.memory_space<vmem>>)
        %scan3A_388 = arith.constant 0 : i32
        %scan3A_389 = arith.constant 0 : i32
        %scan3A_390 = arith.constant 32 : i32
        %scan3A_391 = arith.addi %scan3A_389, %scan3A_390 : i32
        %scan3A_392 = arith.constant 1 : i32
        %scan3A_393 = scf.for %scan3A_398 = %scan3A_389 to %scan3A_391 step %scan3A_392 iter_args(%scan3A_399 = %scan3A_388) -> (i32)  : i32 {
          %mul3A_400 = arith.constant 32 : i32
          %mul3A_401 = arith.muli %scan3A_353, %mul3A_400 : i32
          %add3A_402 = arith.addi %mul3A_401, %scan3A_398 : i32
          %broadcast_in_dim3A_403 = vector.broadcast %add3A_402 : i32 to vector<16xi32>
          %gather3A = tpu.vector_load_idx %arg9[%broadcast_in_dim3A_403] : memref<512xi32, #tpu.memory_space<vmem>>[vector<16xi32>], vector<16xi32>,
          %rem3A_404 = arith.constant 8 : i32
          %rem3A_405 = vector.broadcast %rem3A_404 : i32 to vector<16xi32>
          %rem3A_406 = arith.remsi %gather3A, %rem3A_405 : vector<16xi32>
          %div3A = arith.constant 2 : i32
          %div3A_407 = arith.divsi %scan3A_398, %div3A : i32
          %rem3A_408 = arith.constant 2 : i32
          %rem3A_409 = arith.remsi %scan3A_398, %rem3A_408 : i32
          %mul3A_410 = arith.constant 64 : i32
          %mul3A_411 = arith.muli %rem3A_409, %mul3A_410 : i32
          %broadcast_in_dim3A_412 = vector.broadcast %div3A_407 : i32 to vector<16xi32>
          %add3A_413 = arith.constant 0 : i32
          %add3A_414 = arith.addi %mul3A_411, %add3A_413 : i32
          %get3A_415 = arith.index_cast %div3A_407 : i32 to index
          %get3A_416 = arith.index_cast %add3A_414 : i32 to index
          %get3A_417 = tpu.vector_load %arg10[%get3A_415, %get3A_416] {strides = array<i32>} : memref<16x128xi32, #tpu.memory_space<vmem>>, vector<16xi32>,
          %add3A_418 = arith.addi %get3A_417, %rem3A_406 : vector<16xi32>
          %add3A_419 = vector.broadcast %mul3A_411 : i32 to vector<16xi32>
          %add3A_420 = arith.addi %add3A_418, %add3A_419 : vector<16xi32>
          %gather3A_421 = tpu.vector_load_idx %arg12[%broadcast_in_dim3A_412, %add3A_420] : memref<16x128xf32, #tpu.memory_space<vmem>>[vector<16xi32>, vector<16xi32>], vector<16xf32>,
          %add3A_422 = arith.constant 0 : i32
          %add3A_423 = arith.addi %mul3A_411, %add3A_422 : i32
          %swap3A = arith.index_cast %div3A_407 : i32 to index
          %swap3A_424 = arith.index_cast %add3A_423 : i32 to index
          %swap3A_425 = tpu.vector_load %arg14[%swap3A, %swap3A_424] {strides = array<i32>} : memref<16x128xf32, #tpu.memory_space<vmem>>, vector<16xf32>,
          tpu.vector_store %arg14[%swap3A, %swap3A_424], %gather3A_421 {strides = array<i32>} : memref<16x128xf32, #tpu.memory_space<vmem>>, vector<16xf32>,
          %add3A_426 = arith.constant 16 : i32
          %add3A_427 = arith.addi %mul3A_411, %add3A_426 : i32
          %get3A_428 = arith.index_cast %div3A_407 : i32 to index
          %get3A_429 = arith.index_cast %add3A_427 : i32 to index
          %get3A_430 = tpu.vector_load %arg10[%get3A_428, %get3A_429] {strides = array<i32>} : memref<16x128xi32, #tpu.memory_space<vmem>>, vector<16xi32>,
          %add3A_431 = arith.addi %get3A_430, %rem3A_406 : vector<16xi32>
          %add3A_432 = vector.broadcast %mul3A_411 : i32 to vector<16xi32>
          %add3A_433 = arith.addi %add3A_431, %add3A_432 : vector<16xi32>
          %gather3A_434 = tpu.vector_load_idx %arg12[%broadcast_in_dim3A_412, %add3A_433] : memref<16x128xf32, #tpu.memory_space<vmem>>[vector<16xi32>, vector<16xi32>], vector<16xf32>,
          %add3A_435 = arith.constant 16 : i32
          %add3A_436 = arith.addi %mul3A_411, %add3A_435 : i32
          %swap3A_437 = arith.index_cast %div3A_407 : i32 to index
          %swap3A_438 = arith.index_cast %add3A_436 : i32 to index
          %swap3A_439 = tpu.vector_load %arg14[%swap3A_437, %swap3A_438] {strides = array<i32>} : memref<16x128xf32, #tpu.memory_space<vmem>>, vector<16xf32>,
          tpu.vector_store %arg14[%swap3A_437, %swap3A_438], %gather3A_434 {strides = array<i32>} : memref<16x128xf32, #tpu.memory_space<vmem>>, vector<16xf32>,
          %add3A_440 = arith.constant 32 : i32
          %add3A_441 = arith.addi %mul3A_411, %add3A_440 : i32
          %get3A_442 = arith.index_cast %div3A_407 : i32 to index
          %get3A_443 = arith.index_cast %add3A_441 : i32 to index
          %get3A_444 = tpu.vector_load %arg10[%get3A_442, %get3A_443] {strides = array<i32>} : memref<16x128xi32, #tpu.memory_space<vmem>>, vector<16xi32>,
          %add3A_445 = arith.addi %get3A_444, %rem3A_406 : vector<16xi32>
          %add3A_446 = vector.broadcast %mul3A_411 : i32 to vector<16xi32>
          %add3A_447 = arith.addi %add3A_445, %add3A_446 : vector<16xi32>
          %gather3A_448 = tpu.vector_load_idx %arg12[%broadcast_in_dim3A_412, %add3A_447] : memref<16x128xf32, #tpu.memory_space<vmem>>[vector<16xi32>, vector<16xi32>], vector<16xf32>,
          %add3A_449 = arith.constant 32 : i32
          %add3A_450 = arith.addi %mul3A_411, %add3A_449 : i32
          %swap3A_451 = arith.index_cast %div3A_407 : i32 to index
          %swap3A_452 = arith.index_cast %add3A_450 : i32 to index
          %swap3A_453 = tpu.vector_load %arg14[%swap3A_451, %swap3A_452] {strides = array<i32>} : memref<16x128xf32, #tpu.memory_space<vmem>>, vector<16xf32>,
          tpu.vector_store %arg14[%swap3A_451, %swap3A_452], %gather3A_448 {strides = array<i32>} : memref<16x128xf32, #tpu.memory_space<vmem>>, vector<16xf32>,
          %add3A_454 = arith.constant 48 : i32
          %add3A_455 = arith.addi %mul3A_411, %add3A_454 : i32
          %get3A_456 = arith.index_cast %div3A_407 : i32 to index
          %get3A_457 = arith.index_cast %add3A_455 : i32 to index
          %get3A_458 = tpu.vector_load %arg10[%get3A_456, %get3A_457] {strides = array<i32>} : memref<16x128xi32, #tpu.memory_space<vmem>>, vector<16xi32>,
          %add3A_459 = arith.addi %get3A_458, %rem3A_406 : vector<16xi32>
          %add3A_460 = vector.broadcast %mul3A_411 : i32 to vector<16xi32>
          %add3A_461 = arith.addi %add3A_459, %add3A_460 : vector<16xi32>
          %gather3A_462 = tpu.vector_load_idx %arg12[%broadcast_in_dim3A_412, %add3A_461] : memref<16x128xf32, #tpu.memory_space<vmem>>[vector<16xi32>, vector<16xi32>], vector<16xf32>,
          %add3A_463 = arith.constant 48 : i32
          %add3A_464 = arith.addi %mul3A_411, %add3A_463 : i32
          %swap3A_465 = arith.index_cast %div3A_407 : i32 to index
          %swap3A_466 = arith.index_cast %add3A_464 : i32 to index
          %swap3A_467 = tpu.vector_load %arg14[%swap3A_465, %swap3A_466] {strides = array<i32>} : memref<16x128xf32, #tpu.memory_space<vmem>>, vector<16xf32>,
          tpu.vector_store %arg14[%swap3A_465, %swap3A_466], %gather3A_462 {strides = array<i32>} : memref<16x128xf32, #tpu.memory_space<vmem>>, vector<16xf32>,
          %scan3A_468 = arith.constant 0 : i32
          scf.yield %scan3A_468 : i32
        }
        %scan3A_394 = arith.constant 32 : i32
        %mul3A_395 = arith.constant 16 : i32
        %mul3A_396 = arith.muli %mul3A_395, %scan3A_353 : i32
        %add3A_397 = arith.addi %mul3A_4, %mul3A_396 : i32
        "tpu.region"() ({
          %run_scoped3A = tpu.sem_alloc : memref<!tpu.dma_semaphore, #tpu.memory_space<semaphore_mem>>
          %dma_start3A_398 = arith.constant 0 : i32
          %dma_start3A_399 = tpu.memref_slice %arg6[%add3A_397, %dma_start3A_398] : memref<8192x128xf32, #tpu.memory_space<hbm>> -> memref<16x128xf32, #tpu.memory_space<hbm>>
          %dma_start3A_400 = arith.constant 0 : i32
          %dma_start3A_401 = tpu.memref_slice %arg6[%add3A_397, %dma_start3A_400] : memref<8192x128xf32, #tpu.memory_space<hbm>> -> memref<16x128xf32, #tpu.memory_space<hbm>>
          tpu.enqueue_dma source(%arg14 : memref<16x128xf32, #tpu.memory_space<vmem>>) target(%dma_start3A_401 : memref<16x128xf32, #tpu.memory_space<hbm>>) target_semaphore(%run_scoped3A : memref<!tpu.dma_semaphore, #tpu.memory_space<semaphore_mem>>)
          %dma_wait3A_402 = arith.constant 0 : i32
          %dma_wait3A_403 = tpu.memref_slice %arg6[%add3A_397, %dma_wait3A_402] : memref<8192x128xf32, #tpu.memory_space<hbm>> -> memref<16x128xf32, #tpu.memory_space<hbm>>
          %dma_wait3A_404 = arith.constant 0 : i32
          %dma_wait3A_405 = tpu.memref_slice %arg6[%add3A_397, %dma_wait3A_404] : memref<8192x128xf32, #tpu.memory_space<hbm>> -> memref<16x128xf32, #tpu.memory_space<hbm>>
          tpu.wait_dma2 semaphore(%run_scoped3A : memref<!tpu.dma_semaphore, #tpu.memory_space<semaphore_mem>>) src(%arg14 : memref<16x128xf32, #tpu.memory_space<vmem>>) dst(%dma_wait3A_405 : memref<16x128xf32, #tpu.memory_space<hbm>>)
          tpu.yield
        }) : () -> ()
      } else {
      }
      %not3A_369 = arith.constant true
      %not3A_370 = arith.xori %eq3A_356, %not3A_369 : i1
      %convert_element_type3A_371 = arith.extui %not3A_370 : i1 to i32
      %cond3A_372 = arith.constant 0 : i32
      %cond3A_373 = arith.cmpi ne, %convert_element_type3A_371, %cond3A_372 : i32
      scf.if %cond3A_373 {
        %mul3A_375 = arith.constant 16 : i32
        %mul3A_376 = arith.muli %mul3A_375, %scan3A_353 : i32
        %add3A_377 = arith.addi %mul3A_4, %mul3A_376 : i32
        %dma_wait3A = arith.constant 0 : i32
        %dma_wait3A_378 = tpu.memref_slice %arg5[%add3A_377, %dma_wait3A] : memref<8192x128xi32, #tpu.memory_space<hbm>> -> memref<16x128xi32, #tpu.memory_space<hbm>>
        %dma_wait3A_379 = arith.constant 0 : i32
        %dma_wait3A_380 = tpu.memref_slice %arg5[%add3A_377, %dma_wait3A_379] : memref<8192x128xi32, #tpu.memory_space<hbm>> -> memref<16x128xi32, #tpu.memory_space<hbm>>
        tpu.wait_dma2 semaphore(%arg18 : memref<!tpu.dma_semaphore, #tpu.memory_space<semaphore_mem>>) src(%dma_wait3A_380 : memref<16x128xi32, #tpu.memory_space<hbm>>) dst(%arg11 : memref<16x128xi32, #tpu.memory_space<vmem>>)
        %mul3A_381 = arith.constant 16 : i32
        %mul3A_382 = arith.muli %mul3A_381, %scan3A_353 : i32
        %add3A_383 = arith.addi %mul3A_4, %mul3A_382 : i32
        %dma_wait3A_384 = arith.constant 0 : i32
        %dma_wait3A_385 = tpu.memref_slice %arg6[%add3A_383, %dma_wait3A_384] : memref<8192x128xf32, #tpu.memory_space<hbm>> -> memref<16x128xf32, #tpu.memory_space<hbm>>
        %dma_wait3A_386 = arith.constant 0 : i32
        %dma_wait3A_387 = tpu.memref_slice %arg6[%add3A_383, %dma_wait3A_386] : memref<8192x128xf32, #tpu.memory_space<hbm>> -> memref<16x128xf32, #tpu.memory_space<hbm>>
        tpu.wait_dma2 semaphore(%arg16 : memref<!tpu.dma_semaphore, #tpu.memory_space<semaphore_mem>>) src(%dma_wait3A_387 : memref<16x128xf32, #tpu.memory_space<hbm>>) dst(%arg13 : memref<16x128xf32, #tpu.memory_space<vmem>>)
        %scan3A_388 = arith.constant 0 : i32
        %scan3A_389 = arith.constant 0 : i32
        %scan3A_390 = arith.constant 32 : i32
        %scan3A_391 = arith.addi %scan3A_389, %scan3A_390 : i32
        %scan3A_392 = arith.constant 1 : i32
        %scan3A_393 = scf.for %scan3A_398 = %scan3A_389 to %scan3A_391 step %scan3A_392 iter_args(%scan3A_399 = %scan3A_388) -> (i32)  : i32 {
          %mul3A_400 = arith.constant 32 : i32
          %mul3A_401 = arith.muli %scan3A_353, %mul3A_400 : i32
          %add3A_402 = arith.addi %mul3A_401, %scan3A_398 : i32
          %broadcast_in_dim3A_403 = vector.broadcast %add3A_402 : i32 to vector<16xi32>
          %gather3A = tpu.vector_load_idx %arg9[%broadcast_in_dim3A_403] : memref<512xi32, #tpu.memory_space<vmem>>[vector<16xi32>], vector<16xi32>,
          %rem3A_404 = arith.constant 8 : i32
          %rem3A_405 = vector.broadcast %rem3A_404 : i32 to vector<16xi32>
          %rem3A_406 = arith.remsi %gather3A, %rem3A_405 : vector<16xi32>
          %div3A = arith.constant 2 : i32
          %div3A_407 = arith.divsi %scan3A_398, %div3A : i32
          %rem3A_408 = arith.constant 2 : i32
          %rem3A_409 = arith.remsi %scan3A_398, %rem3A_408 : i32
          %mul3A_410 = arith.constant 64 : i32
          %mul3A_411 = arith.muli %rem3A_409, %mul3A_410 : i32
          %broadcast_in_dim3A_412 = vector.broadcast %div3A_407 : i32 to vector<16xi32>
          %add3A_413 = arith.constant 0 : i32
          %add3A_414 = arith.addi %mul3A_411, %add3A_413 : i32
          %get3A_415 = arith.index_cast %div3A_407 : i32 to index
          %get3A_416 = arith.index_cast %add3A_414 : i32 to index
          %get3A_417 = tpu.vector_load %arg11[%get3A_415, %get3A_416] {strides = array<i32>} : memref<16x128xi32, #tpu.memory_space<vmem>>, vector<16xi32>,
          %add3A_418 = arith.addi %get3A_417, %rem3A_406 : vector<16xi32>
          %add3A_419 = vector.broadcast %mul3A_411 : i32 to vector<16xi32>
          %add3A_420 = arith.addi %add3A_418, %add3A_419 : vector<16xi32>
          %gather3A_421 = tpu.vector_load_idx %arg13[%broadcast_in_dim3A_412, %add3A_420] : memref<16x128xf32, #tpu.memory_space<vmem>>[vector<16xi32>, vector<16xi32>], vector<16xf32>,
          %add3A_422 = arith.constant 0 : i32
          %add3A_423 = arith.addi %mul3A_411, %add3A_422 : i32
          %swap3A = arith.index_cast %div3A_407 : i32 to index
          %swap3A_424 = arith.index_cast %add3A_423 : i32 to index
          %swap3A_425 = tpu.vector_load %arg14[%swap3A, %swap3A_424] {strides = array<i32>} : memref<16x128xf32, #tpu.memory_space<vmem>>, vector<16xf32>,
          tpu.vector_store %arg14[%swap3A, %swap3A_424], %gather3A_421 {strides = array<i32>} : memref<16x128xf32, #tpu.memory_space<vmem>>, vector<16xf32>,
          %add3A_426 = arith.constant 16 : i32
          %add3A_427 = arith.addi %mul3A_411, %add3A_426 : i32
          %get3A_428 = arith.index_cast %div3A_407 : i32 to index
          %get3A_429 = arith.index_cast %add3A_427 : i32 to index
          %get3A_430 = tpu.vector_load %arg11[%get3A_428, %get3A_429] {strides = array<i32>} : memref<16x128xi32, #tpu.memory_space<vmem>>, vector<16xi32>,
          %add3A_431 = arith.addi %get3A_430, %rem3A_406 : vector<16xi32>
          %add3A_432 = vector.broadcast %mul3A_411 : i32 to vector<16xi32>
          %add3A_433 = arith.addi %add3A_431, %add3A_432 : vector<16xi32>
          %gather3A_434 = tpu.vector_load_idx %arg13[%broadcast_in_dim3A_412, %add3A_433] : memref<16x128xf32, #tpu.memory_space<vmem>>[vector<16xi32>, vector<16xi32>], vector<16xf32>,
          %add3A_435 = arith.constant 16 : i32
          %add3A_436 = arith.addi %mul3A_411, %add3A_435 : i32
          %swap3A_437 = arith.index_cast %div3A_407 : i32 to index
          %swap3A_438 = arith.index_cast %add3A_436 : i32 to index
          %swap3A_439 = tpu.vector_load %arg14[%swap3A_437, %swap3A_438] {strides = array<i32>} : memref<16x128xf32, #tpu.memory_space<vmem>>, vector<16xf32>,
          tpu.vector_store %arg14[%swap3A_437, %swap3A_438], %gather3A_434 {strides = array<i32>} : memref<16x128xf32, #tpu.memory_space<vmem>>, vector<16xf32>,
          %add3A_440 = arith.constant 32 : i32
          %add3A_441 = arith.addi %mul3A_411, %add3A_440 : i32
          %get3A_442 = arith.index_cast %div3A_407 : i32 to index
          %get3A_443 = arith.index_cast %add3A_441 : i32 to index
          %get3A_444 = tpu.vector_load %arg11[%get3A_442, %get3A_443] {strides = array<i32>} : memref<16x128xi32, #tpu.memory_space<vmem>>, vector<16xi32>,
          %add3A_445 = arith.addi %get3A_444, %rem3A_406 : vector<16xi32>
          %add3A_446 = vector.broadcast %mul3A_411 : i32 to vector<16xi32>
          %add3A_447 = arith.addi %add3A_445, %add3A_446 : vector<16xi32>
          %gather3A_448 = tpu.vector_load_idx %arg13[%broadcast_in_dim3A_412, %add3A_447] : memref<16x128xf32, #tpu.memory_space<vmem>>[vector<16xi32>, vector<16xi32>], vector<16xf32>,
          %add3A_449 = arith.constant 32 : i32
          %add3A_450 = arith.addi %mul3A_411, %add3A_449 : i32
          %swap3A_451 = arith.index_cast %div3A_407 : i32 to index
          %swap3A_452 = arith.index_cast %add3A_450 : i32 to index
          %swap3A_453 = tpu.vector_load %arg14[%swap3A_451, %swap3A_452] {strides = array<i32>} : memref<16x128xf32, #tpu.memory_space<vmem>>, vector<16xf32>,
          tpu.vector_store %arg14[%swap3A_451, %swap3A_452], %gather3A_448 {strides = array<i32>} : memref<16x128xf32, #tpu.memory_space<vmem>>, vector<16xf32>,
          %add3A_454 = arith.constant 48 : i32
          %add3A_455 = arith.addi %mul3A_411, %add3A_454 : i32
          %get3A_456 = arith.index_cast %div3A_407 : i32 to index
          %get3A_457 = arith.index_cast %add3A_455 : i32 to index
          %get3A_458 = tpu.vector_load %arg11[%get3A_456, %get3A_457] {strides = array<i32>} : memref<16x128xi32, #tpu.memory_space<vmem>>, vector<16xi32>,
          %add3A_459 = arith.addi %get3A_458, %rem3A_406 : vector<16xi32>
          %add3A_460 = vector.broadcast %mul3A_411 : i32 to vector<16xi32>
          %add3A_461 = arith.addi %add3A_459, %add3A_460 : vector<16xi32>
          %gather3A_462 = tpu.vector_load_idx %arg13[%broadcast_in_dim3A_412, %add3A_461] : memref<16x128xf32, #tpu.memory_space<vmem>>[vector<16xi32>, vector<16xi32>], vector<16xf32>,
          %add3A_463 = arith.constant 48 : i32
          %add3A_464 = arith.addi %mul3A_411, %add3A_463 : i32
          %swap3A_465 = arith.index_cast %div3A_407 : i32 to index
          %swap3A_466 = arith.index_cast %add3A_464 : i32 to index
          %swap3A_467 = tpu.vector_load %arg14[%swap3A_465, %swap3A_466] {strides = array<i32>} : memref<16x128xf32, #tpu.memory_space<vmem>>, vector<16xf32>,
          tpu.vector_store %arg14[%swap3A_465, %swap3A_466], %gather3A_462 {strides = array<i32>} : memref<16x128xf32, #tpu.memory_space<vmem>>, vector<16xf32>,
          %scan3A_468 = arith.constant 0 : i32
          scf.yield %scan3A_468 : i32
        }
        %scan3A_394 = arith.constant 32 : i32
        %mul3A_395 = arith.constant 16 : i32
        %mul3A_396 = arith.muli %mul3A_395, %scan3A_353 : i32
        %add3A_397 = arith.addi %mul3A_4, %mul3A_396 : i32
        "tpu.region"() ({
          %run_scoped3A = tpu.sem_alloc : memref<!tpu.dma_semaphore, #tpu.memory_space<semaphore_mem>>
          %dma_start3A_398 = arith.constant 0 : i32
          %dma_start3A_399 = tpu.memref_slice %arg6[%add3A_397, %dma_start3A_398] : memref<8192x128xf32, #tpu.memory_space<hbm>> -> memref<16x128xf32, #tpu.memory_space<hbm>>
          %dma_start3A_400 = arith.constant 0 : i32
          %dma_start3A_401 = tpu.memref_slice %arg6[%add3A_397, %dma_start3A_400] : memref<8192x128xf32, #tpu.memory_space<hbm>> -> memref<16x128xf32, #tpu.memory_space<hbm>>
          tpu.enqueue_dma source(%arg14 : memref<16x128xf32, #tpu.memory_space<vmem>>) target(%dma_start3A_401 : memref<16x128xf32, #tpu.memory_space<hbm>>) target_semaphore(%run_scoped3A : memref<!tpu.dma_semaphore, #tpu.memory_space<semaphore_mem>>)
          %dma_wait3A_402 = arith.constant 0 : i32
          %dma_wait3A_403 = tpu.memref_slice %arg6[%add3A_397, %dma_wait3A_402] : memref<8192x128xf32, #tpu.memory_space<hbm>> -> memref<16x128xf32, #tpu.memory_space<hbm>>
          %dma_wait3A_404 = arith.constant 0 : i32
          %dma_wait3A_405 = tpu.memref_slice %arg6[%add3A_397, %dma_wait3A_404] : memref<8192x128xf32, #tpu.memory_space<hbm>> -> memref<16x128xf32, #tpu.memory_space<hbm>>
          tpu.wait_dma2 semaphore(%run_scoped3A : memref<!tpu.dma_semaphore, #tpu.memory_space<semaphore_mem>>) src(%arg14 : memref<16x128xf32, #tpu.memory_space<vmem>>) dst(%dma_wait3A_405 : memref<16x128xf32, #tpu.memory_space<hbm>>)
          tpu.yield
        }) : () -> ()
      } else {
      }
      %scan3A_374 = arith.constant 0 : i32
      scf.yield %scan3A_374 : i32
    }
    %scan3A_352 = arith.constant 16 : i32
    return
  }
}

#map = affine_map<(d0, d1) -> (0, 0)>
#map1 = affine_map<(d0, d1) -> (0)>
module attributes {stable_mosaic.version = 14 : i64} {
  func.func @_sc_unique_counts(%arg0: i32, %arg1: i32, %arg2: memref<16384x200xi32, #tpu.memory_space<hbm>>, %arg3: memref<16384xi32, #tpu.memory_space<hbm>>, %arg4: memref<32x16xi32, #tpu.memory_space<hbm>>, %arg5: memref<32x200xi32, #tpu.memory_space<vmem>>, %arg6: memref<32x200xi32, #tpu.memory_space<vmem>>, %arg7: memref<1024xi32, #tpu.memory_space<vmem>>, %arg8: memref<1024xi32, #tpu.memory_space<vmem>>, %arg9: memref<512xi32, #tpu.memory_space<vmem>>, %arg10: memref<16xi32, #tpu.memory_space<vmem>>, %arg11: memref<!tpu.dma_semaphore, #tpu.memory_space<semaphore_mem>>, %arg12: memref<!tpu.dma_semaphore, #tpu.memory_space<semaphore_mem>>) attributes {dimension_semantics = [#tpu.dimension_semantics<core_parallel>, #tpu.dimension_semantics<subcore_parallel>], iteration_bounds = array<i64: 2, 16>, scalar_prefetch = 0 : i64, scratch_operands = 8 : i64, tpu.core_type = #tpu.core_type<sc_vector_subcore>, window_params = [{transform_indices = #map}, {transform_indices = #map1}, {transform_indices = #map}]} {
    %mul3A = arith.constant 2 : i32
    %mul3A_0 = arith.muli %arg1, %mul3A : i32
    %add3A = arith.addi %mul3A_0, %arg0 : i32
    %mul3A_1 = arith.constant 512 : i32
    %mul3A_2 = arith.muli %add3A, %mul3A_1 : i32
    %iota3A = tpu.iota {dimensions = array<i32: 0>} : vector<16xi32>
    %broadcast_in_dim3A = arith.constant 0 : i32
    %broadcast_in_dim3A_3 = vector.broadcast %broadcast_in_dim3A : i32 to vector<16xi32>
    %broadcast_in_dim3A_4 = arith.constant 0.000000e+00 : f32
    %broadcast_in_dim3A_5 = vector.broadcast %broadcast_in_dim3A_4 : f32 to vector<16xf32>
    %broadcast_in_dim3A_6 = arith.constant 1 : i32
    %broadcast_in_dim3A_7 = vector.broadcast %broadcast_in_dim3A_6 : i32 to vector<16xi32>
    %eq3A = arith.constant 0 : i32
    %eq3A_8 = vector.broadcast %eq3A : i32 to vector<16xi32>
    %eq3A_9 = arith.cmpi eq, %iota3A, %eq3A_8 : vector<16xi32>
    %ge3A = arith.constant 8 : i32
    %ge3A_10 = vector.broadcast %ge3A : i32 to vector<16xi32>
    %ge3A_11 = arith.cmpi sge, %iota3A, %ge3A_10 : vector<16xi32>
    %swap3A = arith.constant 0 : index
    %swap3A_12 = tpu.vector_load %arg7[%swap3A] {strides = array<i32>} : memref<1024xi32, #tpu.memory_space<vmem>>, vector<16xi32>,
    tpu.vector_store %arg7[%swap3A], %broadcast_in_dim3A_3 {strides = array<i32>} : memref<1024xi32, #tpu.memory_space<vmem>>, vector<16xi32>,
    %swap3A_13 = arith.constant 0 : index
    %swap3A_14 = tpu.vector_load %arg8[%swap3A_13] {strides = array<i32>} : memref<1024xi32, #tpu.memory_space<vmem>>, vector<16xi32>,
    tpu.vector_store %arg8[%swap3A_13], %broadcast_in_dim3A_3 {strides = array<i32>} : memref<1024xi32, #tpu.memory_space<vmem>>, vector<16xi32>,
    %swap3A_15 = arith.constant 16 : index
    %swap3A_16 = tpu.vector_load %arg7[%swap3A_15] {strides = array<i32>} : memref<1024xi32, #tpu.memory_space<vmem>>, vector<16xi32>,
    tpu.vector_store %arg7[%swap3A_15], %broadcast_in_dim3A_3 {strides = array<i32>} : memref<1024xi32, #tpu.memory_space<vmem>>, vector<16xi32>,
    %swap3A_17 = arith.constant 16 : index
    %swap3A_18 = tpu.vector_load %arg8[%swap3A_17] {strides = array<i32>} : memref<1024xi32, #tpu.memory_space<vmem>>, vector<16xi32>,
    tpu.vector_store %arg8[%swap3A_17], %broadcast_in_dim3A_3 {strides = array<i32>} : memref<1024xi32, #tpu.memory_space<vmem>>, vector<16xi32>,
    %swap3A_19 = arith.constant 32 : index
    %swap3A_20 = tpu.vector_load %arg7[%swap3A_19] {strides = array<i32>} : memref<1024xi32, #tpu.memory_space<vmem>>, vector<16xi32>,
    tpu.vector_store %arg7[%swap3A_19], %broadcast_in_dim3A_3 {strides = array<i32>} : memref<1024xi32, #tpu.memory_space<vmem>>, vector<16xi32>,
    %swap3A_21 = arith.constant 32 : index
    %swap3A_22 = tpu.vector_load %arg8[%swap3A_21] {strides = array<i32>} : memref<1024xi32, #tpu.memory_space<vmem>>, vector<16xi32>,
    tpu.vector_store %arg8[%swap3A_21], %broadcast_in_dim3A_3 {strides = array<i32>} : memref<1024xi32, #tpu.memory_space<vmem>>, vector<16xi32>,
    %swap3A_23 = arith.constant 48 : index
    %swap3A_24 = tpu.vector_load %arg7[%swap3A_23] {strides = array<i32>} : memref<1024xi32, #tpu.memory_space<vmem>>, vector<16xi32>,
    tpu.vector_store %arg7[%swap3A_23], %broadcast_in_dim3A_3 {strides = array<i32>} : memref<1024xi32, #tpu.memory_space<vmem>>, vector<16xi32>,
    %swap3A_25 = arith.constant 48 : index
    %swap3A_26 = tpu.vector_load %arg8[%swap3A_25] {strides = array<i32>} : memref<1024xi32, #tpu.memory_space<vmem>>, vector<16xi32>,
    tpu.vector_store %arg8[%swap3A_25], %broadcast_in_dim3A_3 {strides = array<i32>} : memref<1024xi32, #tpu.memory_space<vmem>>, vector<16xi32>,
    %swap3A_27 = arith.constant 64 : index
    %swap3A_28 = tpu.vector_load %arg7[%swap3A_27] {strides = array<i32>} : memref<1024xi32, #tpu.memory_space<vmem>>, vector<16xi32>,
    tpu.vector_store %arg7[%swap3A_27], %broadcast_in_dim3A_3 {strides = array<i32>} : memref<1024xi32, #tpu.memory_space<vmem>>, vector<16xi32>,
    %swap3A_29 = arith.constant 64 : index
    %swap3A_30 = tpu.vector_load %arg8[%swap3A_29] {strides = array<i32>} : memref<1024xi32, #tpu.memory_space<vmem>>, vector<16xi32>,
    tpu.vector_store %arg8[%swap3A_29], %broadcast_in_dim3A_3 {strides = array<i32>} : memref<1024xi32, #tpu.memory_space<vmem>>, vector<16xi32>,
    %swap3A_31 = arith.constant 80 : index
    %swap3A_32 = tpu.vector_load %arg7[%swap3A_31] {strides = array<i32>} : memref<1024xi32, #tpu.memory_space<vmem>>, vector<16xi32>,
    tpu.vector_store %arg7[%swap3A_31], %broadcast_in_dim3A_3 {strides = array<i32>} : memref<1024xi32, #tpu.memory_space<vmem>>, vector<16xi32>,
    %swap3A_33 = arith.constant 80 : index
    %swap3A_34 = tpu.vector_load %arg8[%swap3A_33] {strides = array<i32>} : memref<1024xi32, #tpu.memory_space<vmem>>, vector<16xi32>,
    tpu.vector_store %arg8[%swap3A_33], %broadcast_in_dim3A_3 {strides = array<i32>} : memref<1024xi32, #tpu.memory_space<vmem>>, vector<16xi32>,
    %swap3A_35 = arith.constant 96 : index
    %swap3A_36 = tpu.vector_load %arg7[%swap3A_35] {strides = array<i32>} : memref<1024xi32, #tpu.memory_space<vmem>>, vector<16xi32>,
    tpu.vector_store %arg7[%swap3A_35], %broadcast_in_dim3A_3 {strides = array<i32>} : memref<1024xi32, #tpu.memory_space<vmem>>, vector<16xi32>,
    %swap3A_37 = arith.constant 96 : index
    %swap3A_38 = tpu.vector_load %arg8[%swap3A_37] {strides = array<i32>} : memref<1024xi32, #tpu.memory_space<vmem>>, vector<16xi32>,
    tpu.vector_store %arg8[%swap3A_37], %broadcast_in_dim3A_3 {strides = array<i32>} : memref<1024xi32, #tpu.memory_space<vmem>>, vector<16xi32>,
    %swap3A_39 = arith.constant 112 : index
    %swap3A_40 = tpu.vector_load %arg7[%swap3A_39] {strides = array<i32>} : memref<1024xi32, #tpu.memory_space<vmem>>, vector<16xi32>,
    tpu.vector_store %arg7[%swap3A_39], %broadcast_in_dim3A_3 {strides = array<i32>} : memref<1024xi32, #tpu.memory_space<vmem>>, vector<16xi32>,
    %swap3A_41 = arith.constant 112 : index
    %swap3A_42 = tpu.vector_load %arg8[%swap3A_41] {strides = array<i32>} : memref<1024xi32, #tpu.memory_space<vmem>>, vector<16xi32>,
    tpu.vector_store %arg8[%swap3A_41], %broadcast_in_dim3A_3 {strides = array<i32>} : memref<1024xi32, #tpu.memory_space<vmem>>, vector<16xi32>,
    %swap3A_43 = arith.constant 128 : index
    %swap3A_44 = tpu.vector_load %arg7[%swap3A_43] {strides = array<i32>} : memref<1024xi32, #tpu.memory_space<vmem>>, vector<16xi32>,
    tpu.vector_store %arg7[%swap3A_43], %broadcast_in_dim3A_3 {strides = array<i32>} : memref<1024xi32, #tpu.memory_space<vmem>>, vector<16xi32>,
    %swap3A_45 = arith.constant 128 : index
    %swap3A_46 = tpu.vector_load %arg8[%swap3A_45] {strides = array<i32>} : memref<1024xi32, #tpu.memory_space<vmem>>, vector<16xi32>,
    tpu.vector_store %arg8[%swap3A_45], %broadcast_in_dim3A_3 {strides = array<i32>} : memref<1024xi32, #tpu.memory_space<vmem>>, vector<16xi32>,
    %swap3A_47 = arith.constant 144 : index
    %swap3A_48 = tpu.vector_load %arg7[%swap3A_47] {strides = array<i32>} : memref<1024xi32, #tpu.memory_space<vmem>>, vector<16xi32>,
    tpu.vector_store %arg7[%swap3A_47], %broadcast_in_dim3A_3 {strides = array<i32>} : memref<1024xi32, #tpu.memory_space<vmem>>, vector<16xi32>,
    %swap3A_49 = arith.constant 144 : index
    %swap3A_50 = tpu.vector_load %arg8[%swap3A_49] {strides = array<i32>} : memref<1024xi32, #tpu.memory_space<vmem>>, vector<16xi32>,
    tpu.vector_store %arg8[%swap3A_49], %broadcast_in_dim3A_3 {strides = array<i32>} : memref<1024xi32, #tpu.memory_space<vmem>>, vector<16xi32>,
    %swap3A_51 = arith.constant 160 : index
    %swap3A_52 = tpu.vector_load %arg7[%swap3A_51] {strides = array<i32>} : memref<1024xi32, #tpu.memory_space<vmem>>, vector<16xi32>,
    tpu.vector_store %arg7[%swap3A_51], %broadcast_in_dim3A_3 {strides = array<i32>} : memref<1024xi32, #tpu.memory_space<vmem>>, vector<16xi32>,
    %swap3A_53 = arith.constant 160 : index
    %swap3A_54 = tpu.vector_load %arg8[%swap3A_53] {strides = array<i32>} : memref<1024xi32, #tpu.memory_space<vmem>>, vector<16xi32>,
    tpu.vector_store %arg8[%swap3A_53], %broadcast_in_dim3A_3 {strides = array<i32>} : memref<1024xi32, #tpu.memory_space<vmem>>, vector<16xi32>,
    %swap3A_55 = arith.constant 176 : index
    %swap3A_56 = tpu.vector_load %arg7[%swap3A_55] {strides = array<i32>} : memref<1024xi32, #tpu.memory_space<vmem>>, vector<16xi32>,
    tpu.vector_store %arg7[%swap3A_55], %broadcast_in_dim3A_3 {strides = array<i32>} : memref<1024xi32, #tpu.memory_space<vmem>>, vector<16xi32>,
    %swap3A_57 = arith.constant 176 : index
    %swap3A_58 = tpu.vector_load %arg8[%swap3A_57] {strides = array<i32>} : memref<1024xi32, #tpu.memory_space<vmem>>, vector<16xi32>,
    tpu.vector_store %arg8[%swap3A_57], %broadcast_in_dim3A_3 {strides = array<i32>} : memref<1024xi32, #tpu.memory_space<vmem>>, vector<16xi32>,
    %swap3A_59 = arith.constant 192 : index
    %swap3A_60 = tpu.vector_load %arg7[%swap3A_59] {strides = array<i32>} : memref<1024xi32, #tpu.memory_space<vmem>>, vector<16xi32>,
    tpu.vector_store %arg7[%swap3A_59], %broadcast_in_dim3A_3 {strides = array<i32>} : memref<1024xi32, #tpu.memory_space<vmem>>, vector<16xi32>,
    %swap3A_61 = arith.constant 192 : index
    %swap3A_62 = tpu.vector_load %arg8[%swap3A_61] {strides = array<i32>} : memref<1024xi32, #tpu.memory_space<vmem>>, vector<16xi32>,
    tpu.vector_store %arg8[%swap3A_61], %broadcast_in_dim3A_3 {strides = array<i32>} : memref<1024xi32, #tpu.memory_space<vmem>>, vector<16xi32>,
    %swap3A_63 = arith.constant 208 : index
    %swap3A_64 = tpu.vector_load %arg7[%swap3A_63] {strides = array<i32>} : memref<1024xi32, #tpu.memory_space<vmem>>, vector<16xi32>,
    tpu.vector_store %arg7[%swap3A_63], %broadcast_in_dim3A_3 {strides = array<i32>} : memref<1024xi32, #tpu.memory_space<vmem>>, vector<16xi32>,
    %swap3A_65 = arith.constant 208 : index
    %swap3A_66 = tpu.vector_load %arg8[%swap3A_65] {strides = array<i32>} : memref<1024xi32, #tpu.memory_space<vmem>>, vector<16xi32>,
    tpu.vector_store %arg8[%swap3A_65], %broadcast_in_dim3A_3 {strides = array<i32>} : memref<1024xi32, #tpu.memory_space<vmem>>, vector<16xi32>,
    %swap3A_67 = arith.constant 224 : index
    %swap3A_68 = tpu.vector_load %arg7[%swap3A_67] {strides = array<i32>} : memref<1024xi32, #tpu.memory_space<vmem>>, vector<16xi32>,
    tpu.vector_store %arg7[%swap3A_67], %broadcast_in_dim3A_3 {strides = array<i32>} : memref<1024xi32, #tpu.memory_space<vmem>>, vector<16xi32>,
    %swap3A_69 = arith.constant 224 : index
    %swap3A_70 = tpu.vector_load %arg8[%swap3A_69] {strides = array<i32>} : memref<1024xi32, #tpu.memory_space<vmem>>, vector<16xi32>,
    tpu.vector_store %arg8[%swap3A_69], %broadcast_in_dim3A_3 {strides = array<i32>} : memref<1024xi32, #tpu.memory_space<vmem>>, vector<16xi32>,
    %swap3A_71 = arith.constant 240 : index
    %swap3A_72 = tpu.vector_load %arg7[%swap3A_71] {strides = array<i32>} : memref<1024xi32, #tpu.memory_space<vmem>>, vector<16xi32>,
    tpu.vector_store %arg7[%swap3A_71], %broadcast_in_dim3A_3 {strides = array<i32>} : memref<1024xi32, #tpu.memory_space<vmem>>, vector<16xi32>,
    %swap3A_73 = arith.constant 240 : index
    %swap3A_74 = tpu.vector_load %arg8[%swap3A_73] {strides = array<i32>} : memref<1024xi32, #tpu.memory_space<vmem>>, vector<16xi32>,
    tpu.vector_store %arg8[%swap3A_73], %broadcast_in_dim3A_3 {strides = array<i32>} : memref<1024xi32, #tpu.memory_space<vmem>>, vector<16xi32>,
    %swap3A_75 = arith.constant 256 : index
    %swap3A_76 = tpu.vector_load %arg7[%swap3A_75] {strides = array<i32>} : memref<1024xi32, #tpu.memory_space<vmem>>, vector<16xi32>,
    tpu.vector_store %arg7[%swap3A_75], %broadcast_in_dim3A_3 {strides = array<i32>} : memref<1024xi32, #tpu.memory_space<vmem>>, vector<16xi32>,
    %swap3A_77 = arith.constant 256 : index
    %swap3A_78 = tpu.vector_load %arg8[%swap3A_77] {strides = array<i32>} : memref<1024xi32, #tpu.memory_space<vmem>>, vector<16xi32>,
    tpu.vector_store %arg8[%swap3A_77], %broadcast_in_dim3A_3 {strides = array<i32>} : memref<1024xi32, #tpu.memory_space<vmem>>, vector<16xi32>,
    %swap3A_79 = arith.constant 272 : index
    %swap3A_80 = tpu.vector_load %arg7[%swap3A_79] {strides = array<i32>} : memref<1024xi32, #tpu.memory_space<vmem>>, vector<16xi32>,
    tpu.vector_store %arg7[%swap3A_79], %broadcast_in_dim3A_3 {strides = array<i32>} : memref<1024xi32, #tpu.memory_space<vmem>>, vector<16xi32>,
    %swap3A_81 = arith.constant 272 : index
    %swap3A_82 = tpu.vector_load %arg8[%swap3A_81] {strides = array<i32>} : memref<1024xi32, #tpu.memory_space<vmem>>, vector<16xi32>,
    tpu.vector_store %arg8[%swap3A_81], %broadcast_in_dim3A_3 {strides = array<i32>} : memref<1024xi32, #tpu.memory_space<vmem>>, vector<16xi32>,
    %swap3A_83 = arith.constant 288 : index
    %swap3A_84 = tpu.vector_load %arg7[%swap3A_83] {strides = array<i32>} : memref<1024xi32, #tpu.memory_space<vmem>>, vector<16xi32>,
    tpu.vector_store %arg7[%swap3A_83], %broadcast_in_dim3A_3 {strides = array<i32>} : memref<1024xi32, #tpu.memory_space<vmem>>, vector<16xi32>,
    %swap3A_85 = arith.constant 288 : index
    %swap3A_86 = tpu.vector_load %arg8[%swap3A_85] {strides = array<i32>} : memref<1024xi32, #tpu.memory_space<vmem>>, vector<16xi32>,
    tpu.vector_store %arg8[%swap3A_85], %broadcast_in_dim3A_3 {strides = array<i32>} : memref<1024xi32, #tpu.memory_space<vmem>>, vector<16xi32>,
    %swap3A_87 = arith.constant 304 : index
    %swap3A_88 = tpu.vector_load %arg7[%swap3A_87] {strides = array<i32>} : memref<1024xi32, #tpu.memory_space<vmem>>, vector<16xi32>,
    tpu.vector_store %arg7[%swap3A_87], %broadcast_in_dim3A_3 {strides = array<i32>} : memref<1024xi32, #tpu.memory_space<vmem>>, vector<16xi32>,
    %swap3A_89 = arith.constant 304 : index
    %swap3A_90 = tpu.vector_load %arg8[%swap3A_89] {strides = array<i32>} : memref<1024xi32, #tpu.memory_space<vmem>>, vector<16xi32>,
    tpu.vector_store %arg8[%swap3A_89], %broadcast_in_dim3A_3 {strides = array<i32>} : memref<1024xi32, #tpu.memory_space<vmem>>, vector<16xi32>,
    %swap3A_91 = arith.constant 320 : index
    %swap3A_92 = tpu.vector_load %arg7[%swap3A_91] {strides = array<i32>} : memref<1024xi32, #tpu.memory_space<vmem>>, vector<16xi32>,
    tpu.vector_store %arg7[%swap3A_91], %broadcast_in_dim3A_3 {strides = array<i32>} : memref<1024xi32, #tpu.memory_space<vmem>>, vector<16xi32>,
    %swap3A_93 = arith.constant 320 : index
    %swap3A_94 = tpu.vector_load %arg8[%swap3A_93] {strides = array<i32>} : memref<1024xi32, #tpu.memory_space<vmem>>, vector<16xi32>,
    tpu.vector_store %arg8[%swap3A_93], %broadcast_in_dim3A_3 {strides = array<i32>} : memref<1024xi32, #tpu.memory_space<vmem>>, vector<16xi32>,
    %swap3A_95 = arith.constant 336 : index
    %swap3A_96 = tpu.vector_load %arg7[%swap3A_95] {strides = array<i32>} : memref<1024xi32, #tpu.memory_space<vmem>>, vector<16xi32>,
    tpu.vector_store %arg7[%swap3A_95], %broadcast_in_dim3A_3 {strides = array<i32>} : memref<1024xi32, #tpu.memory_space<vmem>>, vector<16xi32>,
    %swap3A_97 = arith.constant 336 : index
    %swap3A_98 = tpu.vector_load %arg8[%swap3A_97] {strides = array<i32>} : memref<1024xi32, #tpu.memory_space<vmem>>, vector<16xi32>,
    tpu.vector_store %arg8[%swap3A_97], %broadcast_in_dim3A_3 {strides = array<i32>} : memref<1024xi32, #tpu.memory_space<vmem>>, vector<16xi32>,
    %swap3A_99 = arith.constant 352 : index
    %swap3A_100 = tpu.vector_load %arg7[%swap3A_99] {strides = array<i32>} : memref<1024xi32, #tpu.memory_space<vmem>>, vector<16xi32>,
    tpu.vector_store %arg7[%swap3A_99], %broadcast_in_dim3A_3 {strides = array<i32>} : memref<1024xi32, #tpu.memory_space<vmem>>, vector<16xi32>,
    %swap3A_101 = arith.constant 352 : index
    %swap3A_102 = tpu.vector_load %arg8[%swap3A_101] {strides = array<i32>} : memref<1024xi32, #tpu.memory_space<vmem>>, vector<16xi32>,
    tpu.vector_store %arg8[%swap3A_101], %broadcast_in_dim3A_3 {strides = array<i32>} : memref<1024xi32, #tpu.memory_space<vmem>>, vector<16xi32>,
    %swap3A_103 = arith.constant 368 : index
    %swap3A_104 = tpu.vector_load %arg7[%swap3A_103] {strides = array<i32>} : memref<1024xi32, #tpu.memory_space<vmem>>, vector<16xi32>,
    tpu.vector_store %arg7[%swap3A_103], %broadcast_in_dim3A_3 {strides = array<i32>} : memref<1024xi32, #tpu.memory_space<vmem>>, vector<16xi32>,
    %swap3A_105 = arith.constant 368 : index
    %swap3A_106 = tpu.vector_load %arg8[%swap3A_105] {strides = array<i32>} : memref<1024xi32, #tpu.memory_space<vmem>>, vector<16xi32>,
    tpu.vector_store %arg8[%swap3A_105], %broadcast_in_dim3A_3 {strides = array<i32>} : memref<1024xi32, #tpu.memory_space<vmem>>, vector<16xi32>,
    %swap3A_107 = arith.constant 384 : index
    %swap3A_108 = tpu.vector_load %arg7[%swap3A_107] {strides = array<i32>} : memref<1024xi32, #tpu.memory_space<vmem>>, vector<16xi32>,
    tpu.vector_store %arg7[%swap3A_107], %broadcast_in_dim3A_3 {strides = array<i32>} : memref<1024xi32, #tpu.memory_space<vmem>>, vector<16xi32>,
    %swap3A_109 = arith.constant 384 : index
    %swap3A_110 = tpu.vector_load %arg8[%swap3A_109] {strides = array<i32>} : memref<1024xi32, #tpu.memory_space<vmem>>, vector<16xi32>,
    tpu.vector_store %arg8[%swap3A_109], %broadcast_in_dim3A_3 {strides = array<i32>} : memref<1024xi32, #tpu.memory_space<vmem>>, vector<16xi32>,
    %swap3A_111 = arith.constant 400 : index
    %swap3A_112 = tpu.vector_load %arg7[%swap3A_111] {strides = array<i32>} : memref<1024xi32, #tpu.memory_space<vmem>>, vector<16xi32>,
    tpu.vector_store %arg7[%swap3A_111], %broadcast_in_dim3A_3 {strides = array<i32>} : memref<1024xi32, #tpu.memory_space<vmem>>, vector<16xi32>,
    %swap3A_113 = arith.constant 400 : index
    %swap3A_114 = tpu.vector_load %arg8[%swap3A_113] {strides = array<i32>} : memref<1024xi32, #tpu.memory_space<vmem>>, vector<16xi32>,
    tpu.vector_store %arg8[%swap3A_113], %broadcast_in_dim3A_3 {strides = array<i32>} : memref<1024xi32, #tpu.memory_space<vmem>>, vector<16xi32>,
    %swap3A_115 = arith.constant 416 : index
    %swap3A_116 = tpu.vector_load %arg7[%swap3A_115] {strides = array<i32>} : memref<1024xi32, #tpu.memory_space<vmem>>, vector<16xi32>,
    tpu.vector_store %arg7[%swap3A_115], %broadcast_in_dim3A_3 {strides = array<i32>} : memref<1024xi32, #tpu.memory_space<vmem>>, vector<16xi32>,
    %swap3A_117 = arith.constant 416 : index
    %swap3A_118 = tpu.vector_load %arg8[%swap3A_117] {strides = array<i32>} : memref<1024xi32, #tpu.memory_space<vmem>>, vector<16xi32>,
    tpu.vector_store %arg8[%swap3A_117], %broadcast_in_dim3A_3 {strides = array<i32>} : memref<1024xi32, #tpu.memory_space<vmem>>, vector<16xi32>,
    %swap3A_119 = arith.constant 432 : index
    %swap3A_120 = tpu.vector_load %arg7[%swap3A_119] {strides = array<i32>} : memref<1024xi32, #tpu.memory_space<vmem>>, vector<16xi32>,
    tpu.vector_store %arg7[%swap3A_119], %broadcast_in_dim3A_3 {strides = array<i32>} : memref<1024xi32, #tpu.memory_space<vmem>>, vector<16xi32>,
    %swap3A_121 = arith.constant 432 : index
    %swap3A_122 = tpu.vector_load %arg8[%swap3A_121] {strides = array<i32>} : memref<1024xi32, #tpu.memory_space<vmem>>, vector<16xi32>,
    tpu.vector_store %arg8[%swap3A_121], %broadcast_in_dim3A_3 {strides = array<i32>} : memref<1024xi32, #tpu.memory_space<vmem>>, vector<16xi32>,
    %swap3A_123 = arith.constant 448 : index
    %swap3A_124 = tpu.vector_load %arg7[%swap3A_123] {strides = array<i32>} : memref<1024xi32, #tpu.memory_space<vmem>>, vector<16xi32>,
    tpu.vector_store %arg7[%swap3A_123], %broadcast_in_dim3A_3 {strides = array<i32>} : memref<1024xi32, #tpu.memory_space<vmem>>, vector<16xi32>,
    %swap3A_125 = arith.constant 448 : index
    %swap3A_126 = tpu.vector_load %arg8[%swap3A_125] {strides = array<i32>} : memref<1024xi32, #tpu.memory_space<vmem>>, vector<16xi32>,
    tpu.vector_store %arg8[%swap3A_125], %broadcast_in_dim3A_3 {strides = array<i32>} : memref<1024xi32, #tpu.memory_space<vmem>>, vector<16xi32>,
    %swap3A_127 = arith.constant 464 : index
    %swap3A_128 = tpu.vector_load %arg7[%swap3A_127] {strides = array<i32>} : memref<1024xi32, #tpu.memory_space<vmem>>, vector<16xi32>,
    tpu.vector_store %arg7[%swap3A_127], %broadcast_in_dim3A_3 {strides = array<i32>} : memref<1024xi32, #tpu.memory_space<vmem>>, vector<16xi32>,
    %swap3A_129 = arith.constant 464 : index
    %swap3A_130 = tpu.vector_load %arg8[%swap3A_129] {strides = array<i32>} : memref<1024xi32, #tpu.memory_space<vmem>>, vector<16xi32>,
    tpu.vector_store %arg8[%swap3A_129], %broadcast_in_dim3A_3 {strides = array<i32>} : memref<1024xi32, #tpu.memory_space<vmem>>, vector<16xi32>,
    %swap3A_131 = arith.constant 480 : index
    %swap3A_132 = tpu.vector_load %arg7[%swap3A_131] {strides = array<i32>} : memref<1024xi32, #tpu.memory_space<vmem>>, vector<16xi32>,
    tpu.vector_store %arg7[%swap3A_131], %broadcast_in_dim3A_3 {strides = array<i32>} : memref<1024xi32, #tpu.memory_space<vmem>>, vector<16xi32>,
    %swap3A_133 = arith.constant 480 : index
    %swap3A_134 = tpu.vector_load %arg8[%swap3A_133] {strides = array<i32>} : memref<1024xi32, #tpu.memory_space<vmem>>, vector<16xi32>,
    tpu.vector_store %arg8[%swap3A_133], %broadcast_in_dim3A_3 {strides = array<i32>} : memref<1024xi32, #tpu.memory_space<vmem>>, vector<16xi32>,
    %swap3A_135 = arith.constant 496 : index
    %swap3A_136 = tpu.vector_load %arg7[%swap3A_135] {strides = array<i32>} : memref<1024xi32, #tpu.memory_space<vmem>>, vector<16xi32>,
    tpu.vector_store %arg7[%swap3A_135], %broadcast_in_dim3A_3 {strides = array<i32>} : memref<1024xi32, #tpu.memory_space<vmem>>, vector<16xi32>,
    %swap3A_137 = arith.constant 496 : index
    %swap3A_138 = tpu.vector_load %arg8[%swap3A_137] {strides = array<i32>} : memref<1024xi32, #tpu.memory_space<vmem>>, vector<16xi32>,
    tpu.vector_store %arg8[%swap3A_137], %broadcast_in_dim3A_3 {strides = array<i32>} : memref<1024xi32, #tpu.memory_space<vmem>>, vector<16xi32>,
    %swap3A_139 = arith.constant 512 : index
    %swap3A_140 = tpu.vector_load %arg7[%swap3A_139] {strides = array<i32>} : memref<1024xi32, #tpu.memory_space<vmem>>, vector<16xi32>,
    tpu.vector_store %arg7[%swap3A_139], %broadcast_in_dim3A_3 {strides = array<i32>} : memref<1024xi32, #tpu.memory_space<vmem>>, vector<16xi32>,
    %swap3A_141 = arith.constant 512 : index
    %swap3A_142 = tpu.vector_load %arg8[%swap3A_141] {strides = array<i32>} : memref<1024xi32, #tpu.memory_space<vmem>>, vector<16xi32>,
    tpu.vector_store %arg8[%swap3A_141], %broadcast_in_dim3A_3 {strides = array<i32>} : memref<1024xi32, #tpu.memory_space<vmem>>, vector<16xi32>,
    %swap3A_143 = arith.constant 528 : index
    %swap3A_144 = tpu.vector_load %arg7[%swap3A_143] {strides = array<i32>} : memref<1024xi32, #tpu.memory_space<vmem>>, vector<16xi32>,
    tpu.vector_store %arg7[%swap3A_143], %broadcast_in_dim3A_3 {strides = array<i32>} : memref<1024xi32, #tpu.memory_space<vmem>>, vector<16xi32>,
    %swap3A_145 = arith.constant 528 : index
    %swap3A_146 = tpu.vector_load %arg8[%swap3A_145] {strides = array<i32>} : memref<1024xi32, #tpu.memory_space<vmem>>, vector<16xi32>,
    tpu.vector_store %arg8[%swap3A_145], %broadcast_in_dim3A_3 {strides = array<i32>} : memref<1024xi32, #tpu.memory_space<vmem>>, vector<16xi32>,
    %swap3A_147 = arith.constant 544 : index
    %swap3A_148 = tpu.vector_load %arg7[%swap3A_147] {strides = array<i32>} : memref<1024xi32, #tpu.memory_space<vmem>>, vector<16xi32>,
    tpu.vector_store %arg7[%swap3A_147], %broadcast_in_dim3A_3 {strides = array<i32>} : memref<1024xi32, #tpu.memory_space<vmem>>, vector<16xi32>,
    %swap3A_149 = arith.constant 544 : index
    %swap3A_150 = tpu.vector_load %arg8[%swap3A_149] {strides = array<i32>} : memref<1024xi32, #tpu.memory_space<vmem>>, vector<16xi32>,
    tpu.vector_store %arg8[%swap3A_149], %broadcast_in_dim3A_3 {strides = array<i32>} : memref<1024xi32, #tpu.memory_space<vmem>>, vector<16xi32>,
    %swap3A_151 = arith.constant 560 : index
    %swap3A_152 = tpu.vector_load %arg7[%swap3A_151] {strides = array<i32>} : memref<1024xi32, #tpu.memory_space<vmem>>, vector<16xi32>,
    tpu.vector_store %arg7[%swap3A_151], %broadcast_in_dim3A_3 {strides = array<i32>} : memref<1024xi32, #tpu.memory_space<vmem>>, vector<16xi32>,
    %swap3A_153 = arith.constant 560 : index
    %swap3A_154 = tpu.vector_load %arg8[%swap3A_153] {strides = array<i32>} : memref<1024xi32, #tpu.memory_space<vmem>>, vector<16xi32>,
    tpu.vector_store %arg8[%swap3A_153], %broadcast_in_dim3A_3 {strides = array<i32>} : memref<1024xi32, #tpu.memory_space<vmem>>, vector<16xi32>,
    %swap3A_155 = arith.constant 576 : index
    %swap3A_156 = tpu.vector_load %arg7[%swap3A_155] {strides = array<i32>} : memref<1024xi32, #tpu.memory_space<vmem>>, vector<16xi32>,
    tpu.vector_store %arg7[%swap3A_155], %broadcast_in_dim3A_3 {strides = array<i32>} : memref<1024xi32, #tpu.memory_space<vmem>>, vector<16xi32>,
    %swap3A_157 = arith.constant 576 : index
    %swap3A_158 = tpu.vector_load %arg8[%swap3A_157] {strides = array<i32>} : memref<1024xi32, #tpu.memory_space<vmem>>, vector<16xi32>,
    tpu.vector_store %arg8[%swap3A_157], %broadcast_in_dim3A_3 {strides = array<i32>} : memref<1024xi32, #tpu.memory_space<vmem>>, vector<16xi32>,
    %swap3A_159 = arith.constant 592 : index
    %swap3A_160 = tpu.vector_load %arg7[%swap3A_159] {strides = array<i32>} : memref<1024xi32, #tpu.memory_space<vmem>>, vector<16xi32>,
    tpu.vector_store %arg7[%swap3A_159], %broadcast_in_dim3A_3 {strides = array<i32>} : memref<1024xi32, #tpu.memory_space<vmem>>, vector<16xi32>,
    %swap3A_161 = arith.constant 592 : index
    %swap3A_162 = tpu.vector_load %arg8[%swap3A_161] {strides = array<i32>} : memref<1024xi32, #tpu.memory_space<vmem>>, vector<16xi32>,
    tpu.vector_store %arg8[%swap3A_161], %broadcast_in_dim3A_3 {strides = array<i32>} : memref<1024xi32, #tpu.memory_space<vmem>>, vector<16xi32>,
    %swap3A_163 = arith.constant 608 : index
    %swap3A_164 = tpu.vector_load %arg7[%swap3A_163] {strides = array<i32>} : memref<1024xi32, #tpu.memory_space<vmem>>, vector<16xi32>,
    tpu.vector_store %arg7[%swap3A_163], %broadcast_in_dim3A_3 {strides = array<i32>} : memref<1024xi32, #tpu.memory_space<vmem>>, vector<16xi32>,
    %swap3A_165 = arith.constant 608 : index
    %swap3A_166 = tpu.vector_load %arg8[%swap3A_165] {strides = array<i32>} : memref<1024xi32, #tpu.memory_space<vmem>>, vector<16xi32>,
    tpu.vector_store %arg8[%swap3A_165], %broadcast_in_dim3A_3 {strides = array<i32>} : memref<1024xi32, #tpu.memory_space<vmem>>, vector<16xi32>,
    %swap3A_167 = arith.constant 624 : index
    %swap3A_168 = tpu.vector_load %arg7[%swap3A_167] {strides = array<i32>} : memref<1024xi32, #tpu.memory_space<vmem>>, vector<16xi32>,
    tpu.vector_store %arg7[%swap3A_167], %broadcast_in_dim3A_3 {strides = array<i32>} : memref<1024xi32, #tpu.memory_space<vmem>>, vector<16xi32>,
    %swap3A_169 = arith.constant 624 : index
    %swap3A_170 = tpu.vector_load %arg8[%swap3A_169] {strides = array<i32>} : memref<1024xi32, #tpu.memory_space<vmem>>, vector<16xi32>,
    tpu.vector_store %arg8[%swap3A_169], %broadcast_in_dim3A_3 {strides = array<i32>} : memref<1024xi32, #tpu.memory_space<vmem>>, vector<16xi32>,
    %swap3A_171 = arith.constant 640 : index
    %swap3A_172 = tpu.vector_load %arg7[%swap3A_171] {strides = array<i32>} : memref<1024xi32, #tpu.memory_space<vmem>>, vector<16xi32>,
    tpu.vector_store %arg7[%swap3A_171], %broadcast_in_dim3A_3 {strides = array<i32>} : memref<1024xi32, #tpu.memory_space<vmem>>, vector<16xi32>,
    %swap3A_173 = arith.constant 640 : index
    %swap3A_174 = tpu.vector_load %arg8[%swap3A_173] {strides = array<i32>} : memref<1024xi32, #tpu.memory_space<vmem>>, vector<16xi32>,
    tpu.vector_store %arg8[%swap3A_173], %broadcast_in_dim3A_3 {strides = array<i32>} : memref<1024xi32, #tpu.memory_space<vmem>>, vector<16xi32>,
    %swap3A_175 = arith.constant 656 : index
    %swap3A_176 = tpu.vector_load %arg7[%swap3A_175] {strides = array<i32>} : memref<1024xi32, #tpu.memory_space<vmem>>, vector<16xi32>,
    tpu.vector_store %arg7[%swap3A_175], %broadcast_in_dim3A_3 {strides = array<i32>} : memref<1024xi32, #tpu.memory_space<vmem>>, vector<16xi32>,
    %swap3A_177 = arith.constant 656 : index
    %swap3A_178 = tpu.vector_load %arg8[%swap3A_177] {strides = array<i32>} : memref<1024xi32, #tpu.memory_space<vmem>>, vector<16xi32>,
    tpu.vector_store %arg8[%swap3A_177], %broadcast_in_dim3A_3 {strides = array<i32>} : memref<1024xi32, #tpu.memory_space<vmem>>, vector<16xi32>,
    %swap3A_179 = arith.constant 672 : index
    %swap3A_180 = tpu.vector_load %arg7[%swap3A_179] {strides = array<i32>} : memref<1024xi32, #tpu.memory_space<vmem>>, vector<16xi32>,
    tpu.vector_store %arg7[%swap3A_179], %broadcast_in_dim3A_3 {strides = array<i32>} : memref<1024xi32, #tpu.memory_space<vmem>>, vector<16xi32>,
    %swap3A_181 = arith.constant 672 : index
    %swap3A_182 = tpu.vector_load %arg8[%swap3A_181] {strides = array<i32>} : memref<1024xi32, #tpu.memory_space<vmem>>, vector<16xi32>,
    tpu.vector_store %arg8[%swap3A_181], %broadcast_in_dim3A_3 {strides = array<i32>} : memref<1024xi32, #tpu.memory_space<vmem>>, vector<16xi32>,
    %swap3A_183 = arith.constant 688 : index
    %swap3A_184 = tpu.vector_load %arg7[%swap3A_183] {strides = array<i32>} : memref<1024xi32, #tpu.memory_space<vmem>>, vector<16xi32>,
    tpu.vector_store %arg7[%swap3A_183], %broadcast_in_dim3A_3 {strides = array<i32>} : memref<1024xi32, #tpu.memory_space<vmem>>, vector<16xi32>,
    %swap3A_185 = arith.constant 688 : index
    %swap3A_186 = tpu.vector_load %arg8[%swap3A_185] {strides = array<i32>} : memref<1024xi32, #tpu.memory_space<vmem>>, vector<16xi32>,
    tpu.vector_store %arg8[%swap3A_185], %broadcast_in_dim3A_3 {strides = array<i32>} : memref<1024xi32, #tpu.memory_space<vmem>>, vector<16xi32>,
    %swap3A_187 = arith.constant 704 : index
    %swap3A_188 = tpu.vector_load %arg7[%swap3A_187] {strides = array<i32>} : memref<1024xi32, #tpu.memory_space<vmem>>, vector<16xi32>,
    tpu.vector_store %arg7[%swap3A_187], %broadcast_in_dim3A_3 {strides = array<i32>} : memref<1024xi32, #tpu.memory_space<vmem>>, vector<16xi32>,
    %swap3A_189 = arith.constant 704 : index
    %swap3A_190 = tpu.vector_load %arg8[%swap3A_189] {strides = array<i32>} : memref<1024xi32, #tpu.memory_space<vmem>>, vector<16xi32>,
    tpu.vector_store %arg8[%swap3A_189], %broadcast_in_dim3A_3 {strides = array<i32>} : memref<1024xi32, #tpu.memory_space<vmem>>, vector<16xi32>,
    %swap3A_191 = arith.constant 720 : index
    %swap3A_192 = tpu.vector_load %arg7[%swap3A_191] {strides = array<i32>} : memref<1024xi32, #tpu.memory_space<vmem>>, vector<16xi32>,
    tpu.vector_store %arg7[%swap3A_191], %broadcast_in_dim3A_3 {strides = array<i32>} : memref<1024xi32, #tpu.memory_space<vmem>>, vector<16xi32>,
    %swap3A_193 = arith.constant 720 : index
    %swap3A_194 = tpu.vector_load %arg8[%swap3A_193] {strides = array<i32>} : memref<1024xi32, #tpu.memory_space<vmem>>, vector<16xi32>,
    tpu.vector_store %arg8[%swap3A_193], %broadcast_in_dim3A_3 {strides = array<i32>} : memref<1024xi32, #tpu.memory_space<vmem>>, vector<16xi32>,
    %swap3A_195 = arith.constant 736 : index
    %swap3A_196 = tpu.vector_load %arg7[%swap3A_195] {strides = array<i32>} : memref<1024xi32, #tpu.memory_space<vmem>>, vector<16xi32>,
    tpu.vector_store %arg7[%swap3A_195], %broadcast_in_dim3A_3 {strides = array<i32>} : memref<1024xi32, #tpu.memory_space<vmem>>, vector<16xi32>,
    %swap3A_197 = arith.constant 736 : index
    %swap3A_198 = tpu.vector_load %arg8[%swap3A_197] {strides = array<i32>} : memref<1024xi32, #tpu.memory_space<vmem>>, vector<16xi32>,
    tpu.vector_store %arg8[%swap3A_197], %broadcast_in_dim3A_3 {strides = array<i32>} : memref<1024xi32, #tpu.memory_space<vmem>>, vector<16xi32>,
    %swap3A_199 = arith.constant 752 : index
    %swap3A_200 = tpu.vector_load %arg7[%swap3A_199] {strides = array<i32>} : memref<1024xi32, #tpu.memory_space<vmem>>, vector<16xi32>,
    tpu.vector_store %arg7[%swap3A_199], %broadcast_in_dim3A_3 {strides = array<i32>} : memref<1024xi32, #tpu.memory_space<vmem>>, vector<16xi32>,
    %swap3A_201 = arith.constant 752 : index
    %swap3A_202 = tpu.vector_load %arg8[%swap3A_201] {strides = array<i32>} : memref<1024xi32, #tpu.memory_space<vmem>>, vector<16xi32>,
    tpu.vector_store %arg8[%swap3A_201], %broadcast_in_dim3A_3 {strides = array<i32>} : memref<1024xi32, #tpu.memory_space<vmem>>, vector<16xi32>,
    %swap3A_203 = arith.constant 768 : index
    %swap3A_204 = tpu.vector_load %arg7[%swap3A_203] {strides = array<i32>} : memref<1024xi32, #tpu.memory_space<vmem>>, vector<16xi32>,
    tpu.vector_store %arg7[%swap3A_203], %broadcast_in_dim3A_3 {strides = array<i32>} : memref<1024xi32, #tpu.memory_space<vmem>>, vector<16xi32>,
    %swap3A_205 = arith.constant 768 : index
    %swap3A_206 = tpu.vector_load %arg8[%swap3A_205] {strides = array<i32>} : memref<1024xi32, #tpu.memory_space<vmem>>, vector<16xi32>,
    tpu.vector_store %arg8[%swap3A_205], %broadcast_in_dim3A_3 {strides = array<i32>} : memref<1024xi32, #tpu.memory_space<vmem>>, vector<16xi32>,
    %swap3A_207 = arith.constant 784 : index
    %swap3A_208 = tpu.vector_load %arg7[%swap3A_207] {strides = array<i32>} : memref<1024xi32, #tpu.memory_space<vmem>>, vector<16xi32>,
    tpu.vector_store %arg7[%swap3A_207], %broadcast_in_dim3A_3 {strides = array<i32>} : memref<1024xi32, #tpu.memory_space<vmem>>, vector<16xi32>,
    %swap3A_209 = arith.constant 784 : index
    %swap3A_210 = tpu.vector_load %arg8[%swap3A_209] {strides = array<i32>} : memref<1024xi32, #tpu.memory_space<vmem>>, vector<16xi32>,
    tpu.vector_store %arg8[%swap3A_209], %broadcast_in_dim3A_3 {strides = array<i32>} : memref<1024xi32, #tpu.memory_space<vmem>>, vector<16xi32>,
    %swap3A_211 = arith.constant 800 : index
    %swap3A_212 = tpu.vector_load %arg7[%swap3A_211] {strides = array<i32>} : memref<1024xi32, #tpu.memory_space<vmem>>, vector<16xi32>,
    tpu.vector_store %arg7[%swap3A_211], %broadcast_in_dim3A_3 {strides = array<i32>} : memref<1024xi32, #tpu.memory_space<vmem>>, vector<16xi32>,
    %swap3A_213 = arith.constant 800 : index
    %swap3A_214 = tpu.vector_load %arg8[%swap3A_213] {strides = array<i32>} : memref<1024xi32, #tpu.memory_space<vmem>>, vector<16xi32>,
    tpu.vector_store %arg8[%swap3A_213], %broadcast_in_dim3A_3 {strides = array<i32>} : memref<1024xi32, #tpu.memory_space<vmem>>, vector<16xi32>,
    %swap3A_215 = arith.constant 816 : index
    %swap3A_216 = tpu.vector_load %arg7[%swap3A_215] {strides = array<i32>} : memref<1024xi32, #tpu.memory_space<vmem>>, vector<16xi32>,
    tpu.vector_store %arg7[%swap3A_215], %broadcast_in_dim3A_3 {strides = array<i32>} : memref<1024xi32, #tpu.memory_space<vmem>>, vector<16xi32>,
    %swap3A_217 = arith.constant 816 : index
    %swap3A_218 = tpu.vector_load %arg8[%swap3A_217] {strides = array<i32>} : memref<1024xi32, #tpu.memory_space<vmem>>, vector<16xi32>,
    tpu.vector_store %arg8[%swap3A_217], %broadcast_in_dim3A_3 {strides = array<i32>} : memref<1024xi32, #tpu.memory_space<vmem>>, vector<16xi32>,
    %swap3A_219 = arith.constant 832 : index
    %swap3A_220 = tpu.vector_load %arg7[%swap3A_219] {strides = array<i32>} : memref<1024xi32, #tpu.memory_space<vmem>>, vector<16xi32>,
    tpu.vector_store %arg7[%swap3A_219], %broadcast_in_dim3A_3 {strides = array<i32>} : memref<1024xi32, #tpu.memory_space<vmem>>, vector<16xi32>,
    %swap3A_221 = arith.constant 832 : index
    %swap3A_222 = tpu.vector_load %arg8[%swap3A_221] {strides = array<i32>} : memref<1024xi32, #tpu.memory_space<vmem>>, vector<16xi32>,
    tpu.vector_store %arg8[%swap3A_221], %broadcast_in_dim3A_3 {strides = array<i32>} : memref<1024xi32, #tpu.memory_space<vmem>>, vector<16xi32>,
    %swap3A_223 = arith.constant 848 : index
    %swap3A_224 = tpu.vector_load %arg7[%swap3A_223] {strides = array<i32>} : memref<1024xi32, #tpu.memory_space<vmem>>, vector<16xi32>,
    tpu.vector_store %arg7[%swap3A_223], %broadcast_in_dim3A_3 {strides = array<i32>} : memref<1024xi32, #tpu.memory_space<vmem>>, vector<16xi32>,
    %swap3A_225 = arith.constant 848 : index
    %swap3A_226 = tpu.vector_load %arg8[%swap3A_225] {strides = array<i32>} : memref<1024xi32, #tpu.memory_space<vmem>>, vector<16xi32>,
    tpu.vector_store %arg8[%swap3A_225], %broadcast_in_dim3A_3 {strides = array<i32>} : memref<1024xi32, #tpu.memory_space<vmem>>, vector<16xi32>,
    %swap3A_227 = arith.constant 864 : index
    %swap3A_228 = tpu.vector_load %arg7[%swap3A_227] {strides = array<i32>} : memref<1024xi32, #tpu.memory_space<vmem>>, vector<16xi32>,
    tpu.vector_store %arg7[%swap3A_227], %broadcast_in_dim3A_3 {strides = array<i32>} : memref<1024xi32, #tpu.memory_space<vmem>>, vector<16xi32>,
    %swap3A_229 = arith.constant 864 : index
    %swap3A_230 = tpu.vector_load %arg8[%swap3A_229] {strides = array<i32>} : memref<1024xi32, #tpu.memory_space<vmem>>, vector<16xi32>,
    tpu.vector_store %arg8[%swap3A_229], %broadcast_in_dim3A_3 {strides = array<i32>} : memref<1024xi32, #tpu.memory_space<vmem>>, vector<16xi32>,
    %swap3A_231 = arith.constant 880 : index
    %swap3A_232 = tpu.vector_load %arg7[%swap3A_231] {strides = array<i32>} : memref<1024xi32, #tpu.memory_space<vmem>>, vector<16xi32>,
    tpu.vector_store %arg7[%swap3A_231], %broadcast_in_dim3A_3 {strides = array<i32>} : memref<1024xi32, #tpu.memory_space<vmem>>, vector<16xi32>,
    %swap3A_233 = arith.constant 880 : index
    %swap3A_234 = tpu.vector_load %arg8[%swap3A_233] {strides = array<i32>} : memref<1024xi32, #tpu.memory_space<vmem>>, vector<16xi32>,
    tpu.vector_store %arg8[%swap3A_233], %broadcast_in_dim3A_3 {strides = array<i32>} : memref<1024xi32, #tpu.memory_space<vmem>>, vector<16xi32>,
    %swap3A_235 = arith.constant 896 : index
    %swap3A_236 = tpu.vector_load %arg7[%swap3A_235] {strides = array<i32>} : memref<1024xi32, #tpu.memory_space<vmem>>, vector<16xi32>,
    tpu.vector_store %arg7[%swap3A_235], %broadcast_in_dim3A_3 {strides = array<i32>} : memref<1024xi32, #tpu.memory_space<vmem>>, vector<16xi32>,
    %swap3A_237 = arith.constant 896 : index
    %swap3A_238 = tpu.vector_load %arg8[%swap3A_237] {strides = array<i32>} : memref<1024xi32, #tpu.memory_space<vmem>>, vector<16xi32>,
    tpu.vector_store %arg8[%swap3A_237], %broadcast_in_dim3A_3 {strides = array<i32>} : memref<1024xi32, #tpu.memory_space<vmem>>, vector<16xi32>,
    %swap3A_239 = arith.constant 912 : index
    %swap3A_240 = tpu.vector_load %arg7[%swap3A_239] {strides = array<i32>} : memref<1024xi32, #tpu.memory_space<vmem>>, vector<16xi32>,
    tpu.vector_store %arg7[%swap3A_239], %broadcast_in_dim3A_3 {strides = array<i32>} : memref<1024xi32, #tpu.memory_space<vmem>>, vector<16xi32>,
    %swap3A_241 = arith.constant 912 : index
    %swap3A_242 = tpu.vector_load %arg8[%swap3A_241] {strides = array<i32>} : memref<1024xi32, #tpu.memory_space<vmem>>, vector<16xi32>,
    tpu.vector_store %arg8[%swap3A_241], %broadcast_in_dim3A_3 {strides = array<i32>} : memref<1024xi32, #tpu.memory_space<vmem>>, vector<16xi32>,
    %swap3A_243 = arith.constant 928 : index
    %swap3A_244 = tpu.vector_load %arg7[%swap3A_243] {strides = array<i32>} : memref<1024xi32, #tpu.memory_space<vmem>>, vector<16xi32>,
    tpu.vector_store %arg7[%swap3A_243], %broadcast_in_dim3A_3 {strides = array<i32>} : memref<1024xi32, #tpu.memory_space<vmem>>, vector<16xi32>,
    %swap3A_245 = arith.constant 928 : index
    %swap3A_246 = tpu.vector_load %arg8[%swap3A_245] {strides = array<i32>} : memref<1024xi32, #tpu.memory_space<vmem>>, vector<16xi32>,
    tpu.vector_store %arg8[%swap3A_245], %broadcast_in_dim3A_3 {strides = array<i32>} : memref<1024xi32, #tpu.memory_space<vmem>>, vector<16xi32>,
    %swap3A_247 = arith.constant 944 : index
    %swap3A_248 = tpu.vector_load %arg7[%swap3A_247] {strides = array<i32>} : memref<1024xi32, #tpu.memory_space<vmem>>, vector<16xi32>,
    tpu.vector_store %arg7[%swap3A_247], %broadcast_in_dim3A_3 {strides = array<i32>} : memref<1024xi32, #tpu.memory_space<vmem>>, vector<16xi32>,
    %swap3A_249 = arith.constant 944 : index
    %swap3A_250 = tpu.vector_load %arg8[%swap3A_249] {strides = array<i32>} : memref<1024xi32, #tpu.memory_space<vmem>>, vector<16xi32>,
    tpu.vector_store %arg8[%swap3A_249], %broadcast_in_dim3A_3 {strides = array<i32>} : memref<1024xi32, #tpu.memory_space<vmem>>, vector<16xi32>,
    %swap3A_251 = arith.constant 960 : index
    %swap3A_252 = tpu.vector_load %arg7[%swap3A_251] {strides = array<i32>} : memref<1024xi32, #tpu.memory_space<vmem>>, vector<16xi32>,
    tpu.vector_store %arg7[%swap3A_251], %broadcast_in_dim3A_3 {strides = array<i32>} : memref<1024xi32, #tpu.memory_space<vmem>>, vector<16xi32>,
    %swap3A_253 = arith.constant 960 : index
    %swap3A_254 = tpu.vector_load %arg8[%swap3A_253] {strides = array<i32>} : memref<1024xi32, #tpu.memory_space<vmem>>, vector<16xi32>,
    tpu.vector_store %arg8[%swap3A_253], %broadcast_in_dim3A_3 {strides = array<i32>} : memref<1024xi32, #tpu.memory_space<vmem>>, vector<16xi32>,
    %swap3A_255 = arith.constant 976 : index
    %swap3A_256 = tpu.vector_load %arg7[%swap3A_255] {strides = array<i32>} : memref<1024xi32, #tpu.memory_space<vmem>>, vector<16xi32>,
    tpu.vector_store %arg7[%swap3A_255], %broadcast_in_dim3A_3 {strides = array<i32>} : memref<1024xi32, #tpu.memory_space<vmem>>, vector<16xi32>,
    %swap3A_257 = arith.constant 976 : index
    %swap3A_258 = tpu.vector_load %arg8[%swap3A_257] {strides = array<i32>} : memref<1024xi32, #tpu.memory_space<vmem>>, vector<16xi32>,
    tpu.vector_store %arg8[%swap3A_257], %broadcast_in_dim3A_3 {strides = array<i32>} : memref<1024xi32, #tpu.memory_space<vmem>>, vector<16xi32>,
    %swap3A_259 = arith.constant 992 : index
    %swap3A_260 = tpu.vector_load %arg7[%swap3A_259] {strides = array<i32>} : memref<1024xi32, #tpu.memory_space<vmem>>, vector<16xi32>,
    tpu.vector_store %arg7[%swap3A_259], %broadcast_in_dim3A_3 {strides = array<i32>} : memref<1024xi32, #tpu.memory_space<vmem>>, vector<16xi32>,
    %swap3A_261 = arith.constant 992 : index
    %swap3A_262 = tpu.vector_load %arg8[%swap3A_261] {strides = array<i32>} : memref<1024xi32, #tpu.memory_space<vmem>>, vector<16xi32>,
    tpu.vector_store %arg8[%swap3A_261], %broadcast_in_dim3A_3 {strides = array<i32>} : memref<1024xi32, #tpu.memory_space<vmem>>, vector<16xi32>,
    %swap3A_263 = arith.constant 1008 : index
    %swap3A_264 = tpu.vector_load %arg7[%swap3A_263] {strides = array<i32>} : memref<1024xi32, #tpu.memory_space<vmem>>, vector<16xi32>,
    tpu.vector_store %arg7[%swap3A_263], %broadcast_in_dim3A_3 {strides = array<i32>} : memref<1024xi32, #tpu.memory_space<vmem>>, vector<16xi32>,
    %swap3A_265 = arith.constant 1008 : index
    %swap3A_266 = tpu.vector_load %arg8[%swap3A_265] {strides = array<i32>} : memref<1024xi32, #tpu.memory_space<vmem>>, vector<16xi32>,
    tpu.vector_store %arg8[%swap3A_265], %broadcast_in_dim3A_3 {strides = array<i32>} : memref<1024xi32, #tpu.memory_space<vmem>>, vector<16xi32>,
    %add3A_267 = arith.constant 0 : i32
    %add3A_268 = arith.addi %mul3A_2, %add3A_267 : i32
    %dma_start3A = arith.constant 0 : i32
    %dma_start3A_269 = tpu.memref_slice %arg2[%add3A_268, %dma_start3A] : memref<16384x200xi32, #tpu.memory_space<hbm>> -> memref<32x200xi32, #tpu.memory_space<hbm>>
    %dma_start3A_270 = arith.constant 0 : i32
    %dma_start3A_271 = tpu.memref_slice %arg2[%add3A_268, %dma_start3A_270] : memref<16384x200xi32, #tpu.memory_space<hbm>> -> memref<32x200xi32, #tpu.memory_space<hbm>>
    tpu.enqueue_dma source(%dma_start3A_271 : memref<32x200xi32, #tpu.memory_space<hbm>>) target(%arg5 : memref<32x200xi32, #tpu.memory_space<vmem>>) target_semaphore(%arg11 : memref<!tpu.dma_semaphore, #tpu.memory_space<semaphore_mem>>)
    %scan3A = arith.constant 0 : i32
    %scan3A_272 = arith.constant 0 : i32
    %scan3A_273 = arith.constant 16 : i32
    %scan3A_274 = arith.addi %scan3A_272, %scan3A_273 : i32
    %scan3A_275 = arith.constant 1 : i32
    %scan3A_276 = scf.for %scan3A_379 = %scan3A_272 to %scan3A_274 step %scan3A_275 iter_args(%scan3A_380 = %scan3A) -> (i32)  : i32 {
      %rem3A = arith.constant 2 : i32
      %rem3A_381 = arith.remsi %scan3A_379, %rem3A : i32
      %eq3A_382 = arith.constant 0 : i32
      %eq3A_383 = arith.cmpi eq, %rem3A_381, %eq3A_382 : i32
      %add3A_384 = arith.constant 1 : i32
      %add3A_385 = arith.addi %scan3A_379, %add3A_384 : i32
      %lt3A = arith.constant 16 : i32
      %lt3A_386 = arith.cmpi slt, %add3A_385, %lt3A : i32
      %and3A = arith.andi %lt3A_386, %eq3A_383 : i1
      %convert_element_type3A = arith.extui %and3A : i1 to i32
      %cond3A = arith.constant 0 : i32
      %cond3A_387 = arith.cmpi ne, %convert_element_type3A, %cond3A : i32
      scf.if %cond3A_387 {
        %add3A_402 = arith.constant 1 : i32
        %add3A_403 = arith.addi %scan3A_379, %add3A_402 : i32
        %mul3A_404 = arith.constant 32 : i32
        %mul3A_405 = arith.muli %add3A_403, %mul3A_404 : i32
        %add3A_406 = arith.addi %mul3A_2, %mul3A_405 : i32
        %dma_start3A_407 = arith.constant 0 : i32
        %dma_start3A_408 = tpu.memref_slice %arg2[%add3A_406, %dma_start3A_407] : memref<16384x200xi32, #tpu.memory_space<hbm>> -> memref<32x200xi32, #tpu.memory_space<hbm>>
        %dma_start3A_409 = arith.constant 0 : i32
        %dma_start3A_410 = tpu.memref_slice %arg2[%add3A_406, %dma_start3A_409] : memref<16384x200xi32, #tpu.memory_space<hbm>> -> memref<32x200xi32, #tpu.memory_space<hbm>>
        tpu.enqueue_dma source(%dma_start3A_410 : memref<32x200xi32, #tpu.memory_space<hbm>>) target(%arg6 : memref<32x200xi32, #tpu.memory_space<vmem>>) target_semaphore(%arg12 : memref<!tpu.dma_semaphore, #tpu.memory_space<semaphore_mem>>)
      } else {
      }
      %not3A = arith.constant true
      %not3A_388 = arith.xori %eq3A_383, %not3A : i1
      %and3A_389 = arith.andi %lt3A_386, %not3A_388 : i1
      %convert_element_type3A_390 = arith.extui %and3A_389 : i1 to i32
      %cond3A_391 = arith.constant 0 : i32
      %cond3A_392 = arith.cmpi ne, %convert_element_type3A_390, %cond3A_391 : i32
      scf.if %cond3A_392 {
        %add3A_402 = arith.constant 1 : i32
        %add3A_403 = arith.addi %scan3A_379, %add3A_402 : i32
        %mul3A_404 = arith.constant 32 : i32
        %mul3A_405 = arith.muli %add3A_403, %mul3A_404 : i32
        %add3A_406 = arith.addi %mul3A_2, %mul3A_405 : i32
        %dma_start3A_407 = arith.constant 0 : i32
        %dma_start3A_408 = tpu.memref_slice %arg2[%add3A_406, %dma_start3A_407] : memref<16384x200xi32, #tpu.memory_space<hbm>> -> memref<32x200xi32, #tpu.memory_space<hbm>>
        %dma_start3A_409 = arith.constant 0 : i32
        %dma_start3A_410 = tpu.memref_slice %arg2[%add3A_406, %dma_start3A_409] : memref<16384x200xi32, #tpu.memory_space<hbm>> -> memref<32x200xi32, #tpu.memory_space<hbm>>
        tpu.enqueue_dma source(%dma_start3A_410 : memref<32x200xi32, #tpu.memory_space<hbm>>) target(%arg5 : memref<32x200xi32, #tpu.memory_space<vmem>>) target_semaphore(%arg11 : memref<!tpu.dma_semaphore, #tpu.memory_space<semaphore_mem>>)
      } else {
      }
      %convert_element_type3A_393 = arith.extui %eq3A_383 : i1 to i32
      %cond3A_394 = arith.constant 0 : i32
      %cond3A_395 = arith.cmpi ne, %convert_element_type3A_393, %cond3A_394 : i32
      scf.if %cond3A_395 {
        %mul3A_402 = arith.constant 32 : i32
        %mul3A_403 = arith.muli %scan3A_379, %mul3A_402 : i32
        %add3A_404 = arith.addi %mul3A_2, %mul3A_403 : i32
        %dma_wait3A = arith.constant 0 : i32
        %dma_wait3A_405 = tpu.memref_slice %arg2[%add3A_404, %dma_wait3A] : memref<16384x200xi32, #tpu.memory_space<hbm>> -> memref<32x200xi32, #tpu.memory_space<hbm>>
        %dma_wait3A_406 = arith.constant 0 : i32
        %dma_wait3A_407 = tpu.memref_slice %arg2[%add3A_404, %dma_wait3A_406] : memref<16384x200xi32, #tpu.memory_space<hbm>> -> memref<32x200xi32, #tpu.memory_space<hbm>>
        tpu.wait_dma2 semaphore(%arg11 : memref<!tpu.dma_semaphore, #tpu.memory_space<semaphore_mem>>) src(%dma_wait3A_407 : memref<32x200xi32, #tpu.memory_space<hbm>>) dst(%arg5 : memref<32x200xi32, #tpu.memory_space<vmem>>)
        %scan3A_408 = arith.constant 0 : i32
        %scan3A_409 = arith.constant 0 : i32
        %scan3A_410 = arith.constant 16 : i32
        %scan3A_411 = arith.addi %scan3A_409, %scan3A_410 : i32
        %scan3A_412 = arith.constant 1 : i32
        %scan3A_413 = scf.for %scan3A_415 = %scan3A_409 to %scan3A_411 step %scan3A_412 iter_args(%scan3A_416 = %scan3A_408) -> (i32)  : i32 {
          %mul3A_417 = arith.constant 2 : i32
          %mul3A_418 = arith.muli %mul3A_417, %scan3A_415 : i32
          %mul3A_419 = arith.constant 2 : i32
          %mul3A_420 = arith.muli %mul3A_419, %scan3A_415 : i32
          %add3A_421 = arith.constant 1 : i32
          %add3A_422 = arith.addi %mul3A_420, %add3A_421 : i32
          %get3A_423 = arith.index_cast %mul3A_418 : i32 to index
          %get3A_424 = arith.constant 0 : index
          %get3A_425 = tpu.vector_load %arg5[%get3A_423, %get3A_424] {strides = array<i32>} : memref<32x200xi32, #tpu.memory_space<vmem>>, vector<16xi32>,
          %get3A_426 = arith.index_cast %mul3A_418 : i32 to index
          %get3A_427 = arith.constant 16 : index
          %get3A_428 = tpu.vector_load %arg5[%get3A_426, %get3A_427] {strides = array<i32>} : memref<32x200xi32, #tpu.memory_space<vmem>>, vector<16xi32>,
          %get3A_429 = arith.index_cast %mul3A_418 : i32 to index
          %get3A_430 = arith.constant 32 : index
          %get3A_431 = tpu.vector_load %arg5[%get3A_429, %get3A_430] {strides = array<i32>} : memref<32x200xi32, #tpu.memory_space<vmem>>, vector<16xi32>,
          %get3A_432 = arith.index_cast %mul3A_418 : i32 to index
          %get3A_433 = arith.constant 48 : index
          %get3A_434 = tpu.vector_load %arg5[%get3A_432, %get3A_433] {strides = array<i32>} : memref<32x200xi32, #tpu.memory_space<vmem>>, vector<16xi32>,
          %get3A_435 = arith.index_cast %mul3A_418 : i32 to index
          %get3A_436 = arith.constant 64 : index
          %get3A_437 = tpu.vector_load %arg5[%get3A_435, %get3A_436] {strides = array<i32>} : memref<32x200xi32, #tpu.memory_space<vmem>>, vector<16xi32>,
          %get3A_438 = arith.index_cast %mul3A_418 : i32 to index
          %get3A_439 = arith.constant 80 : index
          %get3A_440 = tpu.vector_load %arg5[%get3A_438, %get3A_439] {strides = array<i32>} : memref<32x200xi32, #tpu.memory_space<vmem>>, vector<16xi32>,
          %get3A_441 = arith.index_cast %mul3A_418 : i32 to index
          %get3A_442 = arith.constant 96 : index
          %get3A_443 = tpu.vector_load %arg5[%get3A_441, %get3A_442] {strides = array<i32>} : memref<32x200xi32, #tpu.memory_space<vmem>>, vector<16xi32>,
          %get3A_444 = arith.index_cast %mul3A_418 : i32 to index
          %get3A_445 = arith.constant 112 : index
          %get3A_446 = tpu.vector_load %arg5[%get3A_444, %get3A_445] {strides = array<i32>} : memref<32x200xi32, #tpu.memory_space<vmem>>, vector<16xi32>,
          %get3A_447 = arith.index_cast %mul3A_418 : i32 to index
          %get3A_448 = arith.constant 128 : index
          %get3A_449 = tpu.vector_load %arg5[%get3A_447, %get3A_448] {strides = array<i32>} : memref<32x200xi32, #tpu.memory_space<vmem>>, vector<16xi32>,
          %get3A_450 = arith.index_cast %mul3A_418 : i32 to index
          %get3A_451 = arith.constant 144 : index
          %get3A_452 = tpu.vector_load %arg5[%get3A_450, %get3A_451] {strides = array<i32>} : memref<32x200xi32, #tpu.memory_space<vmem>>, vector<16xi32>,
          %get3A_453 = arith.index_cast %mul3A_418 : i32 to index
          %get3A_454 = arith.constant 160 : index
          %get3A_455 = tpu.vector_load %arg5[%get3A_453, %get3A_454] {strides = array<i32>} : memref<32x200xi32, #tpu.memory_space<vmem>>, vector<16xi32>,
          %get3A_456 = arith.index_cast %mul3A_418 : i32 to index
          %get3A_457 = arith.constant 176 : index
          %get3A_458 = tpu.vector_load %arg5[%get3A_456, %get3A_457] {strides = array<i32>} : memref<32x200xi32, #tpu.memory_space<vmem>>, vector<16xi32>,
          %get3A_459 = arith.index_cast %mul3A_418 : i32 to index
          %get3A_460 = arith.constant 184 : index
          %get3A_461 = tpu.vector_load %arg5[%get3A_459, %get3A_460] {strides = array<i32>} : memref<32x200xi32, #tpu.memory_space<vmem>>, vector<16xi32>,
          tpu.vector_store_idx %arg7[%get3A_425], %broadcast_in_dim3A_7 {add = true} : memref<1024xi32, #tpu.memory_space<vmem>>[vector<16xi32>], vector<16xi32>,
          tpu.vector_store_idx %arg7[%get3A_428], %broadcast_in_dim3A_7 {add = true} : memref<1024xi32, #tpu.memory_space<vmem>>[vector<16xi32>], vector<16xi32>,
          tpu.vector_store_idx %arg7[%get3A_431], %broadcast_in_dim3A_7 {add = true} : memref<1024xi32, #tpu.memory_space<vmem>>[vector<16xi32>], vector<16xi32>,
          tpu.vector_store_idx %arg7[%get3A_434], %broadcast_in_dim3A_7 {add = true} : memref<1024xi32, #tpu.memory_space<vmem>>[vector<16xi32>], vector<16xi32>,
          tpu.vector_store_idx %arg7[%get3A_437], %broadcast_in_dim3A_7 {add = true} : memref<1024xi32, #tpu.memory_space<vmem>>[vector<16xi32>], vector<16xi32>,
          tpu.vector_store_idx %arg7[%get3A_440], %broadcast_in_dim3A_7 {add = true} : memref<1024xi32, #tpu.memory_space<vmem>>[vector<16xi32>], vector<16xi32>,
          tpu.vector_store_idx %arg7[%get3A_443], %broadcast_in_dim3A_7 {add = true} : memref<1024xi32, #tpu.memory_space<vmem>>[vector<16xi32>], vector<16xi32>,
          tpu.vector_store_idx %arg7[%get3A_446], %broadcast_in_dim3A_7 {add = true} : memref<1024xi32, #tpu.memory_space<vmem>>[vector<16xi32>], vector<16xi32>,
          tpu.vector_store_idx %arg7[%get3A_449], %broadcast_in_dim3A_7 {add = true} : memref<1024xi32, #tpu.memory_space<vmem>>[vector<16xi32>], vector<16xi32>,
          tpu.vector_store_idx %arg7[%get3A_452], %broadcast_in_dim3A_7 {add = true} : memref<1024xi32, #tpu.memory_space<vmem>>[vector<16xi32>], vector<16xi32>,
          tpu.vector_store_idx %arg7[%get3A_455], %broadcast_in_dim3A_7 {add = true} : memref<1024xi32, #tpu.memory_space<vmem>>[vector<16xi32>], vector<16xi32>,
          tpu.vector_store_idx %arg7[%get3A_458], %broadcast_in_dim3A_7 {add = true} : memref<1024xi32, #tpu.memory_space<vmem>>[vector<16xi32>], vector<16xi32>,
          tpu.vector_store_idx %arg7[%get3A_461], %broadcast_in_dim3A_7 masked %ge3A_11 {add = true} : memref<1024xi32, #tpu.memory_space<vmem>>[vector<16xi32>], vector<16xi32>, vector<16xi1>
          %get3A_462 = arith.index_cast %add3A_422 : i32 to index
          %get3A_463 = arith.constant 0 : index
          %get3A_464 = tpu.vector_load %arg5[%get3A_462, %get3A_463] {strides = array<i32>} : memref<32x200xi32, #tpu.memory_space<vmem>>, vector<16xi32>,
          %get3A_465 = arith.index_cast %add3A_422 : i32 to index
          %get3A_466 = arith.constant 16 : index
          %get3A_467 = tpu.vector_load %arg5[%get3A_465, %get3A_466] {strides = array<i32>} : memref<32x200xi32, #tpu.memory_space<vmem>>, vector<16xi32>,
          %get3A_468 = arith.index_cast %add3A_422 : i32 to index
          %get3A_469 = arith.constant 32 : index
          %get3A_470 = tpu.vector_load %arg5[%get3A_468, %get3A_469] {strides = array<i32>} : memref<32x200xi32, #tpu.memory_space<vmem>>, vector<16xi32>,
          %get3A_471 = arith.index_cast %add3A_422 : i32 to index
          %get3A_472 = arith.constant 48 : index
          %get3A_473 = tpu.vector_load %arg5[%get3A_471, %get3A_472] {strides = array<i32>} : memref<32x200xi32, #tpu.memory_space<vmem>>, vector<16xi32>,
          %get3A_474 = arith.index_cast %add3A_422 : i32 to index
          %get3A_475 = arith.constant 64 : index
          %get3A_476 = tpu.vector_load %arg5[%get3A_474, %get3A_475] {strides = array<i32>} : memref<32x200xi32, #tpu.memory_space<vmem>>, vector<16xi32>,
          %get3A_477 = arith.index_cast %add3A_422 : i32 to index
          %get3A_478 = arith.constant 80 : index
          %get3A_479 = tpu.vector_load %arg5[%get3A_477, %get3A_478] {strides = array<i32>} : memref<32x200xi32, #tpu.memory_space<vmem>>, vector<16xi32>,
          %get3A_480 = arith.index_cast %add3A_422 : i32 to index
          %get3A_481 = arith.constant 96 : index
          %get3A_482 = tpu.vector_load %arg5[%get3A_480, %get3A_481] {strides = array<i32>} : memref<32x200xi32, #tpu.memory_space<vmem>>, vector<16xi32>,
          %get3A_483 = arith.index_cast %add3A_422 : i32 to index
          %get3A_484 = arith.constant 112 : index
          %get3A_485 = tpu.vector_load %arg5[%get3A_483, %get3A_484] {strides = array<i32>} : memref<32x200xi32, #tpu.memory_space<vmem>>, vector<16xi32>,
          %get3A_486 = arith.index_cast %add3A_422 : i32 to index
          %get3A_487 = arith.constant 128 : index
          %get3A_488 = tpu.vector_load %arg5[%get3A_486, %get3A_487] {strides = array<i32>} : memref<32x200xi32, #tpu.memory_space<vmem>>, vector<16xi32>,
          %get3A_489 = arith.index_cast %add3A_422 : i32 to index
          %get3A_490 = arith.constant 144 : index
          %get3A_491 = tpu.vector_load %arg5[%get3A_489, %get3A_490] {strides = array<i32>} : memref<32x200xi32, #tpu.memory_space<vmem>>, vector<16xi32>,
          %get3A_492 = arith.index_cast %add3A_422 : i32 to index
          %get3A_493 = arith.constant 160 : index
          %get3A_494 = tpu.vector_load %arg5[%get3A_492, %get3A_493] {strides = array<i32>} : memref<32x200xi32, #tpu.memory_space<vmem>>, vector<16xi32>,
          %get3A_495 = arith.index_cast %add3A_422 : i32 to index
          %get3A_496 = arith.constant 176 : index
          %get3A_497 = tpu.vector_load %arg5[%get3A_495, %get3A_496] {strides = array<i32>} : memref<32x200xi32, #tpu.memory_space<vmem>>, vector<16xi32>,
          %get3A_498 = arith.index_cast %add3A_422 : i32 to index
          %get3A_499 = arith.constant 184 : index
          %get3A_500 = tpu.vector_load %arg5[%get3A_498, %get3A_499] {strides = array<i32>} : memref<32x200xi32, #tpu.memory_space<vmem>>, vector<16xi32>,
          tpu.vector_store_idx %arg8[%get3A_464], %broadcast_in_dim3A_7 {add = true} : memref<1024xi32, #tpu.memory_space<vmem>>[vector<16xi32>], vector<16xi32>,
          tpu.vector_store_idx %arg8[%get3A_467], %broadcast_in_dim3A_7 {add = true} : memref<1024xi32, #tpu.memory_space<vmem>>[vector<16xi32>], vector<16xi32>,
          tpu.vector_store_idx %arg8[%get3A_470], %broadcast_in_dim3A_7 {add = true} : memref<1024xi32, #tpu.memory_space<vmem>>[vector<16xi32>], vector<16xi32>,
          tpu.vector_store_idx %arg8[%get3A_473], %broadcast_in_dim3A_7 {add = true} : memref<1024xi32, #tpu.memory_space<vmem>>[vector<16xi32>], vector<16xi32>,
          tpu.vector_store_idx %arg8[%get3A_476], %broadcast_in_dim3A_7 {add = true} : memref<1024xi32, #tpu.memory_space<vmem>>[vector<16xi32>], vector<16xi32>,
          tpu.vector_store_idx %arg8[%get3A_479], %broadcast_in_dim3A_7 {add = true} : memref<1024xi32, #tpu.memory_space<vmem>>[vector<16xi32>], vector<16xi32>,
          tpu.vector_store_idx %arg8[%get3A_482], %broadcast_in_dim3A_7 {add = true} : memref<1024xi32, #tpu.memory_space<vmem>>[vector<16xi32>], vector<16xi32>,
          tpu.vector_store_idx %arg8[%get3A_485], %broadcast_in_dim3A_7 {add = true} : memref<1024xi32, #tpu.memory_space<vmem>>[vector<16xi32>], vector<16xi32>,
          tpu.vector_store_idx %arg8[%get3A_488], %broadcast_in_dim3A_7 {add = true} : memref<1024xi32, #tpu.memory_space<vmem>>[vector<16xi32>], vector<16xi32>,
          tpu.vector_store_idx %arg8[%get3A_491], %broadcast_in_dim3A_7 {add = true} : memref<1024xi32, #tpu.memory_space<vmem>>[vector<16xi32>], vector<16xi32>,
          tpu.vector_store_idx %arg8[%get3A_494], %broadcast_in_dim3A_7 {add = true} : memref<1024xi32, #tpu.memory_space<vmem>>[vector<16xi32>], vector<16xi32>,
          tpu.vector_store_idx %arg8[%get3A_497], %broadcast_in_dim3A_7 {add = true} : memref<1024xi32, #tpu.memory_space<vmem>>[vector<16xi32>], vector<16xi32>,
          tpu.vector_store_idx %arg8[%get3A_500], %broadcast_in_dim3A_7 masked %ge3A_11 {add = true} : memref<1024xi32, #tpu.memory_space<vmem>>[vector<16xi32>], vector<16xi32>, vector<16xi1>
          %broadcast_in_dim3A_501 = arith.constant 0.000000e+00 : f32
          %broadcast_in_dim3A_502 = vector.broadcast %broadcast_in_dim3A_501 : f32 to vector<16xf32>
          %gather3A = tpu.vector_load_idx %arg7[%get3A_425] : memref<1024xi32, #tpu.memory_space<vmem>>[vector<16xi32>], vector<16xi32>,
          %convert_element_type3A_503 = arith.sitofp %gather3A : vector<16xi32> to vector<16xf32>
          %div3A = arith.constant 1.000000e+00 : f32
          %div3A_504 = vector.broadcast %div3A : f32 to vector<16xf32>
          %div3A_505 = arith.divf %div3A_504, %convert_element_type3A_503 : vector<16xf32>
          %add3A_506 = arith.addf %broadcast_in_dim3A_502, %div3A_505 : vector<16xf32>
          %gather3A_507 = tpu.vector_load_idx %arg7[%get3A_428] : memref<1024xi32, #tpu.memory_space<vmem>>[vector<16xi32>], vector<16xi32>,
          %convert_element_type3A_508 = arith.sitofp %gather3A_507 : vector<16xi32> to vector<16xf32>
          %div3A_509 = arith.constant 1.000000e+00 : f32
          %div3A_510 = vector.broadcast %div3A_509 : f32 to vector<16xf32>
          %div3A_511 = arith.divf %div3A_510, %convert_element_type3A_508 : vector<16xf32>
          %add3A_512 = arith.addf %add3A_506, %div3A_511 : vector<16xf32>
          %gather3A_513 = tpu.vector_load_idx %arg7[%get3A_431] : memref<1024xi32, #tpu.memory_space<vmem>>[vector<16xi32>], vector<16xi32>,
          %convert_element_type3A_514 = arith.sitofp %gather3A_513 : vector<16xi32> to vector<16xf32>
          %div3A_515 = arith.constant 1.000000e+00 : f32
          %div3A_516 = vector.broadcast %div3A_515 : f32 to vector<16xf32>
          %div3A_517 = arith.divf %div3A_516, %convert_element_type3A_514 : vector<16xf32>
          %add3A_518 = arith.addf %add3A_512, %div3A_517 : vector<16xf32>
          %gather3A_519 = tpu.vector_load_idx %arg7[%get3A_434] : memref<1024xi32, #tpu.memory_space<vmem>>[vector<16xi32>], vector<16xi32>,
          %convert_element_type3A_520 = arith.sitofp %gather3A_519 : vector<16xi32> to vector<16xf32>
          %div3A_521 = arith.constant 1.000000e+00 : f32
          %div3A_522 = vector.broadcast %div3A_521 : f32 to vector<16xf32>
          %div3A_523 = arith.divf %div3A_522, %convert_element_type3A_520 : vector<16xf32>
          %add3A_524 = arith.addf %add3A_518, %div3A_523 : vector<16xf32>
          %gather3A_525 = tpu.vector_load_idx %arg7[%get3A_437] : memref<1024xi32, #tpu.memory_space<vmem>>[vector<16xi32>], vector<16xi32>,
          %convert_element_type3A_526 = arith.sitofp %gather3A_525 : vector<16xi32> to vector<16xf32>
          %div3A_527 = arith.constant 1.000000e+00 : f32
          %div3A_528 = vector.broadcast %div3A_527 : f32 to vector<16xf32>
          %div3A_529 = arith.divf %div3A_528, %convert_element_type3A_526 : vector<16xf32>
          %add3A_530 = arith.addf %add3A_524, %div3A_529 : vector<16xf32>
          %gather3A_531 = tpu.vector_load_idx %arg7[%get3A_440] : memref<1024xi32, #tpu.memory_space<vmem>>[vector<16xi32>], vector<16xi32>,
          %convert_element_type3A_532 = arith.sitofp %gather3A_531 : vector<16xi32> to vector<16xf32>
          %div3A_533 = arith.constant 1.000000e+00 : f32
          %div3A_534 = vector.broadcast %div3A_533 : f32 to vector<16xf32>
          %div3A_535 = arith.divf %div3A_534, %convert_element_type3A_532 : vector<16xf32>
          %add3A_536 = arith.addf %add3A_530, %div3A_535 : vector<16xf32>
          %gather3A_537 = tpu.vector_load_idx %arg7[%get3A_443] : memref<1024xi32, #tpu.memory_space<vmem>>[vector<16xi32>], vector<16xi32>,
          %convert_element_type3A_538 = arith.sitofp %gather3A_537 : vector<16xi32> to vector<16xf32>
          %div3A_539 = arith.constant 1.000000e+00 : f32
          %div3A_540 = vector.broadcast %div3A_539 : f32 to vector<16xf32>
          %div3A_541 = arith.divf %div3A_540, %convert_element_type3A_538 : vector<16xf32>
          %add3A_542 = arith.addf %add3A_536, %div3A_541 : vector<16xf32>
          %gather3A_543 = tpu.vector_load_idx %arg7[%get3A_446] : memref<1024xi32, #tpu.memory_space<vmem>>[vector<16xi32>], vector<16xi32>,
          %convert_element_type3A_544 = arith.sitofp %gather3A_543 : vector<16xi32> to vector<16xf32>
          %div3A_545 = arith.constant 1.000000e+00 : f32
          %div3A_546 = vector.broadcast %div3A_545 : f32 to vector<16xf32>
          %div3A_547 = arith.divf %div3A_546, %convert_element_type3A_544 : vector<16xf32>
          %add3A_548 = arith.addf %add3A_542, %div3A_547 : vector<16xf32>
          %gather3A_549 = tpu.vector_load_idx %arg7[%get3A_449] : memref<1024xi32, #tpu.memory_space<vmem>>[vector<16xi32>], vector<16xi32>,
          %convert_element_type3A_550 = arith.sitofp %gather3A_549 : vector<16xi32> to vector<16xf32>
          %div3A_551 = arith.constant 1.000000e+00 : f32
          %div3A_552 = vector.broadcast %div3A_551 : f32 to vector<16xf32>
          %div3A_553 = arith.divf %div3A_552, %convert_element_type3A_550 : vector<16xf32>
          %add3A_554 = arith.addf %add3A_548, %div3A_553 : vector<16xf32>
          %gather3A_555 = tpu.vector_load_idx %arg7[%get3A_452] : memref<1024xi32, #tpu.memory_space<vmem>>[vector<16xi32>], vector<16xi32>,
          %convert_element_type3A_556 = arith.sitofp %gather3A_555 : vector<16xi32> to vector<16xf32>
          %div3A_557 = arith.constant 1.000000e+00 : f32
          %div3A_558 = vector.broadcast %div3A_557 : f32 to vector<16xf32>
          %div3A_559 = arith.divf %div3A_558, %convert_element_type3A_556 : vector<16xf32>
          %add3A_560 = arith.addf %add3A_554, %div3A_559 : vector<16xf32>
          %gather3A_561 = tpu.vector_load_idx %arg7[%get3A_455] : memref<1024xi32, #tpu.memory_space<vmem>>[vector<16xi32>], vector<16xi32>,
          %convert_element_type3A_562 = arith.sitofp %gather3A_561 : vector<16xi32> to vector<16xf32>
          %div3A_563 = arith.constant 1.000000e+00 : f32
          %div3A_564 = vector.broadcast %div3A_563 : f32 to vector<16xf32>
          %div3A_565 = arith.divf %div3A_564, %convert_element_type3A_562 : vector<16xf32>
          %add3A_566 = arith.addf %add3A_560, %div3A_565 : vector<16xf32>
          %gather3A_567 = tpu.vector_load_idx %arg7[%get3A_458] : memref<1024xi32, #tpu.memory_space<vmem>>[vector<16xi32>], vector<16xi32>,
          %convert_element_type3A_568 = arith.sitofp %gather3A_567 : vector<16xi32> to vector<16xf32>
          %div3A_569 = arith.constant 1.000000e+00 : f32
          %div3A_570 = vector.broadcast %div3A_569 : f32 to vector<16xf32>
          %div3A_571 = arith.divf %div3A_570, %convert_element_type3A_568 : vector<16xf32>
          %add3A_572 = arith.addf %add3A_566, %div3A_571 : vector<16xf32>
          %gather3A_573 = tpu.vector_load_idx %arg7[%get3A_461] : memref<1024xi32, #tpu.memory_space<vmem>>[vector<16xi32>], vector<16xi32>,
          %convert_element_type3A_574 = arith.sitofp %gather3A_573 : vector<16xi32> to vector<16xf32>
          %div3A_575 = arith.constant 1.000000e+00 : f32
          %div3A_576 = vector.broadcast %div3A_575 : f32 to vector<16xf32>
          %div3A_577 = arith.divf %div3A_576, %convert_element_type3A_574 : vector<16xf32>
          %select_n3A = arith.select %ge3A_11, %div3A_577, %broadcast_in_dim3A_5 : vector<16xi1>, vector<16xf32>
          %add3A_578 = arith.addf %add3A_572, %select_n3A : vector<16xf32>
          %reduce_sum3A_579 = arith.constant true
          %reduce_sum3A_580 = vector.broadcast %reduce_sum3A_579 : i1 to vector<16xi1>
          %reduce_sum3A_581 = tpu.scan <sum>, %add3A_578 masked %reduce_sum3A_580 : vector<16xf32>, vector<16xi1> -> vector<16xf32>
          %reduce_sum3A_582 = vector.extract %reduce_sum3A_581[15] : f32 from vector<16xf32>
          %add3A_583 = arith.constant 2.500000e-01 : f32
          %add3A_584 = arith.addf %reduce_sum3A_582, %add3A_583 : f32
          %convert_element_type3A_585 = arith.fptosi %add3A_584 : f32 to i32
          %add3A_586 = arith.constant 1 : i32
          %add3A_587 = arith.addi %convert_element_type3A_585, %add3A_586 : i32
          %mul3A_588 = arith.constant 32 : i32
          %mul3A_589 = arith.muli %scan3A_379, %mul3A_588 : i32
          %add3A_590 = arith.addi %mul3A_589, %mul3A_418 : i32
          %broadcast_in_dim3A_591 = vector.broadcast %add3A_590 : i32 to vector<16xi32>
          %broadcast_in_dim3A_592 = vector.broadcast %add3A_587 : i32 to vector<16xi32>
          tpu.vector_store_idx %arg9[%broadcast_in_dim3A_591], %broadcast_in_dim3A_592 masked %eq3A_9 : memref<512xi32, #tpu.memory_space<vmem>>[vector<16xi32>], vector<16xi32>, vector<16xi1>
          tpu.vector_store_idx %arg7[%get3A_425], %broadcast_in_dim3A_3 : memref<1024xi32, #tpu.memory_space<vmem>>[vector<16xi32>], vector<16xi32>,
          tpu.vector_store_idx %arg7[%get3A_428], %broadcast_in_dim3A_3 : memref<1024xi32, #tpu.memory_space<vmem>>[vector<16xi32>], vector<16xi32>,
          tpu.vector_store_idx %arg7[%get3A_431], %broadcast_in_dim3A_3 : memref<1024xi32, #tpu.memory_space<vmem>>[vector<16xi32>], vector<16xi32>,
          tpu.vector_store_idx %arg7[%get3A_434], %broadcast_in_dim3A_3 : memref<1024xi32, #tpu.memory_space<vmem>>[vector<16xi32>], vector<16xi32>,
          tpu.vector_store_idx %arg7[%get3A_437], %broadcast_in_dim3A_3 : memref<1024xi32, #tpu.memory_space<vmem>>[vector<16xi32>], vector<16xi32>,
          tpu.vector_store_idx %arg7[%get3A_440], %broadcast_in_dim3A_3 : memref<1024xi32, #tpu.memory_space<vmem>>[vector<16xi32>], vector<16xi32>,
          tpu.vector_store_idx %arg7[%get3A_443], %broadcast_in_dim3A_3 : memref<1024xi32, #tpu.memory_space<vmem>>[vector<16xi32>], vector<16xi32>,
          tpu.vector_store_idx %arg7[%get3A_446], %broadcast_in_dim3A_3 : memref<1024xi32, #tpu.memory_space<vmem>>[vector<16xi32>], vector<16xi32>,
          tpu.vector_store_idx %arg7[%get3A_449], %broadcast_in_dim3A_3 : memref<1024xi32, #tpu.memory_space<vmem>>[vector<16xi32>], vector<16xi32>,
          tpu.vector_store_idx %arg7[%get3A_452], %broadcast_in_dim3A_3 : memref<1024xi32, #tpu.memory_space<vmem>>[vector<16xi32>], vector<16xi32>,
          tpu.vector_store_idx %arg7[%get3A_455], %broadcast_in_dim3A_3 : memref<1024xi32, #tpu.memory_space<vmem>>[vector<16xi32>], vector<16xi32>,
          tpu.vector_store_idx %arg7[%get3A_458], %broadcast_in_dim3A_3 : memref<1024xi32, #tpu.memory_space<vmem>>[vector<16xi32>], vector<16xi32>,
          tpu.vector_store_idx %arg7[%get3A_461], %broadcast_in_dim3A_3 : memref<1024xi32, #tpu.memory_space<vmem>>[vector<16xi32>], vector<16xi32>,
          %broadcast_in_dim3A_593 = arith.constant 0.000000e+00 : f32
          %broadcast_in_dim3A_594 = vector.broadcast %broadcast_in_dim3A_593 : f32 to vector<16xf32>
          %gather3A_595 = tpu.vector_load_idx %arg8[%get3A_464] : memref<1024xi32, #tpu.memory_space<vmem>>[vector<16xi32>], vector<16xi32>,
          %convert_element_type3A_596 = arith.sitofp %gather3A_595 : vector<16xi32> to vector<16xf32>
          %div3A_597 = arith.constant 1.000000e+00 : f32
          %div3A_598 = vector.broadcast %div3A_597 : f32 to vector<16xf32>
          %div3A_599 = arith.divf %div3A_598, %convert_element_type3A_596 : vector<16xf32>
          %add3A_600 = arith.addf %broadcast_in_dim3A_594, %div3A_599 : vector<16xf32>
          %gather3A_601 = tpu.vector_load_idx %arg8[%get3A_467] : memref<1024xi32, #tpu.memory_space<vmem>>[vector<16xi32>], vector<16xi32>,
          %convert_element_type3A_602 = arith.sitofp %gather3A_601 : vector<16xi32> to vector<16xf32>
          %div3A_603 = arith.constant 1.000000e+00 : f32
          %div3A_604 = vector.broadcast %div3A_603 : f32 to vector<16xf32>
          %div3A_605 = arith.divf %div3A_604, %convert_element_type3A_602 : vector<16xf32>
          %add3A_606 = arith.addf %add3A_600, %div3A_605 : vector<16xf32>
          %gather3A_607 = tpu.vector_load_idx %arg8[%get3A_470] : memref<1024xi32, #tpu.memory_space<vmem>>[vector<16xi32>], vector<16xi32>,
          %convert_element_type3A_608 = arith.sitofp %gather3A_607 : vector<16xi32> to vector<16xf32>
          %div3A_609 = arith.constant 1.000000e+00 : f32
          %div3A_610 = vector.broadcast %div3A_609 : f32 to vector<16xf32>
          %div3A_611 = arith.divf %div3A_610, %convert_element_type3A_608 : vector<16xf32>
          %add3A_612 = arith.addf %add3A_606, %div3A_611 : vector<16xf32>
          %gather3A_613 = tpu.vector_load_idx %arg8[%get3A_473] : memref<1024xi32, #tpu.memory_space<vmem>>[vector<16xi32>], vector<16xi32>,
          %convert_element_type3A_614 = arith.sitofp %gather3A_613 : vector<16xi32> to vector<16xf32>
          %div3A_615 = arith.constant 1.000000e+00 : f32
          %div3A_616 = vector.broadcast %div3A_615 : f32 to vector<16xf32>
          %div3A_617 = arith.divf %div3A_616, %convert_element_type3A_614 : vector<16xf32>
          %add3A_618 = arith.addf %add3A_612, %div3A_617 : vector<16xf32>
          %gather3A_619 = tpu.vector_load_idx %arg8[%get3A_476] : memref<1024xi32, #tpu.memory_space<vmem>>[vector<16xi32>], vector<16xi32>,
          %convert_element_type3A_620 = arith.sitofp %gather3A_619 : vector<16xi32> to vector<16xf32>
          %div3A_621 = arith.constant 1.000000e+00 : f32
          %div3A_622 = vector.broadcast %div3A_621 : f32 to vector<16xf32>
          %div3A_623 = arith.divf %div3A_622, %convert_element_type3A_620 : vector<16xf32>
          %add3A_624 = arith.addf %add3A_618, %div3A_623 : vector<16xf32>
          %gather3A_625 = tpu.vector_load_idx %arg8[%get3A_479] : memref<1024xi32, #tpu.memory_space<vmem>>[vector<16xi32>], vector<16xi32>,
          %convert_element_type3A_626 = arith.sitofp %gather3A_625 : vector<16xi32> to vector<16xf32>
          %div3A_627 = arith.constant 1.000000e+00 : f32
          %div3A_628 = vector.broadcast %div3A_627 : f32 to vector<16xf32>
          %div3A_629 = arith.divf %div3A_628, %convert_element_type3A_626 : vector<16xf32>
          %add3A_630 = arith.addf %add3A_624, %div3A_629 : vector<16xf32>
          %gather3A_631 = tpu.vector_load_idx %arg8[%get3A_482] : memref<1024xi32, #tpu.memory_space<vmem>>[vector<16xi32>], vector<16xi32>,
          %convert_element_type3A_632 = arith.sitofp %gather3A_631 : vector<16xi32> to vector<16xf32>
          %div3A_633 = arith.constant 1.000000e+00 : f32
          %div3A_634 = vector.broadcast %div3A_633 : f32 to vector<16xf32>
          %div3A_635 = arith.divf %div3A_634, %convert_element_type3A_632 : vector<16xf32>
          %add3A_636 = arith.addf %add3A_630, %div3A_635 : vector<16xf32>
          %gather3A_637 = tpu.vector_load_idx %arg8[%get3A_485] : memref<1024xi32, #tpu.memory_space<vmem>>[vector<16xi32>], vector<16xi32>,
          %convert_element_type3A_638 = arith.sitofp %gather3A_637 : vector<16xi32> to vector<16xf32>
          %div3A_639 = arith.constant 1.000000e+00 : f32
          %div3A_640 = vector.broadcast %div3A_639 : f32 to vector<16xf32>
          %div3A_641 = arith.divf %div3A_640, %convert_element_type3A_638 : vector<16xf32>
          %add3A_642 = arith.addf %add3A_636, %div3A_641 : vector<16xf32>
          %gather3A_643 = tpu.vector_load_idx %arg8[%get3A_488] : memref<1024xi32, #tpu.memory_space<vmem>>[vector<16xi32>], vector<16xi32>,
          %convert_element_type3A_644 = arith.sitofp %gather3A_643 : vector<16xi32> to vector<16xf32>
          %div3A_645 = arith.constant 1.000000e+00 : f32
          %div3A_646 = vector.broadcast %div3A_645 : f32 to vector<16xf32>
          %div3A_647 = arith.divf %div3A_646, %convert_element_type3A_644 : vector<16xf32>
          %add3A_648 = arith.addf %add3A_642, %div3A_647 : vector<16xf32>
          %gather3A_649 = tpu.vector_load_idx %arg8[%get3A_491] : memref<1024xi32, #tpu.memory_space<vmem>>[vector<16xi32>], vector<16xi32>,
          %convert_element_type3A_650 = arith.sitofp %gather3A_649 : vector<16xi32> to vector<16xf32>
          %div3A_651 = arith.constant 1.000000e+00 : f32
          %div3A_652 = vector.broadcast %div3A_651 : f32 to vector<16xf32>
          %div3A_653 = arith.divf %div3A_652, %convert_element_type3A_650 : vector<16xf32>
          %add3A_654 = arith.addf %add3A_648, %div3A_653 : vector<16xf32>
          %gather3A_655 = tpu.vector_load_idx %arg8[%get3A_494] : memref<1024xi32, #tpu.memory_space<vmem>>[vector<16xi32>], vector<16xi32>,
          %convert_element_type3A_656 = arith.sitofp %gather3A_655 : vector<16xi32> to vector<16xf32>
          %div3A_657 = arith.constant 1.000000e+00 : f32
          %div3A_658 = vector.broadcast %div3A_657 : f32 to vector<16xf32>
          %div3A_659 = arith.divf %div3A_658, %convert_element_type3A_656 : vector<16xf32>
          %add3A_660 = arith.addf %add3A_654, %div3A_659 : vector<16xf32>
          %gather3A_661 = tpu.vector_load_idx %arg8[%get3A_497] : memref<1024xi32, #tpu.memory_space<vmem>>[vector<16xi32>], vector<16xi32>,
          %convert_element_type3A_662 = arith.sitofp %gather3A_661 : vector<16xi32> to vector<16xf32>
          %div3A_663 = arith.constant 1.000000e+00 : f32
          %div3A_664 = vector.broadcast %div3A_663 : f32 to vector<16xf32>
          %div3A_665 = arith.divf %div3A_664, %convert_element_type3A_662 : vector<16xf32>
          %add3A_666 = arith.addf %add3A_660, %div3A_665 : vector<16xf32>
          %gather3A_667 = tpu.vector_load_idx %arg8[%get3A_500] : memref<1024xi32, #tpu.memory_space<vmem>>[vector<16xi32>], vector<16xi32>,
          %convert_element_type3A_668 = arith.sitofp %gather3A_667 : vector<16xi32> to vector<16xf32>
          %div3A_669 = arith.constant 1.000000e+00 : f32
          %div3A_670 = vector.broadcast %div3A_669 : f32 to vector<16xf32>
          %div3A_671 = arith.divf %div3A_670, %convert_element_type3A_668 : vector<16xf32>
          %select_n3A_672 = arith.select %ge3A_11, %div3A_671, %broadcast_in_dim3A_5 : vector<16xi1>, vector<16xf32>
          %add3A_673 = arith.addf %add3A_666, %select_n3A_672 : vector<16xf32>
          %reduce_sum3A_674 = arith.constant true
          %reduce_sum3A_675 = vector.broadcast %reduce_sum3A_674 : i1 to vector<16xi1>
          %reduce_sum3A_676 = tpu.scan <sum>, %add3A_673 masked %reduce_sum3A_675 : vector<16xf32>, vector<16xi1> -> vector<16xf32>
          %reduce_sum3A_677 = vector.extract %reduce_sum3A_676[15] : f32 from vector<16xf32>
          %add3A_678 = arith.constant 2.500000e-01 : f32
          %add3A_679 = arith.addf %reduce_sum3A_677, %add3A_678 : f32
          %convert_element_type3A_680 = arith.fptosi %add3A_679 : f32 to i32
          %add3A_681 = arith.constant 1 : i32
          %add3A_682 = arith.addi %convert_element_type3A_680, %add3A_681 : i32
          %mul3A_683 = arith.constant 32 : i32
          %mul3A_684 = arith.muli %scan3A_379, %mul3A_683 : i32
          %add3A_685 = arith.addi %mul3A_684, %add3A_422 : i32
          %broadcast_in_dim3A_686 = vector.broadcast %add3A_685 : i32 to vector<16xi32>
          %broadcast_in_dim3A_687 = vector.broadcast %add3A_682 : i32 to vector<16xi32>
          tpu.vector_store_idx %arg9[%broadcast_in_dim3A_686], %broadcast_in_dim3A_687 masked %eq3A_9 : memref<512xi32, #tpu.memory_space<vmem>>[vector<16xi32>], vector<16xi32>, vector<16xi1>
          tpu.vector_store_idx %arg8[%get3A_464], %broadcast_in_dim3A_3 : memref<1024xi32, #tpu.memory_space<vmem>>[vector<16xi32>], vector<16xi32>,
          tpu.vector_store_idx %arg8[%get3A_467], %broadcast_in_dim3A_3 : memref<1024xi32, #tpu.memory_space<vmem>>[vector<16xi32>], vector<16xi32>,
          tpu.vector_store_idx %arg8[%get3A_470], %broadcast_in_dim3A_3 : memref<1024xi32, #tpu.memory_space<vmem>>[vector<16xi32>], vector<16xi32>,
          tpu.vector_store_idx %arg8[%get3A_473], %broadcast_in_dim3A_3 : memref<1024xi32, #tpu.memory_space<vmem>>[vector<16xi32>], vector<16xi32>,
          tpu.vector_store_idx %arg8[%get3A_476], %broadcast_in_dim3A_3 : memref<1024xi32, #tpu.memory_space<vmem>>[vector<16xi32>], vector<16xi32>,
          tpu.vector_store_idx %arg8[%get3A_479], %broadcast_in_dim3A_3 : memref<1024xi32, #tpu.memory_space<vmem>>[vector<16xi32>], vector<16xi32>,
          tpu.vector_store_idx %arg8[%get3A_482], %broadcast_in_dim3A_3 : memref<1024xi32, #tpu.memory_space<vmem>>[vector<16xi32>], vector<16xi32>,
          tpu.vector_store_idx %arg8[%get3A_485], %broadcast_in_dim3A_3 : memref<1024xi32, #tpu.memory_space<vmem>>[vector<16xi32>], vector<16xi32>,
          tpu.vector_store_idx %arg8[%get3A_488], %broadcast_in_dim3A_3 : memref<1024xi32, #tpu.memory_space<vmem>>[vector<16xi32>], vector<16xi32>,
          tpu.vector_store_idx %arg8[%get3A_491], %broadcast_in_dim3A_3 : memref<1024xi32, #tpu.memory_space<vmem>>[vector<16xi32>], vector<16xi32>,
          tpu.vector_store_idx %arg8[%get3A_494], %broadcast_in_dim3A_3 : memref<1024xi32, #tpu.memory_space<vmem>>[vector<16xi32>], vector<16xi32>,
          tpu.vector_store_idx %arg8[%get3A_497], %broadcast_in_dim3A_3 : memref<1024xi32, #tpu.memory_space<vmem>>[vector<16xi32>], vector<16xi32>,
          tpu.vector_store_idx %arg8[%get3A_500], %broadcast_in_dim3A_3 : memref<1024xi32, #tpu.memory_space<vmem>>[vector<16xi32>], vector<16xi32>,
          %scan3A_688 = arith.constant 0 : i32
          scf.yield %scan3A_688 : i32
        }
        %scan3A_414 = arith.constant 16 : i32
      } else {
      }
      %not3A_396 = arith.constant true
      %not3A_397 = arith.xori %eq3A_383, %not3A_396 : i1
      %convert_element_type3A_398 = arith.extui %not3A_397 : i1 to i32
      %cond3A_399 = arith.constant 0 : i32
      %cond3A_400 = arith.cmpi ne, %convert_element_type3A_398, %cond3A_399 : i32
      scf.if %cond3A_400 {
        %mul3A_402 = arith.constant 32 : i32
        %mul3A_403 = arith.muli %scan3A_379, %mul3A_402 : i32
        %add3A_404 = arith.addi %mul3A_2, %mul3A_403 : i32
        %dma_wait3A = arith.constant 0 : i32
        %dma_wait3A_405 = tpu.memref_slice %arg2[%add3A_404, %dma_wait3A] : memref<16384x200xi32, #tpu.memory_space<hbm>> -> memref<32x200xi32, #tpu.memory_space<hbm>>
        %dma_wait3A_406 = arith.constant 0 : i32
        %dma_wait3A_407 = tpu.memref_slice %arg2[%add3A_404, %dma_wait3A_406] : memref<16384x200xi32, #tpu.memory_space<hbm>> -> memref<32x200xi32, #tpu.memory_space<hbm>>
        tpu.wait_dma2 semaphore(%arg12 : memref<!tpu.dma_semaphore, #tpu.memory_space<semaphore_mem>>) src(%dma_wait3A_407 : memref<32x200xi32, #tpu.memory_space<hbm>>) dst(%arg6 : memref<32x200xi32, #tpu.memory_space<vmem>>)
        %scan3A_408 = arith.constant 0 : i32
        %scan3A_409 = arith.constant 0 : i32
        %scan3A_410 = arith.constant 16 : i32
        %scan3A_411 = arith.addi %scan3A_409, %scan3A_410 : i32
        %scan3A_412 = arith.constant 1 : i32
        %scan3A_413 = scf.for %scan3A_415 = %scan3A_409 to %scan3A_411 step %scan3A_412 iter_args(%scan3A_416 = %scan3A_408) -> (i32)  : i32 {
          %mul3A_417 = arith.constant 2 : i32
          %mul3A_418 = arith.muli %mul3A_417, %scan3A_415 : i32
          %mul3A_419 = arith.constant 2 : i32
          %mul3A_420 = arith.muli %mul3A_419, %scan3A_415 : i32
          %add3A_421 = arith.constant 1 : i32
          %add3A_422 = arith.addi %mul3A_420, %add3A_421 : i32
          %get3A_423 = arith.index_cast %mul3A_418 : i32 to index
          %get3A_424 = arith.constant 0 : index
          %get3A_425 = tpu.vector_load %arg6[%get3A_423, %get3A_424] {strides = array<i32>} : memref<32x200xi32, #tpu.memory_space<vmem>>, vector<16xi32>,
          %get3A_426 = arith.index_cast %mul3A_418 : i32 to index
          %get3A_427 = arith.constant 16 : index
          %get3A_428 = tpu.vector_load %arg6[%get3A_426, %get3A_427] {strides = array<i32>} : memref<32x200xi32, #tpu.memory_space<vmem>>, vector<16xi32>,
          %get3A_429 = arith.index_cast %mul3A_418 : i32 to index
          %get3A_430 = arith.constant 32 : index
          %get3A_431 = tpu.vector_load %arg6[%get3A_429, %get3A_430] {strides = array<i32>} : memref<32x200xi32, #tpu.memory_space<vmem>>, vector<16xi32>,
          %get3A_432 = arith.index_cast %mul3A_418 : i32 to index
          %get3A_433 = arith.constant 48 : index
          %get3A_434 = tpu.vector_load %arg6[%get3A_432, %get3A_433] {strides = array<i32>} : memref<32x200xi32, #tpu.memory_space<vmem>>, vector<16xi32>,
          %get3A_435 = arith.index_cast %mul3A_418 : i32 to index
          %get3A_436 = arith.constant 64 : index
          %get3A_437 = tpu.vector_load %arg6[%get3A_435, %get3A_436] {strides = array<i32>} : memref<32x200xi32, #tpu.memory_space<vmem>>, vector<16xi32>,
          %get3A_438 = arith.index_cast %mul3A_418 : i32 to index
          %get3A_439 = arith.constant 80 : index
          %get3A_440 = tpu.vector_load %arg6[%get3A_438, %get3A_439] {strides = array<i32>} : memref<32x200xi32, #tpu.memory_space<vmem>>, vector<16xi32>,
          %get3A_441 = arith.index_cast %mul3A_418 : i32 to index
          %get3A_442 = arith.constant 96 : index
          %get3A_443 = tpu.vector_load %arg6[%get3A_441, %get3A_442] {strides = array<i32>} : memref<32x200xi32, #tpu.memory_space<vmem>>, vector<16xi32>,
          %get3A_444 = arith.index_cast %mul3A_418 : i32 to index
          %get3A_445 = arith.constant 112 : index
          %get3A_446 = tpu.vector_load %arg6[%get3A_444, %get3A_445] {strides = array<i32>} : memref<32x200xi32, #tpu.memory_space<vmem>>, vector<16xi32>,
          %get3A_447 = arith.index_cast %mul3A_418 : i32 to index
          %get3A_448 = arith.constant 128 : index
          %get3A_449 = tpu.vector_load %arg6[%get3A_447, %get3A_448] {strides = array<i32>} : memref<32x200xi32, #tpu.memory_space<vmem>>, vector<16xi32>,
          %get3A_450 = arith.index_cast %mul3A_418 : i32 to index
          %get3A_451 = arith.constant 144 : index
          %get3A_452 = tpu.vector_load %arg6[%get3A_450, %get3A_451] {strides = array<i32>} : memref<32x200xi32, #tpu.memory_space<vmem>>, vector<16xi32>,
          %get3A_453 = arith.index_cast %mul3A_418 : i32 to index
          %get3A_454 = arith.constant 160 : index
          %get3A_455 = tpu.vector_load %arg6[%get3A_453, %get3A_454] {strides = array<i32>} : memref<32x200xi32, #tpu.memory_space<vmem>>, vector<16xi32>,
          %get3A_456 = arith.index_cast %mul3A_418 : i32 to index
          %get3A_457 = arith.constant 176 : index
          %get3A_458 = tpu.vector_load %arg6[%get3A_456, %get3A_457] {strides = array<i32>} : memref<32x200xi32, #tpu.memory_space<vmem>>, vector<16xi32>,
          %get3A_459 = arith.index_cast %mul3A_418 : i32 to index
          %get3A_460 = arith.constant 184 : index
          %get3A_461 = tpu.vector_load %arg6[%get3A_459, %get3A_460] {strides = array<i32>} : memref<32x200xi32, #tpu.memory_space<vmem>>, vector<16xi32>,
          tpu.vector_store_idx %arg7[%get3A_425], %broadcast_in_dim3A_7 {add = true} : memref<1024xi32, #tpu.memory_space<vmem>>[vector<16xi32>], vector<16xi32>,
          tpu.vector_store_idx %arg7[%get3A_428], %broadcast_in_dim3A_7 {add = true} : memref<1024xi32, #tpu.memory_space<vmem>>[vector<16xi32>], vector<16xi32>,
          tpu.vector_store_idx %arg7[%get3A_431], %broadcast_in_dim3A_7 {add = true} : memref<1024xi32, #tpu.memory_space<vmem>>[vector<16xi32>], vector<16xi32>,
          tpu.vector_store_idx %arg7[%get3A_434], %broadcast_in_dim3A_7 {add = true} : memref<1024xi32, #tpu.memory_space<vmem>>[vector<16xi32>], vector<16xi32>,
          tpu.vector_store_idx %arg7[%get3A_437], %broadcast_in_dim3A_7 {add = true} : memref<1024xi32, #tpu.memory_space<vmem>>[vector<16xi32>], vector<16xi32>,
          tpu.vector_store_idx %arg7[%get3A_440], %broadcast_in_dim3A_7 {add = true} : memref<1024xi32, #tpu.memory_space<vmem>>[vector<16xi32>], vector<16xi32>,
          tpu.vector_store_idx %arg7[%get3A_443], %broadcast_in_dim3A_7 {add = true} : memref<1024xi32, #tpu.memory_space<vmem>>[vector<16xi32>], vector<16xi32>,
          tpu.vector_store_idx %arg7[%get3A_446], %broadcast_in_dim3A_7 {add = true} : memref<1024xi32, #tpu.memory_space<vmem>>[vector<16xi32>], vector<16xi32>,
          tpu.vector_store_idx %arg7[%get3A_449], %broadcast_in_dim3A_7 {add = true} : memref<1024xi32, #tpu.memory_space<vmem>>[vector<16xi32>], vector<16xi32>,
          tpu.vector_store_idx %arg7[%get3A_452], %broadcast_in_dim3A_7 {add = true} : memref<1024xi32, #tpu.memory_space<vmem>>[vector<16xi32>], vector<16xi32>,
          tpu.vector_store_idx %arg7[%get3A_455], %broadcast_in_dim3A_7 {add = true} : memref<1024xi32, #tpu.memory_space<vmem>>[vector<16xi32>], vector<16xi32>,
          tpu.vector_store_idx %arg7[%get3A_458], %broadcast_in_dim3A_7 {add = true} : memref<1024xi32, #tpu.memory_space<vmem>>[vector<16xi32>], vector<16xi32>,
          tpu.vector_store_idx %arg7[%get3A_461], %broadcast_in_dim3A_7 masked %ge3A_11 {add = true} : memref<1024xi32, #tpu.memory_space<vmem>>[vector<16xi32>], vector<16xi32>, vector<16xi1>
          %get3A_462 = arith.index_cast %add3A_422 : i32 to index
          %get3A_463 = arith.constant 0 : index
          %get3A_464 = tpu.vector_load %arg6[%get3A_462, %get3A_463] {strides = array<i32>} : memref<32x200xi32, #tpu.memory_space<vmem>>, vector<16xi32>,
          %get3A_465 = arith.index_cast %add3A_422 : i32 to index
          %get3A_466 = arith.constant 16 : index
          %get3A_467 = tpu.vector_load %arg6[%get3A_465, %get3A_466] {strides = array<i32>} : memref<32x200xi32, #tpu.memory_space<vmem>>, vector<16xi32>,
          %get3A_468 = arith.index_cast %add3A_422 : i32 to index
          %get3A_469 = arith.constant 32 : index
          %get3A_470 = tpu.vector_load %arg6[%get3A_468, %get3A_469] {strides = array<i32>} : memref<32x200xi32, #tpu.memory_space<vmem>>, vector<16xi32>,
          %get3A_471 = arith.index_cast %add3A_422 : i32 to index
          %get3A_472 = arith.constant 48 : index
          %get3A_473 = tpu.vector_load %arg6[%get3A_471, %get3A_472] {strides = array<i32>} : memref<32x200xi32, #tpu.memory_space<vmem>>, vector<16xi32>,
          %get3A_474 = arith.index_cast %add3A_422 : i32 to index
          %get3A_475 = arith.constant 64 : index
          %get3A_476 = tpu.vector_load %arg6[%get3A_474, %get3A_475] {strides = array<i32>} : memref<32x200xi32, #tpu.memory_space<vmem>>, vector<16xi32>,
          %get3A_477 = arith.index_cast %add3A_422 : i32 to index
          %get3A_478 = arith.constant 80 : index
          %get3A_479 = tpu.vector_load %arg6[%get3A_477, %get3A_478] {strides = array<i32>} : memref<32x200xi32, #tpu.memory_space<vmem>>, vector<16xi32>,
          %get3A_480 = arith.index_cast %add3A_422 : i32 to index
          %get3A_481 = arith.constant 96 : index
          %get3A_482 = tpu.vector_load %arg6[%get3A_480, %get3A_481] {strides = array<i32>} : memref<32x200xi32, #tpu.memory_space<vmem>>, vector<16xi32>,
          %get3A_483 = arith.index_cast %add3A_422 : i32 to index
          %get3A_484 = arith.constant 112 : index
          %get3A_485 = tpu.vector_load %arg6[%get3A_483, %get3A_484] {strides = array<i32>} : memref<32x200xi32, #tpu.memory_space<vmem>>, vector<16xi32>,
          %get3A_486 = arith.index_cast %add3A_422 : i32 to index
          %get3A_487 = arith.constant 128 : index
          %get3A_488 = tpu.vector_load %arg6[%get3A_486, %get3A_487] {strides = array<i32>} : memref<32x200xi32, #tpu.memory_space<vmem>>, vector<16xi32>,
          %get3A_489 = arith.index_cast %add3A_422 : i32 to index
          %get3A_490 = arith.constant 144 : index
          %get3A_491 = tpu.vector_load %arg6[%get3A_489, %get3A_490] {strides = array<i32>} : memref<32x200xi32, #tpu.memory_space<vmem>>, vector<16xi32>,
          %get3A_492 = arith.index_cast %add3A_422 : i32 to index
          %get3A_493 = arith.constant 160 : index
          %get3A_494 = tpu.vector_load %arg6[%get3A_492, %get3A_493] {strides = array<i32>} : memref<32x200xi32, #tpu.memory_space<vmem>>, vector<16xi32>,
          %get3A_495 = arith.index_cast %add3A_422 : i32 to index
          %get3A_496 = arith.constant 176 : index
          %get3A_497 = tpu.vector_load %arg6[%get3A_495, %get3A_496] {strides = array<i32>} : memref<32x200xi32, #tpu.memory_space<vmem>>, vector<16xi32>,
          %get3A_498 = arith.index_cast %add3A_422 : i32 to index
          %get3A_499 = arith.constant 184 : index
          %get3A_500 = tpu.vector_load %arg6[%get3A_498, %get3A_499] {strides = array<i32>} : memref<32x200xi32, #tpu.memory_space<vmem>>, vector<16xi32>,
          tpu.vector_store_idx %arg8[%get3A_464], %broadcast_in_dim3A_7 {add = true} : memref<1024xi32, #tpu.memory_space<vmem>>[vector<16xi32>], vector<16xi32>,
          tpu.vector_store_idx %arg8[%get3A_467], %broadcast_in_dim3A_7 {add = true} : memref<1024xi32, #tpu.memory_space<vmem>>[vector<16xi32>], vector<16xi32>,
          tpu.vector_store_idx %arg8[%get3A_470], %broadcast_in_dim3A_7 {add = true} : memref<1024xi32, #tpu.memory_space<vmem>>[vector<16xi32>], vector<16xi32>,
          tpu.vector_store_idx %arg8[%get3A_473], %broadcast_in_dim3A_7 {add = true} : memref<1024xi32, #tpu.memory_space<vmem>>[vector<16xi32>], vector<16xi32>,
          tpu.vector_store_idx %arg8[%get3A_476], %broadcast_in_dim3A_7 {add = true} : memref<1024xi32, #tpu.memory_space<vmem>>[vector<16xi32>], vector<16xi32>,
          tpu.vector_store_idx %arg8[%get3A_479], %broadcast_in_dim3A_7 {add = true} : memref<1024xi32, #tpu.memory_space<vmem>>[vector<16xi32>], vector<16xi32>,
          tpu.vector_store_idx %arg8[%get3A_482], %broadcast_in_dim3A_7 {add = true} : memref<1024xi32, #tpu.memory_space<vmem>>[vector<16xi32>], vector<16xi32>,
          tpu.vector_store_idx %arg8[%get3A_485], %broadcast_in_dim3A_7 {add = true} : memref<1024xi32, #tpu.memory_space<vmem>>[vector<16xi32>], vector<16xi32>,
          tpu.vector_store_idx %arg8[%get3A_488], %broadcast_in_dim3A_7 {add = true} : memref<1024xi32, #tpu.memory_space<vmem>>[vector<16xi32>], vector<16xi32>,
          tpu.vector_store_idx %arg8[%get3A_491], %broadcast_in_dim3A_7 {add = true} : memref<1024xi32, #tpu.memory_space<vmem>>[vector<16xi32>], vector<16xi32>,
          tpu.vector_store_idx %arg8[%get3A_494], %broadcast_in_dim3A_7 {add = true} : memref<1024xi32, #tpu.memory_space<vmem>>[vector<16xi32>], vector<16xi32>,
          tpu.vector_store_idx %arg8[%get3A_497], %broadcast_in_dim3A_7 {add = true} : memref<1024xi32, #tpu.memory_space<vmem>>[vector<16xi32>], vector<16xi32>,
          tpu.vector_store_idx %arg8[%get3A_500], %broadcast_in_dim3A_7 masked %ge3A_11 {add = true} : memref<1024xi32, #tpu.memory_space<vmem>>[vector<16xi32>], vector<16xi32>, vector<16xi1>
          %broadcast_in_dim3A_501 = arith.constant 0.000000e+00 : f32
          %broadcast_in_dim3A_502 = vector.broadcast %broadcast_in_dim3A_501 : f32 to vector<16xf32>
          %gather3A = tpu.vector_load_idx %arg7[%get3A_425] : memref<1024xi32, #tpu.memory_space<vmem>>[vector<16xi32>], vector<16xi32>,
          %convert_element_type3A_503 = arith.sitofp %gather3A : vector<16xi32> to vector<16xf32>
          %div3A = arith.constant 1.000000e+00 : f32
          %div3A_504 = vector.broadcast %div3A : f32 to vector<16xf32>
          %div3A_505 = arith.divf %div3A_504, %convert_element_type3A_503 : vector<16xf32>
          %add3A_506 = arith.addf %broadcast_in_dim3A_502, %div3A_505 : vector<16xf32>
          %gather3A_507 = tpu.vector_load_idx %arg7[%get3A_428] : memref<1024xi32, #tpu.memory_space<vmem>>[vector<16xi32>], vector<16xi32>,
          %convert_element_type3A_508 = arith.sitofp %gather3A_507 : vector<16xi32> to vector<16xf32>
          %div3A_509 = arith.constant 1.000000e+00 : f32
          %div3A_510 = vector.broadcast %div3A_509 : f32 to vector<16xf32>
          %div3A_511 = arith.divf %div3A_510, %convert_element_type3A_508 : vector<16xf32>
          %add3A_512 = arith.addf %add3A_506, %div3A_511 : vector<16xf32>
          %gather3A_513 = tpu.vector_load_idx %arg7[%get3A_431] : memref<1024xi32, #tpu.memory_space<vmem>>[vector<16xi32>], vector<16xi32>,
          %convert_element_type3A_514 = arith.sitofp %gather3A_513 : vector<16xi32> to vector<16xf32>
          %div3A_515 = arith.constant 1.000000e+00 : f32
          %div3A_516 = vector.broadcast %div3A_515 : f32 to vector<16xf32>
          %div3A_517 = arith.divf %div3A_516, %convert_element_type3A_514 : vector<16xf32>
          %add3A_518 = arith.addf %add3A_512, %div3A_517 : vector<16xf32>
          %gather3A_519 = tpu.vector_load_idx %arg7[%get3A_434] : memref<1024xi32, #tpu.memory_space<vmem>>[vector<16xi32>], vector<16xi32>,
          %convert_element_type3A_520 = arith.sitofp %gather3A_519 : vector<16xi32> to vector<16xf32>
          %div3A_521 = arith.constant 1.000000e+00 : f32
          %div3A_522 = vector.broadcast %div3A_521 : f32 to vector<16xf32>
          %div3A_523 = arith.divf %div3A_522, %convert_element_type3A_520 : vector<16xf32>
          %add3A_524 = arith.addf %add3A_518, %div3A_523 : vector<16xf32>
          %gather3A_525 = tpu.vector_load_idx %arg7[%get3A_437] : memref<1024xi32, #tpu.memory_space<vmem>>[vector<16xi32>], vector<16xi32>,
          %convert_element_type3A_526 = arith.sitofp %gather3A_525 : vector<16xi32> to vector<16xf32>
          %div3A_527 = arith.constant 1.000000e+00 : f32
          %div3A_528 = vector.broadcast %div3A_527 : f32 to vector<16xf32>
          %div3A_529 = arith.divf %div3A_528, %convert_element_type3A_526 : vector<16xf32>
          %add3A_530 = arith.addf %add3A_524, %div3A_529 : vector<16xf32>
          %gather3A_531 = tpu.vector_load_idx %arg7[%get3A_440] : memref<1024xi32, #tpu.memory_space<vmem>>[vector<16xi32>], vector<16xi32>,
          %convert_element_type3A_532 = arith.sitofp %gather3A_531 : vector<16xi32> to vector<16xf32>
          %div3A_533 = arith.constant 1.000000e+00 : f32
          %div3A_534 = vector.broadcast %div3A_533 : f32 to vector<16xf32>
          %div3A_535 = arith.divf %div3A_534, %convert_element_type3A_532 : vector<16xf32>
          %add3A_536 = arith.addf %add3A_530, %div3A_535 : vector<16xf32>
          %gather3A_537 = tpu.vector_load_idx %arg7[%get3A_443] : memref<1024xi32, #tpu.memory_space<vmem>>[vector<16xi32>], vector<16xi32>,
          %convert_element_type3A_538 = arith.sitofp %gather3A_537 : vector<16xi32> to vector<16xf32>
          %div3A_539 = arith.constant 1.000000e+00 : f32
          %div3A_540 = vector.broadcast %div3A_539 : f32 to vector<16xf32>
          %div3A_541 = arith.divf %div3A_540, %convert_element_type3A_538 : vector<16xf32>
          %add3A_542 = arith.addf %add3A_536, %div3A_541 : vector<16xf32>
          %gather3A_543 = tpu.vector_load_idx %arg7[%get3A_446] : memref<1024xi32, #tpu.memory_space<vmem>>[vector<16xi32>], vector<16xi32>,
          %convert_element_type3A_544 = arith.sitofp %gather3A_543 : vector<16xi32> to vector<16xf32>
          %div3A_545 = arith.constant 1.000000e+00 : f32
          %div3A_546 = vector.broadcast %div3A_545 : f32 to vector<16xf32>
          %div3A_547 = arith.divf %div3A_546, %convert_element_type3A_544 : vector<16xf32>
          %add3A_548 = arith.addf %add3A_542, %div3A_547 : vector<16xf32>
          %gather3A_549 = tpu.vector_load_idx %arg7[%get3A_449] : memref<1024xi32, #tpu.memory_space<vmem>>[vector<16xi32>], vector<16xi32>,
          %convert_element_type3A_550 = arith.sitofp %gather3A_549 : vector<16xi32> to vector<16xf32>
          %div3A_551 = arith.constant 1.000000e+00 : f32
          %div3A_552 = vector.broadcast %div3A_551 : f32 to vector<16xf32>
          %div3A_553 = arith.divf %div3A_552, %convert_element_type3A_550 : vector<16xf32>
          %add3A_554 = arith.addf %add3A_548, %div3A_553 : vector<16xf32>
          %gather3A_555 = tpu.vector_load_idx %arg7[%get3A_452] : memref<1024xi32, #tpu.memory_space<vmem>>[vector<16xi32>], vector<16xi32>,
          %convert_element_type3A_556 = arith.sitofp %gather3A_555 : vector<16xi32> to vector<16xf32>
          %div3A_557 = arith.constant 1.000000e+00 : f32
          %div3A_558 = vector.broadcast %div3A_557 : f32 to vector<16xf32>
          %div3A_559 = arith.divf %div3A_558, %convert_element_type3A_556 : vector<16xf32>
          %add3A_560 = arith.addf %add3A_554, %div3A_559 : vector<16xf32>
          %gather3A_561 = tpu.vector_load_idx %arg7[%get3A_455] : memref<1024xi32, #tpu.memory_space<vmem>>[vector<16xi32>], vector<16xi32>,
          %convert_element_type3A_562 = arith.sitofp %gather3A_561 : vector<16xi32> to vector<16xf32>
          %div3A_563 = arith.constant 1.000000e+00 : f32
          %div3A_564 = vector.broadcast %div3A_563 : f32 to vector<16xf32>
          %div3A_565 = arith.divf %div3A_564, %convert_element_type3A_562 : vector<16xf32>
          %add3A_566 = arith.addf %add3A_560, %div3A_565 : vector<16xf32>
          %gather3A_567 = tpu.vector_load_idx %arg7[%get3A_458] : memref<1024xi32, #tpu.memory_space<vmem>>[vector<16xi32>], vector<16xi32>,
          %convert_element_type3A_568 = arith.sitofp %gather3A_567 : vector<16xi32> to vector<16xf32>
          %div3A_569 = arith.constant 1.000000e+00 : f32
          %div3A_570 = vector.broadcast %div3A_569 : f32 to vector<16xf32>
          %div3A_571 = arith.divf %div3A_570, %convert_element_type3A_568 : vector<16xf32>
          %add3A_572 = arith.addf %add3A_566, %div3A_571 : vector<16xf32>
          %gather3A_573 = tpu.vector_load_idx %arg7[%get3A_461] : memref<1024xi32, #tpu.memory_space<vmem>>[vector<16xi32>], vector<16xi32>,
          %convert_element_type3A_574 = arith.sitofp %gather3A_573 : vector<16xi32> to vector<16xf32>
          %div3A_575 = arith.constant 1.000000e+00 : f32
          %div3A_576 = vector.broadcast %div3A_575 : f32 to vector<16xf32>
          %div3A_577 = arith.divf %div3A_576, %convert_element_type3A_574 : vector<16xf32>
          %select_n3A = arith.select %ge3A_11, %div3A_577, %broadcast_in_dim3A_5 : vector<16xi1>, vector<16xf32>
          %add3A_578 = arith.addf %add3A_572, %select_n3A : vector<16xf32>
          %reduce_sum3A_579 = arith.constant true
          %reduce_sum3A_580 = vector.broadcast %reduce_sum3A_579 : i1 to vector<16xi1>
          %reduce_sum3A_581 = tpu.scan <sum>, %add3A_578 masked %reduce_sum3A_580 : vector<16xf32>, vector<16xi1> -> vector<16xf32>
          %reduce_sum3A_582 = vector.extract %reduce_sum3A_581[15] : f32 from vector<16xf32>
          %add3A_583 = arith.constant 2.500000e-01 : f32
          %add3A_584 = arith.addf %reduce_sum3A_582, %add3A_583 : f32
          %convert_element_type3A_585 = arith.fptosi %add3A_584 : f32 to i32
          %add3A_586 = arith.constant 1 : i32
          %add3A_587 = arith.addi %convert_element_type3A_585, %add3A_586 : i32
          %mul3A_588 = arith.constant 32 : i32
          %mul3A_589 = arith.muli %scan3A_379, %mul3A_588 : i32
          %add3A_590 = arith.addi %mul3A_589, %mul3A_418 : i32
          %broadcast_in_dim3A_591 = vector.broadcast %add3A_590 : i32 to vector<16xi32>
          %broadcast_in_dim3A_592 = vector.broadcast %add3A_587 : i32 to vector<16xi32>
          tpu.vector_store_idx %arg9[%broadcast_in_dim3A_591], %broadcast_in_dim3A_592 masked %eq3A_9 : memref<512xi32, #tpu.memory_space<vmem>>[vector<16xi32>], vector<16xi32>, vector<16xi1>
          tpu.vector_store_idx %arg7[%get3A_425], %broadcast_in_dim3A_3 : memref<1024xi32, #tpu.memory_space<vmem>>[vector<16xi32>], vector<16xi32>,
          tpu.vector_store_idx %arg7[%get3A_428], %broadcast_in_dim3A_3 : memref<1024xi32, #tpu.memory_space<vmem>>[vector<16xi32>], vector<16xi32>,
          tpu.vector_store_idx %arg7[%get3A_431], %broadcast_in_dim3A_3 : memref<1024xi32, #tpu.memory_space<vmem>>[vector<16xi32>], vector<16xi32>,
          tpu.vector_store_idx %arg7[%get3A_434], %broadcast_in_dim3A_3 : memref<1024xi32, #tpu.memory_space<vmem>>[vector<16xi32>], vector<16xi32>,
          tpu.vector_store_idx %arg7[%get3A_437], %broadcast_in_dim3A_3 : memref<1024xi32, #tpu.memory_space<vmem>>[vector<16xi32>], vector<16xi32>,
          tpu.vector_store_idx %arg7[%get3A_440], %broadcast_in_dim3A_3 : memref<1024xi32, #tpu.memory_space<vmem>>[vector<16xi32>], vector<16xi32>,
          tpu.vector_store_idx %arg7[%get3A_443], %broadcast_in_dim3A_3 : memref<1024xi32, #tpu.memory_space<vmem>>[vector<16xi32>], vector<16xi32>,
          tpu.vector_store_idx %arg7[%get3A_446], %broadcast_in_dim3A_3 : memref<1024xi32, #tpu.memory_space<vmem>>[vector<16xi32>], vector<16xi32>,
          tpu.vector_store_idx %arg7[%get3A_449], %broadcast_in_dim3A_3 : memref<1024xi32, #tpu.memory_space<vmem>>[vector<16xi32>], vector<16xi32>,
          tpu.vector_store_idx %arg7[%get3A_452], %broadcast_in_dim3A_3 : memref<1024xi32, #tpu.memory_space<vmem>>[vector<16xi32>], vector<16xi32>,
          tpu.vector_store_idx %arg7[%get3A_455], %broadcast_in_dim3A_3 : memref<1024xi32, #tpu.memory_space<vmem>>[vector<16xi32>], vector<16xi32>,
          tpu.vector_store_idx %arg7[%get3A_458], %broadcast_in_dim3A_3 : memref<1024xi32, #tpu.memory_space<vmem>>[vector<16xi32>], vector<16xi32>,
          tpu.vector_store_idx %arg7[%get3A_461], %broadcast_in_dim3A_3 : memref<1024xi32, #tpu.memory_space<vmem>>[vector<16xi32>], vector<16xi32>,
          %broadcast_in_dim3A_593 = arith.constant 0.000000e+00 : f32
          %broadcast_in_dim3A_594 = vector.broadcast %broadcast_in_dim3A_593 : f32 to vector<16xf32>
          %gather3A_595 = tpu.vector_load_idx %arg8[%get3A_464] : memref<1024xi32, #tpu.memory_space<vmem>>[vector<16xi32>], vector<16xi32>,
          %convert_element_type3A_596 = arith.sitofp %gather3A_595 : vector<16xi32> to vector<16xf32>
          %div3A_597 = arith.constant 1.000000e+00 : f32
          %div3A_598 = vector.broadcast %div3A_597 : f32 to vector<16xf32>
          %div3A_599 = arith.divf %div3A_598, %convert_element_type3A_596 : vector<16xf32>
          %add3A_600 = arith.addf %broadcast_in_dim3A_594, %div3A_599 : vector<16xf32>
          %gather3A_601 = tpu.vector_load_idx %arg8[%get3A_467] : memref<1024xi32, #tpu.memory_space<vmem>>[vector<16xi32>], vector<16xi32>,
          %convert_element_type3A_602 = arith.sitofp %gather3A_601 : vector<16xi32> to vector<16xf32>
          %div3A_603 = arith.constant 1.000000e+00 : f32
          %div3A_604 = vector.broadcast %div3A_603 : f32 to vector<16xf32>
          %div3A_605 = arith.divf %div3A_604, %convert_element_type3A_602 : vector<16xf32>
          %add3A_606 = arith.addf %add3A_600, %div3A_605 : vector<16xf32>
          %gather3A_607 = tpu.vector_load_idx %arg8[%get3A_470] : memref<1024xi32, #tpu.memory_space<vmem>>[vector<16xi32>], vector<16xi32>,
          %convert_element_type3A_608 = arith.sitofp %gather3A_607 : vector<16xi32> to vector<16xf32>
          %div3A_609 = arith.constant 1.000000e+00 : f32
          %div3A_610 = vector.broadcast %div3A_609 : f32 to vector<16xf32>
          %div3A_611 = arith.divf %div3A_610, %convert_element_type3A_608 : vector<16xf32>
          %add3A_612 = arith.addf %add3A_606, %div3A_611 : vector<16xf32>
          %gather3A_613 = tpu.vector_load_idx %arg8[%get3A_473] : memref<1024xi32, #tpu.memory_space<vmem>>[vector<16xi32>], vector<16xi32>,
          %convert_element_type3A_614 = arith.sitofp %gather3A_613 : vector<16xi32> to vector<16xf32>
          %div3A_615 = arith.constant 1.000000e+00 : f32
          %div3A_616 = vector.broadcast %div3A_615 : f32 to vector<16xf32>
          %div3A_617 = arith.divf %div3A_616, %convert_element_type3A_614 : vector<16xf32>
          %add3A_618 = arith.addf %add3A_612, %div3A_617 : vector<16xf32>
          %gather3A_619 = tpu.vector_load_idx %arg8[%get3A_476] : memref<1024xi32, #tpu.memory_space<vmem>>[vector<16xi32>], vector<16xi32>,
          %convert_element_type3A_620 = arith.sitofp %gather3A_619 : vector<16xi32> to vector<16xf32>
          %div3A_621 = arith.constant 1.000000e+00 : f32
          %div3A_622 = vector.broadcast %div3A_621 : f32 to vector<16xf32>
          %div3A_623 = arith.divf %div3A_622, %convert_element_type3A_620 : vector<16xf32>
          %add3A_624 = arith.addf %add3A_618, %div3A_623 : vector<16xf32>
          %gather3A_625 = tpu.vector_load_idx %arg8[%get3A_479] : memref<1024xi32, #tpu.memory_space<vmem>>[vector<16xi32>], vector<16xi32>,
          %convert_element_type3A_626 = arith.sitofp %gather3A_625 : vector<16xi32> to vector<16xf32>
          %div3A_627 = arith.constant 1.000000e+00 : f32
          %div3A_628 = vector.broadcast %div3A_627 : f32 to vector<16xf32>
          %div3A_629 = arith.divf %div3A_628, %convert_element_type3A_626 : vector<16xf32>
          %add3A_630 = arith.addf %add3A_624, %div3A_629 : vector<16xf32>
          %gather3A_631 = tpu.vector_load_idx %arg8[%get3A_482] : memref<1024xi32, #tpu.memory_space<vmem>>[vector<16xi32>], vector<16xi32>,
          %convert_element_type3A_632 = arith.sitofp %gather3A_631 : vector<16xi32> to vector<16xf32>
          %div3A_633 = arith.constant 1.000000e+00 : f32
          %div3A_634 = vector.broadcast %div3A_633 : f32 to vector<16xf32>
          %div3A_635 = arith.divf %div3A_634, %convert_element_type3A_632 : vector<16xf32>
          %add3A_636 = arith.addf %add3A_630, %div3A_635 : vector<16xf32>
          %gather3A_637 = tpu.vector_load_idx %arg8[%get3A_485] : memref<1024xi32, #tpu.memory_space<vmem>>[vector<16xi32>], vector<16xi32>,
          %convert_element_type3A_638 = arith.sitofp %gather3A_637 : vector<16xi32> to vector<16xf32>
          %div3A_639 = arith.constant 1.000000e+00 : f32
          %div3A_640 = vector.broadcast %div3A_639 : f32 to vector<16xf32>
          %div3A_641 = arith.divf %div3A_640, %convert_element_type3A_638 : vector<16xf32>
          %add3A_642 = arith.addf %add3A_636, %div3A_641 : vector<16xf32>
          %gather3A_643 = tpu.vector_load_idx %arg8[%get3A_488] : memref<1024xi32, #tpu.memory_space<vmem>>[vector<16xi32>], vector<16xi32>,
          %convert_element_type3A_644 = arith.sitofp %gather3A_643 : vector<16xi32> to vector<16xf32>
          %div3A_645 = arith.constant 1.000000e+00 : f32
          %div3A_646 = vector.broadcast %div3A_645 : f32 to vector<16xf32>
          %div3A_647 = arith.divf %div3A_646, %convert_element_type3A_644 : vector<16xf32>
          %add3A_648 = arith.addf %add3A_642, %div3A_647 : vector<16xf32>
          %gather3A_649 = tpu.vector_load_idx %arg8[%get3A_491] : memref<1024xi32, #tpu.memory_space<vmem>>[vector<16xi32>], vector<16xi32>,
          %convert_element_type3A_650 = arith.sitofp %gather3A_649 : vector<16xi32> to vector<16xf32>
          %div3A_651 = arith.constant 1.000000e+00 : f32
          %div3A_652 = vector.broadcast %div3A_651 : f32 to vector<16xf32>
          %div3A_653 = arith.divf %div3A_652, %convert_element_type3A_650 : vector<16xf32>
          %add3A_654 = arith.addf %add3A_648, %div3A_653 : vector<16xf32>
          %gather3A_655 = tpu.vector_load_idx %arg8[%get3A_494] : memref<1024xi32, #tpu.memory_space<vmem>>[vector<16xi32>], vector<16xi32>,
          %convert_element_type3A_656 = arith.sitofp %gather3A_655 : vector<16xi32> to vector<16xf32>
          %div3A_657 = arith.constant 1.000000e+00 : f32
          %div3A_658 = vector.broadcast %div3A_657 : f32 to vector<16xf32>
          %div3A_659 = arith.divf %div3A_658, %convert_element_type3A_656 : vector<16xf32>
          %add3A_660 = arith.addf %add3A_654, %div3A_659 : vector<16xf32>
          %gather3A_661 = tpu.vector_load_idx %arg8[%get3A_497] : memref<1024xi32, #tpu.memory_space<vmem>>[vector<16xi32>], vector<16xi32>,
          %convert_element_type3A_662 = arith.sitofp %gather3A_661 : vector<16xi32> to vector<16xf32>
          %div3A_663 = arith.constant 1.000000e+00 : f32
          %div3A_664 = vector.broadcast %div3A_663 : f32 to vector<16xf32>
          %div3A_665 = arith.divf %div3A_664, %convert_element_type3A_662 : vector<16xf32>
          %add3A_666 = arith.addf %add3A_660, %div3A_665 : vector<16xf32>
          %gather3A_667 = tpu.vector_load_idx %arg8[%get3A_500] : memref<1024xi32, #tpu.memory_space<vmem>>[vector<16xi32>], vector<16xi32>,
          %convert_element_type3A_668 = arith.sitofp %gather3A_667 : vector<16xi32> to vector<16xf32>
          %div3A_669 = arith.constant 1.000000e+00 : f32
          %div3A_670 = vector.broadcast %div3A_669 : f32 to vector<16xf32>
          %div3A_671 = arith.divf %div3A_670, %convert_element_type3A_668 : vector<16xf32>
          %select_n3A_672 = arith.select %ge3A_11, %div3A_671, %broadcast_in_dim3A_5 : vector<16xi1>, vector<16xf32>
          %add3A_673 = arith.addf %add3A_666, %select_n3A_672 : vector<16xf32>
          %reduce_sum3A_674 = arith.constant true
          %reduce_sum3A_675 = vector.broadcast %reduce_sum3A_674 : i1 to vector<16xi1>
          %reduce_sum3A_676 = tpu.scan <sum>, %add3A_673 masked %reduce_sum3A_675 : vector<16xf32>, vector<16xi1> -> vector<16xf32>
          %reduce_sum3A_677 = vector.extract %reduce_sum3A_676[15] : f32 from vector<16xf32>
          %add3A_678 = arith.constant 2.500000e-01 : f32
          %add3A_679 = arith.addf %reduce_sum3A_677, %add3A_678 : f32
          %convert_element_type3A_680 = arith.fptosi %add3A_679 : f32 to i32
          %add3A_681 = arith.constant 1 : i32
          %add3A_682 = arith.addi %convert_element_type3A_680, %add3A_681 : i32
          %mul3A_683 = arith.constant 32 : i32
          %mul3A_684 = arith.muli %scan3A_379, %mul3A_683 : i32
          %add3A_685 = arith.addi %mul3A_684, %add3A_422 : i32
          %broadcast_in_dim3A_686 = vector.broadcast %add3A_685 : i32 to vector<16xi32>
          %broadcast_in_dim3A_687 = vector.broadcast %add3A_682 : i32 to vector<16xi32>
          tpu.vector_store_idx %arg9[%broadcast_in_dim3A_686], %broadcast_in_dim3A_687 masked %eq3A_9 : memref<512xi32, #tpu.memory_space<vmem>>[vector<16xi32>], vector<16xi32>, vector<16xi1>
          tpu.vector_store_idx %arg8[%get3A_464], %broadcast_in_dim3A_3 : memref<1024xi32, #tpu.memory_space<vmem>>[vector<16xi32>], vector<16xi32>,
          tpu.vector_store_idx %arg8[%get3A_467], %broadcast_in_dim3A_3 : memref<1024xi32, #tpu.memory_space<vmem>>[vector<16xi32>], vector<16xi32>,
          tpu.vector_store_idx %arg8[%get3A_470], %broadcast_in_dim3A_3 : memref<1024xi32, #tpu.memory_space<vmem>>[vector<16xi32>], vector<16xi32>,
          tpu.vector_store_idx %arg8[%get3A_473], %broadcast_in_dim3A_3 : memref<1024xi32, #tpu.memory_space<vmem>>[vector<16xi32>], vector<16xi32>,
          tpu.vector_store_idx %arg8[%get3A_476], %broadcast_in_dim3A_3 : memref<1024xi32, #tpu.memory_space<vmem>>[vector<16xi32>], vector<16xi32>,
          tpu.vector_store_idx %arg8[%get3A_479], %broadcast_in_dim3A_3 : memref<1024xi32, #tpu.memory_space<vmem>>[vector<16xi32>], vector<16xi32>,
          tpu.vector_store_idx %arg8[%get3A_482], %broadcast_in_dim3A_3 : memref<1024xi32, #tpu.memory_space<vmem>>[vector<16xi32>], vector<16xi32>,
          tpu.vector_store_idx %arg8[%get3A_485], %broadcast_in_dim3A_3 : memref<1024xi32, #tpu.memory_space<vmem>>[vector<16xi32>], vector<16xi32>,
          tpu.vector_store_idx %arg8[%get3A_488], %broadcast_in_dim3A_3 : memref<1024xi32, #tpu.memory_space<vmem>>[vector<16xi32>], vector<16xi32>,
          tpu.vector_store_idx %arg8[%get3A_491], %broadcast_in_dim3A_3 : memref<1024xi32, #tpu.memory_space<vmem>>[vector<16xi32>], vector<16xi32>,
          tpu.vector_store_idx %arg8[%get3A_494], %broadcast_in_dim3A_3 : memref<1024xi32, #tpu.memory_space<vmem>>[vector<16xi32>], vector<16xi32>,
          tpu.vector_store_idx %arg8[%get3A_497], %broadcast_in_dim3A_3 : memref<1024xi32, #tpu.memory_space<vmem>>[vector<16xi32>], vector<16xi32>,
          tpu.vector_store_idx %arg8[%get3A_500], %broadcast_in_dim3A_3 : memref<1024xi32, #tpu.memory_space<vmem>>[vector<16xi32>], vector<16xi32>,
          %scan3A_688 = arith.constant 0 : i32
          scf.yield %scan3A_688 : i32
        }
        %scan3A_414 = arith.constant 16 : i32
      } else {
      }
      %scan3A_401 = arith.constant 0 : i32
      scf.yield %scan3A_401 : i32
    }
    %scan3A_277 = arith.constant 16 : i32
    %get3A = arith.constant 0 : index
    %get3A_278 = tpu.vector_load %arg9[%get3A] {strides = array<i32>} : memref<512xi32, #tpu.memory_space<vmem>>, vector<16xi32>,
    %add3A_279 = arith.addi %broadcast_in_dim3A_3, %get3A_278 : vector<16xi32>
    %get3A_280 = arith.constant 16 : index
    %get3A_281 = tpu.vector_load %arg9[%get3A_280] {strides = array<i32>} : memref<512xi32, #tpu.memory_space<vmem>>, vector<16xi32>,
    %add3A_282 = arith.addi %add3A_279, %get3A_281 : vector<16xi32>
    %get3A_283 = arith.constant 32 : index
    %get3A_284 = tpu.vector_load %arg9[%get3A_283] {strides = array<i32>} : memref<512xi32, #tpu.memory_space<vmem>>, vector<16xi32>,
    %add3A_285 = arith.addi %add3A_282, %get3A_284 : vector<16xi32>
    %get3A_286 = arith.constant 48 : index
    %get3A_287 = tpu.vector_load %arg9[%get3A_286] {strides = array<i32>} : memref<512xi32, #tpu.memory_space<vmem>>, vector<16xi32>,
    %add3A_288 = arith.addi %add3A_285, %get3A_287 : vector<16xi32>
    %get3A_289 = arith.constant 64 : index
    %get3A_290 = tpu.vector_load %arg9[%get3A_289] {strides = array<i32>} : memref<512xi32, #tpu.memory_space<vmem>>, vector<16xi32>,
    %add3A_291 = arith.addi %add3A_288, %get3A_290 : vector<16xi32>
    %get3A_292 = arith.constant 80 : index
    %get3A_293 = tpu.vector_load %arg9[%get3A_292] {strides = array<i32>} : memref<512xi32, #tpu.memory_space<vmem>>, vector<16xi32>,
    %add3A_294 = arith.addi %add3A_291, %get3A_293 : vector<16xi32>
    %get3A_295 = arith.constant 96 : index
    %get3A_296 = tpu.vector_load %arg9[%get3A_295] {strides = array<i32>} : memref<512xi32, #tpu.memory_space<vmem>>, vector<16xi32>,
    %add3A_297 = arith.addi %add3A_294, %get3A_296 : vector<16xi32>
    %get3A_298 = arith.constant 112 : index
    %get3A_299 = tpu.vector_load %arg9[%get3A_298] {strides = array<i32>} : memref<512xi32, #tpu.memory_space<vmem>>, vector<16xi32>,
    %add3A_300 = arith.addi %add3A_297, %get3A_299 : vector<16xi32>
    %get3A_301 = arith.constant 128 : index
    %get3A_302 = tpu.vector_load %arg9[%get3A_301] {strides = array<i32>} : memref<512xi32, #tpu.memory_space<vmem>>, vector<16xi32>,
    %add3A_303 = arith.addi %add3A_300, %get3A_302 : vector<16xi32>
    %get3A_304 = arith.constant 144 : index
    %get3A_305 = tpu.vector_load %arg9[%get3A_304] {strides = array<i32>} : memref<512xi32, #tpu.memory_space<vmem>>, vector<16xi32>,
    %add3A_306 = arith.addi %add3A_303, %get3A_305 : vector<16xi32>
    %get3A_307 = arith.constant 160 : index
    %get3A_308 = tpu.vector_load %arg9[%get3A_307] {strides = array<i32>} : memref<512xi32, #tpu.memory_space<vmem>>, vector<16xi32>,
    %add3A_309 = arith.addi %add3A_306, %get3A_308 : vector<16xi32>
    %get3A_310 = arith.constant 176 : index
    %get3A_311 = tpu.vector_load %arg9[%get3A_310] {strides = array<i32>} : memref<512xi32, #tpu.memory_space<vmem>>, vector<16xi32>,
    %add3A_312 = arith.addi %add3A_309, %get3A_311 : vector<16xi32>
    %get3A_313 = arith.constant 192 : index
    %get3A_314 = tpu.vector_load %arg9[%get3A_313] {strides = array<i32>} : memref<512xi32, #tpu.memory_space<vmem>>, vector<16xi32>,
    %add3A_315 = arith.addi %add3A_312, %get3A_314 : vector<16xi32>
    %get3A_316 = arith.constant 208 : index
    %get3A_317 = tpu.vector_load %arg9[%get3A_316] {strides = array<i32>} : memref<512xi32, #tpu.memory_space<vmem>>, vector<16xi32>,
    %add3A_318 = arith.addi %add3A_315, %get3A_317 : vector<16xi32>
    %get3A_319 = arith.constant 224 : index
    %get3A_320 = tpu.vector_load %arg9[%get3A_319] {strides = array<i32>} : memref<512xi32, #tpu.memory_space<vmem>>, vector<16xi32>,
    %add3A_321 = arith.addi %add3A_318, %get3A_320 : vector<16xi32>
    %get3A_322 = arith.constant 240 : index
    %get3A_323 = tpu.vector_load %arg9[%get3A_322] {strides = array<i32>} : memref<512xi32, #tpu.memory_space<vmem>>, vector<16xi32>,
    %add3A_324 = arith.addi %add3A_321, %get3A_323 : vector<16xi32>
    %get3A_325 = arith.constant 256 : index
    %get3A_326 = tpu.vector_load %arg9[%get3A_325] {strides = array<i32>} : memref<512xi32, #tpu.memory_space<vmem>>, vector<16xi32>,
    %add3A_327 = arith.addi %add3A_324, %get3A_326 : vector<16xi32>
    %get3A_328 = arith.constant 272 : index
    %get3A_329 = tpu.vector_load %arg9[%get3A_328] {strides = array<i32>} : memref<512xi32, #tpu.memory_space<vmem>>, vector<16xi32>,
    %add3A_330 = arith.addi %add3A_327, %get3A_329 : vector<16xi32>
    %get3A_331 = arith.constant 288 : index
    %get3A_332 = tpu.vector_load %arg9[%get3A_331] {strides = array<i32>} : memref<512xi32, #tpu.memory_space<vmem>>, vector<16xi32>,
    %add3A_333 = arith.addi %add3A_330, %get3A_332 : vector<16xi32>
    %get3A_334 = arith.constant 304 : index
    %get3A_335 = tpu.vector_load %arg9[%get3A_334] {strides = array<i32>} : memref<512xi32, #tpu.memory_space<vmem>>, vector<16xi32>,
    %add3A_336 = arith.addi %add3A_333, %get3A_335 : vector<16xi32>
    %get3A_337 = arith.constant 320 : index
    %get3A_338 = tpu.vector_load %arg9[%get3A_337] {strides = array<i32>} : memref<512xi32, #tpu.memory_space<vmem>>, vector<16xi32>,
    %add3A_339 = arith.addi %add3A_336, %get3A_338 : vector<16xi32>
    %get3A_340 = arith.constant 336 : index
    %get3A_341 = tpu.vector_load %arg9[%get3A_340] {strides = array<i32>} : memref<512xi32, #tpu.memory_space<vmem>>, vector<16xi32>,
    %add3A_342 = arith.addi %add3A_339, %get3A_341 : vector<16xi32>
    %get3A_343 = arith.constant 352 : index
    %get3A_344 = tpu.vector_load %arg9[%get3A_343] {strides = array<i32>} : memref<512xi32, #tpu.memory_space<vmem>>, vector<16xi32>,
    %add3A_345 = arith.addi %add3A_342, %get3A_344 : vector<16xi32>
    %get3A_346 = arith.constant 368 : index
    %get3A_347 = tpu.vector_load %arg9[%get3A_346] {strides = array<i32>} : memref<512xi32, #tpu.memory_space<vmem>>, vector<16xi32>,
    %add3A_348 = arith.addi %add3A_345, %get3A_347 : vector<16xi32>
    %get3A_349 = arith.constant 384 : index
    %get3A_350 = tpu.vector_load %arg9[%get3A_349] {strides = array<i32>} : memref<512xi32, #tpu.memory_space<vmem>>, vector<16xi32>,
    %add3A_351 = arith.addi %add3A_348, %get3A_350 : vector<16xi32>
    %get3A_352 = arith.constant 400 : index
    %get3A_353 = tpu.vector_load %arg9[%get3A_352] {strides = array<i32>} : memref<512xi32, #tpu.memory_space<vmem>>, vector<16xi32>,
    %add3A_354 = arith.addi %add3A_351, %get3A_353 : vector<16xi32>
    %get3A_355 = arith.constant 416 : index
    %get3A_356 = tpu.vector_load %arg9[%get3A_355] {strides = array<i32>} : memref<512xi32, #tpu.memory_space<vmem>>, vector<16xi32>,
    %add3A_357 = arith.addi %add3A_354, %get3A_356 : vector<16xi32>
    %get3A_358 = arith.constant 432 : index
    %get3A_359 = tpu.vector_load %arg9[%get3A_358] {strides = array<i32>} : memref<512xi32, #tpu.memory_space<vmem>>, vector<16xi32>,
    %add3A_360 = arith.addi %add3A_357, %get3A_359 : vector<16xi32>
    %get3A_361 = arith.constant 448 : index
    %get3A_362 = tpu.vector_load %arg9[%get3A_361] {strides = array<i32>} : memref<512xi32, #tpu.memory_space<vmem>>, vector<16xi32>,
    %add3A_363 = arith.addi %add3A_360, %get3A_362 : vector<16xi32>
    %get3A_364 = arith.constant 464 : index
    %get3A_365 = tpu.vector_load %arg9[%get3A_364] {strides = array<i32>} : memref<512xi32, #tpu.memory_space<vmem>>, vector<16xi32>,
    %add3A_366 = arith.addi %add3A_363, %get3A_365 : vector<16xi32>
    %get3A_367 = arith.constant 480 : index
    %get3A_368 = tpu.vector_load %arg9[%get3A_367] {strides = array<i32>} : memref<512xi32, #tpu.memory_space<vmem>>, vector<16xi32>,
    %add3A_369 = arith.addi %add3A_366, %get3A_368 : vector<16xi32>
    %get3A_370 = arith.constant 496 : index
    %get3A_371 = tpu.vector_load %arg9[%get3A_370] {strides = array<i32>} : memref<512xi32, #tpu.memory_space<vmem>>, vector<16xi32>,
    %add3A_372 = arith.addi %add3A_369, %get3A_371 : vector<16xi32>
    %reduce_sum3A = arith.constant true
    %reduce_sum3A_373 = vector.broadcast %reduce_sum3A : i1 to vector<16xi1>
    %reduce_sum3A_374 = tpu.scan <sum>, %add3A_372 masked %reduce_sum3A_373 : vector<16xi32>, vector<16xi1> -> vector<16xi32>
    %reduce_sum3A_375 = vector.extract %reduce_sum3A_374[15] : i32 from vector<16xi32>
    %broadcast_in_dim3A_376 = vector.broadcast %reduce_sum3A_375 : i32 to vector<16xi32>
    %swap3A_377 = arith.constant 0 : index
    %swap3A_378 = tpu.vector_load %arg10[%swap3A_377] {strides = array<i32>} : memref<16xi32, #tpu.memory_space<vmem>>, vector<16xi32>,
    tpu.vector_store %arg10[%swap3A_377], %broadcast_in_dim3A_376 {strides = array<i32>} : memref<16xi32, #tpu.memory_space<vmem>>, vector<16xi32>,
    "tpu.region"() ({
      %run_scoped3A = tpu.sem_alloc : memref<!tpu.dma_semaphore, #tpu.memory_space<semaphore_mem>>
      %dma_start3A_379 = tpu.memref_slice %arg3[%mul3A_2] : memref<16384xi32, #tpu.memory_space<hbm>> -> memref<512xi32, #tpu.memory_space<hbm>>
      %dma_start3A_380 = tpu.memref_slice %arg3[%mul3A_2] : memref<16384xi32, #tpu.memory_space<hbm>> -> memref<512xi32, #tpu.memory_space<hbm>>
      tpu.enqueue_dma source(%arg9 : memref<512xi32, #tpu.memory_space<vmem>>) target(%dma_start3A_380 : memref<512xi32, #tpu.memory_space<hbm>>) target_semaphore(%run_scoped3A : memref<!tpu.dma_semaphore, #tpu.memory_space<semaphore_mem>>)
      %dma_wait3A = tpu.memref_slice %arg3[%mul3A_2] : memref<16384xi32, #tpu.memory_space<hbm>> -> memref<512xi32, #tpu.memory_space<hbm>>
      %dma_wait3A_381 = tpu.memref_slice %arg3[%mul3A_2] : memref<16384xi32, #tpu.memory_space<hbm>> -> memref<512xi32, #tpu.memory_space<hbm>>
      tpu.wait_dma2 semaphore(%run_scoped3A : memref<!tpu.dma_semaphore, #tpu.memory_space<semaphore_mem>>) src(%arg9 : memref<512xi32, #tpu.memory_space<vmem>>) dst(%dma_wait3A_381 : memref<512xi32, #tpu.memory_space<hbm>>)
      tpu.yield
    }) : () -> ()
    "tpu.region"() ({
      %run_scoped3A = tpu.sem_alloc : memref<!tpu.dma_semaphore, #tpu.memory_space<semaphore_mem>>
      %dma_start3A_379 = arith.constant 0 : i32
      %dma_start3A_380 = tpu.memref_slice %arg4[%add3A, %dma_start3A_379] : memref<32x16xi32, #tpu.memory_space<hbm>> -> memref<1x16xi32, #tpu.memory_space<hbm>>
      %dma_start3A_381 = tpu.memref_squeeze %dma_start3A_380 : memref<1x16xi32, #tpu.memory_space<hbm>> -> memref<16xi32, #tpu.memory_space<hbm>>
      %dma_start3A_382 = arith.constant 0 : i32
      %dma_start3A_383 = tpu.memref_slice %arg4[%add3A, %dma_start3A_382] : memref<32x16xi32, #tpu.memory_space<hbm>> -> memref<1x16xi32, #tpu.memory_space<hbm>>
      %dma_start3A_384 = tpu.memref_squeeze %dma_start3A_383 : memref<1x16xi32, #tpu.memory_space<hbm>> -> memref<16xi32, #tpu.memory_space<hbm>>
      tpu.enqueue_dma source(%arg10 : memref<16xi32, #tpu.memory_space<vmem>>) target(%dma_start3A_384 : memref<16xi32, #tpu.memory_space<hbm>>) target_semaphore(%run_scoped3A : memref<!tpu.dma_semaphore, #tpu.memory_space<semaphore_mem>>)
      %dma_wait3A = arith.constant 0 : i32
      %dma_wait3A_385 = tpu.memref_slice %arg4[%add3A, %dma_wait3A] : memref<32x16xi32, #tpu.memory_space<hbm>> -> memref<1x16xi32, #tpu.memory_space<hbm>>
      %dma_wait3A_386 = tpu.memref_squeeze %dma_wait3A_385 : memref<1x16xi32, #tpu.memory_space<hbm>> -> memref<16xi32, #tpu.memory_space<hbm>>
      %dma_wait3A_387 = arith.constant 0 : i32
      %dma_wait3A_388 = tpu.memref_slice %arg4[%add3A, %dma_wait3A_387] : memref<32x16xi32, #tpu.memory_space<hbm>> -> memref<1x16xi32, #tpu.memory_space<hbm>>
      %dma_wait3A_389 = tpu.memref_squeeze %dma_wait3A_388 : memref<1x16xi32, #tpu.memory_space<hbm>> -> memref<16xi32, #tpu.memory_space<hbm>>
      tpu.wait_dma2 semaphore(%run_scoped3A : memref<!tpu.dma_semaphore, #tpu.memory_space<semaphore_mem>>) src(%arg10 : memref<16xi32, #tpu.memory_space<vmem>>) dst(%dma_wait3A_389 : memref<16xi32, #tpu.memory_space<hbm>>)
      tpu.yield
    }) : () -> ()
    return
  }
}

module attributes {stable_mosaic.version = 14 : i64} {
  func.func @_tc_loss_body(%arg0: i32, %arg1: memref<256x128xf32, #tpu.memory_space<vmem>>, %arg2: memref<1x1xf32, #tpu.memory_space<smem>>, %arg3: memref<8x128xf32, #tpu.memory_space<vmem>>) attributes {dimension_semantics = [#tpu.dimension_semantics<arbitrary>], iteration_bounds = array<i64: 32>, scalar_prefetch = 0 : i64, scratch_operands = 1 : i64, tpu.core_type = #tpu.core_type<tc>, window_params = [{transform_indices = @transform_0, window_bounds = array<i64: 256, 128>}, {transform_indices = @transform_1, window_bounds = array<i64: 1, 1>}]} {
    %eq3A = arith.constant 0 : i32
    %eq3A_0 = arith.cmpi eq, %arg0, %eq3A : i32
    %convert_element_type3A = arith.extui %eq3A_0 : i1 to i32
    %cond3A = arith.constant 0 : i32
    %cond3A_1 = arith.cmpi ne, %convert_element_type3A, %cond3A : i32
    scf.if %cond3A_1 {
      %broadcast_in_dim3A_29 = arith.constant 0.000000e+00 : f32
      %broadcast_in_dim3A_30 = vector.broadcast %broadcast_in_dim3A_29 : f32 to vector<8x128xf32>
      %swap3A_31 = arith.constant 0 : index
      %swap3A_32 = arith.constant 0 : index
      %swap3A_33 = vector.load %arg3[%swap3A_31, %swap3A_32] : memref<8x128xf32, #tpu.memory_space<vmem>>, vector<8x128xf32>
      tpu.vector_store %arg3[%swap3A_31, %swap3A_32], %broadcast_in_dim3A_30 {strides = array<i32>} : memref<8x128xf32, #tpu.memory_space<vmem>>, vector<8x128xf32>,
    } else {
    }
    %get3A = arith.constant 0 : index
    %get3A_2 = arith.constant 0 : index
    %get3A_3 = vector.load %arg1[%get3A, %get3A_2] : memref<256x128xf32, #tpu.memory_space<vmem>>, vector<256x128xf32>
    %logistic3A = arith.negf %get3A_3 : vector<256x128xf32>
    %logistic3A_4 = math.exp %logistic3A : vector<256x128xf32>
    %logistic3A_5 = arith.constant 1.000000e+00 : f32
    %logistic3A_6 = vector.broadcast %logistic3A_5 : f32 to vector<256x128xf32>
    %logistic3A_7 = arith.addf %logistic3A_6, %logistic3A_4 : vector<256x128xf32>
    %logistic3A_8 = arith.divf %logistic3A_6, %logistic3A_7 : vector<256x128xf32>
    %add3A = arith.constant 9.99999993E-9 : f32
    %add3A_9 = vector.broadcast %add3A : f32 to vector<256x128xf32>
    %add3A_10 = arith.addf %logistic3A_8, %add3A_9 : vector<256x128xf32>
    %log3A = math.log %add3A_10 : vector<256x128xf32>
    %neg3A = arith.constant 0.000000e+00 : f32
    %neg3A_11 = vector.broadcast %neg3A : f32 to vector<256x128xf32>
    %neg3A_12 = arith.subf %neg3A_11, %log3A : vector<256x128xf32>
    %iota3A = tpu.iota {dimensions = array<i32: 1>} : vector<256x128xi32>
    %rem3A = arith.constant 64 : i32
    %rem3A_13 = vector.broadcast %rem3A : i32 to vector<256x128xi32>
    %rem3A_14 = arith.remsi %iota3A, %rem3A_13 : vector<256x128xi32>
    %lt3A = arith.constant 50 : i32
    %lt3A_15 = vector.broadcast %lt3A : i32 to vector<256x128xi32>
    %lt3A_16 = arith.cmpi slt, %rem3A_14, %lt3A_15 : vector<256x128xi32>
    %jit3A = arith.constant 0.000000e+00 : f32
    %broadcast_in_dim3A = vector.broadcast %jit3A : f32 to vector<256x128xf32>
    %select_n3A = arith.select %lt3A_16, %neg3A_12, %broadcast_in_dim3A : vector<256x128xi1>, vector<256x128xf32>
    %get3A_17 = arith.constant 0 : index
    %get3A_18 = arith.constant 0 : index
    %get3A_19 = vector.load %arg3[%get3A_17, %get3A_18] : memref<8x128xf32, #tpu.memory_space<vmem>>, vector<8x128xf32>
    %reshape3A = vector.shape_cast %select_n3A : vector<256x128xf32> to vector<32x8x128xf32>
    %reduce_sum3A = arith.constant dense<0.000000e+00> : vector<8x128xf32>
    %reduce_sum3A_20 = vector.multi_reduction <add>, %reshape3A, %reduce_sum3A [0] : vector<32x8x128xf32> to vector<8x128xf32>
    %add3A_21 = arith.addf %get3A_19, %reduce_sum3A_20 : vector<8x128xf32>
    %swap3A = arith.constant 0 : index
    %swap3A_22 = arith.constant 0 : index
    %swap3A_23 = vector.load %arg3[%swap3A, %swap3A_22] : memref<8x128xf32, #tpu.memory_space<vmem>>, vector<8x128xf32>
    tpu.vector_store %arg3[%swap3A, %swap3A_22], %add3A_21 {strides = array<i32>} : memref<8x128xf32, #tpu.memory_space<vmem>>, vector<8x128xf32>,
    %eq3A_24 = arith.constant 31 : i32
    %eq3A_25 = arith.cmpi eq, %arg0, %eq3A_24 : i32
    %convert_element_type3A_26 = arith.extui %eq3A_25 : i1 to i32
    %cond3A_27 = arith.constant 0 : i32
    %cond3A_28 = arith.cmpi ne, %convert_element_type3A_26, %cond3A_27 : i32
    scf.if %cond3A_28 {
      %get3A_29 = arith.constant 0 : index
      %get3A_30 = arith.constant 0 : index
      %get3A_31 = vector.load %arg3[%get3A_29, %get3A_30] : memref<8x128xf32, #tpu.memory_space<vmem>>, vector<8x128xf32>
      %reduce_sum3A_32 = vector.shape_cast %get3A_31 : vector<8x128xf32> to vector<1x8x128xf32>
      %reduce_sum3A_33 = arith.constant dense<0.000000e+00> : vector<1xf32>
      %reduce_sum3A_34 = vector.multi_reduction <add>, %reduce_sum3A_32, %reduce_sum3A_33 [1, 2] : vector<1x8x128xf32> to vector<1xf32>
      %reduce_sum3A_35 = vector.shape_cast %reduce_sum3A_34 : vector<1xf32> to vector<1x1x1xf32>
      %reduce_sum3A_36 = vector.extract %reduce_sum3A_35[0, 0, 0] : f32 from vector<1x1x1xf32>
      %mul3A = arith.constant 1.2207031E-6 : f32
      %mul3A_37 = arith.mulf %reduce_sum3A_36, %mul3A : f32
      %swap3A_38 = arith.constant 0 : index
      %swap3A_39 = arith.constant 0 : index
      %swap3A_40 = memref.load %arg2[%swap3A_38, %swap3A_39] : memref<1x1xf32, #tpu.memory_space<smem>>
      memref.store %mul3A_37, %arg2[%swap3A_38, %swap3A_39] : memref<1x1xf32, #tpu.memory_space<smem>>
    } else {
    }
    return
  }
  func.func @transform_0(%arg0: i32) -> (i32, i32) {
    %c0_i32 = arith.constant 0 : i32
    %c0_i32_0 = arith.constant 0 : i32
    return %arg0, %c0_i32 : i32, i32
  }
  func.func @transform_1(%arg0: i32) -> (i32, i32) {
    %c0_i32 = arith.constant 0 : i32
    %c0_i32_0 = arith.constant 0 : i32
    %c0_i32_1 = arith.constant 0 : i32
    return %c0_i32, %c0_i32_0 : i32, i32
  }
}

</mosaic_0001>

<sc_bundles>
// kernel: kernel.5.cloned.1.call-start
scs
__scs_entry_jumppad:
0x0: {  	(pc) =	sbr.rel $0x88, $3  }
0x1: {  	(tag) =	ssettag $0x0;
	lr =	simm.s32 $0x1  }
0x2: {  	[smem:$0x3F9E] =	sst lr;
	_ =	strace $0xD0000000  }
0x3: {  	_ = 	snop  }
0x4: {  	_ = 	snop  }
0x5: {  	_ = 	snop  }
0x6: {  	_ = 	snop  }
0x7: {  	_ = 	snop  }
__scs_overlays_trampoline_lowered:
0x8: {  	[smem:$0x3FAD] =	sst s0  }
0x9: {  	[smem:$0x3FAE] =	sst s1  }
0xa: {  	[smem:$0x3FAF] =	sst s2  }
0xb: {  	[smem:$0x3FB0] =	sst s3  }
0xc: {  	[smem:$0x3FB1] =	sst s4  }
0xd: {  	[smem:$0x3FB2] =	sst s5  }
0xe: {  	[smem:$0x3FB3] =	sst s6  }
0xf: {  	[smem:$0x3FB4] =	sst s7  }
0x10: {  	[smem:$0x3FB5] =	sst s8  }
0x11: {  	[smem:$0x3FB6] =	sst s9;
	s0 =	simm.s32 @!p0 $0x0  }
0x12: {  	s1 =	sld [smem:$0x3F9C];
	s0 =	simm.s32 @p0 $0x1  }
0x13: {  	[smem:$0x3FB7] =	sst s0;
	s0 =	simm.s32 @!p1 $0x0  }
0x14: {  	s2 =	sld [smem:$0x3F9B];
	s0 =	simm.s32 @p1 $0x1  }
0x15: {  	[smem:$0x3FB8] =	sst s0;
	s0 =	simm.s32 @!p2 $0x0  }
0x16: {  	s3 =	sld [smem:$0x3FDB];
	s0 =	simm.s32 @p2 $0x1  }
0x17: {  	s4 =	simm.s32 $0x1BF5;
	[smem:$0x3FBA] =	sst s0  }
0x18: {  	s0 =	sld [smem:$0x3F9D];
	_ =	swait.ge [sflag:s4], $0x0  }
0x19: {  	s7 =	sld [smem:$0x3F9E]  }
0x1a: {  	s8 =	sadd.s32 $0xFFFFE003, lr  }
0x1b: {  	s9 =	sadd.s32 $0xFFFFFEF7, lr;
	s5 =	simm.s32 $0xFFFFFFFF;
	p2 =	slt.u32 s8, $0xFFFFF086  }
0x1c: {  	p1 =	slt.u32 s9, $0xF7A;
	s5 =	simm.s32 @!p2 $0x0  }
0x1d: {  	s5 =	simm.s32 @p1 $0x1;
	p0 =	seq.s32 s7, s2  }
0x1e: {  	s7 =	smul.u32 @!p0 $0xF7A, s2;
	p2 =	seq.s32 @!p0 s5, $0x0  }
0x1f: {  	s9 =	smul.u32 $0xF7A, s1;
	s8 =	simm.s32 @!p0 $0x1BF5;
	p2 =	por !p2, p0  }
0x20: {  	[sflag:s8] =	ssyncset.s32 @!p0 $0xFFFFF086;
	s6 =	sadd.s32 @!p0 s3, s7;
	s7 =	simm.s32 @!p0 $0x108  }
0x21: {  	s3 =	sadd.s32 s3, s9;
	s6 =	sadd.s32 @!p0 $0x88, s6;
	s7 =	simm.s32 @p2 $0x1082  }
0x22: {  	[simem:s7], [sflag:s8] =	dma.local @!p0 [hbm:s6], $0xF7A  }
0x23: {  	s9 =	sor.u32 $0xD0000000, s2;
	s6 =	simm.s32 $0x108;
	_ =	swait.ge @!p0 [sflag:s8], $0x0  }
0x24: {  	s3 =	sadd.s32 $0x88, s3;
	s6 =	simm.s32 @!p1 $0x1082;
	[sflag:s4] =	ssyncset.s32 $0xFFFFF086  }
0x25: {  	[simem:s6], [sflag:s4] =	dma.local [hbm:s3], $0xF7A  }
0x26: {  	[smem:$0x3F9E] =	sst s1;
	(tag) =	ssettag s2;
	_ =	strace s9  }
0x27: {  	s1 =	sld [smem:$0x3FAE]  }
0x28: {  	s2 =	sld [smem:$0x3FAF]  }
0x29: {  	s4 =	sld [smem:$0x3FB1]  }
0x2a: {  	p0 =	seq.s32 s5, $0x0;
	s5 =	sld [smem:$0x3FB2]  }
0x2b: {  	s6 =	sld [smem:$0x3FB3]  }
0x2c: {  	s7 =	sld [smem:$0x3FB4]  }
0x2d: {  	s3 =	simm.s32 $0x108;
	s8 =	sld [smem:$0x3FB5]  }
0x2e: {  	s3 =	simm.s32 @!p0 $0x1082;
	s9 =	sld [smem:$0x3FB6]  }
0x2f: {  	lr =	sadd.s32 s0, s3;
	s0 =	sld [smem:$0x3FAD]  }
0x30: {  	s3 =	sld [smem:$0x3FB0]  }
0x31: {  	[smem:$0x3FB9] =	sst s10  }
0x32: {  	s10 =	sld [smem:$0x3FB7];
	_ =	sdelay $0x3  }
0x33: {  	p0 =	seq.s32 s10, $0x1;
	s10 =	sld [smem:$0x3FB9];
	_ =	sdelay $0x3  }
0x34: {  	[smem:$0x3FB9] =	sst s10  }
0x35: {  	s10 =	sld [smem:$0x3FB8];
	_ =	sdelay $0x3  }
0x36: {  	p1 =	seq.s32 s10, $0x1;
	s10 =	sld [smem:$0x3FB9];
	_ =	sdelay $0x3  }
0x37: {  	[smem:$0x3FB9] =	sst s10  }
0x38: {  	s10 =	sld [smem:$0x3FBA]  }
0x39: {  	_ = 	snop;
	(pc) =	sbr.ind lr, $3  }
0x3a: {  	_ = 	snop  }
0x3b: {  	_ = 	snop  }
0x3c: {  	p2 =	seq.s32 s10, $0x1;
	s10 =	sld [smem:$0x3FB9]  }
0x3d: {  	_ =	shalt  }
0x3e: {  	_ =	shalt  }
0x3f: {  	_ =	shalt  }
0x40: {  	_ =	shalt  }
0x41: {  	_ =	shalt  }
0x42: {  	_ =	shalt  }
0x43: {  	_ =	shalt  }
0x44: {  	_ =	shalt  }
0x45: {  	_ =	shalt  }
0x46: {  	_ =	shalt  }
0x47: {  	_ =	shalt  }
0x48: {  	_ =	shalt  }
0x49: {  	_ =	shalt  }
0x4a: {  	_ =	shalt  }
0x4b: {  	_ =	shalt  }
0x4c: {  	_ =	shalt  }
0x4d: {  	_ =	shalt  }
0x4e: {  	_ =	shalt  }
0x4f: {  	_ =	shalt  }
0x50: {  	_ =	shalt  }
0x51: {  	_ =	shalt  }
0x52: {  	_ =	shalt  }
0x53: {  	_ =	shalt  }
0x54: {  	_ =	shalt  }
0x55: {  	_ =	shalt  }
0x56: {  	_ =	shalt  }
0x57: {  	_ =	shalt  }
0x58: {  	_ =	shalt  }
0x59: {  	_ =	shalt  }
0x5a: {  	_ =	shalt  }
0x5b: {  	_ =	shalt  }
0x5c: {  	_ =	shalt  }
0x5d: {  	_ =	shalt  }
0x5e: {  	_ =	shalt  }
0x5f: {  	_ =	shalt  }
0x60: {  	_ =	shalt  }
0x61: {  	_ =	shalt  }
0x62: {  	_ =	shalt  }
0x63: {  	_ =	shalt  }
0x64: {  	_ =	shalt  }
0x65: {  	_ =	shalt  }
0x66: {  	_ =	shalt  }
0x67: {  	_ =	shalt  }
0x68: {  	_ =	shalt  }
0x69: {  	_ =	shalt  }
0x6a: {  	_ =	shalt  }
0x6b: {  	_ =	shalt  }
0x6c: {  	_ =	shalt  }
0x6d: {  	_ =	shalt  }
0x6e: {  	_ =	shalt  }
0x6f: {  	_ =	shalt  }
0x70: {  	_ =	shalt  }
0x71: {  	_ =	shalt  }
0x72: {  	_ =	shalt  }
0x73: {  	_ =	shalt  }
0x74: {  	_ =	shalt  }
0x75: {  	_ =	shalt  }
0x76: {  	_ =	shalt  }
0x77: {  	_ =	shalt  }
0x78: {  	_ =	shalt  }
0x79: {  	_ =	shalt  }
0x7a: {  	_ =	shalt  }
0x7b: {  	_ =	shalt  }
0x7c: {  	_ =	shalt  }
0x7d: {  	_ =	shalt  }
0x7e: {  	_ =	shalt  }
0x7f: {  	_ =	shalt  }
0x80: {  	_ =	shalt  }
0x81: {  	_ =	shalt  }
0x82: {  	_ =	shalt  }
0x83: {  	_ =	shalt  }
0x84: {  	_ =	shalt  }
0x85: {  	_ =	shalt  }
0x86: {  	_ =	shalt  }
0x87: {  	_ =	shalt  }
.Lfunc_end0:
.L_simem_size_0:
called_computation_lowered:
.L_overlay_start_0:
0x88: {  	s2 =	sld [smem:$0x3FD9]  }
0x89: {  	s3 =	sld [smem:$0x3FFE];
	_ =	sdelay $0x1  }
0x8a: {  	s1 =	srdreg.scid  }
0x8b: {  	s0 =	sand.u32 $0x1, s1  }
0x8c: {  	s16 =	sshll.u32 s0, $0xA;
	s2 =	sadd.s32 s3, s2  }
0x8d: {  	s2 =	sadd.s32 s2, s16  }
0x8e: {  	[smem:$0x3FC5] =	sst s2  }
0x8f: {  	_ = 	snop  }
0x90: {  	(tm) =	ssettm $0x1  }
0x91: {  	s17 =	sld [smem:$0x3FFB];
	_ =	sdelay $0x3  }
0x92: {  	_ =	strace s17  }
0x93: {  	s2 =	sld [smem:$0x3FFC];
	_ =	sdelay $0x3  }
0x94: {  	_ =	strace s2  }
0x95: {  	s2 =	sld [smem:$0x3FFD];
	_ =	sdelay $0x3  }
0x96: {  	_ =	strace s2  }
0x97: {  	_ =	strace $0x8FFFFFFF  }
0x98: {  	s18 =	sld [smem:$0x3FDB];
	_ =	sdelay $0x1  }
0x99: {  	s19 =	simm.s32 $_scs_section_size  }
0x9a: {  	s4 =	simm.s32 $_size__tile_overlayer_lowered;
	s5 =	simm.s32 $_tile_overlayer_lowered  }
0x9b: {  	s22 =	simm.s32 $0x1BFF;
	s21 =	sshll.u32 s5, $0x1;
	s2 =	sadd.s32 s19, s18  }
0x9c: {  	s6 =	simm.s32 $0x0;
	s20 =	sshll.u32 s4, $0x1;
	s4 =	sadd.s32 s21, s2  }
0x9d: {  	[timem:s6], [sflag:s22] =	dma.local [hbm:s4], s20  }
0x9e: {  	_ =	swait.ge [sflag:s22], s20  }
0x9f: {  	s3 =	ssub.s32 $0x0, s20;
	[sflag:s22] =	ssyncset.done $0x0  }
0xa0: {  	[sflag:s22] =	ssyncadd.s32 s3;
	_ =	sdelay $0x1  }
0xa1: {  	s23 =	simm.s32 $0x1B8B  }
0xa2: {  	_ =	swait.ge [sflag:s23], $0x1  }
0xa3: {  	[sflag:s23] =	ssyncset.done $0x0  }
0xa4: {  	s25 =	simm.s32 $0x1B8E;
	s24 =	sld [smem:$0x3FFE];
	[sflag:s23] =	ssyncadd.s32 $0xFFFFFFFF  }
0xa5: {  	s26 =	simm.s32 $execute0_lowered;
	[smem:$0x3FD2] =	sst s25  }
0xa6: {  	s4 =	sshll.u32 s26, $0x1;
	_ =	strace $0x80000046;
	[dreg:$0x1] =	wrdreg $0xFFFFFFFF  }
0xa7: {  	s28 =	simm.s32 $_size_execute0_lowered;
	s2 =	sadd.s32 s2, s4;
	[dreg:$0x0] =	wrdreg $0x0  }
0xa8: {  	s4 =	sshll.u32 s28, $0x1;
	[dreg:$0x2] =	wrdreg s2  }
0xa9: {  	[dreg:$0x3] =	wrdreg s4  }
0xaa: {  	[dreg:$0x4] =	wrdreg $0xC0  }
0xab: {  	_ =	task [dreg:s6], $0x5FFFF  }
0xac: {  	[dreg:$0x1] =	wrdreg $0xFFFFFFFF  }
0xad: {  	[dreg:$0x0] =	wrdreg $0x60  }
0xae: {  	[dreg:$0x2] =	wrdreg s24  }
0xaf: {  	[dreg:$0x3] =	wrdreg $0x9  }
0xb0: {  	_ =	task.clear_ibuf [dreg:s6], $0x4FFFF;
	_ =	strace $0x90000046  }
0xb1: {  	s29 =	simm.s32 $0x9;
	_ =	strace $0x80000048  }
0xb2: {  	_ =	swait.ge [sflag:s29], $0x1  }
0xb3: {  	[sflag:s29] =	ssyncadd.s32 $0xFFFFFFFF  }
0xb4: {  	_ =	strace $0x90000048  }
0xb5: {  	_ =	sfence  }
0xb6: {  	s30 =	sld [smem:$0x0];
	_ =	sdelay $0x2  }
0xb7: {  	s31 =	sshll.u32 s1, $0xD;
	s1 =	sshrl.u32 s1, $0x2  }
0xb8: {  	s3 =	sand.u32 $0x4000, s31;
	s1 =	sadd.s32 s1, s30  }
0xb9: {  	s0 =	sor.u32 s3, s0;
	s1 =	sshll.u32 s1, $0x11  }
0xba: {  	s0 =	sor.u32 s1, s0  }
0xbb: {  	s0 =	sadd.s32 $0x8F2B, s0  }
0xbc: {  	[sflag:s0] =	ssyncadd.remote.s32 $0x1  }
0xbd: {  	_ =	sfence.sel $0xFFFF  }
0xbe: {  	[dreg:$0x0] =	wrdreg $0xFFFFFFFF;
	(pc) =	sbr.abs _section_cstart, $3  }
0xbf: {  	[dreg:$0x1] =	wrdreg $0xFFFFFFFF  }
0xc0: {  	_ =	task.clear_ibuf [dreg:s6], $0x2FFFF;
	_ =	strace $0x9FFFFFFF  }
0xc1: {  	(tm) =	ssettm $0x7FFFFFFF  }
tec
execute0_lowered:
.L_overlay_start_1:
0x0: {  	(tag) =	ssettag $0x1  }
0x1: {  	s1 =	srdreg.scid;
	s0 =	stileid.u32  }
0x2: {  	s3 =	rddreg [dreg:$0x0];
	s2 =	simm.s32 $0x0;
	s9 =	simm.s32 $0x4400  }
0x3: {  	s10 =	simm.s32 $0x4800;
	s11 =	simm.s32 $0x2;
	s12 =	simm.s32 $0x3  }
0x4: {  	s13 =	simm.s32 $0x4A00;
	s4 =	sand.u32 $0x1, s1;
	s1 =	rddreg [dreg:$0x1]  }
0x5: {  	s14 =	simm.s32 $0x0;
	s5 =	sshll.u32 s0, $0x1;
	[smem:$0x7FF] =	sst s2  }
0x6: {  	s5 =	sor.u32 s4, s5;
	_ =	strace $0x80000047;
	s4 =	ssub.s32 $0x2, s4  }
.Ltmp0:
0x7: {  	s6 =	sshll.u32 s5, $0xE;
	s7 =	sshll.u32 s5, $0x6;
	(pc) =	sbr.rel .LBB2_1-.Ltmp0, $4  }
0x8: {  	s5 =	sshll.u32 s5, $0x4;
	s8 =	sshrl.u32 s4, $0x1;
	s6 =	sadd.s32 s6, s3  }
0x9: {  	s7 =	sadd.s32 s7, s3;
	s5 =	sadd.s32 s5, s3;
	s8 =	ssub.s32 s4, s8  }
0xa: {  	v0 =	vimm.s32 $0x0;
	s3 =	sadd.s32 $0x1000, s6;
	s4 =	sadd.s32 $0x81000, s7;
	s5 =	sadd.s32 $0x81800, s5  }
0xb: {  	v1 =	vimm.s32 $0x1;
	vm0 =	vcmask $0x3F20;
	vm1 =	vmmov $0xff;
	s6 =	smax.u32 s8, $0x1;
	s7 =	simm.s32 $0x1;
	s8 =	simm.s32 $0x4000  }
.LBB2_11:
0xc: {  	v2 =	vld [tilespmem:$0x4800]  }
0xd: {  	v3 =	vld [tilespmem:$0x4810]  }
0xe: {  	v4 =	vld [tilespmem:$0x4820]  }
0xf: {  	v5 =	vld [tilespmem:$0x4830]  }
0x10: {  	v6 =	vld [tilespmem:$0x4840]  }
0x11: {  	v7 =	vld [tilespmem:$0x4850]  }
0x12: {  	v2 =	vadd.s32 v2, v3;
	v3 =	vld [tilespmem:$0x4860]  }
0x13: {  	v44 =	vld [tilespmem:$0x4870];
	v2 =	vadd.s32 v4, v2  }
0x14: {  	v45 =	vld [tilespmem:$0x4880];
	v2 =	vadd.s32 v5, v2  }
0x15: {  	v46 =	vld [tilespmem:$0x4890];
	v2 =	vadd.s32 v6, v2  }
0x16: {  	v47 =	vld [tilespmem:$0x48A0];
	v2 =	vadd.s32 v7, v2  }
0x17: {  	v2 =	vadd.s32 v3, v2;
	v3 =	vld [tilespmem:$0x48B0]  }
0x18: {  	v48 =	vld [tilespmem:$0x48C0];
	v2 =	vadd.s32 v44, v2  }
0x19: {  	v49 =	vld [tilespmem:$0x48D0];
	v2 =	vadd.s32 v45, v2  }
0x1a: {  	v50 =	vld [tilespmem:$0x48E0];
	v2 =	vadd.s32 v46, v2  }
0x1b: {  	v51 =	vld [tilespmem:$0x48F0];
	v2 =	vadd.s32 v47, v2  }
0x1c: {  	v2 =	vadd.s32 v3, v2;
	v3 =	vld [tilespmem:$0x4900]  }
0x1d: {  	v52 =	vld [tilespmem:$0x4910];
	v2 =	vadd.s32 v48, v2  }
0x1e: {  	v53 =	vld [tilespmem:$0x4920];
	v2 =	vadd.s32 v49, v2  }
0x1f: {  	v54 =	vld [tilespmem:$0x4930];
	v2 =	vadd.s32 v50, v2  }
0x20: {  	v55 =	vld [tilespmem:$0x4940];
	v2 =	vadd.s32 v51, v2  }
0x21: {  	v2 =	vadd.s32 v3, v2;
	v3 =	vld [tilespmem:$0x4950]  }
0x22: {  	v56 =	vld [tilespmem:$0x4960];
	v2 =	vadd.s32 v52, v2  }
0x23: {  	v57 =	vld [tilespmem:$0x4970];
	v2 =	vadd.s32 v53, v2  }
0x24: {  	v58 =	vld [tilespmem:$0x4980];
	v2 =	vadd.s32 v54, v2  }
0x25: {  	v59 =	vld [tilespmem:$0x4990];
	v2 =	vadd.s32 v55, v2  }
0x26: {  	v2 =	vadd.s32 v3, v2;
	v3 =	vld [tilespmem:$0x49A0]  }
0x27: {  	v60 =	vld [tilespmem:$0x49B0];
	v2 =	vadd.s32 v56, v2  }
0x28: {  	v61 =	vld [tilespmem:$0x49C0];
	v2 =	vadd.s32 v57, v2  }
0x29: {  	v62 =	vld [tilespmem:$0x49D0];
	v2 =	vadd.s32 v58, v2  }
0x2a: {  	v63 =	vld [tilespmem:$0x49E0];
	v2 =	vadd.s32 v59, v2  }
0x2b: {  	v2 =	vadd.s32 v3, v2;
	v3 =	vld [tilespmem:$0x49F0]  }
0x2c: {  	v2 =	vadd.s32 v60, v2  }
0x2d: {  	v2 =	vadd.s32 v61, v2  }
0x2e: {  	v2 =	vadd.s32 v62, v2  }
0x2f: {  	v2 =	vadd.s32 v63, v2  }
0x30: {  	v2 =	vadd.s32 v3, v2  }
0x31: {  	(xrf0) =	vadd.scan.msk.s32 $0xffff, v2;
	_ =	sdelay $0x5  }
0x32: {  	v2, _, _ =	vpop (xrf0)  }
0x33: {  	v2 =	vbroadcast v2, $0xF;
	_ =	sdelay $0x1  }
0x34: {  	[tilespmem:$0x4A00] =	vst v2  }
0x35: {  	[hbm4b:s4+s2] =	stream.linear.scatter [tilespmem:s10], [sflag:$0x3], $0x200, $0x38;
	[tilespmem:$0x4A80] =	vst v63  }
0x36: {  	s14 =	sadd.s32 $0x1, s14;
	_ =	swait.ge [sflag:s12], $0x200  }
0x37: {  	p0 =	sne.s32 s14, s6;
	[sflag:s12] =	ssyncset.done $0x0  }
.Ltmp1:
0x38: {  	[sflag:s12] =	ssyncadd.s32 $0xFFFFFE00;
	(pc) =	sbr.rel @!p0 .LBB2_12-.Ltmp1, $4  }
0x39: {  	[hbm4b:s5+s2] =	stream.linear.scatter [tilespmem:s13], [sflag:$0x3], $0x80, $0x38;
	[tilespmem:$0x4A80] =	vst v63  }
0x3a: {  	_ =	swait.ge [sflag:s12], $0x80  }
0x3b: {  	[sflag:s12] =	ssyncset.done $0x0  }
0x3c: {  	[sflag:s12] =	ssyncadd.s32 $0xFFFFFF80  }
.LBB2_1:
0x3d: {  	[tilespmem:$0x4000] =	vst v0  }
0x3e: {  	[tilespmem:$0x4400] =	vst v0  }
0x3f: {  	[tilespmem:$0x4010] =	vst v0  }
0x40: {  	[tilespmem:$0x4410] =	vst v0  }
0x41: {  	[tilespmem:$0x4020] =	vst v0  }
0x42: {  	[tilespmem:$0x4420] =	vst v0  }
0x43: {  	[tilespmem:$0x4030] =	vst v0  }
0x44: {  	[tilespmem:$0x4430] =	vst v0  }
0x45: {  	[tilespmem:$0x4040] =	vst v0  }
0x46: {  	[tilespmem:$0x4440] =	vst v0  }
0x47: {  	[tilespmem:$0x4050] =	vst v0  }
0x48: {  	[tilespmem:$0x4450] =	vst v0  }
0x49: {  	[tilespmem:$0x4060] =	vst v0  }
0x4a: {  	[tilespmem:$0x4460] =	vst v0  }
0x4b: {  	[tilespmem:$0x4070] =	vst v0  }
0x4c: {  	[tilespmem:$0x4470] =	vst v0  }
0x4d: {  	[tilespmem:$0x4080] =	vst v0  }
0x4e: {  	[tilespmem:$0x4480] =	vst v0  }
0x4f: {  	[tilespmem:$0x4090] =	vst v0  }
0x50: {  	[tilespmem:$0x4490] =	vst v0  }
0x51: {  	[tilespmem:$0x40A0] =	vst v0  }
0x52: {  	[tilespmem:$0x44A0] =	vst v0  }
0x53: {  	[tilespmem:$0x40B0] =	vst v0  }
0x54: {  	[tilespmem:$0x44B0] =	vst v0  }
0x55: {  	[tilespmem:$0x40C0] =	vst v0  }
0x56: {  	[tilespmem:$0x44C0] =	vst v0  }
0x57: {  	[tilespmem:$0x40D0] =	vst v0  }
0x58: {  	[tilespmem:$0x44D0] =	vst v0  }
0x59: {  	[tilespmem:$0x40E0] =	vst v0  }
0x5a: {  	[tilespmem:$0x44E0] =	vst v0  }
0x5b: {  	[tilespmem:$0x40F0] =	vst v0  }
0x5c: {  	[tilespmem:$0x44F0] =	vst v0  }
0x5d: {  	[tilespmem:$0x4100] =	vst v0  }
0x5e: {  	[tilespmem:$0x4500] =	vst v0  }
0x5f: {  	[tilespmem:$0x4110] =	vst v0  }
0x60: {  	[tilespmem:$0x4510] =	vst v0  }
0x61: {  	[tilespmem:$0x4120] =	vst v0  }
0x62: {  	[tilespmem:$0x4520] =	vst v0  }
0x63: {  	[tilespmem:$0x4130] =	vst v0  }
0x64: {  	[tilespmem:$0x4530] =	vst v0  }
0x65: {  	[tilespmem:$0x4140] =	vst v0  }
0x66: {  	[tilespmem:$0x4540] =	vst v0  }
0x67: {  	[tilespmem:$0x4150] =	vst v0  }
0x68: {  	[tilespmem:$0x4550] =	vst v0  }
0x69: {  	[tilespmem:$0x4160] =	vst v0  }
0x6a: {  	[tilespmem:$0x4560] =	vst v0  }
0x6b: {  	[tilespmem:$0x4170] =	vst v0  }
0x6c: {  	[tilespmem:$0x4570] =	vst v0  }
0x6d: {  	[tilespmem:$0x4180] =	vst v0  }
0x6e: {  	[tilespmem:$0x4580] =	vst v0  }
0x6f: {  	[tilespmem:$0x4190] =	vst v0  }
0x70: {  	[tilespmem:$0x4590] =	vst v0  }
0x71: {  	[tilespmem:$0x41A0] =	vst v0  }
0x72: {  	[tilespmem:$0x45A0] =	vst v0  }
0x73: {  	[tilespmem:$0x41B0] =	vst v0  }
0x74: {  	[tilespmem:$0x45B0] =	vst v0  }
0x75: {  	[tilespmem:$0x41C0] =	vst v0  }
0x76: {  	[tilespmem:$0x45C0] =	vst v0  }
0x77: {  	[tilespmem:$0x41D0] =	vst v0  }
0x78: {  	[tilespmem:$0x45D0] =	vst v0  }
0x79: {  	[tilespmem:$0x41E0] =	vst v0  }
0x7a: {  	[tilespmem:$0x45E0] =	vst v0  }
0x7b: {  	[tilespmem:$0x41F0] =	vst v0  }
0x7c: {  	[tilespmem:$0x45F0] =	vst v0  }
0x7d: {  	[tilespmem:$0x4200] =	vst v0  }
0x7e: {  	[tilespmem:$0x4600] =	vst v0  }
0x7f: {  	[tilespmem:$0x4210] =	vst v0  }
0x80: {  	[tilespmem:$0x4610] =	vst v0  }
0x81: {  	[tilespmem:$0x4220] =	vst v0  }
0x82: {  	[tilespmem:$0x4620] =	vst v0  }
0x83: {  	[tilespmem:$0x4230] =	vst v0  }
0x84: {  	[tilespmem:$0x4630] =	vst v0  }
0x85: {  	[tilespmem:$0x4240] =	vst v0  }
0x86: {  	[tilespmem:$0x4640] =	vst v0  }
0x87: {  	[tilespmem:$0x4250] =	vst v0  }
0x88: {  	[tilespmem:$0x4650] =	vst v0  }
0x89: {  	[tilespmem:$0x4260] =	vst v0  }
0x8a: {  	[tilespmem:$0x4660] =	vst v0  }
0x8b: {  	[tilespmem:$0x4270] =	vst v0  }
0x8c: {  	[tilespmem:$0x4670] =	vst v0  }
0x8d: {  	[tilespmem:$0x4280] =	vst v0  }
0x8e: {  	[tilespmem:$0x4680] =	vst v0  }
0x8f: {  	[tilespmem:$0x4290] =	vst v0  }
0x90: {  	[tilespmem:$0x4690] =	vst v0  }
0x91: {  	[tilespmem:$0x42A0] =	vst v0  }
0x92: {  	[tilespmem:$0x46A0] =	vst v0  }
0x93: {  	[tilespmem:$0x42B0] =	vst v0  }
0x94: {  	[tilespmem:$0x46B0] =	vst v0  }
0x95: {  	[tilespmem:$0x42C0] =	vst v0  }
0x96: {  	[tilespmem:$0x46C0] =	vst v0  }
0x97: {  	[tilespmem:$0x42D0] =	vst v0  }
0x98: {  	[tilespmem:$0x46D0] =	vst v0  }
0x99: {  	[tilespmem:$0x42E0] =	vst v0  }
0x9a: {  	[tilespmem:$0x46E0] =	vst v0  }
0x9b: {  	[tilespmem:$0x42F0] =	vst v0  }
0x9c: {  	[tilespmem:$0x46F0] =	vst v0  }
0x9d: {  	[tilespmem:$0x4300] =	vst v0  }
0x9e: {  	[tilespmem:$0x4700] =	vst v0  }
0x9f: {  	[tilespmem:$0x4310] =	vst v0  }
0xa0: {  	[tilespmem:$0x4710] =	vst v0  }
0xa1: {  	[tilespmem:$0x4320] =	vst v0  }
0xa2: {  	[tilespmem:$0x4720] =	vst v0  }
0xa3: {  	[tilespmem:$0x4330] =	vst v0  }
0xa4: {  	[tilespmem:$0x4730] =	vst v0  }
0xa5: {  	[tilespmem:$0x4340] =	vst v0  }
0xa6: {  	[tilespmem:$0x4740] =	vst v0  }
0xa7: {  	[tilespmem:$0x4350] =	vst v0  }
0xa8: {  	[tilespmem:$0x4750] =	vst v0  }
0xa9: {  	[tilespmem:$0x4360] =	vst v0  }
0xaa: {  	[tilespmem:$0x4760] =	vst v0  }
0xab: {  	[tilespmem:$0x4370] =	vst v0  }
0xac: {  	[tilespmem:$0x4770] =	vst v0  }
0xad: {  	[tilespmem:$0x4380] =	vst v0  }
0xae: {  	[tilespmem:$0x4780] =	vst v0  }
0xaf: {  	[tilespmem:$0x4390] =	vst v0  }
0xb0: {  	[tilespmem:$0x4790] =	vst v0  }
0xb1: {  	[tilespmem:$0x43A0] =	vst v0  }
0xb2: {  	[tilespmem:$0x47A0] =	vst v0  }
0xb3: {  	[tilespmem:$0x43B0] =	vst v0  }
0xb4: {  	[tilespmem:$0x47B0] =	vst v0  }
0xb5: {  	[tilespmem:$0x43C0] =	vst v0  }
0xb6: {  	[tilespmem:$0x47C0] =	vst v0  }
0xb7: {  	[tilespmem:$0x43D0] =	vst v0  }
0xb8: {  	[tilespmem:$0x47D0] =	vst v0  }
.Ltmp2:
0xb9: {  	[tilespmem:$0x43E0] =	vst v0;
	(pc) =	sbr.rel .LBB2_2-.Ltmp2, $4  }
0xba: {  	[tilespmem:$0x47E0] =	vst v0  }
0xbb: {  	[tilespmem:$0x43F0] =	vst v0  }
0xbc: {  	[tilespmem:$0x47F0] =	vst v0;
	s15 =	simm.s32 $0x0;
	s16 =	simm.s32 $0x0  }
0xbd: {  	[tilespmem:s2], [sflag:$0x1] =	stream.linear.gather [hbm4b:s3+s2], $0x2000, $0x38;
	[tilespmem:$0x4A80] =	vst v63  }
.LBB2_10:
0xbe: {  	p0 =	sne.s32 s16, $0x10  }
.Ltmp3:
0xbf: {  	_ = 	snop;
	(pc) =	sbr.rel @!p0 .LBB2_11-.Ltmp3, $2  }
0xc0: {  	_ =	sdelay $0x2  }
0xc1: {  	s15 =	sadd.s32 $0x20, s15  }
.LBB2_2:
0xc2: {  	s17 =	smov.u32 s16;
	s18 =	sand.u32 $0x1, s16  }
0xc3: {  	s16 =	sadd.s32 $0x1, s16;
	p0 =	seq.s32 s18, $0x1;
	p1 =	seq.s32 s17, $0xF  }
0xc4: {  	s19 =	sshll.u32 @!p0 s16, $0xA;
	s20 =	simm.s32 @!p0 $0x0;
	p1 =	por !p0, p1  }
0xc5: {  	s21 =	simm.s32 @!p0 $0x2000;
	s19 =	sadd.s32 @!p0 s19, s3;
	s17 =	sshll.u32 @!p1 s16, $0xA  }
0xc6: {  	[tilespmem:s21], [sflag:$0x2] =	stream.linear.gather @!p0 [hbm4b:s19+s20], $0x2000, $0x38;
	[tilespmem:$0x4A80] =	vst v63  }
0xc7: {  	s17 =	sadd.s32 @!p1 s17, s3;
	s19 =	simm.s32 @!p1 $0x0  }
0xc8: {  	[tilespmem:s19], [sflag:$0x1] =	stream.linear.gather @!p1 [hbm4b:s17+s19], $0x2000, $0x38;
	[tilespmem:$0x4A80] =	vst v63  }
0xc9: {  	p1 =	sne.s32 s18, $0x0  }
.Ltmp4:
0xca: {  	_ = 	snop;
	(pc) =	sbr.rel @p1 .LBB2_6-.Ltmp4, $1  }
0xcb: {  	_ =	sdelay $0x3  }
0xcc: {  	_ =	swait.ge [sflag:s7], $0x2000;
	s17 =	simm.s32 $0x0;
	s18 =	simm.s32 $0x0  }
0xcd: {  	[sflag:s7] =	ssyncset.done $0x0;
	s19 =	sand.u32 $0x1800, s17;
	s18 =	sand.u32 $0x300, s18  }
0xce: {  	[sflag:s7] =	ssyncadd.s32 $0xFFFFE000;
	s18 =	sor.u32 s18, s19  }
0xcf: {  	v15 =	vld [tilespmem:s18+$0x50]  }
0xd0: {  	v16 =	vld [tilespmem:s18+$0x40]  }
0xd1: {  	v17 =	vld [tilespmem:s18+$0x30]  }
0xd2: {  	v25 =	vld [tilespmem:s18+$0x20]  }
0xd3: {  	v26 =	vld [tilespmem:s18+$0x10]  }
0xd4: {  	v27 =	vld [tilespmem:s18+$0x0]  }
0xd5: {  	v18 =	vld [tilespmem:s18+$0x60]  }
0xd6: {  	v19 =	vld [tilespmem:s18+$0x70]  }
0xd7: {  	v20 =	vld [tilespmem:s18+$0x400]  }
0xd8: {  	v21 =	vld [tilespmem:s18+$0x410]  }
0xd9: {  	v22 =	vld [tilespmem:s18+$0x420]  }
0xda: {  	v23 =	vld [tilespmem:s18+$0x430]  }
0xdb: {  	v24 =	vld [tilespmem:s18+$0x438]  }
0xdc: {  	[tilespmem:v27+s8+$0x0] =	vst.idx.add.s32.msk $0xffff, v1  }
0xdd: {  	[tilespmem:v26+s8+$0x0] =	vst.idx.add.s32.msk $0xffff, v1  }
0xde: {  	[tilespmem:v25+s8+$0x0] =	vst.idx.add.s32.msk $0xffff, v1  }
0xdf: {  	[tilespmem:v17+s8+$0x0] =	vst.idx.add.s32.msk $0xffff, v1  }
0xe0: {  	[tilespmem:v16+s8+$0x0] =	vst.idx.add.s32.msk $0xffff, v1  }
0xe1: {  	[tilespmem:v15+s8+$0x0] =	vst.idx.add.s32.msk $0xffff, v1  }
0xe2: {  	[tilespmem:v18+s8+$0x0] =	vst.idx.add.s32.msk $0xffff, v1  }
0xe3: {  	[tilespmem:v19+s8+$0x0] =	vst.idx.add.s32.msk $0xffff, v1  }
0xe4: {  	[tilespmem:v20+s8+$0x0] =	vst.idx.add.s32.msk $0xffff, v1  }
0xe5: {  	[tilespmem:v21+s8+$0x0] =	vst.idx.add.s32.msk $0xffff, v1  }
0xe6: {  	s28 =	simm.s32 $0x80;
	[tilespmem:v22+s8+$0x0] =	vst.idx.add.s32.msk $0xffff, v1  }
0xe7: {  	s18 =	sand.u32 $0x380, s28;
	[tilespmem:v23+s8+$0x0] =	vst.idx.add.s32.msk $0xffff, v1  }
0xe8: {  	s18 =	sor.u32 s18, s19;
	[tilespmem:v24+s8+$0x0] =	vst.idx.add.s32.msk vm0, v1  }
0xe9: {  	v2 =	vld [tilespmem:s18+$0x438]  }
0xea: {  	v13 =	vld [tilespmem:s18+$0x10]  }
0xeb: {  	v9 =	vld [tilespmem:s18+$0x20]  }
0xec: {  	v8 =	vld [tilespmem:s18+$0x30]  }
0xed: {  	v5 =	vld [tilespmem:s18+$0x40]  }
0xee: {  	v14 =	vld [tilespmem:s18+$0x0]  }
0xef: {  	v6 =	vld [tilespmem:s18+$0x60]  }
0xf0: {  	v7 =	vld [tilespmem:s18+$0x70]  }
0xf1: {  	v3 =	vld [tilespmem:s18+$0x430]  }
0xf2: {  	v11 =	vld [tilespmem:s18+$0x50]  }
0xf3: {  	v4 =	vld [tilespmem:s18+$0x420]  }
0xf4: {  	v10 =	vld [tilespmem:s18+$0x410]  }
0xf5: {  	v12 =	vld [tilespmem:s18+$0x400]  }
0xf6: {  	[tilespmem:v14+s9+$0x0] =	vst.idx.add.s32.msk $0xffff, v1  }
0xf7: {  	[tilespmem:v13+s9+$0x0] =	vst.idx.add.s32.msk $0xffff, v1  }
0xf8: {  	[tilespmem:v9+s9+$0x0] =	vst.idx.add.s32.msk $0xffff, v1  }
0xf9: {  	[tilespmem:v8+s9+$0x0] =	vst.idx.add.s32.msk $0xffff, v1  }
0xfa: {  	[tilespmem:v5+s9+$0x0] =	vst.idx.add.s32.msk $0xffff, v1  }
0xfb: {  	[tilespmem:v11+s9+$0x0] =	vst.idx.add.s32.msk $0xffff, v1  }
0xfc: {  	[tilespmem:v6+s9+$0x0] =	vst.idx.add.s32.msk $0xffff, v1  }
0xfd: {  	[tilespmem:v7+s9+$0x0] =	vst.idx.add.s32.msk $0xffff, v1  }
0xfe: {  	[tilespmem:v12+s9+$0x0] =	vst.idx.add.s32.msk $0xffff, v1  }
0xff: {  	[tilespmem:v10+s9+$0x0] =	vst.idx.add.s32.msk $0xffff, v1  }
0x100: {  	[tilespmem:v4+s9+$0x0] =	vst.idx.add.s32.msk $0xffff, v1  }
0x101: {  	[tilespmem:v3+s9+$0x0] =	vst.idx.add.s32.msk $0xffff, v1  }
0x102: {  	[tilespmem:v2+s9+$0x0] =	vst.idx.add.s32.msk vm0, v1  }
0x103: {  	v28 =	vld.idx.msk [tilespmem:v27+s8+$0x0], $0xffff;
	_ =	sdelay $0x1  }
0x104: {  	v29 =	vld.idx.msk [tilespmem:v26+s8+$0x0], $0xffff;
	_ =	sdelay $0x1  }
0x105: {  	v30 =	vld.idx.msk [tilespmem:v25+s8+$0x0], $0xffff  }
0x106: {  	v28 =	vcvt.s32.f32 v28  }
0x107: {  	v31 =	vld.idx.msk [tilespmem:v17+s8+$0x0], $0xffff  }
0x108: {  	v29 =	vcvt.s32.f32 v29;
	(erf) = vrcp.f32 v28  }
0x109: {  	v48 =	vld.idx.msk [tilespmem:v16+s8+$0x0], $0xffff  }
0x10a: {  	v30 =	vcvt.s32.f32 v30;
	(erf) = vrcp.f32 v29  }
0x10b: {  	v49 =	vld.idx.msk [tilespmem:v15+s8+$0x0], $0xffff  }
0x10c: {  	v31 =	vcvt.s32.f32 v31;
	(erf) = vrcp.f32 v30  }
0x10d: {  	v50 =	vld.idx.msk [tilespmem:v18+s8+$0x0], $0xffff  }
0x10e: {  	v28 =	vcvt.s32.f32 v48;
	(erf) = vrcp.f32 v31  }
0x10f: {  	v51 =	vld.idx.msk [tilespmem:v19+s8+$0x0], $0xffff  }
0x110: {  	v29 =	vcvt.s32.f32 v49;
	(erf) = vrcp.f32 v28  }
0x111: {  	v52 =	vld.idx.msk [tilespmem:v20+s8+$0x0], $0xffff;
	v32 =	vpop (erf)  }
0x112: {  	v30 =	vcvt.s32.f32 v50;
	(erf) = vrcp.f32 v29;
	v53 =	vadd.f32 $0.0e+00, v32  }
0x113: {  	v54 =	vld.idx.msk [tilespmem:v21+s8+$0x0], $0xffff;
	v33 =	vpop (erf)  }
0x114: {  	v31 =	vcvt.s32.f32 v51;
	(erf) = vrcp.f32 v30;
	v29 =	vadd.f32 v33, v53  }
0x115: {  	v55 =	vld.idx.msk [tilespmem:v22+s8+$0x0], $0xffff;
	v56 =	vpop (erf)  }
0x116: {  	v28 =	vcvt.s32.f32 v52;
	(erf) = vrcp.f32 v31;
	v29 =	vadd.f32 v56, v29  }
0x117: {  	v57 =	vld.idx.msk [tilespmem:v23+s8+$0x0], $0xffff;
	v58 =	vpop (erf)  }
0x118: {  	v34 =	vld.idx.msk [tilespmem:v24+s8+$0x0], $0xffff;
	v32 =	vcvt.s32.f32 v54;
	(erf) = vrcp.f32 v28;
	v59 =	vadd.f32 v58, v29  }
0x119: {  	v60 =	vpop (erf)  }
0x11a: {  	v30 =	vcvt.s32.f32 v55;
	(erf) = vrcp.f32 v32;
	v28 =	vadd.f32 v60, v59  }
0x11b: {  	v61 =	vpop (erf)  }
0x11c: {  	v31 =	vcvt.s32.f32 v57;
	(erf) = vrcp.f32 v30;
	v28 =	vadd.f32 v61, v28  }
0x11d: {  	v62 =	vcvt.s32.f32 v34;
	v63 =	vpop (erf)  }
0x11e: {  	(erf) = vrcp.f32 v31;
	v28 =	vadd.f32 v63, v28  }
0x11f: {  	v33 =	vpop (erf);
	(erf) = vrcp.f32 v62  }
0x120: {  	v28 =	vadd.f32 v33, v28  }
0x121: {  	v34 =	vpop (erf)  }
0x122: {  	v28 =	vadd.f32 v34, v28  }
0x123: {  	v35 =	vpop (erf)  }
0x124: {  	v28 =	vadd.f32 v35, v28  }
0x125: {  	v36 =	vpop (erf)  }
0x126: {  	v28 =	vadd.f32 v36, v28  }
0x127: {  	v37 =	vpop (erf)  }
0x128: {  	v38 =	vpop (erf);
	v28 =	vadd.f32 v37, v28  }
0x129: {  	v39 =	vsel vm1, $0x0, v38  }
0x12a: {  	v28 =	vadd.f32 v39, v28;
	_ =	sdelay $0x1  }
0x12b: {  	(xrf2) =	vadd.scan.msk.f32 $0xffff, v28;
	_ =	sdelay $0x9  }
0x12c: {  	v28, _, _ =	vpop (xrf2)  }
0x12d: {  	(v2sf) =	vpush v28, $0xF;
	_ =	sdelay $0xd  }
0x12e: {  	v40 =	vmov s15  }
0x12f: {  	v28 =	vand.u32 $0xFFFFFFFE, v40;
	s29 =	spop (v2sf)  }
0x130: {  	v28 =	vbroadcast v28, $0x0;
	s18 =	sadd.f32 $2.500000000e-01, s29;
	_ =	sdelay $0x1  }
0x131: {  	s18 =	scvt.f32.s32 s18;
	_ =	sdelay $0x1  }
0x132: {  	s18 =	sadd.s32 $0x1, s18  }
0x133: {  	v41 =	vmov s18  }
0x134: {  	[tilespmem:v28+s10+$0x0] =	vst.idx.msk $0x1, v41  }
0x135: {  	[tilespmem:v27+s8+$0x0] =	vst.idx.msk $0xffff, v0  }
0x136: {  	[tilespmem:v26+s8+$0x0] =	vst.idx.msk $0xffff, v0  }
0x137: {  	[tilespmem:v25+s8+$0x0] =	vst.idx.msk $0xffff, v0  }
0x138: {  	[tilespmem:v17+s8+$0x0] =	vst.idx.msk $0xffff, v0  }
0x139: {  	[tilespmem:v16+s8+$0x0] =	vst.idx.msk $0xffff, v0  }
0x13a: {  	[tilespmem:v15+s8+$0x0] =	vst.idx.msk $0xffff, v0  }
0x13b: {  	[tilespmem:v18+s8+$0x0] =	vst.idx.msk $0xffff, v0  }
0x13c: {  	[tilespmem:v19+s8+$0x0] =	vst.idx.msk $0xffff, v0  }
0x13d: {  	[tilespmem:v20+s8+$0x0] =	vst.idx.msk $0xffff, v0  }
0x13e: {  	[tilespmem:v21+s8+$0x0] =	vst.idx.msk $0xffff, v0  }
0x13f: {  	[tilespmem:v22+s8+$0x0] =	vst.idx.msk $0xffff, v0  }
0x140: {  	[tilespmem:v23+s8+$0x0] =	vst.idx.msk $0xffff, v0  }
0x141: {  	[tilespmem:v24+s8+$0x0] =	vst.idx.msk $0xffff, v0  }
0x142: {  	v15 =	vld.idx.msk [tilespmem:v14+s9+$0x0], $0xffff;
	_ =	sdelay $0x1  }
0x143: {  	v16 =	vld.idx.msk [tilespmem:v13+s9+$0x0], $0xffff;
	_ =	sdelay $0x1  }
0x144: {  	v17 =	vld.idx.msk [tilespmem:v9+s9+$0x0], $0xffff  }
0x145: {  	v15 =	vcvt.s32.f32 v15  }
0x146: {  	v18 =	vld.idx.msk [tilespmem:v8+s9+$0x0], $0xffff  }
0x147: {  	v16 =	vcvt.s32.f32 v16;
	(erf) = vrcp.f32 v15  }
0x148: {  	v15 =	vld.idx.msk [tilespmem:v5+s9+$0x0], $0xffff  }
0x149: {  	v17 =	vcvt.s32.f32 v17;
	(erf) = vrcp.f32 v16  }
0x14a: {  	v42 =	vld.idx.msk [tilespmem:v11+s9+$0x0], $0xffff  }
0x14b: {  	v18 =	vcvt.s32.f32 v18;
	(erf) = vrcp.f32 v17  }
0x14c: {  	v43 =	vld.idx.msk [tilespmem:v6+s9+$0x0], $0xffff  }
0x14d: {  	v19 =	vld.idx.msk [tilespmem:v2+s9+$0x0], $0xffff;
	(erf) = vrcp.f32 v18;
	v15 =	vcvt.s32.f32 v15  }
0x14e: {  	v44 =	vld.idx.msk [tilespmem:v7+s9+$0x0], $0xffff  }
0x14f: {  	v16 =	vcvt.s32.f32 v42;
	(erf) = vrcp.f32 v15  }
0x150: {  	v15 =	vld.idx.msk [tilespmem:v12+s9+$0x0], $0xffff;
	v45 =	vpop (erf)  }
0x151: {  	v17 =	vcvt.s32.f32 v43;
	(erf) = vrcp.f32 v16;
	v46 =	vadd.f32 $0.0e+00, v45  }
0x152: {  	v47 =	vld.idx.msk [tilespmem:v10+s9+$0x0], $0xffff;
	v19 =	vcvt.s32.f32 v19;
	v48 =	vpop (erf)  }
0x153: {  	v18 =	vcvt.s32.f32 v44;
	(erf) = vrcp.f32 v17;
	v16 =	vadd.f32 v48, v46  }
0x154: {  	v49 =	vld.idx.msk [tilespmem:v4+s9+$0x0], $0xffff;
	(erf) = vrcp.f32 v19;
	v50 =	vpop (erf)  }
0x155: {  	(erf) = vrcp.f32 v18;
	v15 =	vcvt.s32.f32 v15;
	v16 =	vadd.f32 v50, v16  }
0x156: {  	v51 =	vld.idx.msk [tilespmem:v3+s9+$0x0], $0xffff;
	v52 =	vpop (erf)  }
0x157: {  	v20 =	vcvt.s32.f32 v47;
	(erf) = vrcp.f32 v15;
	v15 =	vadd.f32 v52, v16  }
0x158: {  	v53 =	vpop (erf)  }
0x159: {  	v17 =	vcvt.s32.f32 v49;
	(erf) = vrcp.f32 v20;
	v15 =	vadd.f32 v53, v15  }
0x15a: {  	v54 =	vpop (erf)  }
0x15b: {  	v18 =	vcvt.s32.f32 v51;
	(erf) = vrcp.f32 v17;
	v15 =	vadd.f32 v54, v15  }
0x15c: {  	v55 =	vpop (erf)  }
0x15d: {  	(erf) = vrcp.f32 v18;
	v56 =	vpop (erf);
	v15 =	vadd.f32 v55, v15  }
0x15e: {  	v57 =	vpop (erf)  }
0x15f: {  	v15 =	vadd.f32 v57, v15  }
0x160: {  	v58 =	vpop (erf)  }
0x161: {  	v15 =	vadd.f32 v58, v15  }
0x162: {  	v59 =	vpop (erf)  }
0x163: {  	v15 =	vadd.f32 v59, v15  }
0x164: {  	v60 =	vpop (erf)  }
0x165: {  	v15 =	vadd.f32 v60, v15  }
0x166: {  	v61 =	vpop (erf)  }
0x167: {  	v15 =	vadd.f32 v61, v15  }
0x168: {  	v62 =	vsel vm1, $0x0, v56  }
0x169: {  	v15 =	vadd.f32 v62, v15;
	_ =	sdelay $0x1  }
0x16a: {  	(xrf2) =	vadd.scan.msk.f32 $0xffff, v15;
	_ =	sdelay $0x9  }
0x16b: {  	v15, _, _ =	vpop (xrf2)  }
0x16c: {  	(v2sf) =	vpush v15, $0xF;
	_ =	sdelay $0xe  }
0x16d: {  	s30 =	spop (v2sf)  }
0x16e: {  	s31 =	sadd.s32 $0x1, s15;
	s18 =	sadd.f32 $2.500000000e-01, s30  }
0x16f: {  	v15 =	vmov s31  }
0x170: {  	s18 =	scvt.f32.s32 s18;
	_ =	sdelay $0x1  }
0x171: {  	s18 =	sadd.s32 $0x1, s18  }
0x172: {  	v63 =	vmov s18  }
0x173: {  	[tilespmem:v15+s10+$0x0] =	vst.idx.msk $0x1, v63  }
0x174: {  	[tilespmem:v14+s9+$0x0] =	vst.idx.msk $0xffff, v0  }
0x175: {  	s19 =	smov.u32 s15;
	s18 =	simm.s32 $0x180;
	[tilespmem:v13+s9+$0x0] =	vst.idx.msk $0xffff, v0  }
.LBB2_4:
0x176: {  	p1 =	sne.s32 s18, $0xF80;
	[tilespmem:v9+s9+$0x0] =	vst.idx.msk $0xffff, v0;
	s17 =	sadd.s32 $0x200, s17;
	s19 =	sadd.s32 $0x2, s19  }
0x177: {  	s20 =	smov.u32 s18;
	s18 =	sadd.s32 $0x100, s18;
	[tilespmem:v8+s9+$0x0] =	vst.idx.msk $0xffff, v0  }
0x178: {  	[tilespmem:v5+s9+$0x0] =	vst.idx.msk $0xffff, v0  }
0x179: {  	[tilespmem:v11+s9+$0x0] =	vst.idx.msk $0xffff, v0  }
0x17a: {  	[tilespmem:v6+s9+$0x0] =	vst.idx.msk $0xffff, v0  }
0x17b: {  	[tilespmem:v7+s9+$0x0] =	vst.idx.msk $0xffff, v0  }
0x17c: {  	[tilespmem:v12+s9+$0x0] =	vst.idx.msk $0xffff, v0  }
0x17d: {  	[tilespmem:v10+s9+$0x0] =	vst.idx.msk $0xffff, v0  }
0x17e: {  	s21 =	sadd.s32 $0xFFFFFF80, s20;
	[tilespmem:v4+s9+$0x0] =	vst.idx.msk $0xffff, v0  }
0x17f: {  	s22 =	sand.u32 $0x1800, s17;
	s21 =	sand.u32 $0x300, s21;
	[tilespmem:v3+s9+$0x0] =	vst.idx.msk $0xffff, v0  }
0x180: {  	s21 =	sor.u32 s21, s22;
	[tilespmem:v2+s9+$0x0] =	vst.idx.msk $0xffff, v0  }
0x181: {  	v15 =	vld [tilespmem:s21+$0x50]  }
0x182: {  	v16 =	vld [tilespmem:s21+$0x40]  }
0x183: {  	v17 =	vld [tilespmem:s21+$0x30]  }
0x184: {  	v25 =	vld [tilespmem:s21+$0x20]  }
0x185: {  	v26 =	vld [tilespmem:s21+$0x10]  }
0x186: {  	v27 =	vld [tilespmem:s21+$0x0]  }
0x187: {  	v18 =	vld [tilespmem:s21+$0x60]  }
0x188: {  	v19 =	vld [tilespmem:s21+$0x70]  }
0x189: {  	v20 =	vld [tilespmem:s21+$0x400]  }
0x18a: {  	v21 =	vld [tilespmem:s21+$0x410]  }
0x18b: {  	v22 =	vld [tilespmem:s21+$0x420]  }
0x18c: {  	v23 =	vld [tilespmem:s21+$0x430]  }
0x18d: {  	v24 =	vld [tilespmem:s21+$0x438]  }
0x18e: {  	[tilespmem:v27+s8+$0x0] =	vst.idx.add.s32.msk $0xffff, v1  }
0x18f: {  	[tilespmem:v26+s8+$0x0] =	vst.idx.add.s32.msk $0xffff, v1  }
0x190: {  	[tilespmem:v25+s8+$0x0] =	vst.idx.add.s32.msk $0xffff, v1  }
0x191: {  	[tilespmem:v17+s8+$0x0] =	vst.idx.add.s32.msk $0xffff, v1  }
0x192: {  	[tilespmem:v16+s8+$0x0] =	vst.idx.add.s32.msk $0xffff, v1  }
0x193: {  	[tilespmem:v15+s8+$0x0] =	vst.idx.add.s32.msk $0xffff, v1  }
0x194: {  	[tilespmem:v18+s8+$0x0] =	vst.idx.add.s32.msk $0xffff, v1  }
0x195: {  	[tilespmem:v19+s8+$0x0] =	vst.idx.add.s32.msk $0xffff, v1  }
0x196: {  	[tilespmem:v20+s8+$0x0] =	vst.idx.add.s32.msk $0xffff, v1  }
0x197: {  	[tilespmem:v21+s8+$0x0] =	vst.idx.add.s32.msk $0xffff, v1  }
0x198: {  	[tilespmem:v22+s8+$0x0] =	vst.idx.add.s32.msk $0xffff, v1  }
0x199: {  	s20 =	sand.u32 $0x380, s20;
	[tilespmem:v23+s8+$0x0] =	vst.idx.add.s32.msk $0xffff, v1  }
0x19a: {  	s20 =	sor.u32 s20, s22;
	[tilespmem:v24+s8+$0x0] =	vst.idx.add.s32.msk vm0, v1  }
0x19b: {  	v2 =	vld [tilespmem:s20+$0x438]  }
0x19c: {  	v13 =	vld [tilespmem:s20+$0x10]  }
0x19d: {  	v9 =	vld [tilespmem:s20+$0x20]  }
0x19e: {  	v8 =	vld [tilespmem:s20+$0x30]  }
0x19f: {  	v5 =	vld [tilespmem:s20+$0x40]  }
0x1a0: {  	v14 =	vld [tilespmem:s20+$0x0]  }
0x1a1: {  	v6 =	vld [tilespmem:s20+$0x60]  }
0x1a2: {  	v7 =	vld [tilespmem:s20+$0x70]  }
0x1a3: {  	v3 =	vld [tilespmem:s20+$0x430]  }
0x1a4: {  	v11 =	vld [tilespmem:s20+$0x50]  }
0x1a5: {  	v4 =	vld [tilespmem:s20+$0x420]  }
0x1a6: {  	v10 =	vld [tilespmem:s20+$0x410]  }
0x1a7: {  	v12 =	vld [tilespmem:s20+$0x400]  }
0x1a8: {  	[tilespmem:v14+s9+$0x0] =	vst.idx.add.s32.msk $0xffff, v1  }
0x1a9: {  	[tilespmem:v13+s9+$0x0] =	vst.idx.add.s32.msk $0xffff, v1  }
0x1aa: {  	[tilespmem:v9+s9+$0x0] =	vst.idx.add.s32.msk $0xffff, v1  }
0x1ab: {  	[tilespmem:v8+s9+$0x0] =	vst.idx.add.s32.msk $0xffff, v1  }
0x1ac: {  	[tilespmem:v5+s9+$0x0] =	vst.idx.add.s32.msk $0xffff, v1  }
0x1ad: {  	[tilespmem:v11+s9+$0x0] =	vst.idx.add.s32.msk $0xffff, v1  }
0x1ae: {  	[tilespmem:v6+s9+$0x0] =	vst.idx.add.s32.msk $0xffff, v1  }
0x1af: {  	[tilespmem:v7+s9+$0x0] =	vst.idx.add.s32.msk $0xffff, v1  }
0x1b0: {  	[tilespmem:v12+s9+$0x0] =	vst.idx.add.s32.msk $0xffff, v1  }
0x1b1: {  	[tilespmem:v10+s9+$0x0] =	vst.idx.add.s32.msk $0xffff, v1  }
0x1b2: {  	[tilespmem:v4+s9+$0x0] =	vst.idx.add.s32.msk $0xffff, v1  }
0x1b3: {  	[tilespmem:v3+s9+$0x0] =	vst.idx.add.s32.msk $0xffff, v1  }
0x1b4: {  	[tilespmem:v2+s9+$0x0] =	vst.idx.add.s32.msk vm0, v1  }
0x1b5: {  	v28 =	vld.idx.msk [tilespmem:v27+s8+$0x0], $0xffff  }
0x1b6: {  	v29 =	vld.idx.msk [tilespmem:v26+s8+$0x0], $0xffff;
	_ =	sdelay $0x1  }
0x1b7: {  	v30 =	vld.idx.msk [tilespmem:v25+s8+$0x0], $0xffff;
	_ =	sdelay $0x1  }
0x1b8: {  	v31 =	vld.idx.msk [tilespmem:v17+s8+$0x0], $0xffff  }
0x1b9: {  	v28 =	vcvt.s32.f32 v28  }
0x1ba: {  	v29 =	vcvt.s32.f32 v29;
	v32 =	vld.idx.msk [tilespmem:v16+s8+$0x0], $0xffff  }
0x1bb: {  	(erf) = vrcp.f32 v28  }
0x1bc: {  	v28 =	vcvt.s32.f32 v30;
	v30 =	vld.idx.msk [tilespmem:v15+s8+$0x0], $0xffff;
	(erf) = vrcp.f32 v29;
	_ =	sdelay $0x1  }
0x1bd: {  	v29 =	vcvt.s32.f32 v31;
	v31 =	vld.idx.msk [tilespmem:v18+s8+$0x0], $0xffff;
	(erf) = vrcp.f32 v28;
	_ =	sdelay $0x1  }
0x1be: {  	v28 =	vcvt.s32.f32 v32;
	v32 =	vld.idx.msk [tilespmem:v19+s8+$0x0], $0xffff;
	(erf) = vrcp.f32 v29;
	_ =	sdelay $0x1  }
0x1bf: {  	v29 =	vcvt.s32.f32 v30;
	v30 =	vld.idx.msk [tilespmem:v20+s8+$0x0], $0xffff;
	(erf) = vrcp.f32 v28;
	_ =	sdelay $0x1  }
0x1c0: {  	v28 =	vcvt.s32.f32 v31;
	v31 =	vld.idx.msk [tilespmem:v21+s8+$0x0], $0xffff;
	v33 =	vpop (erf);
	(erf) = vrcp.f32 v29  }
0x1c1: {  	v35 =	vadd.f32 $0.0e+00, v33;
	v33 =	vpop (erf)  }
0x1c2: {  	v36 =	vcvt.s32.f32 v32;
	v34 =	vld.idx.msk [tilespmem:v22+s8+$0x0], $0xffff;
	(erf) = vrcp.f32 v28  }
0x1c3: {  	v28 =	vadd.f32 v33, v35;
	v29 =	vpop (erf)  }
0x1c4: {  	v35 =	vcvt.s32.f32 v30;
	v33 =	vld.idx.msk [tilespmem:v23+s8+$0x0], $0xffff;
	(erf) = vrcp.f32 v36  }
0x1c5: {  	v28 =	vadd.f32 v29, v28;
	v29 =	vld.idx.msk [tilespmem:v24+s8+$0x0], $0xffff;
	v32 =	vpop (erf)  }
0x1c6: {  	v31 =	vcvt.s32.f32 v31;
	(erf) = vrcp.f32 v35  }
0x1c7: {  	v28 =	vadd.f32 v32, v28;
	v30 =	vpop (erf)  }
0x1c8: {  	v32 =	vcvt.s32.f32 v34;
	(erf) = vrcp.f32 v31  }
0x1c9: {  	v28 =	vadd.f32 v30, v28;
	v30 =	vpop (erf)  }
0x1ca: {  	v31 =	vcvt.s32.f32 v33;
	(erf) = vrcp.f32 v32  }
0x1cb: {  	v29 =	vcvt.s32.f32 v29;
	v28 =	vadd.f32 v30, v28;
	v30 =	vpop (erf)  }
0x1cc: {  	(erf) = vrcp.f32 v31  }
0x1cd: {  	v28 =	vadd.f32 v30, v28;
	v30 =	vpop (erf);
	(erf) = vrcp.f32 v29;
	_ =	sdelay $0x1  }
0x1ce: {  	v28 =	vadd.f32 v30, v28;
	v29 =	vpop (erf);
	_ =	sdelay $0x1  }
0x1cf: {  	v28 =	vadd.f32 v29, v28;
	v29 =	vpop (erf);
	_ =	sdelay $0x1  }
0x1d0: {  	v28 =	vadd.f32 v29, v28;
	v29 =	vpop (erf);
	_ =	sdelay $0x1  }
0x1d1: {  	v28 =	vadd.f32 v29, v28;
	v29 =	vpop (erf)  }
0x1d2: {  	v30 =	vpop (erf)  }
0x1d3: {  	v28 =	vadd.f32 v29, v28;
	v29 =	vsel vm1, $0x0, v30;
	_ =	sdelay $0x1  }
0x1d4: {  	v28 =	vadd.f32 v29, v28;
	_ =	sdelay $0x1  }
0x1d5: {  	(xrf2) =	vadd.scan.msk.f32 $0xffff, v28;
	_ =	sdelay $0x9  }
0x1d6: {  	v28, _, _ =	vpop (xrf2)  }
0x1d7: {  	(v2sf) =	vpush v28, $0xF;
	_ =	sdelay $0xc  }
0x1d8: {  	v28 =	vmov s19  }
0x1d9: {  	v28 =	vand.u32 $0xFFFFFFFE, v28  }
0x1da: {  	v28 =	vbroadcast v28, $0x0;
	s20 =	spop (v2sf)  }
0x1db: {  	s20 =	sadd.f32 $2.500000000e-01, s20;
	_ =	sdelay $0x1  }
0x1dc: {  	s20 =	scvt.f32.s32 s20;
	_ =	sdelay $0x1  }
0x1dd: {  	s20 =	sadd.s32 $0x1, s20  }
0x1de: {  	v29 =	vmov s20  }
0x1df: {  	[tilespmem:v28+s10+$0x0] =	vst.idx.msk $0x1, v29  }
0x1e0: {  	[tilespmem:v27+s8+$0x0] =	vst.idx.msk $0xffff, v0  }
0x1e1: {  	[tilespmem:v26+s8+$0x0] =	vst.idx.msk $0xffff, v0  }
0x1e2: {  	[tilespmem:v25+s8+$0x0] =	vst.idx.msk $0xffff, v0  }
0x1e3: {  	[tilespmem:v17+s8+$0x0] =	vst.idx.msk $0xffff, v0  }
0x1e4: {  	[tilespmem:v16+s8+$0x0] =	vst.idx.msk $0xffff, v0  }
0x1e5: {  	[tilespmem:v15+s8+$0x0] =	vst.idx.msk $0xffff, v0  }
0x1e6: {  	[tilespmem:v18+s8+$0x0] =	vst.idx.msk $0xffff, v0  }
0x1e7: {  	[tilespmem:v19+s8+$0x0] =	vst.idx.msk $0xffff, v0  }
0x1e8: {  	[tilespmem:v20+s8+$0x0] =	vst.idx.msk $0xffff, v0  }
0x1e9: {  	[tilespmem:v21+s8+$0x0] =	vst.idx.msk $0xffff, v0  }
0x1ea: {  	[tilespmem:v22+s8+$0x0] =	vst.idx.msk $0xffff, v0  }
0x1eb: {  	[tilespmem:v23+s8+$0x0] =	vst.idx.msk $0xffff, v0  }
0x1ec: {  	[tilespmem:v24+s8+$0x0] =	vst.idx.msk $0xffff, v0  }
0x1ed: {  	v15 =	vld.idx.msk [tilespmem:v14+s9+$0x0], $0xffff  }
0x1ee: {  	v16 =	vld.idx.msk [tilespmem:v13+s9+$0x0], $0xffff  }
0x1ef: {  	v17 =	vld.idx.msk [tilespmem:v9+s9+$0x0], $0xffff  }
0x1f0: {  	v18 =	vld.idx.msk [tilespmem:v8+s9+$0x0], $0xffff  }
0x1f1: {  	v19 =	vld.idx.msk [tilespmem:v5+s9+$0x0], $0xffff  }
0x1f2: {  	v20 =	vld.idx.msk [tilespmem:v11+s9+$0x0], $0xffff  }
0x1f3: {  	v15 =	vcvt.s32.f32 v15;
	v21 =	vld.idx.msk [tilespmem:v6+s9+$0x0], $0xffff  }
0x1f4: {  	v16 =	vcvt.s32.f32 v16;
	v22 =	vld.idx.msk [tilespmem:v7+s9+$0x0], $0xffff  }
0x1f5: {  	v17 =	vcvt.s32.f32 v17;
	v23 =	vld.idx.msk [tilespmem:v12+s9+$0x0], $0xffff;
	(erf) = vrcp.f32 v15  }
0x1f6: {  	v15 =	vcvt.s32.f32 v18;
	v18 =	vld.idx.msk [tilespmem:v10+s9+$0x0], $0xffff;
	(erf) = vrcp.f32 v16  }
0x1f7: {  	v16 =	vcvt.s32.f32 v19;
	v19 =	vld.idx.msk [tilespmem:v4+s9+$0x0], $0xffff  }
0x1f8: {  	v20 =	vcvt.s32.f32 v20;
	v24 =	vld.idx.msk [tilespmem:v3+s9+$0x0], $0xffff;
	(erf) = vrcp.f32 v17  }
0x1f9: {  	v17 =	vcvt.s32.f32 v21;
	v21 =	vld.idx.msk [tilespmem:v2+s9+$0x0], $0xffff  }
0x1fa: {  	v22 =	vcvt.s32.f32 v22;
	(erf) = vrcp.f32 v15  }
0x1fb: {  	v15 =	vcvt.s32.f32 v23  }
0x1fc: {  	v18 =	vcvt.s32.f32 v18;
	(erf) = vrcp.f32 v16  }
0x1fd: {  	v16 =	vcvt.s32.f32 v19  }
0x1fe: {  	v19 =	vcvt.s32.f32 v24;
	v23 =	vpop (erf);
	(erf) = vrcp.f32 v20  }
0x1ff: {  	v21 =	vcvt.s32.f32 v21;
	v24 =	vadd.f32 $0.0e+00, v23;
	v23 =	vpop (erf)  }
0x200: {  	(erf) = vrcp.f32 v17  }
0x201: {  	v17 =	vadd.f32 v23, v24;
	v20 =	vpop (erf);
	(erf) = vrcp.f32 v21  }
0x202: {  	(erf) = vrcp.f32 v22  }
0x203: {  	v21 =	vadd.f32 v20, v17;
	v20 =	vpop (erf)  }
0x204: {  	(erf) = vrcp.f32 v15  }
0x205: {  	v15 =	vadd.f32 v20, v21;
	v17 =	vpop (erf)  }
0x206: {  	(erf) = vrcp.f32 v18  }
0x207: {  	v15 =	vadd.f32 v17, v15;
	v17 =	vpop (erf)  }
0x208: {  	(erf) = vrcp.f32 v16  }
0x209: {  	v15 =	vadd.f32 v17, v15;
	v16 =	vpop (erf)  }
0x20a: {  	(erf) = vrcp.f32 v19;
	v17 =	vpop (erf)  }
0x20b: {  	v15 =	vadd.f32 v16, v15;
	v16 =	vpop (erf);
	_ =	sdelay $0x1  }
0x20c: {  	v15 =	vadd.f32 v16, v15;
	v16 =	vpop (erf);
	_ =	sdelay $0x1  }
0x20d: {  	v15 =	vadd.f32 v16, v15;
	v16 =	vpop (erf);
	_ =	sdelay $0x1  }
0x20e: {  	v15 =	vadd.f32 v16, v15;
	v16 =	vpop (erf);
	_ =	sdelay $0x1  }
0x20f: {  	v15 =	vadd.f32 v16, v15;
	v16 =	vpop (erf);
	_ =	sdelay $0x1  }
0x210: {  	v15 =	vadd.f32 v16, v15;
	v16 =	vsel vm1, $0x0, v17;
	_ =	sdelay $0x1  }
0x211: {  	v15 =	vadd.f32 v16, v15;
	_ =	sdelay $0x1  }
0x212: {  	(xrf2) =	vadd.scan.msk.f32 $0xffff, v15;
	_ =	sdelay $0x9  }
0x213: {  	v15, _, _ =	vpop (xrf2)  }
0x214: {  	(v2sf) =	vpush v15, $0xF;
	_ =	sdelay $0xe  }
0x215: {  	s20 =	sadd.s32 $0x1, s19;
	s21 =	spop (v2sf)  }
0x216: {  	v15 =	vmov s20;
	s21 =	sadd.f32 $2.500000000e-01, s21;
	_ =	sdelay $0x1  }
0x217: {  	s20 =	scvt.f32.s32 s21;
	_ =	sdelay $0x1  }
.Ltmp5:
0x218: {  	s20 =	sadd.s32 $0x1, s20;
	(pc) =	sbr.rel @p1 .LBB2_4-.Ltmp5, $4  }
0x219: {  	v16 =	vmov s20  }
0x21a: {  	[tilespmem:v15+s10+$0x0] =	vst.idx.msk $0x1, v16  }
0x21b: {  	[tilespmem:v14+s9+$0x0] =	vst.idx.msk $0xffff, v0  }
0x21c: {  	[tilespmem:v13+s9+$0x0] =	vst.idx.msk $0xffff, v0  }
0x21d: {  	_ =	sdelay $0x3  }
0x21e: {  	[tilespmem:v9+s9+$0x0] =	vst.idx.msk $0xffff, v0  }
0x21f: {  	[tilespmem:v8+s9+$0x0] =	vst.idx.msk $0xffff, v0  }
0x220: {  	[tilespmem:v5+s9+$0x0] =	vst.idx.msk $0xffff, v0  }
0x221: {  	[tilespmem:v11+s9+$0x0] =	vst.idx.msk $0xffff, v0  }
0x222: {  	[tilespmem:v6+s9+$0x0] =	vst.idx.msk $0xffff, v0  }
0x223: {  	[tilespmem:v7+s9+$0x0] =	vst.idx.msk $0xffff, v0  }
0x224: {  	[tilespmem:v12+s9+$0x0] =	vst.idx.msk $0xffff, v0  }
0x225: {  	[tilespmem:v10+s9+$0x0] =	vst.idx.msk $0xffff, v0  }
0x226: {  	[tilespmem:v4+s9+$0x0] =	vst.idx.msk $0xffff, v0  }
0x227: {  	[tilespmem:v3+s9+$0x0] =	vst.idx.msk $0xffff, v0  }
0x228: {  	[tilespmem:v2+s9+$0x0] =	vst.idx.msk $0xffff, v0  }
.LBB2_6:
.Ltmp6:
0x229: {  	(pc) =	sbr.rel @!p0 .LBB2_10-.Ltmp6, $1  }
0x22a: {  	_ =	sdelay $0x3  }
0x22b: {  	s17 =	simm.s32 $0x0  }
0x22c: {  	_ =	swait.ge [sflag:s11], $0x2000;
	s19 =	simm.s32 $0x0;
	s18 =	sand.u32 $0x1800, s17  }
0x22d: {  	[sflag:s11] =	ssyncset.done $0x0;
	s19 =	sand.u32 $0x300, s19;
	s18 =	sor.u32 $0x2000, s18  }
0x22e: {  	[sflag:s11] =	ssyncadd.s32 $0xFFFFE000;
	s19 =	sor.u32 s19, s18  }
0x22f: {  	v15 =	vld [tilespmem:s19+$0x50]  }
0x230: {  	v16 =	vld [tilespmem:s19+$0x40]  }
0x231: {  	v17 =	vld [tilespmem:s19+$0x30]  }
0x232: {  	v25 =	vld [tilespmem:s19+$0x20]  }
0x233: {  	v26 =	vld [tilespmem:s19+$0x10]  }
0x234: {  	v27 =	vld [tilespmem:s19+$0x0]  }
0x235: {  	v18 =	vld [tilespmem:s19+$0x60]  }
0x236: {  	v19 =	vld [tilespmem:s19+$0x70]  }
0x237: {  	v20 =	vld [tilespmem:s19+$0x400]  }
0x238: {  	v21 =	vld [tilespmem:s19+$0x410]  }
0x239: {  	v22 =	vld [tilespmem:s19+$0x420]  }
0x23a: {  	v23 =	vld [tilespmem:s19+$0x430]  }
0x23b: {  	v24 =	vld [tilespmem:s19+$0x438]  }
0x23c: {  	[tilespmem:v27+s8+$0x0] =	vst.idx.add.s32.msk $0xffff, v1  }
0x23d: {  	[tilespmem:v26+s8+$0x0] =	vst.idx.add.s32.msk $0xffff, v1  }
0x23e: {  	[tilespmem:v25+s8+$0x0] =	vst.idx.add.s32.msk $0xffff, v1  }
0x23f: {  	[tilespmem:v17+s8+$0x0] =	vst.idx.add.s32.msk $0xffff, v1  }
0x240: {  	[tilespmem:v16+s8+$0x0] =	vst.idx.add.s32.msk $0xffff, v1  }
0x241: {  	[tilespmem:v15+s8+$0x0] =	vst.idx.add.s32.msk $0xffff, v1  }
0x242: {  	[tilespmem:v18+s8+$0x0] =	vst.idx.add.s32.msk $0xffff, v1  }
0x243: {  	[tilespmem:v19+s8+$0x0] =	vst.idx.add.s32.msk $0xffff, v1  }
0x244: {  	[tilespmem:v20+s8+$0x0] =	vst.idx.add.s32.msk $0xffff, v1  }
0x245: {  	[tilespmem:v21+s8+$0x0] =	vst.idx.add.s32.msk $0xffff, v1  }
0x246: {  	s28 =	simm.s32 $0x80;
	[tilespmem:v22+s8+$0x0] =	vst.idx.add.s32.msk $0xffff, v1  }
0x247: {  	s19 =	sand.u32 $0x380, s28;
	[tilespmem:v23+s8+$0x0] =	vst.idx.add.s32.msk $0xffff, v1  }
0x248: {  	s18 =	sor.u32 s19, s18;
	[tilespmem:v24+s8+$0x0] =	vst.idx.add.s32.msk vm0, v1  }
0x249: {  	v2 =	vld [tilespmem:s18+$0x438]  }
0x24a: {  	v13 =	vld [tilespmem:s18+$0x10]  }
0x24b: {  	v9 =	vld [tilespmem:s18+$0x20]  }
0x24c: {  	v8 =	vld [tilespmem:s18+$0x30]  }
0x24d: {  	v5 =	vld [tilespmem:s18+$0x40]  }
0x24e: {  	v14 =	vld [tilespmem:s18+$0x0]  }
0x24f: {  	v6 =	vld [tilespmem:s18+$0x60]  }
0x250: {  	v7 =	vld [tilespmem:s18+$0x70]  }
0x251: {  	v3 =	vld [tilespmem:s18+$0x430]  }
0x252: {  	v11 =	vld [tilespmem:s18+$0x50]  }
0x253: {  	v4 =	vld [tilespmem:s18+$0x420]  }
0x254: {  	v10 =	vld [tilespmem:s18+$0x410]  }
0x255: {  	v12 =	vld [tilespmem:s18+$0x400]  }
0x256: {  	[tilespmem:v14+s9+$0x0] =	vst.idx.add.s32.msk $0xffff, v1  }
0x257: {  	[tilespmem:v13+s9+$0x0] =	vst.idx.add.s32.msk $0xffff, v1  }
0x258: {  	[tilespmem:v9+s9+$0x0] =	vst.idx.add.s32.msk $0xffff, v1  }
0x259: {  	[tilespmem:v8+s9+$0x0] =	vst.idx.add.s32.msk $0xffff, v1  }
0x25a: {  	[tilespmem:v5+s9+$0x0] =	vst.idx.add.s32.msk $0xffff, v1  }
0x25b: {  	[tilespmem:v11+s9+$0x0] =	vst.idx.add.s32.msk $0xffff, v1  }
0x25c: {  	[tilespmem:v6+s9+$0x0] =	vst.idx.add.s32.msk $0xffff, v1  }
0x25d: {  	[tilespmem:v7+s9+$0x0] =	vst.idx.add.s32.msk $0xffff, v1  }
0x25e: {  	[tilespmem:v12+s9+$0x0] =	vst.idx.add.s32.msk $0xffff, v1  }
0x25f: {  	[tilespmem:v10+s9+$0x0] =	vst.idx.add.s32.msk $0xffff, v1  }
0x260: {  	[tilespmem:v4+s9+$0x0] =	vst.idx.add.s32.msk $0xffff, v1  }
0x261: {  	[tilespmem:v3+s9+$0x0] =	vst.idx.add.s32.msk $0xffff, v1  }
0x262: {  	[tilespmem:v2+s9+$0x0] =	vst.idx.add.s32.msk vm0, v1  }
0x263: {  	v28 =	vld.idx.msk [tilespmem:v27+s8+$0x0], $0xffff;
	_ =	sdelay $0x1  }
0x264: {  	v29 =	vld.idx.msk [tilespmem:v26+s8+$0x0], $0xffff;
	_ =	sdelay $0x1  }
0x265: {  	v30 =	vld.idx.msk [tilespmem:v25+s8+$0x0], $0xffff  }
0x266: {  	v28 =	vcvt.s32.f32 v28  }
0x267: {  	v31 =	vld.idx.msk [tilespmem:v17+s8+$0x0], $0xffff  }
0x268: {  	v29 =	vcvt.s32.f32 v29;
	(erf) = vrcp.f32 v28  }
0x269: {  	v48 =	vld.idx.msk [tilespmem:v16+s8+$0x0], $0xffff  }
0x26a: {  	v30 =	vcvt.s32.f32 v30;
	(erf) = vrcp.f32 v29  }
0x26b: {  	v49 =	vld.idx.msk [tilespmem:v15+s8+$0x0], $0xffff  }
0x26c: {  	v31 =	vcvt.s32.f32 v31;
	(erf) = vrcp.f32 v30  }
0x26d: {  	v50 =	vld.idx.msk [tilespmem:v18+s8+$0x0], $0xffff  }
0x26e: {  	v28 =	vcvt.s32.f32 v48;
	(erf) = vrcp.f32 v31  }
0x26f: {  	v51 =	vld.idx.msk [tilespmem:v19+s8+$0x0], $0xffff  }
0x270: {  	v29 =	vcvt.s32.f32 v49;
	(erf) = vrcp.f32 v28  }
0x271: {  	v52 =	vld.idx.msk [tilespmem:v20+s8+$0x0], $0xffff;
	v32 =	vpop (erf)  }
0x272: {  	v30 =	vcvt.s32.f32 v50;
	(erf) = vrcp.f32 v29;
	v53 =	vadd.f32 $0.0e+00, v32  }
0x273: {  	v54 =	vld.idx.msk [tilespmem:v21+s8+$0x0], $0xffff;
	v33 =	vpop (erf)  }
0x274: {  	v31 =	vcvt.s32.f32 v51;
	(erf) = vrcp.f32 v30;
	v29 =	vadd.f32 v33, v53  }
0x275: {  	v55 =	vld.idx.msk [tilespmem:v22+s8+$0x0], $0xffff;
	v56 =	vpop (erf)  }
0x276: {  	v28 =	vcvt.s32.f32 v52;
	(erf) = vrcp.f32 v31;
	v29 =	vadd.f32 v56, v29  }
0x277: {  	v57 =	vld.idx.msk [tilespmem:v23+s8+$0x0], $0xffff;
	v58 =	vpop (erf)  }
0x278: {  	v34 =	vld.idx.msk [tilespmem:v24+s8+$0x0], $0xffff;
	v32 =	vcvt.s32.f32 v54;
	(erf) = vrcp.f32 v28;
	v59 =	vadd.f32 v58, v29  }
0x279: {  	v60 =	vpop (erf)  }
0x27a: {  	v30 =	vcvt.s32.f32 v55;
	(erf) = vrcp.f32 v32;
	v28 =	vadd.f32 v60, v59  }
0x27b: {  	v61 =	vpop (erf)  }
0x27c: {  	v31 =	vcvt.s32.f32 v57;
	(erf) = vrcp.f32 v30;
	v28 =	vadd.f32 v61, v28  }
0x27d: {  	v62 =	vcvt.s32.f32 v34;
	v63 =	vpop (erf)  }
0x27e: {  	(erf) = vrcp.f32 v31;
	v28 =	vadd.f32 v63, v28  }
0x27f: {  	v33 =	vpop (erf);
	(erf) = vrcp.f32 v62  }
0x280: {  	v28 =	vadd.f32 v33, v28  }
0x281: {  	v34 =	vpop (erf)  }
0x282: {  	v28 =	vadd.f32 v34, v28  }
0x283: {  	v35 =	vpop (erf)  }
0x284: {  	v28 =	vadd.f32 v35, v28  }
0x285: {  	v36 =	vpop (erf)  }
0x286: {  	v28 =	vadd.f32 v36, v28  }
0x287: {  	v37 =	vpop (erf)  }
0x288: {  	v38 =	vpop (erf);
	v28 =	vadd.f32 v37, v28  }
0x289: {  	v39 =	vsel vm1, $0x0, v38  }
0x28a: {  	v28 =	vadd.f32 v39, v28;
	_ =	sdelay $0x1  }
0x28b: {  	(xrf2) =	vadd.scan.msk.f32 $0xffff, v28;
	_ =	sdelay $0x9  }
0x28c: {  	v28, _, _ =	vpop (xrf2)  }
0x28d: {  	(v2sf) =	vpush v28, $0xF;
	_ =	sdelay $0xd  }
0x28e: {  	v40 =	vmov s15  }
0x28f: {  	v28 =	vand.u32 $0xFFFFFFFE, v40;
	s29 =	spop (v2sf)  }
0x290: {  	v28 =	vbroadcast v28, $0x0;
	s18 =	sadd.f32 $2.500000000e-01, s29;
	_ =	sdelay $0x1  }
0x291: {  	s18 =	scvt.f32.s32 s18;
	_ =	sdelay $0x1  }
0x292: {  	s18 =	sadd.s32 $0x1, s18  }
0x293: {  	v41 =	vmov s18  }
0x294: {  	[tilespmem:v28+s10+$0x0] =	vst.idx.msk $0x1, v41  }
0x295: {  	[tilespmem:v27+s8+$0x0] =	vst.idx.msk $0xffff, v0  }
0x296: {  	[tilespmem:v26+s8+$0x0] =	vst.idx.msk $0xffff, v0  }
0x297: {  	[tilespmem:v25+s8+$0x0] =	vst.idx.msk $0xffff, v0  }
0x298: {  	[tilespmem:v17+s8+$0x0] =	vst.idx.msk $0xffff, v0  }
0x299: {  	[tilespmem:v16+s8+$0x0] =	vst.idx.msk $0xffff, v0  }
0x29a: {  	[tilespmem:v15+s8+$0x0] =	vst.idx.msk $0xffff, v0  }
0x29b: {  	[tilespmem:v18+s8+$0x0] =	vst.idx.msk $0xffff, v0  }
0x29c: {  	[tilespmem:v19+s8+$0x0] =	vst.idx.msk $0xffff, v0  }
0x29d: {  	[tilespmem:v20+s8+$0x0] =	vst.idx.msk $0xffff, v0  }
0x29e: {  	[tilespmem:v21+s8+$0x0] =	vst.idx.msk $0xffff, v0  }
0x29f: {  	[tilespmem:v22+s8+$0x0] =	vst.idx.msk $0xffff, v0  }
0x2a0: {  	[tilespmem:v23+s8+$0x0] =	vst.idx.msk $0xffff, v0  }
0x2a1: {  	[tilespmem:v24+s8+$0x0] =	vst.idx.msk $0xffff, v0  }
0x2a2: {  	v15 =	vld.idx.msk [tilespmem:v14+s9+$0x0], $0xffff;
	_ =	sdelay $0x1  }
0x2a3: {  	v16 =	vld.idx.msk [tilespmem:v13+s9+$0x0], $0xffff;
	_ =	sdelay $0x1  }
0x2a4: {  	v17 =	vld.idx.msk [tilespmem:v9+s9+$0x0], $0xffff  }
0x2a5: {  	v15 =	vcvt.s32.f32 v15  }
0x2a6: {  	v18 =	vld.idx.msk [tilespmem:v8+s9+$0x0], $0xffff  }
0x2a7: {  	v16 =	vcvt.s32.f32 v16;
	(erf) = vrcp.f32 v15  }
0x2a8: {  	v15 =	vld.idx.msk [tilespmem:v5+s9+$0x0], $0xffff  }
0x2a9: {  	v17 =	vcvt.s32.f32 v17;
	(erf) = vrcp.f32 v16  }
0x2aa: {  	v42 =	vld.idx.msk [tilespmem:v11+s9+$0x0], $0xffff  }
0x2ab: {  	v18 =	vcvt.s32.f32 v18;
	(erf) = vrcp.f32 v17  }
0x2ac: {  	v43 =	vld.idx.msk [tilespmem:v6+s9+$0x0], $0xffff  }
0x2ad: {  	v19 =	vld.idx.msk [tilespmem:v2+s9+$0x0], $0xffff;
	(erf) = vrcp.f32 v18;
	v15 =	vcvt.s32.f32 v15  }
0x2ae: {  	v44 =	vld.idx.msk [tilespmem:v7+s9+$0x0], $0xffff  }
0x2af: {  	v16 =	vcvt.s32.f32 v42;
	(erf) = vrcp.f32 v15  }
0x2b0: {  	v15 =	vld.idx.msk [tilespmem:v12+s9+$0x0], $0xffff;
	v45 =	vpop (erf)  }
0x2b1: {  	v17 =	vcvt.s32.f32 v43;
	(erf) = vrcp.f32 v16;
	v46 =	vadd.f32 $0.0e+00, v45  }
0x2b2: {  	v47 =	vld.idx.msk [tilespmem:v10+s9+$0x0], $0xffff;
	v19 =	vcvt.s32.f32 v19;
	v48 =	vpop (erf)  }
0x2b3: {  	v18 =	vcvt.s32.f32 v44;
	(erf) = vrcp.f32 v17;
	v16 =	vadd.f32 v48, v46  }
0x2b4: {  	v49 =	vld.idx.msk [tilespmem:v4+s9+$0x0], $0xffff;
	(erf) = vrcp.f32 v19;
	v50 =	vpop (erf)  }
0x2b5: {  	(erf) = vrcp.f32 v18;
	v15 =	vcvt.s32.f32 v15;
	v16 =	vadd.f32 v50, v16  }
0x2b6: {  	v51 =	vld.idx.msk [tilespmem:v3+s9+$0x0], $0xffff;
	v52 =	vpop (erf)  }
0x2b7: {  	v20 =	vcvt.s32.f32 v47;
	(erf) = vrcp.f32 v15;
	v15 =	vadd.f32 v52, v16  }
0x2b8: {  	v53 =	vpop (erf)  }
0x2b9: {  	v17 =	vcvt.s32.f32 v49;
	(erf) = vrcp.f32 v20;
	v15 =	vadd.f32 v53, v15  }
0x2ba: {  	v54 =	vpop (erf)  }
0x2bb: {  	v18 =	vcvt.s32.f32 v51;
	(erf) = vrcp.f32 v17;
	v15 =	vadd.f32 v54, v15  }
0x2bc: {  	v55 =	vpop (erf)  }
0x2bd: {  	(erf) = vrcp.f32 v18;
	v56 =	vpop (erf);
	v15 =	vadd.f32 v55, v15  }
0x2be: {  	v57 =	vpop (erf)  }
0x2bf: {  	v15 =	vadd.f32 v57, v15  }
0x2c0: {  	v58 =	vpop (erf)  }
0x2c1: {  	v15 =	vadd.f32 v58, v15  }
0x2c2: {  	v59 =	vpop (erf)  }
0x2c3: {  	v15 =	vadd.f32 v59, v15  }
0x2c4: {  	v60 =	vpop (erf)  }
0x2c5: {  	v15 =	vadd.f32 v60, v15  }
0x2c6: {  	v61 =	vpop (erf)  }
0x2c7: {  	v15 =	vadd.f32 v61, v15  }
0x2c8: {  	v62 =	vsel vm1, $0x0, v56  }
0x2c9: {  	v15 =	vadd.f32 v62, v15;
	_ =	sdelay $0x1  }
0x2ca: {  	(xrf2) =	vadd.scan.msk.f32 $0xffff, v15;
	_ =	sdelay $0x9  }
0x2cb: {  	v15, _, _ =	vpop (xrf2)  }
0x2cc: {  	(v2sf) =	vpush v15, $0xF;
	_ =	sdelay $0xe  }
0x2cd: {  	s30 =	spop (v2sf)  }
0x2ce: {  	s31 =	sadd.s32 $0x1, s15;
	s18 =	sadd.f32 $2.500000000e-01, s30  }
0x2cf: {  	v15 =	vmov s31  }
0x2d0: {  	s18 =	scvt.f32.s32 s18;
	_ =	sdelay $0x1  }
0x2d1: {  	s18 =	sadd.s32 $0x1, s18  }
0x2d2: {  	v63 =	vmov s18  }
0x2d3: {  	[tilespmem:v15+s10+$0x0] =	vst.idx.msk $0x1, v63  }
0x2d4: {  	[tilespmem:v14+s9+$0x0] =	vst.idx.msk $0xffff, v0  }
0x2d5: {  	s19 =	smov.u32 s15;
	s18 =	simm.s32 $0x180;
	[tilespmem:v13+s9+$0x0] =	vst.idx.msk $0xffff, v0  }
.LBB2_8:
0x2d6: {  	p0 =	sne.s32 s18, $0xF80;
	[tilespmem:v9+s9+$0x0] =	vst.idx.msk $0xffff, v0;
	s17 =	sadd.s32 $0x200, s17;
	s19 =	sadd.s32 $0x2, s19  }
0x2d7: {  	s20 =	smov.u32 s18;
	s18 =	sadd.s32 $0x100, s18;
	[tilespmem:v8+s9+$0x0] =	vst.idx.msk $0xffff, v0  }
0x2d8: {  	[tilespmem:v5+s9+$0x0] =	vst.idx.msk $0xffff, v0  }
0x2d9: {  	[tilespmem:v11+s9+$0x0] =	vst.idx.msk $0xffff, v0  }
0x2da: {  	[tilespmem:v6+s9+$0x0] =	vst.idx.msk $0xffff, v0  }
0x2db: {  	[tilespmem:v7+s9+$0x0] =	vst.idx.msk $0xffff, v0  }
0x2dc: {  	[tilespmem:v12+s9+$0x0] =	vst.idx.msk $0xffff, v0  }
0x2dd: {  	[tilespmem:v10+s9+$0x0] =	vst.idx.msk $0xffff, v0  }
0x2de: {  	s21 =	sand.u32 $0x1800, s17;
	s22 =	sadd.s32 $0xFFFFFF80, s20;
	[tilespmem:v4+s9+$0x0] =	vst.idx.msk $0xffff, v0  }
0x2df: {  	s22 =	sand.u32 $0x300, s22;
	s21 =	sor.u32 $0x2000, s21;
	[tilespmem:v3+s9+$0x0] =	vst.idx.msk $0xffff, v0  }
0x2e0: {  	s22 =	sor.u32 s22, s21;
	[tilespmem:v2+s9+$0x0] =	vst.idx.msk $0xffff, v0  }
0x2e1: {  	v15 =	vld [tilespmem:s22+$0x50]  }
0x2e2: {  	v16 =	vld [tilespmem:s22+$0x40]  }
0x2e3: {  	v17 =	vld [tilespmem:s22+$0x30]  }
0x2e4: {  	v25 =	vld [tilespmem:s22+$0x20]  }
0x2e5: {  	v26 =	vld [tilespmem:s22+$0x10]  }
0x2e6: {  	v27 =	vld [tilespmem:s22+$0x0]  }
0x2e7: {  	v18 =	vld [tilespmem:s22+$0x60]  }
0x2e8: {  	v19 =	vld [tilespmem:s22+$0x70]  }
0x2e9: {  	v20 =	vld [tilespmem:s22+$0x400]  }
0x2ea: {  	v21 =	vld [tilespmem:s22+$0x410]  }
0x2eb: {  	v22 =	vld [tilespmem:s22+$0x420]  }
0x2ec: {  	v23 =	vld [tilespmem:s22+$0x430]  }
0x2ed: {  	v24 =	vld [tilespmem:s22+$0x438]  }
0x2ee: {  	[tilespmem:v27+s8+$0x0] =	vst.idx.add.s32.msk $0xffff, v1  }
0x2ef: {  	[tilespmem:v26+s8+$0x0] =	vst.idx.add.s32.msk $0xffff, v1  }
0x2f0: {  	[tilespmem:v25+s8+$0x0] =	vst.idx.add.s32.msk $0xffff, v1  }
0x2f1: {  	[tilespmem:v17+s8+$0x0] =	vst.idx.add.s32.msk $0xffff, v1  }
0x2f2: {  	[tilespmem:v16+s8+$0x0] =	vst.idx.add.s32.msk $0xffff, v1  }
0x2f3: {  	[tilespmem:v15+s8+$0x0] =	vst.idx.add.s32.msk $0xffff, v1  }
0x2f4: {  	[tilespmem:v18+s8+$0x0] =	vst.idx.add.s32.msk $0xffff, v1  }
0x2f5: {  	[tilespmem:v19+s8+$0x0] =	vst.idx.add.s32.msk $0xffff, v1  }
0x2f6: {  	[tilespmem:v20+s8+$0x0] =	vst.idx.add.s32.msk $0xffff, v1  }
0x2f7: {  	[tilespmem:v21+s8+$0x0] =	vst.idx.add.s32.msk $0xffff, v1  }
0x2f8: {  	[tilespmem:v22+s8+$0x0] =	vst.idx.add.s32.msk $0xffff, v1  }
0x2f9: {  	s20 =	sand.u32 $0x380, s20;
	[tilespmem:v23+s8+$0x0] =	vst.idx.add.s32.msk $0xffff, v1  }
0x2fa: {  	s20 =	sor.u32 s20, s21;
	[tilespmem:v24+s8+$0x0] =	vst.idx.add.s32.msk vm0, v1  }
0x2fb: {  	v2 =	vld [tilespmem:s20+$0x438]  }
0x2fc: {  	v13 =	vld [tilespmem:s20+$0x10]  }
0x2fd: {  	v9 =	vld [tilespmem:s20+$0x20]  }
0x2fe: {  	v8 =	vld [tilespmem:s20+$0x30]  }
0x2ff: {  	v5 =	vld [tilespmem:s20+$0x40]  }
0x300: {  	v14 =	vld [tilespmem:s20+$0x0]  }
0x301: {  	v6 =	vld [tilespmem:s20+$0x60]  }
0x302: {  	v7 =	vld [tilespmem:s20+$0x70]  }
0x303: {  	v3 =	vld [tilespmem:s20+$0x430]  }
0x304: {  	v11 =	vld [tilespmem:s20+$0x50]  }
0x305: {  	v4 =	vld [tilespmem:s20+$0x420]  }
0x306: {  	v10 =	vld [tilespmem:s20+$0x410]  }
0x307: {  	v12 =	vld [tilespmem:s20+$0x400]  }
0x308: {  	[tilespmem:v14+s9+$0x0] =	vst.idx.add.s32.msk $0xffff, v1  }
0x309: {  	[tilespmem:v13+s9+$0x0] =	vst.idx.add.s32.msk $0xffff, v1  }
0x30a: {  	[tilespmem:v9+s9+$0x0] =	vst.idx.add.s32.msk $0xffff, v1  }
0x30b: {  	[tilespmem:v8+s9+$0x0] =	vst.idx.add.s32.msk $0xffff, v1  }
0x30c: {  	[tilespmem:v5+s9+$0x0] =	vst.idx.add.s32.msk $0xffff, v1  }
0x30d: {  	[tilespmem:v11+s9+$0x0] =	vst.idx.add.s32.msk $0xffff, v1  }
0x30e: {  	[tilespmem:v6+s9+$0x0] =	vst.idx.add.s32.msk $0xffff, v1  }
0x30f: {  	[tilespmem:v7+s9+$0x0] =	vst.idx.add.s32.msk $0xffff, v1  }
0x310: {  	[tilespmem:v12+s9+$0x0] =	vst.idx.add.s32.msk $0xffff, v1  }
0x311: {  	[tilespmem:v10+s9+$0x0] =	vst.idx.add.s32.msk $0xffff, v1  }
0x312: {  	[tilespmem:v4+s9+$0x0] =	vst.idx.add.s32.msk $0xffff, v1  }
0x313: {  	[tilespmem:v3+s9+$0x0] =	vst.idx.add.s32.msk $0xffff, v1  }
0x314: {  	[tilespmem:v2+s9+$0x0] =	vst.idx.add.s32.msk vm0, v1  }
0x315: {  	v28 =	vld.idx.msk [tilespmem:v27+s8+$0x0], $0xffff  }
0x316: {  	v29 =	vld.idx.msk [tilespmem:v26+s8+$0x0], $0xffff;
	_ =	sdelay $0x1  }
0x317: {  	v30 =	vld.idx.msk [tilespmem:v25+s8+$0x0], $0xffff;
	_ =	sdelay $0x1  }
0x318: {  	v31 =	vld.idx.msk [tilespmem:v17+s8+$0x0], $0xffff  }
0x319: {  	v28 =	vcvt.s32.f32 v28  }
0x31a: {  	v29 =	vcvt.s32.f32 v29;
	v32 =	vld.idx.msk [tilespmem:v16+s8+$0x0], $0xffff  }
0x31b: {  	(erf) = vrcp.f32 v28  }
0x31c: {  	v28 =	vcvt.s32.f32 v30;
	v30 =	vld.idx.msk [tilespmem:v15+s8+$0x0], $0xffff;
	(erf) = vrcp.f32 v29;
	_ =	sdelay $0x1  }
0x31d: {  	v29 =	vcvt.s32.f32 v31;
	v31 =	vld.idx.msk [tilespmem:v18+s8+$0x0], $0xffff;
	(erf) = vrcp.f32 v28;
	_ =	sdelay $0x1  }
0x31e: {  	v28 =	vcvt.s32.f32 v32;
	v32 =	vld.idx.msk [tilespmem:v19+s8+$0x0], $0xffff;
	(erf) = vrcp.f32 v29;
	_ =	sdelay $0x1  }
0x31f: {  	v29 =	vcvt.s32.f32 v30;
	v30 =	vld.idx.msk [tilespmem:v20+s8+$0x0], $0xffff;
	(erf) = vrcp.f32 v28;
	_ =	sdelay $0x1  }
0x320: {  	v28 =	vcvt.s32.f32 v31;
	v31 =	vld.idx.msk [tilespmem:v21+s8+$0x0], $0xffff;
	v33 =	vpop (erf);
	(erf) = vrcp.f32 v29  }
0x321: {  	v35 =	vadd.f32 $0.0e+00, v33;
	v33 =	vpop (erf)  }
0x322: {  	v36 =	vcvt.s32.f32 v32;
	v34 =	vld.idx.msk [tilespmem:v22+s8+$0x0], $0xffff;
	(erf) = vrcp.f32 v28  }
0x323: {  	v28 =	vadd.f32 v33, v35;
	v29 =	vpop (erf)  }
0x324: {  	v35 =	vcvt.s32.f32 v30;
	v33 =	vld.idx.msk [tilespmem:v23+s8+$0x0], $0xffff;
	(erf) = vrcp.f32 v36  }
0x325: {  	v28 =	vadd.f32 v29, v28;
	v29 =	vld.idx.msk [tilespmem:v24+s8+$0x0], $0xffff;
	v32 =	vpop (erf)  }
0x326: {  	v31 =	vcvt.s32.f32 v31;
	(erf) = vrcp.f32 v35  }
0x327: {  	v28 =	vadd.f32 v32, v28;
	v30 =	vpop (erf)  }
0x328: {  	v32 =	vcvt.s32.f32 v34;
	(erf) = vrcp.f32 v31  }
0x329: {  	v28 =	vadd.f32 v30, v28;
	v30 =	vpop (erf)  }
0x32a: {  	v31 =	vcvt.s32.f32 v33;
	(erf) = vrcp.f32 v32  }
0x32b: {  	v29 =	vcvt.s32.f32 v29;
	v28 =	vadd.f32 v30, v28;
	v30 =	vpop (erf)  }
0x32c: {  	(erf) = vrcp.f32 v31  }
0x32d: {  	v28 =	vadd.f32 v30, v28;
	v30 =	vpop (erf);
	(erf) = vrcp.f32 v29;
	_ =	sdelay $0x1  }
0x32e: {  	v28 =	vadd.f32 v30, v28;
	v29 =	vpop (erf);
	_ =	sdelay $0x1  }
0x32f: {  	v28 =	vadd.f32 v29, v28;
	v29 =	vpop (erf);
	_ =	sdelay $0x1  }
0x330: {  	v28 =	vadd.f32 v29, v28;
	v29 =	vpop (erf);
	_ =	sdelay $0x1  }
0x331: {  	v28 =	vadd.f32 v29, v28;
	v29 =	vpop (erf)  }
0x332: {  	v30 =	vpop (erf)  }
0x333: {  	v28 =	vadd.f32 v29, v28;
	v29 =	vsel vm1, $0x0, v30;
	_ =	sdelay $0x1  }
0x334: {  	v28 =	vadd.f32 v29, v28;
	_ =	sdelay $0x1  }
0x335: {  	(xrf2) =	vadd.scan.msk.f32 $0xffff, v28;
	_ =	sdelay $0x9  }
0x336: {  	v28, _, _ =	vpop (xrf2)  }
0x337: {  	(v2sf) =	vpush v28, $0xF;
	_ =	sdelay $0xc  }
0x338: {  	v28 =	vmov s19  }
0x339: {  	v28 =	vand.u32 $0xFFFFFFFE, v28  }
0x33a: {  	v28 =	vbroadcast v28, $0x0;
	s20 =	spop (v2sf)  }
0x33b: {  	s20 =	sadd.f32 $2.500000000e-01, s20;
	_ =	sdelay $0x1  }
0x33c: {  	s20 =	scvt.f32.s32 s20;
	_ =	sdelay $0x1  }
0x33d: {  	s20 =	sadd.s32 $0x1, s20  }
0x33e: {  	v29 =	vmov s20  }
0x33f: {  	[tilespmem:v28+s10+$0x0] =	vst.idx.msk $0x1, v29  }
0x340: {  	[tilespmem:v27+s8+$0x0] =	vst.idx.msk $0xffff, v0  }
0x341: {  	[tilespmem:v26+s8+$0x0] =	vst.idx.msk $0xffff, v0  }
0x342: {  	[tilespmem:v25+s8+$0x0] =	vst.idx.msk $0xffff, v0  }
0x343: {  	[tilespmem:v17+s8+$0x0] =	vst.idx.msk $0xffff, v0  }
0x344: {  	[tilespmem:v16+s8+$0x0] =	vst.idx.msk $0xffff, v0  }
0x345: {  	[tilespmem:v15+s8+$0x0] =	vst.idx.msk $0xffff, v0  }
0x346: {  	[tilespmem:v18+s8+$0x0] =	vst.idx.msk $0xffff, v0  }
0x347: {  	[tilespmem:v19+s8+$0x0] =	vst.idx.msk $0xffff, v0  }
0x348: {  	[tilespmem:v20+s8+$0x0] =	vst.idx.msk $0xffff, v0  }
0x349: {  	[tilespmem:v21+s8+$0x0] =	vst.idx.msk $0xffff, v0  }
0x34a: {  	[tilespmem:v22+s8+$0x0] =	vst.idx.msk $0xffff, v0  }
0x34b: {  	[tilespmem:v23+s8+$0x0] =	vst.idx.msk $0xffff, v0  }
0x34c: {  	[tilespmem:v24+s8+$0x0] =	vst.idx.msk $0xffff, v0  }
0x34d: {  	v15 =	vld.idx.msk [tilespmem:v14+s9+$0x0], $0xffff  }
0x34e: {  	v16 =	vld.idx.msk [tilespmem:v13+s9+$0x0], $0xffff  }
0x34f: {  	v17 =	vld.idx.msk [tilespmem:v9+s9+$0x0], $0xffff  }
0x350: {  	v18 =	vld.idx.msk [tilespmem:v8+s9+$0x0], $0xffff  }
0x351: {  	v19 =	vld.idx.msk [tilespmem:v5+s9+$0x0], $0xffff  }
0x352: {  	v20 =	vld.idx.msk [tilespmem:v11+s9+$0x0], $0xffff  }
0x353: {  	v15 =	vcvt.s32.f32 v15;
	v21 =	vld.idx.msk [tilespmem:v6+s9+$0x0], $0xffff  }
0x354: {  	v16 =	vcvt.s32.f32 v16;
	v22 =	vld.idx.msk [tilespmem:v7+s9+$0x0], $0xffff  }
0x355: {  	v17 =	vcvt.s32.f32 v17;
	v23 =	vld.idx.msk [tilespmem:v12+s9+$0x0], $0xffff;
	(erf) = vrcp.f32 v15  }
0x356: {  	v15 =	vcvt.s32.f32 v18;
	v18 =	vld.idx.msk [tilespmem:v10+s9+$0x0], $0xffff;
	(erf) = vrcp.f32 v16  }
0x357: {  	v16 =	vcvt.s32.f32 v19;
	v19 =	vld.idx.msk [tilespmem:v4+s9+$0x0], $0xffff  }
0x358: {  	v20 =	vcvt.s32.f32 v20;
	v24 =	vld.idx.msk [tilespmem:v3+s9+$0x0], $0xffff;
	(erf) = vrcp.f32 v17  }
0x359: {  	v17 =	vcvt.s32.f32 v21;
	v21 =	vld.idx.msk [tilespmem:v2+s9+$0x0], $0xffff  }
0x35a: {  	v22 =	vcvt.s32.f32 v22;
	(erf) = vrcp.f32 v15  }
0x35b: {  	v15 =	vcvt.s32.f32 v23  }
0x35c: {  	v18 =	vcvt.s32.f32 v18;
	(erf) = vrcp.f32 v16  }
0x35d: {  	v16 =	vcvt.s32.f32 v19  }
0x35e: {  	v19 =	vcvt.s32.f32 v24;
	v23 =	vpop (erf);
	(erf) = vrcp.f32 v20  }
0x35f: {  	v21 =	vcvt.s32.f32 v21;
	v24 =	vadd.f32 $0.0e+00, v23;
	v23 =	vpop (erf)  }
0x360: {  	(erf) = vrcp.f32 v17  }
0x361: {  	v17 =	vadd.f32 v23, v24;
	v20 =	vpop (erf);
	(erf) = vrcp.f32 v21  }
0x362: {  	(erf) = vrcp.f32 v22  }
0x363: {  	v21 =	vadd.f32 v20, v17;
	v20 =	vpop (erf)  }
0x364: {  	(erf) = vrcp.f32 v15  }
0x365: {  	v15 =	vadd.f32 v20, v21;
	v17 =	vpop (erf)  }
0x366: {  	(erf) = vrcp.f32 v18  }
0x367: {  	v15 =	vadd.f32 v17, v15;
	v17 =	vpop (erf)  }
0x368: {  	(erf) = vrcp.f32 v16  }
0x369: {  	v15 =	vadd.f32 v17, v15;
	v16 =	vpop (erf)  }
0x36a: {  	(erf) = vrcp.f32 v19;
	v17 =	vpop (erf)  }
0x36b: {  	v15 =	vadd.f32 v16, v15;
	v16 =	vpop (erf);
	_ =	sdelay $0x1  }
0x36c: {  	v15 =	vadd.f32 v16, v15;
	v16 =	vpop (erf);
	_ =	sdelay $0x1  }
0x36d: {  	v15 =	vadd.f32 v16, v15;
	v16 =	vpop (erf);
	_ =	sdelay $0x1  }
0x36e: {  	v15 =	vadd.f32 v16, v15;
	v16 =	vpop (erf);
	_ =	sdelay $0x1  }
0x36f: {  	v15 =	vadd.f32 v16, v15;
	v16 =	vpop (erf);
	_ =	sdelay $0x1  }
0x370: {  	v15 =	vadd.f32 v16, v15;
	v16 =	vsel vm1, $0x0, v17;
	_ =	sdelay $0x1  }
0x371: {  	v15 =	vadd.f32 v16, v15;
	_ =	sdelay $0x1  }
0x372: {  	(xrf2) =	vadd.scan.msk.f32 $0xffff, v15;
	_ =	sdelay $0x9  }
0x373: {  	v15, _, _ =	vpop (xrf2)  }
0x374: {  	(v2sf) =	vpush v15, $0xF;
	_ =	sdelay $0xe  }
0x375: {  	s20 =	sadd.s32 $0x1, s19;
	s21 =	spop (v2sf)  }
0x376: {  	v15 =	vmov s20;
	s21 =	sadd.f32 $2.500000000e-01, s21;
	_ =	sdelay $0x1  }
0x377: {  	s20 =	scvt.f32.s32 s21;
	_ =	sdelay $0x1  }
.Ltmp7:
0x378: {  	s20 =	sadd.s32 $0x1, s20;
	(pc) =	sbr.rel @p0 .LBB2_8-.Ltmp7, $4  }
0x379: {  	v16 =	vmov s20  }
0x37a: {  	[tilespmem:v15+s10+$0x0] =	vst.idx.msk $0x1, v16  }
0x37b: {  	[tilespmem:v14+s9+$0x0] =	vst.idx.msk $0xffff, v0  }
0x37c: {  	[tilespmem:v13+s9+$0x0] =	vst.idx.msk $0xffff, v0  }
0x37d: {  	_ =	sdelay $0x3  }
0x37e: {  	[tilespmem:v9+s9+$0x0] =	vst.idx.msk $0xffff, v0  }
0x37f: {  	[tilespmem:v8+s9+$0x0] =	vst.idx.msk $0xffff, v0  }
0x380: {  	[tilespmem:v5+s9+$0x0] =	vst.idx.msk $0xffff, v0  }
0x381: {  	[tilespmem:v11+s9+$0x0] =	vst.idx.msk $0xffff, v0  }
0x382: {  	[tilespmem:v6+s9+$0x0] =	vst.idx.msk $0xffff, v0  }
0x383: {  	[tilespmem:v7+s9+$0x0] =	vst.idx.msk $0xffff, v0  }
.Ltmp8:
0x384: {  	[tilespmem:v12+s9+$0x0] =	vst.idx.msk $0xffff, v0;
	(pc) =	sbr.rel .LBB2_10-.Ltmp8, $4  }
0x385: {  	[tilespmem:v10+s9+$0x0] =	vst.idx.msk $0xffff, v0  }
0x386: {  	[tilespmem:v4+s9+$0x0] =	vst.idx.msk $0xffff, v0  }
0x387: {  	[tilespmem:v3+s9+$0x0] =	vst.idx.msk $0xffff, v0  }
0x388: {  	[tilespmem:v2+s9+$0x0] =	vst.idx.msk $0xffff, v0  }
.LBB2_12:
0x389: {  	_ =	sfence.sel $0x180000  }
0x38a: {  	[bflag:$0x0] =	sbarrier.arrive $0xFFFF  }
0x38b: {  	p0 =	sne.s32 s0, $0x0;
	_ =	strace $0x90000047  }
0x38c: {  	s0 =	sadd.s32 @!p0 $0x100000, s1;
	[bflag:$0x2] =	sbarrier.arrive $0xFFFF  }
0x38d: {  	[sflag:s0] =	ssyncadd.tile.s32 @!p0 $0x1;
	_ =	shalt  }
.Lfunc_end2:
_tile_overlayer_lowered:
.L_overlay_start_2:
0x38e: {  	(tag) =	ssettag $0x2  }
0x38f: {  	s0 =	rddreg [dreg:$0x0];
	s2 =	stileid.u32  }
0x390: {  	s1 =	rddreg [dreg:$0x1];
	p0 =	sne.s32 s2, $0x0  }
0x391: {  	s3 =	rddreg [dreg:$0x2];
	[bflag:$0x3] =	sbarrier.arrive $0xFFFF;
	s2 =	simm.s32 @!p0 $0x1C03  }
0x392: {  	[timem:s3], [sflag:s2] =	dma.local @!p0 [hbm:s0], s1  }
0x393: {  	s0 =	simm.s32 @!p0 $0x3  }
0x394: {  	_ =	swait.ge @!p0 [sflag:s0], s1  }
0x395: {  	s1 =	ssub.s32 @!p0 $0x0, s1;
	[sflag:s0] =	ssyncset.done @!p0 $0x0  }
0x396: {  	[sflag:s0] =	ssyncadd.s32 @!p0 s1  }
0x397: {  	[bflag:$0x3] =	sbarrier.arrive $0xFFFF  }
0x398: {  	_ =	shalt  }

// kernel: kernel.8.cloned.1.call-start
scs
__scs_entry_jumppad:
0x0: {  	(pc) =	sbr.rel $0x88, $3  }
0x1: {  	(tag) =	ssettag $0x0;
	lr =	simm.s32 $0x1  }
0x2: {  	[smem:$0x3F9E] =	sst lr;
	_ =	strace $0xD0000000  }
0x3: {  	_ = 	snop  }
0x4: {  	_ = 	snop  }
0x5: {  	_ = 	snop  }
0x6: {  	_ = 	snop  }
0x7: {  	_ = 	snop  }
__scs_overlays_trampoline_lowered:
0x8: {  	[smem:$0x3FAD] =	sst s0  }
0x9: {  	[smem:$0x3FAE] =	sst s1  }
0xa: {  	[smem:$0x3FAF] =	sst s2  }
0xb: {  	[smem:$0x3FB0] =	sst s3  }
0xc: {  	[smem:$0x3FB1] =	sst s4  }
0xd: {  	[smem:$0x3FB2] =	sst s5  }
0xe: {  	[smem:$0x3FB3] =	sst s6  }
0xf: {  	[smem:$0x3FB4] =	sst s7  }
0x10: {  	[smem:$0x3FB5] =	sst s8  }
0x11: {  	[smem:$0x3FB6] =	sst s9;
	s0 =	simm.s32 @!p0 $0x0  }
0x12: {  	s1 =	sld [smem:$0x3F9C];
	s0 =	simm.s32 @p0 $0x1  }
0x13: {  	[smem:$0x3FB7] =	sst s0;
	s0 =	simm.s32 @!p1 $0x0  }
0x14: {  	s2 =	sld [smem:$0x3F9B];
	s0 =	simm.s32 @p1 $0x1  }
0x15: {  	[smem:$0x3FB8] =	sst s0;
	s0 =	simm.s32 @!p2 $0x0  }
0x16: {  	s3 =	sld [smem:$0x3FDB];
	s0 =	simm.s32 @p2 $0x1  }
0x17: {  	s4 =	simm.s32 $0x1BF5;
	[smem:$0x3FBA] =	sst s0  }
0x18: {  	s0 =	sld [smem:$0x3F9D];
	_ =	swait.ge [sflag:s4], $0x0  }
0x19: {  	s7 =	sld [smem:$0x3F9E]  }
0x1a: {  	s8 =	sadd.s32 $0xFFFFE003, lr  }
0x1b: {  	s9 =	sadd.s32 $0xFFFFFEF7, lr;
	s5 =	simm.s32 $0xFFFFFFFF;
	p2 =	slt.u32 s8, $0xFFFFF086  }
0x1c: {  	p1 =	slt.u32 s9, $0xF7A;
	s5 =	simm.s32 @!p2 $0x0  }
0x1d: {  	s5 =	simm.s32 @p1 $0x1;
	p0 =	seq.s32 s7, s2  }
0x1e: {  	s7 =	smul.u32 @!p0 $0xF7A, s2;
	p2 =	seq.s32 @!p0 s5, $0x0  }
0x1f: {  	s9 =	smul.u32 $0xF7A, s1;
	s8 =	simm.s32 @!p0 $0x1BF5;
	p2 =	por !p2, p0  }
0x20: {  	[sflag:s8] =	ssyncset.s32 @!p0 $0xFFFFF086;
	s6 =	sadd.s32 @!p0 s3, s7;
	s7 =	simm.s32 @!p0 $0x108  }
0x21: {  	s3 =	sadd.s32 s3, s9;
	s6 =	sadd.s32 @!p0 $0x88, s6;
	s7 =	simm.s32 @p2 $0x1082  }
0x22: {  	[simem:s7], [sflag:s8] =	dma.local @!p0 [hbm:s6], $0xF7A  }
0x23: {  	s9 =	sor.u32 $0xD0000000, s2;
	s6 =	simm.s32 $0x108;
	_ =	swait.ge @!p0 [sflag:s8], $0x0  }
0x24: {  	s3 =	sadd.s32 $0x88, s3;
	s6 =	simm.s32 @!p1 $0x1082;
	[sflag:s4] =	ssyncset.s32 $0xFFFFF086  }
0x25: {  	[simem:s6], [sflag:s4] =	dma.local [hbm:s3], $0xF7A  }
0x26: {  	[smem:$0x3F9E] =	sst s1;
	(tag) =	ssettag s2;
	_ =	strace s9  }
0x27: {  	s1 =	sld [smem:$0x3FAE]  }
0x28: {  	s2 =	sld [smem:$0x3FAF]  }
0x29: {  	s4 =	sld [smem:$0x3FB1]  }
0x2a: {  	p0 =	seq.s32 s5, $0x0;
	s5 =	sld [smem:$0x3FB2]  }
0x2b: {  	s6 =	sld [smem:$0x3FB3]  }
0x2c: {  	s7 =	sld [smem:$0x3FB4]  }
0x2d: {  	s3 =	simm.s32 $0x108;
	s8 =	sld [smem:$0x3FB5]  }
0x2e: {  	s3 =	simm.s32 @!p0 $0x1082;
	s9 =	sld [smem:$0x3FB6]  }
0x2f: {  	lr =	sadd.s32 s0, s3;
	s0 =	sld [smem:$0x3FAD]  }
0x30: {  	s3 =	sld [smem:$0x3FB0]  }
0x31: {  	[smem:$0x3FB9] =	sst s10  }
0x32: {  	s10 =	sld [smem:$0x3FB7];
	_ =	sdelay $0x3  }
0x33: {  	p0 =	seq.s32 s10, $0x1;
	s10 =	sld [smem:$0x3FB9];
	_ =	sdelay $0x3  }
0x34: {  	[smem:$0x3FB9] =	sst s10  }
0x35: {  	s10 =	sld [smem:$0x3FB8];
	_ =	sdelay $0x3  }
0x36: {  	p1 =	seq.s32 s10, $0x1;
	s10 =	sld [smem:$0x3FB9];
	_ =	sdelay $0x3  }
0x37: {  	[smem:$0x3FB9] =	sst s10  }
0x38: {  	s10 =	sld [smem:$0x3FBA]  }
0x39: {  	_ = 	snop;
	(pc) =	sbr.ind lr, $3  }
0x3a: {  	_ = 	snop  }
0x3b: {  	_ = 	snop  }
0x3c: {  	p2 =	seq.s32 s10, $0x1;
	s10 =	sld [smem:$0x3FB9]  }
0x3d: {  	_ =	shalt  }
0x3e: {  	_ =	shalt  }
0x3f: {  	_ =	shalt  }
0x40: {  	_ =	shalt  }
0x41: {  	_ =	shalt  }
0x42: {  	_ =	shalt  }
0x43: {  	_ =	shalt  }
0x44: {  	_ =	shalt  }
0x45: {  	_ =	shalt  }
0x46: {  	_ =	shalt  }
0x47: {  	_ =	shalt  }
0x48: {  	_ =	shalt  }
0x49: {  	_ =	shalt  }
0x4a: {  	_ =	shalt  }
0x4b: {  	_ =	shalt  }
0x4c: {  	_ =	shalt  }
0x4d: {  	_ =	shalt  }
0x4e: {  	_ =	shalt  }
0x4f: {  	_ =	shalt  }
0x50: {  	_ =	shalt  }
0x51: {  	_ =	shalt  }
0x52: {  	_ =	shalt  }
0x53: {  	_ =	shalt  }
0x54: {  	_ =	shalt  }
0x55: {  	_ =	shalt  }
0x56: {  	_ =	shalt  }
0x57: {  	_ =	shalt  }
0x58: {  	_ =	shalt  }
0x59: {  	_ =	shalt  }
0x5a: {  	_ =	shalt  }
0x5b: {  	_ =	shalt  }
0x5c: {  	_ =	shalt  }
0x5d: {  	_ =	shalt  }
0x5e: {  	_ =	shalt  }
0x5f: {  	_ =	shalt  }
0x60: {  	_ =	shalt  }
0x61: {  	_ =	shalt  }
0x62: {  	_ =	shalt  }
0x63: {  	_ =	shalt  }
0x64: {  	_ =	shalt  }
0x65: {  	_ =	shalt  }
0x66: {  	_ =	shalt  }
0x67: {  	_ =	shalt  }
0x68: {  	_ =	shalt  }
0x69: {  	_ =	shalt  }
0x6a: {  	_ =	shalt  }
0x6b: {  	_ =	shalt  }
0x6c: {  	_ =	shalt  }
0x6d: {  	_ =	shalt  }
0x6e: {  	_ =	shalt  }
0x6f: {  	_ =	shalt  }
0x70: {  	_ =	shalt  }
0x71: {  	_ =	shalt  }
0x72: {  	_ =	shalt  }
0x73: {  	_ =	shalt  }
0x74: {  	_ =	shalt  }
0x75: {  	_ =	shalt  }
0x76: {  	_ =	shalt  }
0x77: {  	_ =	shalt  }
0x78: {  	_ =	shalt  }
0x79: {  	_ =	shalt  }
0x7a: {  	_ =	shalt  }
0x7b: {  	_ =	shalt  }
0x7c: {  	_ =	shalt  }
0x7d: {  	_ =	shalt  }
0x7e: {  	_ =	shalt  }
0x7f: {  	_ =	shalt  }
0x80: {  	_ =	shalt  }
0x81: {  	_ =	shalt  }
0x82: {  	_ =	shalt  }
0x83: {  	_ =	shalt  }
0x84: {  	_ =	shalt  }
0x85: {  	_ =	shalt  }
0x86: {  	_ =	shalt  }
0x87: {  	_ =	shalt  }
.Lfunc_end0:
.L_simem_size_0:
called_computation.1_lowered:
.L_overlay_start_0:
0x88: {  	s2 =	sld [smem:$0x3FD9]  }
0x89: {  	s3 =	sld [smem:$0x3FFE];
	_ =	sdelay $0x1  }
0x8a: {  	s1 =	srdreg.scid  }
0x8b: {  	s0 =	sand.u32 $0x1, s1  }
0x8c: {  	s17 =	sshll.u32 s0, $0xA;
	s2 =	sadd.s32 s3, s2  }
0x8d: {  	s2 =	sadd.s32 s2, s17  }
0x8e: {  	[smem:$0x3FC5] =	sst s2  }
0x8f: {  	_ = 	snop  }
0x90: {  	s2 =	sld [smem:$0x3FC9];
	(tm) =	ssettm $0x1  }
0x91: {  	s18 =	sld [smem:$0x3FFB];
	_ =	sdelay $0x3  }
0x92: {  	_ =	strace s18  }
0x93: {  	s3 =	sld [smem:$0x3FFC];
	_ =	sdelay $0x3  }
0x94: {  	_ =	strace s3  }
0x95: {  	s3 =	sld [smem:$0x3FFD];
	_ =	sdelay $0x3  }
0x96: {  	_ =	strace s3  }
0x97: {  	_ =	strace $0x8FFFFFFF  }
0x98: {  	s19 =	sld [smem:$0x3FDB];
	_ =	sdelay $0x1  }
0x99: {  	s4 =	simm.s32 $_scs_section_size  }
0x9a: {  	s5 =	simm.s32 $_size__tile_overlayer_lowered;
	s6 =	simm.s32 $_tile_overlayer_lowered  }
0x9b: {  	s22 =	simm.s32 $0x1BFF;
	s21 =	sshll.u32 s6, $0x1;
	s3 =	sadd.s32 s4, s19  }
0x9c: {  	s7 =	simm.s32 $0x0;
	s20 =	sshll.u32 s5, $0x1;
	s5 =	sadd.s32 s21, s3  }
0x9d: {  	[timem:s7], [sflag:s22] =	dma.local [hbm:s5], s20  }
0x9e: {  	_ =	swait.ge [sflag:s22], s20  }
0x9f: {  	s4 =	ssub.s32 $0x0, s20;
	[sflag:s22] =	ssyncset.done $0x0  }
0xa0: {  	[sflag:s22] =	ssyncadd.s32 s4;
	_ =	sdelay $0x1  }
0xa1: {  	s23 =	simm.s32 $0x1B8B  }
0xa2: {  	_ =	swait.ge [sflag:s23], $0x1  }
0xa3: {  	[sflag:s23] =	ssyncset.done $0x0  }
0xa4: {  	s25 =	simm.s32 $0x1B8E;
	s24 =	sld [smem:$0x3FFE];
	[sflag:s23] =	ssyncadd.s32 $0xFFFFFFFF  }
0xa5: {  	s26 =	simm.s32 $execute0_lowered;
	[smem:$0x3FD2] =	sst s25  }
0xa6: {  	s5 =	sshll.u32 s26, $0x1;
	_ =	strace $0x80000049;
	[dreg:$0x1] =	wrdreg $0xFFFFFFFF  }
0xa7: {  	s28 =	simm.s32 $_size_execute0_lowered;
	s3 =	sadd.s32 s3, s5;
	[dreg:$0x0] =	wrdreg $0x0  }
0xa8: {  	s5 =	sshll.u32 s28, $0x1;
	[dreg:$0x2] =	wrdreg s3  }
0xa9: {  	[dreg:$0x3] =	wrdreg s5  }
0xaa: {  	[dreg:$0x4] =	wrdreg $0xC0  }
0xab: {  	_ =	task [dreg:s7], $0x5FFFF  }
0xac: {  	[dreg:$0x1] =	wrdreg $0xFFFFFFFF  }
0xad: {  	[dreg:$0x0] =	wrdreg $0x60  }
0xae: {  	[dreg:$0x2] =	wrdreg s2  }
0xaf: {  	[dreg:$0x3] =	wrdreg s24  }
0xb0: {  	[dreg:$0x4] =	wrdreg $0x9  }
0xb1: {  	_ =	task.clear_ibuf [dreg:s7], $0x5FFFF;
	_ =	strace $0x90000049  }
0xb2: {  	s29 =	simm.s32 $0x9;
	_ =	strace $0x8000004B  }
0xb3: {  	_ =	swait.ge [sflag:s29], $0x1  }
0xb4: {  	[sflag:s29] =	ssyncadd.s32 $0xFFFFFFFF  }
0xb5: {  	_ =	strace $0x9000004B  }
0xb6: {  	_ =	sfence  }
0xb7: {  	s30 =	sld [smem:$0x0];
	_ =	sdelay $0x2  }
0xb8: {  	s31 =	sshll.u32 s1, $0xD;
	s1 =	sshrl.u32 s1, $0x2  }
0xb9: {  	s3 =	sand.u32 $0x4000, s31;
	s1 =	sadd.s32 s1, s30  }
0xba: {  	s0 =	sor.u32 s3, s0;
	s1 =	sshll.u32 s1, $0x11  }
0xbb: {  	s0 =	sor.u32 s1, s0  }
0xbc: {  	s0 =	sadd.s32 $0x8F2B, s0  }
0xbd: {  	[sflag:s0] =	ssyncadd.remote.s32 $0x1  }
0xbe: {  	_ =	sfence.sel $0xFFFF  }
0xbf: {  	[dreg:$0x0] =	wrdreg $0xFFFFFFFF;
	(pc) =	sbr.abs _section_cstart, $3  }
0xc0: {  	[dreg:$0x1] =	wrdreg $0xFFFFFFFF  }
0xc1: {  	_ =	task.clear_ibuf [dreg:s7], $0x2FFFF;
	_ =	strace $0x9FFFFFFF  }
0xc2: {  	(tm) =	ssettm $0x7FFFFFFF  }
0xc3: {  	_ =	shalt  }
tec
execute0_lowered:
.L_overlay_start_1:
0x0: {  	(tag) =	ssettag $0x1  }
0x1: {  	s0 =	srdreg.scid;
	s10 =	stileid.u32  }
0x2: {  	s0 =	sand.u32 $0x1, s0;
	s4 =	sshll.u32 s10, $0x1  }
0x3: {  	s4 =	sor.u32 s0, s4;
	s0 =	ssub.s32 $0x2, s0  }
0x4: {  	s2 =	rddreg [dreg:$0x0];
	s7 =	sshrl.u32 s0, $0x1  }
0x5: {  	s1 =	rddreg [dreg:$0x1];
	p0 =	seq.s32 s4, $0x1F;
	s0 =	ssub.s32 s0, s7  }
0x6: {  	s3 =	simm.s32 $0x0;
	s8 =	smax.u32 s0, $0x1;
	s0 =	simm.s32 @!p0 $0x0  }
0x7: {  	[smem:$0x7FF] =	sst s3;
	s0 =	simm.s32 @p0 $0x1;
	p0 =	sgt.u32 s4, $0x1C  }
0x8: {  	_ =	strace $0x8000004A;
	[smem:$0x7E4] =	sst s0;
	s0 =	simm.s32 @!p0 $0x0  }
0x9: {  	s0 =	simm.s32 @p0 $0x1;
	p0 =	sgt.u32 s4, $0x1A  }
0xa: {  	[smem:$0x7E5] =	sst s0;
	s0 =	simm.s32 @!p0 $0x0  }
0xb: {  	s0 =	simm.s32 @p0 $0x1;
	p0 =	sgt.u32 s4, $0x18  }
0xc: {  	[smem:$0x7E6] =	sst s0;
	s0 =	simm.s32 @!p0 $0x0  }
0xd: {  	s0 =	simm.s32 @p0 $0x1;
	p0 =	sgt.u32 s4, $0x16  }
0xe: {  	[smem:$0x7E7] =	sst s0;
	s0 =	simm.s32 @!p0 $0x0  }
0xf: {  	s0 =	simm.s32 @p0 $0x1;
	p0 =	sgt.u32 s4, $0x14  }
0x10: {  	[smem:$0x7E8] =	sst s0;
	s0 =	simm.s32 @!p0 $0x0  }
0x11: {  	s0 =	simm.s32 @p0 $0x1;
	p0 =	sgt.u32 s4, $0x12  }
0x12: {  	[smem:$0x7E9] =	sst s0;
	s0 =	simm.s32 @!p0 $0x0  }
0x13: {  	s0 =	simm.s32 @p0 $0x1;
	p0 =	sgt.u32 s4, $0x10  }
0x14: {  	[smem:$0x7EA] =	sst s0;
	s0 =	simm.s32 @!p0 $0x0  }
0x15: {  	s0 =	simm.s32 @p0 $0x1;
	p0 =	sgt.u32 s4, $0xE  }
0x16: {  	[smem:$0x7EB] =	sst s0;
	s0 =	simm.s32 @!p0 $0x0  }
0x17: {  	s0 =	simm.s32 @p0 $0x1;
	p0 =	sgt.u32 s4, $0xC  }
0x18: {  	[smem:$0x7EC] =	sst s0;
	s0 =	simm.s32 @!p0 $0x0  }
0x19: {  	s0 =	simm.s32 @p0 $0x1;
	p0 =	sgt.u32 s4, $0xA  }
0x1a: {  	[smem:$0x7ED] =	sst s0;
	s0 =	simm.s32 @!p0 $0x0  }
0x1b: {  	s0 =	simm.s32 @p0 $0x1;
	p0 =	sgt.u32 s4, $0x8  }
0x1c: {  	[smem:$0x7EE] =	sst s0;
	s0 =	simm.s32 @!p0 $0x0  }
0x1d: {  	s0 =	simm.s32 @p0 $0x1;
	p0 =	sgt.u32 s4, $0x6  }
0x1e: {  	[smem:$0x7EF] =	sst s0;
	s0 =	simm.s32 @!p0 $0x0  }
0x1f: {  	s0 =	simm.s32 @p0 $0x1;
	p0 =	sgt.u32 s4, $0x4  }
0x20: {  	s9 =	simm.s32 $0x5;
	[smem:$0x7F0] =	sst s0;
	s0 =	simm.s32 @!p0 $0x0  }
0x21: {  	s11 =	simm.s32 $0x1400;
	s0 =	simm.s32 @p0 $0x1;
	p0 =	sgt.u32 s4, $0x2  }
0x22: {  	s12 =	simm.s32 $0x1200;
	[smem:$0x7F1] =	sst s0;
	s0 =	simm.s32 @!p0 $0x0  }
0x23: {  	s13 =	simm.s32 $0x1C00;
	s0 =	simm.s32 @p0 $0x1;
	p0 =	seq.s32 s4, $0x0  }
0x24: {  	s14 =	simm.s32 $0x3;
	[smem:$0x7F2] =	sst s0;
	s0 =	simm.s32 @!p0 $0x0  }
0x25: {  	s15 =	simm.s32 $0x1;
	s0 =	simm.s32 @p0 $0x1;
	p0 =	seq.s32 s10, $0xF  }
0x26: {  	s16 =	simm.s32 $0x2400;
	[smem:$0x7F3] =	sst s0;
	s0 =	simm.s32 @!p0 $0x0  }
0x27: {  	s17 =	simm.s32 $0x3400;
	s0 =	simm.s32 @p0 $0x1;
	p0 =	sgt.u32 s10, $0xD  }
0x28: {  	s18 =	simm.s32 $0x6;
	[smem:$0x7F4] =	sst s0;
	s0 =	simm.s32 @!p0 $0x0  }
0x29: {  	s19 =	simm.s32 $0x4;
	s0 =	simm.s32 @p0 $0x1;
	p0 =	sgt.u32 s10, $0xC  }
0x2a: {  	s20 =	simm.s32 $0x2;
	[smem:$0x7F5] =	sst s0;
	s0 =	simm.s32 @!p0 $0x0  }
0x2b: {  	s21 =	simm.s32 $0x2C00;
	s0 =	simm.s32 @p0 $0x1;
	p0 =	sgt.u32 s10, $0xB  }
0x2c: {  	s22 =	simm.s32 $0x0;
	[smem:$0x7F6] =	sst s0;
	s0 =	simm.s32 @!p0 $0x0  }
0x2d: {  	s6 =	sadd.s32 $0x81800, s1;
	s0 =	simm.s32 @p0 $0x1;
	p0 =	sgt.u32 s10, $0xA  }
0x2e: {  	p5 =	sgt.u32 s10, $0x4;
	[smem:$0x7F7] =	sst s0;
	s0 =	simm.s32 @!p0 $0x0  }
0x2f: {  	p6 =	sgt.u32 s10, $0x3;
	s0 =	simm.s32 @p0 $0x1;
	p0 =	sgt.u32 s10, $0x9  }
0x30: {  	p1 =	sgt.u32 s10, $0x1;
	[smem:$0x7F8] =	sst s0;
	s0 =	simm.s32 @!p0 $0x0  }
0x31: {  	[dreg:$0x3] =	wrdreg s6;
	s0 =	simm.s32 @p0 $0x1;
	p0 =	sgt.u32 s10, $0x8  }
0x32: {  	p2 =	seq.s32 s10, $0x0;
	[smem:$0x7F9] =	sst s0;
	s0 =	simm.s32 @!p0 $0x0  }
0x33: {  	s5 =	sshll.u32 s4, $0x6;
	s0 =	simm.s32 @p0 $0x1;
	p0 =	sgt.u32 s10, $0x7  }
0x34: {  	s31 =	sshll.u32 s4, $0xC;
	[smem:$0x7FA] =	sst s0;
	s0 =	simm.s32 @!p0 $0x0  }
0x35: {  	s5 =	sadd.s32 s5, s1;
	s0 =	simm.s32 @p0 $0x1;
	p0 =	sgt.u32 s10, $0x6  }
.Ltmp0:
0x36: {  	[smem:$0x7FB] =	sst s0;
	s0 =	simm.s32 @!p0 $0x0;
	(pc) =	sbr.rel .LBB2_1-.Ltmp0, $4  }
0x37: {  	s1 =	sadd.s32 s31, s1;
	s0 =	simm.s32 @p0 $0x1;
	p0 =	sgt.u32 s10, $0x5  }
0x38: {  	s5 =	sadd.s32 $0x81000, s5;
	[smem:$0x7FC] =	sst s0;
	s0 =	simm.s32 @!p0 $0x0  }
0x39: {  	s6 =	sadd.s32 $0x81A00, s1;
	[dreg:$0x4] =	wrdreg s5;
	s0 =	simm.s32 @p0 $0x1  }
0x3a: {  	s7 =	sadd.s32 $0x1000, s1;
	p0 =	sgt.u32 s10, $0x2;
	[smem:$0x7FD] =	sst s0  }
.LBB2_23:
0x3b: {  	s22 =	sadd.s32 $0x1, s22  }
0x3c: {  	p3 =	sne.s32 s22, s8  }
.Ltmp1:
0x3d: {  	_ = 	snop;
	(pc) =	sbr.rel @!p3 .LBB2_24-.Ltmp1, $1  }
0x3e: {  	_ =	sdelay $0x3  }
.LBB2_1:
0x3f: {  	s0 =	rddreg [dreg:$0x4]  }
0x40: {  	[tilespmem:s3], [sflag:$0x5] =	stream.linear.gather [hbm4b:s0+s3], $0x200, $0x38;
	[tilespmem:$0x3C00] =	vst v63  }
0x41: {  	_ =	swait.ge [sflag:s9], $0x200  }
0x42: {  	[sflag:s9] =	ssyncset.done $0x0  }
0x43: {  	s1 =	simm.s32 $0x200;
	s5 =	rddreg [dreg:$0x3];
	[sflag:s9] =	ssyncadd.s32 $0xFFFFFE00  }
0x44: {  	[tilespmem:s1], [sflag:$0x5] =	stream.linear.gather [hbm4b:s5+s3], $0x1000, $0x38;
	[tilespmem:$0x3C00] =	vst v63  }
0x45: {  	_ =	swait.ge [sflag:s9], $0x1000  }
0x46: {  	[sflag:s9] =	ssyncset.done $0x0  }
0x47: {  	[sflag:s9] =	ssyncadd.s32 $0xFFFFF000  }
0x48: {  	v0 =	vld [tilespmem:$0x200]  }
0x49: {  	v1 =	vld [tilespmem:$0x280]  }
0x4a: {  	s10 =	sld [smem:$0x7F3];
	v2 =	vld [tilespmem:$0x300]  }
0x4b: {  	s23 =	sld [smem:$0x7F2];
	v3 =	vld [tilespmem:$0x380]  }
0x4c: {  	v4 =	vld [tilespmem:$0x400]  }
0x4d: {  	s24 =	sld [smem:$0x7F1];
	v5 =	vld [tilespmem:$0x480];
	p3 =	seq.s32 s10, $0x1  }
0x4e: {  	v6 =	vld [tilespmem:$0x500];
	p4 =	seq.s32 s23, $0x1;
	v0 =	vpsel p3, $0x0, v0;
	v1 =	vpsel p2, $0x0, v1  }
0x4f: {  	s25 =	sld [smem:$0x7F0];
	v0 =	vadd.s32 v0, v1;
	v1 =	vpsel !p4, $0x0, v2;
	v2 =	vld [tilespmem:$0x580]  }
0x50: {  	p4 =	seq.s32 s24, $0x1;
	v0 =	vadd.s32 v1, v0;
	v1 =	vpsel !p1, $0x0, v3;
	v3 =	vld [tilespmem:$0x600]  }
0x51: {  	s26 =	sld [smem:$0x7EF];
	v0 =	vadd.s32 v1, v0;
	v1 =	vpsel !p4, $0x0, v4;
	v4 =	vld [tilespmem:$0x680]  }
0x52: {  	p4 =	seq.s32 s25, $0x1;
	v0 =	vadd.s32 v1, v0;
	v1 =	vpsel !p0, $0x0, v5;
	v5 =	vld [tilespmem:$0x700]  }
0x53: {  	s30 =	sld [smem:$0x7EE];
	v0 =	vadd.s32 v1, v0;
	v1 =	vpsel !p4, $0x0, v6;
	v6 =	vld [tilespmem:$0x780]  }
0x54: {  	s31 =	sld [smem:$0x7FD];
	p4 =	seq.s32 s26, $0x1;
	v0 =	vadd.s32 v1, v0;
	v1 =	vpsel !p6, $0x0, v2;
	v2 =	vld [tilespmem:$0x800]  }
0x55: {  	s1 =	sld [smem:$0x7ED];
	v0 =	vadd.s32 v1, v0;
	v1 =	vpsel !p4, $0x0, v3;
	v3 =	vld [tilespmem:$0x880]  }
0x56: {  	s4 =	sld [smem:$0x7FC];
	p4 =	seq.s32 s30, $0x1;
	v0 =	vadd.s32 v1, v0;
	v1 =	vpsel !p5, $0x0, v4;
	v4 =	vld [tilespmem:$0x900]  }
0x57: {  	s5 =	sld [smem:$0x7EC];
	v0 =	vadd.s32 v1, v0;
	v1 =	vpsel !p4, $0x0, v5;
	v5 =	vld [tilespmem:$0x980];
	p4 =	seq.s32 s31, $0x1  }
0x58: {  	s10 =	sld [smem:$0x7FB];
	v0 =	vadd.s32 v1, v0;
	v1 =	vpsel !p4, $0x0, v6;
	v6 =	vld [tilespmem:$0xA00];
	p4 =	seq.s32 s1, $0x1  }
0x59: {  	s23 =	sld [smem:$0x7EB];
	v0 =	vadd.s32 v1, v0;
	v1 =	vpsel !p4, $0x0, v2;
	v2 =	vld [tilespmem:$0xA80];
	p4 =	seq.s32 s4, $0x1  }
0x5a: {  	s24 =	sld [smem:$0x7FA];
	v0 =	vadd.s32 v1, v0;
	v1 =	vpsel !p4, $0x0, v3;
	v3 =	vld [tilespmem:$0xB00];
	p4 =	seq.s32 s5, $0x1  }
0x5b: {  	s25 =	sld [smem:$0x7EA];
	v0 =	vadd.s32 v1, v0;
	v1 =	vpsel !p4, $0x0, v4;
	v4 =	vld [tilespmem:$0xB80];
	p4 =	seq.s32 s10, $0x1  }
0x5c: {  	s26 =	sld [smem:$0x7F9];
	v0 =	vadd.s32 v1, v0;
	v1 =	vpsel !p4, $0x0, v5;
	v5 =	vld [tilespmem:$0xC00];
	p4 =	seq.s32 s23, $0x1  }
0x5d: {  	s30 =	sld [smem:$0x7E9];
	v0 =	vadd.s32 v1, v0;
	v1 =	vpsel !p4, $0x0, v6;
	v6 =	vld [tilespmem:$0xC80];
	p4 =	seq.s32 s24, $0x1  }
0x5e: {  	s31 =	sld [smem:$0x7F8];
	v0 =	vadd.s32 v1, v0;
	v1 =	vpsel !p4, $0x0, v2;
	v2 =	vld [tilespmem:$0xD00];
	p4 =	seq.s32 s25, $0x1  }
0x5f: {  	s1 =	sld [smem:$0x7E8];
	v0 =	vadd.s32 v1, v0;
	v1 =	vpsel !p4, $0x0, v3;
	v3 =	vld [tilespmem:$0xD80];
	p4 =	seq.s32 s26, $0x1  }
0x60: {  	s4 =	sld [smem:$0x7F7];
	v0 =	vadd.s32 v1, v0;
	v1 =	vpsel !p4, $0x0, v4;
	v4 =	vld [tilespmem:$0xE00];
	p4 =	seq.s32 s30, $0x1  }
0x61: {  	s5 =	sld [smem:$0x7E7];
	v0 =	vadd.s32 v1, v0;
	v1 =	vpsel !p4, $0x0, v5;
	v5 =	vld [tilespmem:$0xE80];
	p4 =	seq.s32 s31, $0x1  }
0x62: {  	s10 =	sld [smem:$0x7F6];
	v0 =	vadd.s32 v1, v0;
	v1 =	vpsel !p4, $0x0, v6;
	v6 =	vld [tilespmem:$0xF00];
	p4 =	seq.s32 s1, $0x1  }
0x63: {  	s23 =	sld [smem:$0x7E6];
	v0 =	vadd.s32 v1, v0;
	v1 =	vpsel !p4, $0x0, v2;
	v2 =	vld [tilespmem:$0xF80];
	p4 =	seq.s32 s4, $0x1  }
0x64: {  	s24 =	sld [smem:$0x7F5];
	v0 =	vadd.s32 v1, v0;
	v1 =	vpsel !p4, $0x0, v3;
	v3 =	vld [tilespmem:$0x1000];
	p4 =	seq.s32 s5, $0x1  }
0x65: {  	s25 =	sld [smem:$0x7E5];
	v0 =	vadd.s32 v1, v0;
	v1 =	vpsel !p4, $0x0, v4;
	v4 =	vld [tilespmem:$0x1080];
	p4 =	seq.s32 s10, $0x1  }
0x66: {  	s26 =	sld [smem:$0x7F4];
	v0 =	vadd.s32 v1, v0;
	v1 =	vpsel !p4, $0x0, v5;
	v5 =	vld [tilespmem:$0x1100];
	p4 =	seq.s32 s23, $0x1  }
0x67: {  	s30 =	sld [smem:$0x7E4];
	v0 =	vadd.s32 v1, v0;
	v1 =	vpsel !p4, $0x0, v6;
	p4 =	seq.s32 s24, $0x1  }
0x68: {  	v0 =	vadd.s32 v1, v0;
	v1 =	vpsel !p4, $0x0, v2;
	p4 =	seq.s32 s25, $0x1  }
0x69: {  	s23 =	simm.s32 $0x0;
	v0 =	vadd.s32 v1, v0;
	v1 =	vpsel !p4, $0x0, v3;
	p4 =	seq.s32 s26, $0x1  }
0x6a: {  	v7 =	vld [tilespmem:s23+$0x0];
	v0 =	vadd.s32 v1, v0;
	v1 =	vpsel !p4, $0x0, v4;
	p4 =	seq.s32 s30, $0x1  }
0x6b: {  	v0 =	vadd.s32 v1, v0;
	v1 =	vpsel !p4, $0x0, v5  }
0x6c: {  	v0 =	vadd.s32 v1, v0  }
0x6d: {  	v0 =	vxor.u32 $0x80000000, v0  }
0x6e: {  	s24 =	simm.s32 $0x10;
	(xrf0) =	vmax.scan.msk.u32 $0xffff, v0  }
0x6f: {  	v1 =	vld [tilespmem:s24+$0x0];
	(xrf0) =	vadd.scan.msk.s32 $0xffff, v7;
	_ =	sdelay $0x2  }
0x70: {  	s26 =	simm.s32 $0x20  }
0x71: {  	v0 =	vld [tilespmem:s26+$0x0]  }
0x72: {  	v2, _, _ =	vpop (xrf0);
	(xrf0) =	vadd.scan.msk.s32 $0xffff, v1  }
0x73: {  	v8, _, _ =	vpop (xrf0)  }
0x74: {  	(v2sf) =	vpush v2, $0xF;
	v2 =	vxor.u32 $0x80000000, v8  }
0x75: {  	(xrf0) =	vmax.scan.msk.u32 $0xffff, v2  }
0x76: {  	(xrf0) =	vadd.scan.msk.s32 $0xffff, v0  }
0x77: {  	s25 =	simm.s32 $0x30  }
0x78: {  	v2 =	vld [tilespmem:s25+$0x0];
	v4, _, _ =	vpop (xrf0)  }
0x79: {  	v3 =	vxor.u32 $0x80000000, v4;
	_ =	sdelay $0x1  }
0x7a: {  	v6, _, _ =	vpop (xrf0)  }
0x7b: {  	(xrf0) =	vmax.scan.msk.u32 $0xffff, v3;
	v3, _, _ =	vpop (xrf0)  }
0x7c: {  	(xrf0) =	vadd.scan.msk.s32 $0xffff, v2;
	v5 =	vxor.u32 $0x80000000, v3  }
0x7d: {  	(xrf0) =	vmax.scan.msk.u32 $0xffff, v5;
	_ =	sdelay $0x2  }
0x7e: {  	(v2sf) =	vpush v6, $0xF  }
0x7f: {  	v9, _, _ =	vpop (xrf0)  }
0x80: {  	v6, _, _ =	vpop (xrf0)  }
0x81: {  	s28 =	simm.s32 $0x40;
	s31 =	spop (v2sf);
	(v2sf) =	vpush v9, $0xF;
	v10, _, _ =	vpop (xrf0)  }
0x82: {  	v5 =	vld [tilespmem:s28+$0x0];
	(v2sf) =	vpush v10, $0xF;
	_ =	sdelay $0x4  }
0x83: {  	s29 =	simm.s32 $0x50;
	s0 =	sxor.u32 $0x80000000, s31;
	(xrf0) =	vadd.scan.msk.s32 $0xffff, v5  }
0x84: {  	v9 =	vxor.u32 $0x80000000, v6;
	v11 =	vsub.s32 s0, v7;
	v7 =	vld [tilespmem:s29+$0x0]  }
0x85: {  	(xrf0) =	vmax.scan.msk.u32 $0xffff, v9  }
0x86: {  	s1 =	simm.s32 $0x180;
	v8 =	vadd.s32 v8, v11  }
.LBB2_2:
0x87: {  	s4 =	sshra.s32 s1, $0x2  }
0x88: {  	[tilespmem:s23+$0x1200] =	vst v8;
	s23 =	smov.u32 s24;
	s24 =	smov.u32 s26;
	p3 =	sne.s32 s1, $0x7C0  }
.Ltmp2:
0x89: {  	s1 =	sadd.s32 $0x40, s1;
	(xrf0) =	vadd.scan.msk.s32 $0xffff, v7;
	v9, _, _ =	vpop (xrf0);
	s5 =	spop (v2sf);
	(pc) =	sbr.rel @p3 .LBB2_2-.Ltmp2, $4  }
0x8a: {  	s26 =	smov.u32 s25;
	s25 =	smov.u32 s28;
	v10 =	vmov v7;
	v11 =	vxor.u32 $0x80000000, v9;
	s0 =	sadd.s32 s5, s0;
	v7 =	vld [tilespmem:s4+$0x0]  }
0x8b: {  	s28 =	smov.u32 s29;
	s29 =	smov.u32 s4;
	(xrf0) =	vmax.scan.msk.u32 $0xffff, v11;
	v8, _, _ =	vpop (xrf0);
	s0 =	sadd.s32 $0x80000000, s0  }
0x8c: {  	(v2sf) =	vpush v8, $0xF;
	v8 =	vsub.s32 s0, v1;
	v1 =	vmovc v0;
	v0 =	vmovc v2;
	v2 =	vmov v5  }
0x8d: {  	v5 =	vmovc v10;
	v8 =	vadd.s32 v4, v8;
	v4 =	vmovc v3;
	v3 =	vmov v6;
	v6 =	vmov v9  }
0x8e: {  	_ = 	snop  }
0x8f: {  	v9, _, _ =	vpop (xrf0)  }
0x90: {  	(xrf0) =	vadd.scan.msk.s32 $0xffff, v7;
	v10 =	vxor.u32 $0x80000000, v9  }
0x91: {  	(xrf0) =	vmax.scan.msk.u32 $0xffff, v10;
	_ =	sdelay $0x3  }
0x92: {  	v62, _, _ =	vpop (xrf0)  }
0x93: {  	(v2sf) =	vpush v62, $0xF;
	v63, _, _ =	vpop (xrf0)  }
0x94: {  	v11, _, _ =	vpop (xrf0)  }
0x95: {  	(v2sf) =	vpush v11, $0xF;
	_ =	sdelay $0x6  }
0x96: {  	s1 =	spop (v2sf)  }
0x97: {  	s0 =	sadd.s32 s1, s0  }
0x98: {  	s5 =	spop (v2sf);
	s0 =	sadd.s32 $0x80000000, s0  }
0x99: {  	s1 =	sadd.s32 s5, s0  }
0x9a: {  	s1 =	sadd.s32 $0x80000000, s1;
	s4 =	spop (v2sf)  }
0x9b: {  	s4 =	sadd.s32 s4, s1  }
0x9c: {  	s4 =	sadd.s32 $0x80000000, s4;
	s5 =	spop (v2sf)  }
0x9d: {  	v1 =	vsub.s32 s0, v1;
	s10 =	sadd.s32 s5, s4  }
0x9e: {  	[tilespmem:s23+$0x1200] =	vst v8;
	v1 =	vadd.s32 v4, v1;
	v0 =	vsub.s32 s1, v0;
	s0 =	sadd.s32 $0x80000000, s10;
	s23 =	spop (v2sf)  }
0x9f: {  	[tilespmem:s24+$0x1200] =	vst v1;
	v0 =	vadd.s32 v3, v0;
	v1 =	vsub.s32 s4, v2;
	s1 =	sadd.s32 s23, s0;
	s23 =	simm.s32 $0x0  }
0xa0: {  	[tilespmem:s26+$0x1200] =	vst v0;
	v0 =	vadd.s32 v6, v1;
	v1 =	vsub.s32 s0, v5;
	s26 =	sadd.s32 $0x80000000, s1;
	v2 =	vmov s23  }
0xa1: {  	[tilespmem:s25+$0x1200] =	vst v0;
	v0 =	vadd.s32 v9, v1;
	v1 =	vsub.s32 s26, v7  }
0xa2: {  	[tilespmem:s28+$0x1200] =	vst v0;
	v0 =	vadd.s32 v63, v1  }
0xa3: {  	[tilespmem:s29+$0x1200] =	vst v0  }
0xa4: {  	[tilespmem:s11], [sflag:$0x3] =	stream.linear.gather [hbm4b:s6+s23], $0x800, $0x38;
	[tilespmem:$0x3C00] =	vst v63  }
0xa5: {  	v0 =	vld.idx.msk [tilespmem:v2+s12+$0x0], $0xffff;
	_ =	sdelay $0x3  }
0xa6: {  	v1 =	vxor.u32 $0x80000000, v63  }
0xa7: {  	(xrf0) =	vmax.scan.msk.u32 $0xffff, v1;
	v0 =	vxor.u32 $0x80000000, v0  }
0xa8: {  	(xrf0) =	vmax.scan.msk.u32 $0xffff, v0;
	_ =	sdelay $0x4  }
0xa9: {  	v0, _, _ =	vpop (xrf0)  }
0xaa: {  	(v2sf) =	vpush v0, $0xF;
	v0, _, _ =	vpop (xrf0)  }
0xab: {  	(v2sf) =	vpush v0, $0xF;
	_ =	sdelay $0xd  }
0xac: {  	s29 =	spop (v2sf)  }
0xad: {  	s0 =	spop (v2sf)  }
0xae: {  	s30 =	sxor.u32 $0x80000000, s0  }
0xaf: {  	s31 =	simm.s32 $0x1;
	s24 =	simm.s32 $0x0;
	s0 =	sshra.s32 s30, $0x1F  }
0xb0: {  	s25 =	simm.s32 $0x0;
	s1 =	simm.s32 $0x2;
	s10 =	sshrl.u32 s0, $0x1D  }
0xb1: {  	v0 =	vmov s31;
	s0 =	sand.u32 $0x40, s23;
	s4 =	sadd.s32 s10, s30;
	s10 =	sand.u32 $0x1E00, s23  }
.LBB2_4:
0xb2: {  	p3 =	sne.s32 s1, $0x1F;
	s4 =	sand.u32 $0xFFFFFFF8, s4;
	s5 =	sshrl.u32 s10, $0x2  }
0xb3: {  	s0 =	sor.u32 s0, s5;
	s4 =	sshrl.u32 s4, $0x3  }
0xb4: {  	s0 =	sadd.s32 $0x2400, s0;
	s4 =	sadd.s32 s2, s4  }
0xb5: {  	[tilespmem:s0], [sflag:$0x1] =	stream.linear.gather [hbm4b:s4+s23], $0x40, $0x38;
	[tilespmem:$0x3C00] =	vst v63  }
0xb6: {  	v0 =	vld.idx.msk [tilespmem:v0+s12+$0x0], $0xffff;
	_ =	sdelay $0x5  }
0xb7: {  	v0 =	vxor.u32 $0x80000000, v0  }
0xb8: {  	(xrf0) =	vmax.scan.msk.u32 $0xffff, v0;
	_ =	sdelay $0x5  }
0xb9: {  	v0, _, _ =	vpop (xrf0)  }
0xba: {  	(v2sf) =	vpush v0, $0xF;
	_ =	sdelay $0xe  }
.Ltmp3:
0xbb: {  	s0 =	spop (v2sf);
	(pc) =	sbr.rel @p3 .LBB2_4-.Ltmp3, $4  }
0xbc: {  	s4 =	sxor.u32 $0x80000000, s0  }
0xbd: {  	s24 =	sadd.s32 $0x40, s24;
	s0 =	sshra.s32 s4, $0x1F  }
0xbe: {  	s25 =	sadd.s32 $0x100, s25;
	s5 =	sshrl.u32 s0, $0x1D;
	s0 =	sand.u32 $0x40, s24  }
0xbf: {  	s10 =	sand.u32 $0x1E00, s25;
	v0 =	vmov s1;
	s1 =	sadd.s32 $0x1, s1;
	s4 =	sadd.s32 s5, s4  }
0xc0: {  	s1 =	sand.u32 $0xFFFFFFF8, s4;
	s10 =	sshrl.u32 s10, $0x2  }
0xc1: {  	s0 =	sor.u32 s0, s10;
	s1 =	sshrl.u32 s1, $0x3  }
0xc2: {  	s0 =	sadd.s32 $0x2400, s0;
	s1 =	sadd.s32 s2, s1  }
0xc3: {  	[tilespmem:s0], [sflag:$0x1] =	stream.linear.gather [hbm4b:s1+s23], $0x40, $0x38;
	[tilespmem:$0x3C00] =	vst v63  }
0xc4: {  	v0 =	vld.idx.msk [tilespmem:v0+s12+$0x0], $0xffff;
	_ =	sdelay $0x4  }
0xc5: {  	v0 =	vxor.u32 $0x80000000, v0  }
0xc6: {  	(xrf0) =	vmax.scan.msk.u32 $0xffff, v0;
	_ =	sdelay $0x5  }
0xc7: {  	v0, _, _ =	vpop (xrf0)  }
0xc8: {  	(v2sf) =	vpush v0, $0xF;
	_ =	sdelay $0xe  }
0xc9: {  	s26 =	spop (v2sf)  }
0xca: {  	s0 =	sxor.u32 $0x80000000, s26  }
0xcb: {  	s28 =	sshra.s32 s0, $0x1F  }
0xcc: {  	s29 =	sadd.s32 $0x100, s25;
	s5 =	sadd.s32 $0x40, s24;
	s1 =	sshrl.u32 s28, $0x1D  }
.Ltmp4:
0xcd: {  	s30 =	sand.u32 $0x1E00, s29;
	s0 =	sadd.s32 s1, s0;
	(pc) =	sbr.rel .LBB2_6-.Ltmp4, $4  }
0xce: {  	s31 =	sand.u32 $0x40, s5;
	s1 =	sshrl.u32 s30, $0x2;
	s0 =	sand.u32 $0xFFFFFFF8, s0  }
0xcf: {  	s24 =	simm.s32 $0x20;
	s1 =	sor.u32 s31, s1;
	s0 =	sshrl.u32 s0, $0x3  }
0xd0: {  	s25 =	simm.s32 $0x0;
	s1 =	sadd.s32 $0x2400, s1;
	s0 =	sadd.s32 s2, s0  }
0xd1: {  	[tilespmem:s1], [sflag:$0x1] =	stream.linear.gather [hbm4b:s0+s23], $0x40, $0x38;
	[tilespmem:$0x3C00] =	vst v63  }
.LBB2_22:
0xd2: {  	p3 =	sne.s32 s26, $0x10  }
.Ltmp5:
0xd3: {  	_ = 	snop;
	(pc) =	sbr.rel @!p3 .LBB2_23-.Ltmp5, $2  }
0xd4: {  	_ =	sdelay $0x2  }
0xd5: {  	s24 =	sadd.s32 $0x20, s24;
	s25 =	sadd.s32 $0x20, s25;
	s23 =	smov.u32 s26  }
.LBB2_6:
0xd6: {  	s28 =	sand.u32 $0x1, s23  }
0xd7: {  	p3 =	seq.s32 s28, $0x1  }
.Ltmp6:
0xd8: {  	_ = 	snop;
	(pc) =	sbr.rel @p3 .LBB2_10-.Ltmp6, $4  }
0xd9: {  	_ = 	snop  }
0xda: {  	s26 =	sadd.s32 $0x1, s23  }
0xdb: {  	s0 =	sshll.u32 s26, $0x8  }
0xdc: {  	s29 =	sadd.s32 s0, s6  }
0xdd: {  	v0 =	vmov s24;
	_ =	sdelay $0x2  }
0xde: {  	s30 =	simm.s32 $0x0  }
0xdf: {  	[tilespmem:s13], [sflag:$0x4] =	stream.linear.gather [hbm4b:s29+s30], $0x800, $0x38;
	[tilespmem:$0x3C00] =	vst v63  }
0xe0: {  	v0 =	vld.idx.msk [tilespmem:v0+s12+$0x0], $0xffff;
	_ =	sdelay $0x4  }
0xe1: {  	v0 =	vxor.u32 $0x80000000, v0  }
0xe2: {  	(xrf0) =	vmax.scan.msk.u32 $0xffff, v0;
	_ =	sdelay $0x5  }
0xe3: {  	v0, _, _ =	vpop (xrf0)  }
0xe4: {  	(v2sf) =	vpush v0, $0xF;
	_ =	sdelay $0xe  }
0xe5: {  	s0 =	spop (v2sf)  }
0xe6: {  	s4 =	sxor.u32 $0x80000000, s0  }
0xe7: {  	s31 =	simm.s32 $0x100;
	s0 =	sshra.s32 s4, $0x1F  }
0xe8: {  	s1 =	sadd.s32 $0x1, s24;
	s10 =	sand.u32 $0x1E00, s30;
	s5 =	sshrl.u32 s0, $0x1D  }
0xe9: {  	v0 =	vmov s1;
	s0 =	simm.s32 $0x200;
	s5 =	sadd.s32 s5, s4;
	s4 =	sand.u32 $0x40, s30  }
.LBB2_8:
0xea: {  	p4 =	sne.s32 s0, $0x1F00;
	s5 =	sand.u32 $0xFFFFFFF8, s5;
	s10 =	sshrl.u32 s10, $0x2  }
0xeb: {  	s4 =	sor.u32 s4, s10;
	s5 =	sshrl.u32 s5, $0x3;
	s10 =	smov.u32 s31  }
0xec: {  	s31 =	smov.u32 s0;
	s4 =	sadd.s32 $0x2C00, s4;
	s5 =	sadd.s32 s2, s5  }
0xed: {  	[tilespmem:s4], [sflag:$0x2] =	stream.linear.gather [hbm4b:s5+s3], $0x40, $0x38;
	[tilespmem:$0x3C00] =	vst v63  }
0xee: {  	v0 =	vld.idx.msk [tilespmem:v0+s12+$0x0], $0xffff;
	_ =	sdelay $0x5  }
0xef: {  	v0 =	vxor.u32 $0x80000000, v0  }
0xf0: {  	(xrf0) =	vmax.scan.msk.u32 $0xffff, v0;
	_ =	sdelay $0x5  }
0xf1: {  	v0, _, _ =	vpop (xrf0)  }
0xf2: {  	(v2sf) =	vpush v0, $0xF;
	_ =	sdelay $0xe  }
.Ltmp7:
0xf3: {  	s4 =	spop (v2sf);
	(pc) =	sbr.rel @p4 .LBB2_8-.Ltmp7, $4  }
0xf4: {  	s4 =	sxor.u32 $0x80000000, s4  }
0xf5: {  	s30 =	sadd.s32 $0x40, s30;
	s5 =	sshra.s32 s4, $0x1F  }
0xf6: {  	s1 =	sadd.s32 $0x1, s1;
	s10 =	sand.u32 $0x1E00, s10;
	s5 =	sshrl.u32 s5, $0x1D  }
0xf7: {  	s0 =	sadd.s32 $0x100, s0;
	v0 =	vmov s1;
	s5 =	sadd.s32 s5, s4;
	s4 =	sand.u32 $0x40, s30  }
0xf8: {  	s0 =	sand.u32 $0xFFFFFFF8, s5;
	s1 =	sshrl.u32 s10, $0x2  }
0xf9: {  	s1 =	sor.u32 s4, s1;
	s0 =	sshrl.u32 s0, $0x3  }
0xfa: {  	s1 =	sadd.s32 $0x2C00, s1;
	s0 =	sadd.s32 s2, s0  }
0xfb: {  	[tilespmem:s1], [sflag:$0x2] =	stream.linear.gather [hbm4b:s0+s3], $0x40, $0x38;
	[tilespmem:$0x3C00] =	vst v63  }
0xfc: {  	v0 =	vld.idx.msk [tilespmem:v0+s12+$0x0], $0xffff;
	_ =	sdelay $0x4  }
0xfd: {  	v0 =	vxor.u32 $0x80000000, v0  }
0xfe: {  	(xrf0) =	vmax.scan.msk.u32 $0xffff, v0;
	_ =	sdelay $0x5  }
0xff: {  	v0, _, _ =	vpop (xrf0)  }
0x100: {  	(v2sf) =	vpush v0, $0xF;
	_ =	sdelay $0xe  }
0x101: {  	s1 =	spop (v2sf)  }
0x102: {  	s0 =	sxor.u32 $0x80000000, s1  }
0x103: {  	s4 =	sshra.s32 s0, $0x1F  }
0x104: {  	s1 =	sshrl.u32 s4, $0x1D  }
0x105: {  	s5 =	sadd.s32 $0x40, s30;
	s10 =	sand.u32 $0x1E00, s31;
	s0 =	sadd.s32 s1, s0  }
0x106: {  	s30 =	sand.u32 $0x40, s5;
	s31 =	sshrl.u32 s10, $0x2;
	s0 =	sand.u32 $0xFFFFFFF8, s0  }
0x107: {  	s1 =	sor.u32 s30, s31;
	s0 =	sshrl.u32 s0, $0x3  }
0x108: {  	s1 =	sadd.s32 $0x2C00, s1;
	s0 =	sadd.s32 s2, s0  }
0x109: {  	[tilespmem:s1], [sflag:$0x2] =	stream.linear.gather [hbm4b:s0+s3], $0x40, $0x38;
	[tilespmem:$0x3C00] =	vst v63  }
.LBB2_10:
0x10a: {  	p4 =	seq.s32 s23, $0xF  }
0x10b: {  	p4 =	por p4, !p3  }
.Ltmp8:
0x10c: {  	_ = 	snop;
	(pc) =	sbr.rel @p4 .LBB2_14-.Ltmp8, $1  }
0x10d: {  	_ =	sdelay $0x3  }
0x10e: {  	v0 =	vmov s24;
	_ =	sdelay $0x2  }
0x10f: {  	s30 =	simm.s32 $0x0  }
0x110: {  	[tilespmem:s11], [sflag:$0x3] =	stream.linear.gather [hbm4b:s29+s30], $0x800, $0x38;
	[tilespmem:$0x3C00] =	vst v63  }
0x111: {  	v0 =	vld.idx.msk [tilespmem:v0+s12+$0x0], $0xffff;
	_ =	sdelay $0x4  }
0x112: {  	v0 =	vxor.u32 $0x80000000, v0  }
0x113: {  	(xrf0) =	vmax.scan.msk.u32 $0xffff, v0;
	_ =	sdelay $0x5  }
0x114: {  	v0, _, _ =	vpop (xrf0)  }
0x115: {  	(v2sf) =	vpush v0, $0xF;
	_ =	sdelay $0xe  }
0x116: {  	s0 =	spop (v2sf)  }
0x117: {  	s4 =	sxor.u32 $0x80000000, s0  }
0x118: {  	s1 =	sadd.s32 $0x1, s24;
	s0 =	sshra.s32 s4, $0x1F  }
0x119: {  	s29 =	simm.s32 $0x100;
	s10 =	sand.u32 $0x1E00, s30;
	s5 =	sshrl.u32 s0, $0x1D  }
0x11a: {  	v0 =	vmov s1;
	s0 =	simm.s32 $0x200;
	s5 =	sadd.s32 s5, s4;
	s4 =	sand.u32 $0x40, s30  }
.LBB2_12:
0x11b: {  	p4 =	sne.s32 s0, $0x1F00;
	s5 =	sand.u32 $0xFFFFFFF8, s5;
	s10 =	sshrl.u32 s10, $0x2  }
0x11c: {  	s4 =	sor.u32 s4, s10;
	s5 =	sshrl.u32 s5, $0x3;
	s10 =	smov.u32 s29  }
0x11d: {  	s29 =	smov.u32 s0;
	s4 =	sadd.s32 $0x2400, s4;
	s5 =	sadd.s32 s2, s5  }
0x11e: {  	[tilespmem:s4], [sflag:$0x1] =	stream.linear.gather [hbm4b:s5+s3], $0x40, $0x38;
	[tilespmem:$0x3C00] =	vst v63  }
0x11f: {  	v0 =	vld.idx.msk [tilespmem:v0+s12+$0x0], $0xffff;
	_ =	sdelay $0x5  }
0x120: {  	v0 =	vxor.u32 $0x80000000, v0  }
0x121: {  	(xrf0) =	vmax.scan.msk.u32 $0xffff, v0;
	_ =	sdelay $0x5  }
0x122: {  	v0, _, _ =	vpop (xrf0)  }
0x123: {  	(v2sf) =	vpush v0, $0xF;
	_ =	sdelay $0xe  }
.Ltmp9:
0x124: {  	s4 =	spop (v2sf);
	(pc) =	sbr.rel @p4 .LBB2_12-.Ltmp9, $4  }
0x125: {  	s4 =	sxor.u32 $0x80000000, s4  }
0x126: {  	s30 =	sadd.s32 $0x40, s30;
	s5 =	sshra.s32 s4, $0x1F  }
0x127: {  	s1 =	sadd.s32 $0x1, s1;
	s10 =	sand.u32 $0x1E00, s10;
	s5 =	sshrl.u32 s5, $0x1D  }
0x128: {  	s0 =	sadd.s32 $0x100, s0;
	v0 =	vmov s1;
	s5 =	sadd.s32 s5, s4;
	s4 =	sand.u32 $0x40, s30  }
0x129: {  	s0 =	sand.u32 $0xFFFFFFF8, s5;
	s1 =	sshrl.u32 s10, $0x2  }
0x12a: {  	s1 =	sor.u32 s4, s1;
	s0 =	sshrl.u32 s0, $0x3  }
0x12b: {  	s1 =	sadd.s32 $0x2400, s1;
	s0 =	sadd.s32 s2, s0  }
0x12c: {  	[tilespmem:s1], [sflag:$0x1] =	stream.linear.gather [hbm4b:s0+s3], $0x40, $0x38;
	[tilespmem:$0x3C00] =	vst v63  }
0x12d: {  	v0 =	vld.idx.msk [tilespmem:v0+s12+$0x0], $0xffff;
	_ =	sdelay $0x4  }
0x12e: {  	v0 =	vxor.u32 $0x80000000, v0  }
0x12f: {  	(xrf0) =	vmax.scan.msk.u32 $0xffff, v0;
	_ =	sdelay $0x5  }
0x130: {  	v0, _, _ =	vpop (xrf0)  }
0x131: {  	(v2sf) =	vpush v0, $0xF;
	_ =	sdelay $0xe  }
0x132: {  	s4 =	spop (v2sf)  }
0x133: {  	s0 =	sxor.u32 $0x80000000, s4  }
0x134: {  	s5 =	sshra.s32 s0, $0x1F  }
0x135: {  	s1 =	sshrl.u32 s5, $0x1D  }
0x136: {  	s10 =	sadd.s32 $0x40, s30;
	s29 =	sand.u32 $0x1E00, s29;
	s0 =	sadd.s32 s1, s0  }
0x137: {  	s30 =	sand.u32 $0x40, s10;
	s31 =	sshrl.u32 s29, $0x2;
	s0 =	sand.u32 $0xFFFFFFF8, s0  }
0x138: {  	s1 =	sor.u32 s30, s31;
	s0 =	sshrl.u32 s0, $0x3  }
0x139: {  	s1 =	sadd.s32 $0x2400, s1;
	s0 =	sadd.s32 s2, s0  }
0x13a: {  	[tilespmem:s1], [sflag:$0x1] =	stream.linear.gather [hbm4b:s0+s3], $0x40, $0x38;
	[tilespmem:$0x3C00] =	vst v63  }
.LBB2_14:
0x13b: {  	p4 =	sne.s32 s28, $0x0  }
.Ltmp10:
0x13c: {  	_ = 	snop;
	(pc) =	sbr.rel @p4 .LBB2_18-.Ltmp10, $1  }
0x13d: {  	_ =	sdelay $0x3  }
0x13e: {  	_ =	swait.ge [sflag:s14], $0x800;
	s0 =	sadd.s32 $0x0, s25  }
0x13f: {  	[sflag:s14] =	ssyncset.done $0x0;
	v0 =	vmov s0  }
0x140: {  	[sflag:s14] =	ssyncadd.s32 $0xFFFFF800  }
0x141: {  	_ =	swait.ge [sflag:s15], $0x800  }
0x142: {  	[sflag:s15] =	ssyncset.done $0x0  }
0x143: {  	[sflag:s15] =	ssyncadd.s32 $0xFFFFF800  }
0x144: {  	v0 =	vld.idx.msk [tilespmem:v0+s12+$0x0], $0xffff;
	_ =	sdelay $0x3  }
0x145: {  	s28 =	simm.s32 $0x0;
	s5 =	simm.s32 $0x0  }
0x146: {  	s1 =	sand.u32 $0x40, s28;
	s0 =	sand.u32 $0xFFFFFF80, s5;
	v1 =	vshra.s32 v0, $0x1F  }
0x147: {  	s29 =	sor.u32 s1, s0;
	v1 =	vshrl.u32 v1, $0x1D  }
0x148: {  	v2 =	vld [tilespmem:s29+$0x1400];
	v1 =	vadd.s32 v1, v0  }
0x149: {  	v1 =	vshrl.u32 v1, $0x3  }
0x14a: {  	v1 =	vshll.u32 v1, $0x3  }
0x14b: {  	v0 =	vsub.s32 v0, v1  }
0x14c: {  	v0 =	vadd.s32 s1, v0  }
0x14d: {  	v1 =	vadd.s32 v2, v0  }
0x14e: {  	v2 =	vld [tilespmem:s29+$0x1410];
	v3 =	vand.u32 $0xFFFFFF80, v1  }
0x14f: {  	v1 =	vand.u32 $0x7F, v1;
	v3 =	vadd.s32 s0, v3  }
0x150: {  	v1 =	vor.u32 v1, v3;
	_ =	sdelay $0x2  }
0x151: {  	v2 =	vadd.s32 v2, v0  }
0x152: {  	v3 =	vld [tilespmem:s29+$0x1420];
	v4 =	vand.u32 $0xFFFFFF80, v2  }
0x153: {  	v2 =	vand.u32 $0x7F, v2;
	v4 =	vadd.s32 s0, v4;
	v1 =	vld.idx.msk [tilespmem:v1+s16+$0x0], $0xffff  }
0x154: {  	v2 =	vor.u32 v2, v4;
	_ =	sdelay $0x2  }
0x155: {  	v3 =	vadd.s32 v3, v0  }
0x156: {  	v63 =	vld [tilespmem:s29+$0x1430];
	v5 =	vand.u32 $0xFFFFFF80, v3;
	[tilespmem:s29+$0x3400] =	vst v1  }
0x157: {  	v3 =	vand.u32 $0x7F, v3;
	v1 =	vadd.s32 s0, v5;
	v2 =	vld.idx.msk [tilespmem:v2+s16+$0x0], $0xffff  }
0x158: {  	v1 =	vor.u32 v3, v1;
	_ =	sdelay $0x2  }
0x159: {  	v0 =	vadd.s32 v63, v0  }
0x15a: {  	v3 =	vand.u32 $0xFFFFFF80, v0;
	[tilespmem:s29+$0x3410] =	vst v2  }
0x15b: {  	v0 =	vand.u32 $0x7F, v0;
	v2 =	vadd.s32 s0, v3;
	v1 =	vld.idx.msk [tilespmem:v1+s16+$0x0], $0xffff  }
0x15c: {  	v2 =	vor.u32 v0, v2;
	_ =	sdelay $0x3  }
0x15d: {  	s10 =	sadd.s32 $0x1, s25;
	[tilespmem:s29+$0x3420] =	vst v1  }
0x15e: {  	s30 =	simm.s32 $0x1;
	s31 =	simm.s32 $0x2;
	v0 =	vmov s10;
	v1 =	vld.idx.msk [tilespmem:v2+s16+$0x0], $0xffff  }
.LBB2_16:
0x15f: {  	_ = 	snop  }
0x160: {  	p4 =	sne.s32 s31, $0x1F  }
0x161: {  	s28 =	sadd.s32 $0x40, s28;
	s0 =	smov.u32 s31;
	s31 =	sadd.s32 $0x1, s31  }
0x162: {  	_ = 	snop  }
0x163: {  	[tilespmem:s29+$0x3430] =	vst v1  }
0x164: {  	v0 =	vld.idx.msk [tilespmem:v0+s12+$0x0], $0xffff;
	_ =	sdelay $0x2  }
0x165: {  	s1 =	sshll.u32 s30, $0x6;
	s30 =	smov.u32 s0  }
0x166: {  	s0 =	sand.u32 $0x40, s28;
	s1 =	sand.u32 $0xFFFFFF80, s1  }
0x167: {  	s29 =	sor.u32 s0, s1  }
0x168: {  	v1 =	vshra.s32 v0, $0x1F;
	v2 =	vld [tilespmem:s29+$0x1430]  }
0x169: {  	v1 =	vshrl.u32 v1, $0x1D;
	v3 =	vld [tilespmem:s29+$0x1420]  }
0x16a: {  	v1 =	vadd.s32 v1, v0;
	v4 =	vld [tilespmem:s29+$0x1400]  }
0x16b: {  	v1 =	vshrl.u32 v1, $0x3;
	v5 =	vld [tilespmem:s29+$0x1410]  }
0x16c: {  	v1 =	vshll.u32 v1, $0x3  }
0x16d: {  	v0 =	vsub.s32 v0, v1  }
0x16e: {  	v0 =	vadd.s32 s0, v0  }
0x16f: {  	v3 =	vadd.s32 v3, v0;
	v2 =	vadd.s32 v2, v0;
	v1 =	vadd.s32 v4, v0  }
0x170: {  	v4 =	vand.u32 $0xFFFFFF80, v1;
	v1 =	vand.u32 $0x7F, v1;
	v0 =	vadd.s32 v5, v0  }
0x171: {  	v6 =	vand.u32 $0xFFFFFF80, v3;
	v4 =	vadd.s32 s1, v4;
	v5 =	vand.u32 $0xFFFFFF80, v0  }
0x172: {  	v1 =	vor.u32 v1, v4;
	v4 =	vadd.s32 s1, v5;
	v5 =	vadd.s32 s1, v6  }
0x173: {  	v6 =	vand.u32 $0xFFFFFF80, v2  }
0x174: {  	v6 =	vadd.s32 s1, v6;
	_ =	sdelay $0x2  }
0x175: {  	v1 =	vld.idx.msk [tilespmem:v1+s16+$0x0], $0xffff  }
0x176: {  	v0 =	vand.u32 $0x7F, v0  }
0x177: {  	v0 =	vor.u32 v0, v4;
	_ =	sdelay $0x3  }
0x178: {  	[tilespmem:s29+$0x3400] =	vst v1  }
0x179: {  	v0 =	vld.idx.msk [tilespmem:v0+s16+$0x0], $0xffff  }
0x17a: {  	v1 =	vand.u32 $0x7F, v3  }
0x17b: {  	v1 =	vor.u32 v1, v5;
	_ =	sdelay $0x3  }
0x17c: {  	[tilespmem:s29+$0x3410] =	vst v0  }
0x17d: {  	v0 =	vld.idx.msk [tilespmem:v1+s16+$0x0], $0xffff  }
0x17e: {  	v1 =	vand.u32 $0x7F, v2  }
0x17f: {  	v1 =	vor.u32 v1, v6  }
.Ltmp11:
0x180: {  	(pc) =	sbr.rel @p4 .LBB2_16-.Ltmp11, $3  }
0x181: {  	_ =	sdelay $0x1  }
0x182: {  	s0 =	sadd.s32 s30, s25;
	[tilespmem:s29+$0x3420] =	vst v0  }
0x183: {  	v0 =	vmov s0;
	v1 =	vld.idx.msk [tilespmem:v1+s16+$0x0], $0xffff  }
0x184: {  	_ =	sdelay $0x3  }
0x185: {  	[tilespmem:s29+$0x3430] =	vst v1  }
0x186: {  	v0 =	vld.idx.msk [tilespmem:v0+s12+$0x0], $0xffff;
	_ =	sdelay $0x3  }
0x187: {  	s0 =	sadd.s32 $0x40, s28;
	s1 =	sshll.u32 s30, $0x6  }
0x188: {  	s0 =	sand.u32 $0x40, s0;
	s1 =	sand.u32 $0xFFFFFF80, s1;
	v56 =	vshra.s32 v0, $0x1F  }
0x189: {  	s4 =	sor.u32 s0, s1;
	v1 =	vshrl.u32 v56, $0x1D  }
0x18a: {  	v2 =	vld [tilespmem:s4+$0x1400];
	v1 =	vadd.s32 v1, v0  }
0x18b: {  	v1 =	vshrl.u32 v1, $0x3  }
0x18c: {  	v1 =	vshll.u32 v1, $0x3  }
0x18d: {  	v0 =	vsub.s32 v0, v1  }
0x18e: {  	v0 =	vadd.s32 s0, v0  }
0x18f: {  	v57 =	vadd.s32 v2, v0  }
0x190: {  	v58 =	vld [tilespmem:s4+$0x1410];
	v3 =	vand.u32 $0xFFFFFF80, v57  }
0x191: {  	v1 =	vand.u32 $0x7F, v57;
	v3 =	vadd.s32 s1, v3  }
0x192: {  	v1 =	vor.u32 v1, v3;
	_ =	sdelay $0x2  }
0x193: {  	v2 =	vadd.s32 v58, v0  }
0x194: {  	v59 =	vld [tilespmem:s4+$0x1420];
	v4 =	vand.u32 $0xFFFFFF80, v2  }
0x195: {  	v2 =	vand.u32 $0x7F, v2;
	v4 =	vadd.s32 s1, v4;
	v1 =	vld.idx.msk [tilespmem:v1+s16+$0x0], $0xffff  }
0x196: {  	v2 =	vor.u32 v2, v4;
	_ =	sdelay $0x2  }
0x197: {  	v3 =	vadd.s32 v59, v0  }
0x198: {  	v60 =	vld [tilespmem:s4+$0x1430];
	v5 =	vand.u32 $0xFFFFFF80, v3;
	[tilespmem:s4+$0x3400] =	vst v1  }
0x199: {  	v3 =	vand.u32 $0x7F, v3;
	v61 =	vadd.s32 s1, v5;
	v2 =	vld.idx.msk [tilespmem:v2+s16+$0x0], $0xffff  }
0x19a: {  	v1 =	vor.u32 v3, v61;
	_ =	sdelay $0x2  }
0x19b: {  	v0 =	vadd.s32 v60, v0  }
0x19c: {  	v62 =	vand.u32 $0xFFFFFF80, v0;
	[tilespmem:s4+$0x3410] =	vst v2  }
0x19d: {  	v0 =	vand.u32 $0x7F, v0;
	v63 =	vadd.s32 s1, v62;
	v1 =	vld.idx.msk [tilespmem:v1+s16+$0x0], $0xffff  }
0x19e: {  	v0 =	vor.u32 v0, v63;
	_ =	sdelay $0x3  }
0x19f: {  	[tilespmem:s4+$0x3420] =	vst v1  }
0x1a0: {  	v0 =	vld.idx.msk [tilespmem:v0+s16+$0x0], $0xffff;
	_ =	sdelay $0x3  }
0x1a1: {  	s31 =	sshll.u32 s23, $0x8  }
0x1a2: {  	s0 =	sadd.s32 s31, s7;
	[tilespmem:s4+$0x3430] =	vst v0  }
0x1a3: {  	[hbm4b:s0+s3] =	stream.linear.scatter [tilespmem:s17], [sflag:$0x6], $0x800, $0x38;
	[tilespmem:$0x3C00] =	vst v63  }
0x1a4: {  	_ =	swait.ge [sflag:s18], $0x800  }
0x1a5: {  	[sflag:s18] =	ssyncset.done $0x0  }
0x1a6: {  	[sflag:s18] =	ssyncadd.s32 $0xFFFFF800  }
.LBB2_18:
.Ltmp12:
0x1a7: {  	(pc) =	sbr.rel @!p3 .LBB2_22-.Ltmp12, $1  }
0x1a8: {  	_ =	sdelay $0x3  }
0x1a9: {  	_ =	swait.ge [sflag:s19], $0x800;
	s0 =	sadd.s32 $0x0, s25  }
0x1aa: {  	[sflag:s19] =	ssyncset.done $0x0;
	v0 =	vmov s0  }
0x1ab: {  	[sflag:s19] =	ssyncadd.s32 $0xFFFFF800  }
0x1ac: {  	_ =	swait.ge [sflag:s20], $0x800  }
0x1ad: {  	[sflag:s20] =	ssyncset.done $0x0  }
0x1ae: {  	[sflag:s20] =	ssyncadd.s32 $0xFFFFF800  }
0x1af: {  	v0 =	vld.idx.msk [tilespmem:v0+s12+$0x0], $0xffff;
	_ =	sdelay $0x3  }
0x1b0: {  	s28 =	simm.s32 $0x0;
	s5 =	simm.s32 $0x0  }
0x1b1: {  	s1 =	sand.u32 $0x40, s28;
	s0 =	sand.u32 $0xFFFFFF80, s5;
	v1 =	vshra.s32 v0, $0x1F  }
0x1b2: {  	s29 =	sor.u32 s1, s0;
	v1 =	vshrl.u32 v1, $0x1D  }
0x1b3: {  	v2 =	vld [tilespmem:s29+$0x1C00];
	v1 =	vadd.s32 v1, v0  }
0x1b4: {  	v1 =	vshrl.u32 v1, $0x3  }
0x1b5: {  	v1 =	vshll.u32 v1, $0x3  }
0x1b6: {  	v0 =	vsub.s32 v0, v1  }
0x1b7: {  	v0 =	vadd.s32 s1, v0  }
0x1b8: {  	v1 =	vadd.s32 v2, v0  }
0x1b9: {  	v2 =	vld [tilespmem:s29+$0x1C10];
	v3 =	vand.u32 $0xFFFFFF80, v1  }
0x1ba: {  	v1 =	vand.u32 $0x7F, v1;
	v3 =	vadd.s32 s0, v3  }
0x1bb: {  	v1 =	vor.u32 v1, v3;
	_ =	sdelay $0x2  }
0x1bc: {  	v2 =	vadd.s32 v2, v0  }
0x1bd: {  	v3 =	vld [tilespmem:s29+$0x1C20];
	v4 =	vand.u32 $0xFFFFFF80, v2  }
0x1be: {  	v2 =	vand.u32 $0x7F, v2;
	v4 =	vadd.s32 s0, v4;
	v1 =	vld.idx.msk [tilespmem:v1+s21+$0x0], $0xffff  }
0x1bf: {  	v2 =	vor.u32 v2, v4;
	_ =	sdelay $0x2  }
0x1c0: {  	v3 =	vadd.s32 v3, v0  }
0x1c1: {  	v63 =	vld [tilespmem:s29+$0x1C30];
	v5 =	vand.u32 $0xFFFFFF80, v3;
	[tilespmem:s29+$0x3400] =	vst v1  }
0x1c2: {  	v3 =	vand.u32 $0x7F, v3;
	v1 =	vadd.s32 s0, v5;
	v2 =	vld.idx.msk [tilespmem:v2+s21+$0x0], $0xffff  }
0x1c3: {  	v1 =	vor.u32 v3, v1;
	_ =	sdelay $0x2  }
0x1c4: {  	v0 =	vadd.s32 v63, v0  }
0x1c5: {  	v3 =	vand.u32 $0xFFFFFF80, v0;
	[tilespmem:s29+$0x3410] =	vst v2  }
0x1c6: {  	v0 =	vand.u32 $0x7F, v0;
	v2 =	vadd.s32 s0, v3;
	v1 =	vld.idx.msk [tilespmem:v1+s21+$0x0], $0xffff  }
0x1c7: {  	v2 =	vor.u32 v0, v2;
	_ =	sdelay $0x3  }
0x1c8: {  	s10 =	sadd.s32 $0x1, s25;
	[tilespmem:s29+$0x3420] =	vst v1  }
0x1c9: {  	s30 =	simm.s32 $0x1;
	s31 =	simm.s32 $0x2;
	v0 =	vmov s10;
	v1 =	vld.idx.msk [tilespmem:v2+s21+$0x0], $0xffff  }
.LBB2_20:
0x1ca: {  	_ = 	snop  }
0x1cb: {  	p3 =	sne.s32 s31, $0x1F  }
0x1cc: {  	s28 =	sadd.s32 $0x40, s28;
	s0 =	smov.u32 s31;
	s31 =	sadd.s32 $0x1, s31  }
0x1cd: {  	_ = 	snop  }
0x1ce: {  	[tilespmem:s29+$0x3430] =	vst v1  }
0x1cf: {  	v0 =	vld.idx.msk [tilespmem:v0+s12+$0x0], $0xffff;
	_ =	sdelay $0x2  }
0x1d0: {  	s1 =	sshll.u32 s30, $0x6;
	s30 =	smov.u32 s0  }
0x1d1: {  	s0 =	sand.u32 $0x40, s28;
	s1 =	sand.u32 $0xFFFFFF80, s1  }
0x1d2: {  	s29 =	sor.u32 s0, s1  }
0x1d3: {  	v1 =	vshra.s32 v0, $0x1F;
	v2 =	vld [tilespmem:s29+$0x1C30]  }
0x1d4: {  	v1 =	vshrl.u32 v1, $0x1D;
	v3 =	vld [tilespmem:s29+$0x1C20]  }
0x1d5: {  	v1 =	vadd.s32 v1, v0;
	v4 =	vld [tilespmem:s29+$0x1C00]  }
0x1d6: {  	v1 =	vshrl.u32 v1, $0x3;
	v5 =	vld [tilespmem:s29+$0x1C10]  }
0x1d7: {  	v1 =	vshll.u32 v1, $0x3  }
0x1d8: {  	v0 =	vsub.s32 v0, v1  }
0x1d9: {  	v0 =	vadd.s32 s0, v0  }
0x1da: {  	v3 =	vadd.s32 v3, v0;
	v2 =	vadd.s32 v2, v0;
	v1 =	vadd.s32 v4, v0  }
0x1db: {  	v4 =	vand.u32 $0xFFFFFF80, v1;
	v1 =	vand.u32 $0x7F, v1;
	v0 =	vadd.s32 v5, v0  }
0x1dc: {  	v6 =	vand.u32 $0xFFFFFF80, v3;
	v4 =	vadd.s32 s1, v4;
	v5 =	vand.u32 $0xFFFFFF80, v0  }
0x1dd: {  	v1 =	vor.u32 v1, v4;
	v4 =	vadd.s32 s1, v5;
	v5 =	vadd.s32 s1, v6  }
0x1de: {  	v6 =	vand.u32 $0xFFFFFF80, v2  }
0x1df: {  	v6 =	vadd.s32 s1, v6;
	_ =	sdelay $0x2  }
0x1e0: {  	v1 =	vld.idx.msk [tilespmem:v1+s21+$0x0], $0xffff  }
0x1e1: {  	v0 =	vand.u32 $0x7F, v0  }
0x1e2: {  	v0 =	vor.u32 v0, v4;
	_ =	sdelay $0x3  }
0x1e3: {  	[tilespmem:s29+$0x3400] =	vst v1  }
0x1e4: {  	v0 =	vld.idx.msk [tilespmem:v0+s21+$0x0], $0xffff  }
0x1e5: {  	v1 =	vand.u32 $0x7F, v3  }
0x1e6: {  	v1 =	vor.u32 v1, v5;
	_ =	sdelay $0x3  }
0x1e7: {  	[tilespmem:s29+$0x3410] =	vst v0  }
0x1e8: {  	v0 =	vld.idx.msk [tilespmem:v1+s21+$0x0], $0xffff  }
0x1e9: {  	v1 =	vand.u32 $0x7F, v2  }
0x1ea: {  	v1 =	vor.u32 v1, v6  }
.Ltmp13:
0x1eb: {  	(pc) =	sbr.rel @p3 .LBB2_20-.Ltmp13, $3  }
0x1ec: {  	_ =	sdelay $0x1  }
0x1ed: {  	s0 =	sadd.s32 s30, s25;
	[tilespmem:s29+$0x3420] =	vst v0  }
0x1ee: {  	v0 =	vmov s0;
	v1 =	vld.idx.msk [tilespmem:v1+s21+$0x0], $0xffff  }
0x1ef: {  	_ =	sdelay $0x3  }
0x1f0: {  	[tilespmem:s29+$0x3430] =	vst v1  }
0x1f1: {  	v0 =	vld.idx.msk [tilespmem:v0+s12+$0x0], $0xffff;
	_ =	sdelay $0x3  }
0x1f2: {  	s0 =	sadd.s32 $0x40, s28;
	s1 =	sshll.u32 s30, $0x6  }
0x1f3: {  	s0 =	sand.u32 $0x40, s0;
	s1 =	sand.u32 $0xFFFFFF80, s1;
	v56 =	vshra.s32 v0, $0x1F  }
0x1f4: {  	s4 =	sor.u32 s0, s1;
	v1 =	vshrl.u32 v56, $0x1D  }
0x1f5: {  	v2 =	vld [tilespmem:s4+$0x1C00];
	v1 =	vadd.s32 v1, v0  }
0x1f6: {  	v1 =	vshrl.u32 v1, $0x3  }
0x1f7: {  	v1 =	vshll.u32 v1, $0x3  }
0x1f8: {  	v0 =	vsub.s32 v0, v1  }
0x1f9: {  	v0 =	vadd.s32 s0, v0  }
0x1fa: {  	v57 =	vadd.s32 v2, v0  }
0x1fb: {  	v58 =	vld [tilespmem:s4+$0x1C10];
	v3 =	vand.u32 $0xFFFFFF80, v57  }
0x1fc: {  	v1 =	vand.u32 $0x7F, v57;
	v3 =	vadd.s32 s1, v3  }
0x1fd: {  	v1 =	vor.u32 v1, v3;
	_ =	sdelay $0x2  }
0x1fe: {  	v2 =	vadd.s32 v58, v0  }
0x1ff: {  	v59 =	vld [tilespmem:s4+$0x1C20];
	v4 =	vand.u32 $0xFFFFFF80, v2  }
0x200: {  	v2 =	vand.u32 $0x7F, v2;
	v4 =	vadd.s32 s1, v4;
	v1 =	vld.idx.msk [tilespmem:v1+s21+$0x0], $0xffff  }
0x201: {  	v2 =	vor.u32 v2, v4;
	_ =	sdelay $0x2  }
0x202: {  	v3 =	vadd.s32 v59, v0  }
0x203: {  	v60 =	vld [tilespmem:s4+$0x1C30];
	v5 =	vand.u32 $0xFFFFFF80, v3;
	[tilespmem:s4+$0x3400] =	vst v1  }
0x204: {  	v3 =	vand.u32 $0x7F, v3;
	v61 =	vadd.s32 s1, v5;
	v2 =	vld.idx.msk [tilespmem:v2+s21+$0x0], $0xffff  }
0x205: {  	v1 =	vor.u32 v3, v61;
	_ =	sdelay $0x2  }
0x206: {  	v0 =	vadd.s32 v60, v0  }
0x207: {  	v62 =	vand.u32 $0xFFFFFF80, v0;
	[tilespmem:s4+$0x3410] =	vst v2  }
0x208: {  	v0 =	vand.u32 $0x7F, v0;
	v63 =	vadd.s32 s1, v62;
	v1 =	vld.idx.msk [tilespmem:v1+s21+$0x0], $0xffff  }
0x209: {  	v0 =	vor.u32 v0, v63;
	_ =	sdelay $0x3  }
0x20a: {  	[tilespmem:s4+$0x3420] =	vst v1  }
0x20b: {  	v0 =	vld.idx.msk [tilespmem:v0+s21+$0x0], $0xffff;
	_ =	sdelay $0x3  }
0x20c: {  	s31 =	sshll.u32 s23, $0x8  }
.Ltmp14:
0x20d: {  	s0 =	sadd.s32 s31, s7;
	[tilespmem:s4+$0x3430] =	vst v0;
	(pc) =	sbr.rel .LBB2_22-.Ltmp14, $4  }
0x20e: {  	[hbm4b:s0+s3] =	stream.linear.scatter [tilespmem:s17], [sflag:$0x5], $0x800, $0x38;
	[tilespmem:$0x3C00] =	vst v63  }
0x20f: {  	_ =	swait.ge [sflag:s9], $0x800  }
0x210: {  	[sflag:s9] =	ssyncset.done $0x0  }
0x211: {  	[sflag:s9] =	ssyncadd.s32 $0xFFFFF800  }
.LBB2_24:
0x212: {  	_ =	sfence.sel $0x180000  }
0x213: {  	[bflag:$0x0] =	sbarrier.arrive $0xFFFF  }
0x214: {  	_ =	strace $0x9000004A  }
0x215: {  	s0 =	stileid.u32;
	[bflag:$0x2] =	sbarrier.arrive $0xFFFF  }
0x216: {  	p0 =	sne.s32 s0, $0x0;
	s0 =	rddreg [dreg:$0x2]  }
0x217: {  	s0 =	sadd.s32 @!p0 $0x100000, s0  }
0x218: {  	[sflag:s0] =	ssyncadd.tile.s32 @!p0 $0x1;
	_ =	shalt  }
.Lfunc_end2:
_tile_overlayer_lowered:
.L_overlay_start_2:
0x219: {  	(tag) =	ssettag $0x2  }
0x21a: {  	s0 =	rddreg [dreg:$0x0];
	s2 =	stileid.u32  }
0x21b: {  	s1 =	rddreg [dreg:$0x1];
	p0 =	sne.s32 s2, $0x0  }
0x21c: {  	s3 =	rddreg [dreg:$0x2];
	[bflag:$0x3] =	sbarrier.arrive $0xFFFF;
	s2 =	simm.s32 @!p0 $0x1C05  }
0x21d: {  	[timem:s3], [sflag:s2] =	dma.local @!p0 [hbm:s0], s1  }
0x21e: {  	s0 =	simm.s32 @!p0 $0x5  }
0x21f: {  	_ =	swait.ge @!p0 [sflag:s0], s1  }
0x220: {  	s1 =	ssub.s32 @!p0 $0x0, s1;
	[sflag:s0] =	ssyncset.done @!p0 $0x0  }
0x221: {  	[sflag:s0] =	ssyncadd.s32 @!p0 s1  }
0x222: {  	[bflag:$0x3] =	sbarrier.arrive $0xFFFF  }
0x223: {  	_ =	shalt  }

</sc_bundles>
